<compile_context>
chip_gen: v7x
topology: tpu7x:2x2x1
jax: 0.10.2.dev20260603
libtpu: 0.0.44.dev20260713+nightly
codegen_flags: <defaults>
</compile_context>

<pallas_src>
import functools

import jax
import jax.numpy as jnp
from jax import lax
from jax.experimental import pallas as pl
from jax.experimental.pallas import tpu as pltpu
from jax.experimental.pallas import tpu_sc as plsc

N, E = 10000, 640000
H = 16
IN = 19

NC, NS = 2, 16
NW = NC * NS
CHUNK = 128
CPW = 160
EPW = CPW * CHUNK
E_PAD = NW * EPW
FIRE = 8
NPT = N // NS

_f32 = jnp.float32


def _leaky(x):
    return jnp.where(x > 0, x, 0.01 * x)



def _ef_stats_body(ef_ref, out_ref):
    i = pl.program_id(0)
    blk = jnp.nan_to_num(ef_ref[...])

    @pl.when(i == 0)
    def _():
        out_ref[...] = jnp.zeros_like(out_ref)

    out_ref[...] += jnp.stack([jnp.sum(blk, axis=0), jnp.sum(blk * blk, axis=0)])


def _edge_mlp_body(ef_ref, st_ref, w1_ref, b1_ref, w2_ref, b2_ref,
                   wa1_ref, ba1_ref, wa2_ref, ba2_ref,
                   efn_ref, efnn_ref, a2_ref, ad_ref, ar_ref):
    i = pl.program_id(0)
    valid = (i < E // 5120).astype(_f32)
    st = st_ref[...]
    s1 = st[0]
    s2 = st[1]
    mean = s1 / E
    var = jnp.maximum(s2 / E - mean * mean, 0.0)
    rstd = 1.0 / (jnp.sqrt(var) + 1e-4)
    efn = (jnp.nan_to_num(ef_ref[...]) - mean) * rstd * valid
    efn_ref[...] = efn
    h = _leaky(jnp.dot(efn, w1_ref[...], preferred_element_type=_f32) + b1_ref[...])
    efnn = _leaky(jnp.dot(h, w2_ref[...], preferred_element_type=_f32) + b2_ref[...])
    efnn_ref[...] = efnn
    g = _leaky(jnp.dot(efnn, wa1_ref[...], preferred_element_type=_f32) + ba1_ref[...])
    a2 = jax.nn.sigmoid(
        jnp.dot(g, wa2_ref[...], preferred_element_type=_f32) + ba2_ref[...]) * valid
    a2_ref[...] = a2
    ad_ref[...] = a2[:, 0]
    ar_ref[...] = a2[:, 1]


def _node_mlp_body(x_ref, w1_ref, b1_ref, w2_ref, b2_ref, node_ref):
    x = jnp.nan_to_num(x_ref[...])
    mean = jnp.mean(x, axis=0)
    xc = x - mean
    std = jnp.sqrt(jnp.mean(xc * xc, axis=0))
    xn = xc / (std + 1e-4)
    h = _leaky(jnp.dot(xn, w1_ref[...], preferred_element_type=_f32) + b1_ref[...])
    node_ref[...] = _leaky(jnp.dot(h, w2_ref[...], preferred_element_type=_f32)
                           + b2_ref[...])


def _msg_mlp_body(hs_ref, hd_ref, a2_ref, w1p_ref, b1p_ref, w2p_ref, b2p_ref,
                  md_ref, mr_ref):
    x = jnp.concatenate([hs_ref[...], hd_ref[...]], axis=1)
    pre = _leaky(jnp.dot(x, w1p_ref[...], preferred_element_type=_f32)
                 + b1p_ref[...])
    out = _leaky(jnp.dot(pre, w2p_ref[...], preferred_element_type=_f32)
                 + b2p_ref[...])
    a2 = a2_ref[...]
    md_ref[...] = out[:, :H] * a2[:, 0:1]
    mr_ref[...] = out[:, H:] * a2[:, 1:2]


def _den_reduce_body(dparts_ref, den_ref):
    den_ref[...] = 1.0 + jnp.sum(dparts_ref[...], axis=0)


def _node_update_body(node_ref, parts_ref, den_ref, w1a_ref, b1_ref, w2_ref, b2_ref,
                      out_ref):
    node = node_ref[...]
    h = _leaky(jnp.dot(node, w1a_ref[...], preferred_element_type=_f32) + b1_ref[...])
    m_self = _leaky(jnp.dot(h, w2_ref[...], preferred_element_type=_f32) + b2_ref[...])
    parts = parts_ref[...]
    acc = m_self + parts[0] + parts[1]
    out_ref[...] = acc / den_ref[...]


def _edge_out_body(hs_ref, hd_ref, efnn_ref, efn_ref,
                   w1_ref, b1_ref, w2_ref, b2_ref, pred_ref):
    emb = jnp.concatenate([hs_ref[...], hd_ref[...], efnn_ref[...],
                           efn_ref[...]], axis=1)
    h = _leaky(jnp.dot(emb, w1_ref[...], preferred_element_type=_f32)
               + b1_ref[...])
    out = jnp.dot(h, w2_ref[...], preferred_element_type=_f32) + b2_ref[...]
    pred_ref[...] = jax.nn.sigmoid(out[:, 0])



@functools.lru_cache(maxsize=1)
def _sc_kernels():
    mesh = plsc.VectorSubcoreMesh(core_axis_name="c", subcore_axis_name="s",
                                  num_cores=NC, num_subcores=NS)
    sc_params = pltpu.CompilerParams(use_tc_tiling_on_sc=False,
                                     needs_layout_passes=False)

    def _gather_stripe(node_h, idx_v, out_h, base, rows, sem):
        def batch(j, _):
            cps = []
            for k in range(FIRE):
                cps.append(pltpu.async_copy(
                    node_h.at[idx_v.at[j * FIRE + k]],
                    rows.at[pl.ds(k * CHUNK, CHUNK)], sem))
            for cp in cps:
                cp.wait()
            pltpu.sync_copy(rows, out_h.at[pl.ds(base + j * (FIRE * CHUNK),
                                                 FIRE * CHUNK)])
            return 0

        lax.fori_loop(0, CPW // FIRE, batch, 0, unroll=False)

    @functools.partial(
        pl.kernel, mesh=mesh, compiler_params=sc_params,
        out_type=(jax.ShapeDtypeStruct((E_PAD, H), _f32),
                  jax.ShapeDtypeStruct((E_PAD, H), _f32)),
        scratch_types=[
            pltpu.VMEM((CPW, CHUNK), jnp.int32),
            pltpu.VMEM((CPW, CHUNK), jnp.int32),
            pltpu.VMEM((FIRE * CHUNK, H), _f32),
            pltpu.SemaphoreType.DMA,
        ],
    )
    def gather2(node_h, src_h, dst_h, hs_h, hd_h, srcv, dstv, rows, sem):
        wid = lax.axis_index("s") * NC + lax.axis_index("c")
        base = wid * EPW
        pltpu.sync_copy(src_h.at[pl.ds(wid * CPW, CPW)], srcv)
        pltpu.sync_copy(dst_h.at[pl.ds(wid * CPW, CPW)], dstv)
        _gather_stripe(node_h, srcv, hs_h, base, rows, sem)
        _gather_stripe(node_h, dstv, hd_h, base, rows, sem)

    @functools.partial(
        pl.kernel, mesh=mesh, compiler_params=sc_params,
        out_type=jax.ShapeDtypeStruct((NC, N, H), _f32),
        scratch_types=[
            pltpu.VMEM((CPW, CHUNK), jnp.int32),
            pltpu.VMEM((CPW, CHUNK), jnp.int32),
            pltpu.VMEM((CHUNK, H), _f32),
            pltpu.VMEM_SHARED((N, H), _f32),
        ],
    )
    def scatter2(md_h, mr_h, src_h, dst_h, zero_h, parts_h, srcv, dstv, mrow, acc):
        cid = lax.axis_index("c")
        sid = lax.axis_index("s")
        wid = sid * NC + cid
        base = wid * EPW
        md2 = md_h
        mr2 = mr_h

        @pl.when(sid == 0)
        def _():
            pltpu.sync_copy(zero_h, acc)

        plsc.subcore_barrier()
        pltpu.sync_copy(src_h.at[pl.ds(wid * CPW, CPW)], srcv)
        pltpu.sync_copy(dst_h.at[pl.ds(wid * CPW, CPW)], dstv)

        def step_d(j, _):
            pltpu.sync_copy(md2.at[pl.ds(base + j * CHUNK, CHUNK)], mrow)
            pltpu.sync_copy(mrow, acc.at[srcv.at[j]], add=True)
            return 0

        def step_r(j, _):
            pltpu.sync_copy(mr2.at[pl.ds(base + j * CHUNK, CHUNK)], mrow)
            pltpu.sync_copy(mrow, acc.at[dstv.at[j]], add=True)
            return 0

        lax.fori_loop(0, CPW, step_d, 0, unroll=False)
        lax.fori_loop(0, CPW, step_r, 0, unroll=False)
        plsc.subcore_barrier()
        pltpu.sync_copy(acc.at[pl.ds(sid * NPT, NPT)],
                        parts_h.at[cid, pl.ds(sid * NPT, NPT)])

    @functools.partial(
        pl.kernel, mesh=mesh, compiler_params=sc_params,
        out_type=jax.ShapeDtypeStruct((NW, N), _f32),
        scratch_types=[
            pltpu.VMEM((EPW,), jnp.int32),
            pltpu.VMEM((EPW,), jnp.int32),
            pltpu.VMEM((EPW,), _f32),
            pltpu.VMEM((EPW,), _f32),
            pltpu.VMEM((N,), _f32),
        ],
    )
    def den_scatter(src_h, dst_h, ad_h, ar_h, dparts_h, sv, dv, av, bv, acc):
        wid = lax.axis_index("s") * NC + lax.axis_index("c")
        base = wid * EPW

        def zero(i, _):
            acc[pl.ds(i * 16, 16)] = jnp.zeros((16,), _f32)
            return 0

        lax.fori_loop(0, N // 16, zero, 0, unroll=False)
        pltpu.sync_copy(src_h.at[pl.ds(base, EPW)], sv)
        pltpu.sync_copy(dst_h.at[pl.ds(base, EPW)], dv)
        pltpu.sync_copy(ad_h.at[pl.ds(base, EPW)], av)
        pltpu.sync_copy(ar_h.at[pl.ds(base, EPW)], bv)

        def step(i, _):
            plsc.addupdate_scatter(acc, [sv[pl.ds(i * 16, 16)]],
                                   av[pl.ds(i * 16, 16)])
            plsc.addupdate_scatter(acc, [dv[pl.ds(i * 16, 16)]],
                                   bv[pl.ds(i * 16, 16)])
            return 0

        lax.fori_loop(0, EPW // 16, step, 0, unroll=False)
        pltpu.sync_copy(acc, dparts_h.at[wid])

    return gather2, scatter2, den_scatter



def _tc_call(body, grid, in_specs, out_specs, out_shape, parallel=False):
    cp = (pltpu.CompilerParams(dimension_semantics=("parallel",))
          if parallel else None)
    return pl.pallas_call(body, grid=grid, in_specs=in_specs,
                          out_specs=out_specs, out_shape=out_shape,
                          compiler_params=cp)


def kernel(x, edge_index, edges_features, params):
    p = params
    gather2, scatter2, den_scatter = _sc_kernels()

    src = edge_index[0].astype(jnp.int32)
    dst = edge_index[1].astype(jnp.int32)
    pad = jnp.zeros((E_PAD - E,), jnp.int32)
    src_p = jnp.concatenate([src, pad]).reshape(NW * CPW, CHUNK)
    dst_p = jnp.concatenate([dst, pad]).reshape(NW * CPW, CHUNK)
    src_f = src_p.reshape(E_PAD)
    dst_f = dst_p.reshape(E_PAD)

    BLK_E = 5120
    NBLK_E = E // BLK_E
    stats = _tc_call(
        _ef_stats_body, (NBLK_E,),
        [pl.BlockSpec((BLK_E, 16), lambda i: (i, 0))],
        pl.BlockSpec((2, 16), lambda i: (0, 0)),
        jax.ShapeDtypeStruct((2, 16), _f32),
    )(edges_features)

    wa1 = jnp.concatenate([p['ad_W1'], p['ar_W1']], axis=1)
    ba1 = jnp.concatenate([p['ad_b1'], p['ar_b1']]).reshape(1, 32)
    wa2 = jnp.zeros((32, 2), _f32)
    wa2 = wa2.at[:16, 0:1].set(p['ad_W2']).at[16:, 1:2].set(p['ar_W2'])
    ba2 = jnp.concatenate([p['ad_b2'], p['ar_b2']]).reshape(1, 2)

    cw = lambda s: pl.BlockSpec(s, lambda i: tuple(0 for _ in s))
    clamp = lambda i: (jnp.minimum(i, NBLK_E - 1), 0)
    efn, ef_nn, a2_p, ad_f, ar_f = _tc_call(
        _edge_mlp_body, (E_PAD // BLK_E,),
        [pl.BlockSpec((BLK_E, 16), clamp), cw((2, 16)),
         cw((16, 16)), cw((1, 16)), cw((16, 16)), cw((1, 16)),
         cw((16, 32)), cw((1, 32)), cw((32, 2)), cw((1, 2))],
        [pl.BlockSpec((BLK_E, 16), lambda i: (i, 0)),
         pl.BlockSpec((BLK_E, 16), lambda i: (i, 0)),
         pl.BlockSpec((BLK_E, 2), lambda i: (i, 0)),
         pl.BlockSpec((BLK_E,), lambda i: (i,)),
         pl.BlockSpec((BLK_E,), lambda i: (i,))],
        [jax.ShapeDtypeStruct((E_PAD, 16), _f32),
         jax.ShapeDtypeStruct((E_PAD, 16), _f32),
         jax.ShapeDtypeStruct((E_PAD, 2), _f32),
         jax.ShapeDtypeStruct((E_PAD,), _f32),
         jax.ShapeDtypeStruct((E_PAD,), _f32)],
        parallel=True,
    )(edges_features, stats, p['ein_W1'], p['ein_b1'].reshape(1, 16),
      p['ein_W2'], p['ein_b2'].reshape(1, 16), wa1, ba1, wa2, ba2)

    node = _tc_call(
        _node_mlp_body, (1,),
        [cw((N, IN)), cw((IN, H)), cw((1, H)), cw((H, H)), cw((1, H))],
        cw((N, H)),
        jax.ShapeDtypeStruct((N, H), _f32),
    )(x, p['inp_W1'], p['inp_b1'].reshape(1, H),
      p['inp_W2'], p['inp_b2'].reshape(1, H))

    dparts = den_scatter(src_f, dst_f, ad_f, ar_f)
    den = _tc_call(
        _den_reduce_body, (1,),
        [cw((NW, N))], cw((N,)),
        jax.ShapeDtypeStruct((N,), _f32),
    )(dparts)
    den_col = den.reshape(N, 1)

    zero_nh = jnp.zeros((N, H), _f32)
    BLK_M = 4096
    for name in ('gc0', 'gc1'):
        w1 = p[name + '_W1']
        w1a, w1b = w1[:H], w1[H:]
        b1 = p[name + '_b1'].reshape(1, 2 * H)
        w2 = p[name + '_W2']
        b2 = p[name + '_b2'].reshape(1, H)

        wd = jnp.concatenate([w1a - w1b, w1b], axis=0)
        wr = jnp.concatenate([w1b, w1a - w1b], axis=0)
        w1p = jnp.concatenate([wd, wr], axis=1)
        b1p = jnp.concatenate([b1, b1], axis=1)
        w2p = jnp.zeros((4 * H, 2 * H), _f32)
        w2p = w2p.at[:2 * H, :H].set(w2).at[2 * H:, H:].set(w2)
        b2p = jnp.concatenate([b2, b2], axis=1)

        hs, hd = gather2(node, src_p, dst_p)
        md, mr = _tc_call(
            _msg_mlp_body, (E_PAD // BLK_M,),
            [pl.BlockSpec((BLK_M, H), lambda i: (i, 0)),
             pl.BlockSpec((BLK_M, H), lambda i: (i, 0)),
             pl.BlockSpec((BLK_M, 2), lambda i: (i, 0)),
             cw((2 * H, 4 * H)), cw((1, 4 * H)),
             cw((4 * H, 2 * H)), cw((1, 2 * H))],
            [pl.BlockSpec((BLK_M, H), lambda i: (i, 0)),
             pl.BlockSpec((BLK_M, H), lambda i: (i, 0))],
            [jax.ShapeDtypeStruct((E_PAD, H), _f32),
             jax.ShapeDtypeStruct((E_PAD, H), _f32)],
            parallel=True,
        )(hs, hd, a2_p, w1p, b1p, w2p, b2p)

        parts = scatter2(md, mr, src_p, dst_p, zero_nh)
        node = _tc_call(
            _node_update_body, (1,),
            [cw((N, H)), cw((NC, N, H)), cw((N, 1)),
             cw((H, 2 * H)), cw((1, 2 * H)), cw((2 * H, H)), cw((1, H))],
            cw((N, H)),
            jax.ShapeDtypeStruct((N, H), _f32),
        )(node, parts, den_col, w1a, b1, w2, b2)

    hs, hd = gather2(node, src_p, dst_p)
    BLK_O = 5120
    pred = _tc_call(
        _edge_out_body, (E // BLK_O,),
        [pl.BlockSpec((BLK_O, H), lambda i: (i, 0)),
         pl.BlockSpec((BLK_O, H), lambda i: (i, 0)),
         pl.BlockSpec((BLK_O, 16), lambda i: (i, 0)),
         pl.BlockSpec((BLK_O, 16), lambda i: (i, 0)),
         cw((2 * H + 32, H)), cw((1, H)), cw((H, 1)), cw((1, 1))],
        pl.BlockSpec((BLK_O,), lambda i: (i,)),
        jax.ShapeDtypeStruct((E,), _f32),
        parallel=True,
    )(hs, hd, ef_nn, efn, p['en_W1'],
      p['en_b1'].reshape(1, H), p['en_W2'], p['en_b2'].reshape(1, 1))
    return pred

# --- scband reference (transcript-rebuilt; emitter-appended) ---
"""Pipeline reference for scband-gnn-track-linking-net-22204980920777 (READ-ONLY COPY).

The authoritative reference and input builder live on the scoring server;
editing this copy changes nothing except your own understanding.
"""

import jax, jax.numpy as jnp
import numpy as np

N, E = 10000, 640000
IN, H, EF, EH = 19, 16, 16, 16

def _leaky(x):
    return jnp.where(x > 0, x, 0.01 * x)

def _lin(k, i, o):
    return jax.random.normal(k, (i, o), jnp.float32) * (1.0 / np.sqrt(i))

def setup_inputs(seed: int = 0):
    key = jax.random.key(seed)
    ks = jax.random.split(key, 32)
    x = jax.random.normal(ks[0], (N, IN), jnp.float32)
    edge_index = jax.random.randint(ks[1], (2, E), 0, N)
    edges_features = jax.random.normal(ks[2], (E, EF), jnp.float32)
    p = {
        'inp_W1': _lin(ks[3], IN, H), 'inp_b1': jnp.zeros(H, jnp.float32),
        'inp_W2': _lin(ks[4], H, H), 'inp_b2': jnp.zeros(H, jnp.float32),
        'ein_W1': _lin(ks[5], EF, EH), 'ein_b1': jnp.zeros(EH, jnp.float32),
        'ein_W2': _lin(ks[6], EH, EH), 'ein_b2': jnp.zeros(EH, jnp.float32),
        'ad_W1': _lin(ks[7], EH, EH), 'ad_b1': jnp.zeros(EH, jnp.float32),
        'ad_W2': _lin(ks[8], EH, 1), 'ad_b2': jnp.zeros(1, jnp.float32),
        'ar_W1': _lin(ks[9], EH, EH), 'ar_b1': jnp.zeros(EH, jnp.float32),
        'ar_W2': _lin(ks[10], EH, 1), 'ar_b2': jnp.zeros(1, jnp.float32),
        'gc0_W1': _lin(ks[11], 2 * H, 2 * H), 'gc0_b1': jnp.zeros(2 * H, jnp.float32),
        'gc0_W2': _lin(ks[12], 2 * H, H), 'gc0_b2': jnp.zeros(H, jnp.float32),
        'gc1_W1': _lin(ks[13], 2 * H, 2 * H), 'gc1_b1': jnp.zeros(2 * H, jnp.float32),
        'gc1_W2': _lin(ks[14], 2 * H, H), 'gc1_b2': jnp.zeros(H, jnp.float32),
        'en_W1': _lin(ks[15], 2 * H + EF + EH, H), 'en_b1': jnp.zeros(H, jnp.float32),
        'en_W2': _lin(ks[16], H, 1), 'en_b2': jnp.zeros(1, jnp.float32),
    }
    return {'x': x, 'edge_index': edge_index, 'edges_features': edges_features, 'params': p}

def _forward(x, edges_features, params, edge_index):
    p = params
    x = jnp.nan_to_num(x)
    ef = jnp.nan_to_num(edges_features)
    xn = (x - x.mean(axis=0)) / (x.std(axis=0) + 1e-4)
    efn = (ef - ef.mean(axis=0)) / (ef.std(axis=0) + 1e-4)
    ef_nn = _leaky(_leaky(efn @ p['ein_W1'] + p['ein_b1']) @ p['ein_W2'] + p['ein_b2'])
    a_dir = jax.nn.sigmoid(_leaky(ef_nn @ p['ad_W1'] + p['ad_b1']) @ p['ad_W2'] + p['ad_b2'])
    a_rev = jax.nn.sigmoid(_leaky(ef_nn @ p['ar_W1'] + p['ar_b1']) @ p['ar_W2'] + p['ar_b2'])
    alpha = jnp.concatenate([a_dir, a_rev], axis=0)[:, 0]
    src, dst = edge_index[0], edge_index[1]
    node = _leaky(_leaky(xn @ p['inp_W1'] + p['inp_b1']) @ p['inp_W2'] + p['inp_b2'])
    n = x.shape[0]
    ar = jnp.arange(n, dtype=src.dtype)
    ind1 = jnp.concatenate([ar, src, dst])
    ind2 = jnp.concatenate([ar, dst, src])
    w = jnp.concatenate([jnp.ones(n, jnp.float32), alpha])
    den = jax.ops.segment_sum(w, ind1, num_segments=n)
    den = jnp.maximum(den, 1e-12)[:, None]
    for name in ('gc0', 'gc1'):
        hi = node[ind1]
        hj = node[ind2]
        m = jnp.concatenate([hi, hj - hi], axis=-1)
        m = _leaky(m @ p[name + '_W1'] + p[name + '_b1'])
        m = _leaky(m @ p[name + '_W2'] + p[name + '_b2'])
        node = jax.ops.segment_sum(m * w[:, None], ind1, num_segments=n) / den
    edge_emb = jnp.concatenate([node[src], node[dst], ef_nn, efn], axis=-1)
    h = _leaky(edge_emb @ p['en_W1'] + p['en_b1'])
    pred = jax.nn.sigmoid(h @ p['en_W2'] + p['en_b2'])[:, 0]
    return pred

def reference(x, edge_index, edges_features, params):
    return _forward(x, edges_features, params, edge_index)

if __name__ == "__main__":
    import jax
    _d = setup_inputs()
    print(jax.jit(kernel)(*tuple(_d.values())))

</pallas_src>

<mosaic_0001>
#map = affine_map<(d0, d1) -> (0)>
#map1 = affine_map<(d0, d1) -> (0, 0)>
module attributes {stable_mosaic.version = 14 : i64} {
  func.func @den_scatter(%arg0: i32, %arg1: i32, %arg2: memref<655360xi32, #tpu.memory_space<hbm>>, %arg3: memref<655360xi32, #tpu.memory_space<hbm>>, %arg4: memref<655360xf32, #tpu.memory_space<hbm>>, %arg5: memref<655360xf32, #tpu.memory_space<hbm>>, %arg6: memref<32x10000xf32, #tpu.memory_space<hbm>>, %arg7: memref<20480xi32, #tpu.memory_space<vmem>>, %arg8: memref<20480xi32, #tpu.memory_space<vmem>>, %arg9: memref<20480xf32, #tpu.memory_space<vmem>>, %arg10: memref<20480xf32, #tpu.memory_space<vmem>>, %arg11: memref<10000xf32, #tpu.memory_space<vmem>>) attributes {dimension_semantics = [#tpu.dimension_semantics<core_parallel>, #tpu.dimension_semantics<subcore_parallel>], iteration_bounds = array<i64: 2, 16>, scalar_prefetch = 0 : i64, scratch_operands = 5 : i64, tpu.core_type = #tpu.core_type<sc_vector_subcore>, window_params = [{transform_indices = #map}, {transform_indices = #map}, {transform_indices = #map}, {transform_indices = #map}, {transform_indices = #map1}]} {
    %mul3A = arith.constant 2 : i32
    %mul3A_0 = arith.muli %arg1, %mul3A : i32
    %add3A = arith.addi %mul3A_0, %arg0 : i32
    %mul3A_1 = arith.constant 20480 : i32
    %mul3A_2 = arith.muli %add3A, %mul3A_1 : i32
    %scan3A = arith.constant 0 : i32
    %scan3A_3 = arith.constant 0 : i32
    %scan3A_4 = arith.constant 625 : i32
    %scan3A_5 = arith.addi %scan3A_3, %scan3A_4 : i32
    %scan3A_6 = arith.constant 1 : i32
    %scan3A_7 = scf.for %scan3A_16 = %scan3A_3 to %scan3A_5 step %scan3A_6 iter_args(%scan3A_17 = %scan3A) -> (i32)  : i32 {
      %broadcast_in_dim3A = arith.constant 0.000000e+00 : f32
      %broadcast_in_dim3A_18 = vector.broadcast %broadcast_in_dim3A : f32 to vector<16xf32>
      %mul3A_19 = arith.constant 16 : i32
      %mul3A_20 = arith.muli %scan3A_16, %mul3A_19 : i32
      %swap3A = arith.index_cast %mul3A_20 : i32 to index
      %swap3A_21 = tpu.vector_load %arg11[%swap3A] {strides = array<i32>} : memref<10000xf32, #tpu.memory_space<vmem>>, vector<16xf32>,
      tpu.vector_store %arg11[%swap3A], %broadcast_in_dim3A_18 {strides = array<i32>} : memref<10000xf32, #tpu.memory_space<vmem>>, vector<16xf32>,
      %scan3A_22 = arith.constant 0 : i32
      scf.yield %scan3A_22 : i32
    }
    %scan3A_8 = arith.constant 625 : i32
    "tpu.region"() ({
      %run_scoped3A = tpu.sem_alloc : memref<!tpu.dma_semaphore, #tpu.memory_space<semaphore_mem>>
      %dma_start3A = tpu.memref_slice %arg2[%mul3A_2] : memref<655360xi32, #tpu.memory_space<hbm>> -> memref<20480xi32, #tpu.memory_space<hbm>>
      %dma_start3A_16 = tpu.memref_slice %arg2[%mul3A_2] : memref<655360xi32, #tpu.memory_space<hbm>> -> memref<20480xi32, #tpu.memory_space<hbm>>
      tpu.enqueue_dma source(%dma_start3A_16 : memref<20480xi32, #tpu.memory_space<hbm>>) target(%arg7 : memref<20480xi32, #tpu.memory_space<vmem>>) target_semaphore(%run_scoped3A : memref<!tpu.dma_semaphore, #tpu.memory_space<semaphore_mem>>)
      %dma_wait3A = tpu.memref_slice %arg2[%mul3A_2] : memref<655360xi32, #tpu.memory_space<hbm>> -> memref<20480xi32, #tpu.memory_space<hbm>>
      %dma_wait3A_17 = tpu.memref_slice %arg2[%mul3A_2] : memref<655360xi32, #tpu.memory_space<hbm>> -> memref<20480xi32, #tpu.memory_space<hbm>>
      tpu.wait_dma2 semaphore(%run_scoped3A : memref<!tpu.dma_semaphore, #tpu.memory_space<semaphore_mem>>) src(%dma_wait3A_17 : memref<20480xi32, #tpu.memory_space<hbm>>) dst(%arg7 : memref<20480xi32, #tpu.memory_space<vmem>>)
      tpu.yield
    }) : () -> ()
    "tpu.region"() ({
      %run_scoped3A = tpu.sem_alloc : memref<!tpu.dma_semaphore, #tpu.memory_space<semaphore_mem>>
      %dma_start3A = tpu.memref_slice %arg3[%mul3A_2] : memref<655360xi32, #tpu.memory_space<hbm>> -> memref<20480xi32, #tpu.memory_space<hbm>>
      %dma_start3A_16 = tpu.memref_slice %arg3[%mul3A_2] : memref<655360xi32, #tpu.memory_space<hbm>> -> memref<20480xi32, #tpu.memory_space<hbm>>
      tpu.enqueue_dma source(%dma_start3A_16 : memref<20480xi32, #tpu.memory_space<hbm>>) target(%arg8 : memref<20480xi32, #tpu.memory_space<vmem>>) target_semaphore(%run_scoped3A : memref<!tpu.dma_semaphore, #tpu.memory_space<semaphore_mem>>)
      %dma_wait3A = tpu.memref_slice %arg3[%mul3A_2] : memref<655360xi32, #tpu.memory_space<hbm>> -> memref<20480xi32, #tpu.memory_space<hbm>>
      %dma_wait3A_17 = tpu.memref_slice %arg3[%mul3A_2] : memref<655360xi32, #tpu.memory_space<hbm>> -> memref<20480xi32, #tpu.memory_space<hbm>>
      tpu.wait_dma2 semaphore(%run_scoped3A : memref<!tpu.dma_semaphore, #tpu.memory_space<semaphore_mem>>) src(%dma_wait3A_17 : memref<20480xi32, #tpu.memory_space<hbm>>) dst(%arg8 : memref<20480xi32, #tpu.memory_space<vmem>>)
      tpu.yield
    }) : () -> ()
    "tpu.region"() ({
      %run_scoped3A = tpu.sem_alloc : memref<!tpu.dma_semaphore, #tpu.memory_space<semaphore_mem>>
      %dma_start3A = tpu.memref_slice %arg4[%mul3A_2] : memref<655360xf32, #tpu.memory_space<hbm>> -> memref<20480xf32, #tpu.memory_space<hbm>>
      %dma_start3A_16 = tpu.memref_slice %arg4[%mul3A_2] : memref<655360xf32, #tpu.memory_space<hbm>> -> memref<20480xf32, #tpu.memory_space<hbm>>
      tpu.enqueue_dma source(%dma_start3A_16 : memref<20480xf32, #tpu.memory_space<hbm>>) target(%arg9 : memref<20480xf32, #tpu.memory_space<vmem>>) target_semaphore(%run_scoped3A : memref<!tpu.dma_semaphore, #tpu.memory_space<semaphore_mem>>)
      %dma_wait3A = tpu.memref_slice %arg4[%mul3A_2] : memref<655360xf32, #tpu.memory_space<hbm>> -> memref<20480xf32, #tpu.memory_space<hbm>>
      %dma_wait3A_17 = tpu.memref_slice %arg4[%mul3A_2] : memref<655360xf32, #tpu.memory_space<hbm>> -> memref<20480xf32, #tpu.memory_space<hbm>>
      tpu.wait_dma2 semaphore(%run_scoped3A : memref<!tpu.dma_semaphore, #tpu.memory_space<semaphore_mem>>) src(%dma_wait3A_17 : memref<20480xf32, #tpu.memory_space<hbm>>) dst(%arg9 : memref<20480xf32, #tpu.memory_space<vmem>>)
      tpu.yield
    }) : () -> ()
    "tpu.region"() ({
      %run_scoped3A = tpu.sem_alloc : memref<!tpu.dma_semaphore, #tpu.memory_space<semaphore_mem>>
      %dma_start3A = tpu.memref_slice %arg5[%mul3A_2] : memref<655360xf32, #tpu.memory_space<hbm>> -> memref<20480xf32, #tpu.memory_space<hbm>>
      %dma_start3A_16 = tpu.memref_slice %arg5[%mul3A_2] : memref<655360xf32, #tpu.memory_space<hbm>> -> memref<20480xf32, #tpu.memory_space<hbm>>
      tpu.enqueue_dma source(%dma_start3A_16 : memref<20480xf32, #tpu.memory_space<hbm>>) target(%arg10 : memref<20480xf32, #tpu.memory_space<vmem>>) target_semaphore(%run_scoped3A : memref<!tpu.dma_semaphore, #tpu.memory_space<semaphore_mem>>)
      %dma_wait3A = tpu.memref_slice %arg5[%mul3A_2] : memref<655360xf32, #tpu.memory_space<hbm>> -> memref<20480xf32, #tpu.memory_space<hbm>>
      %dma_wait3A_17 = tpu.memref_slice %arg5[%mul3A_2] : memref<655360xf32, #tpu.memory_space<hbm>> -> memref<20480xf32, #tpu.memory_space<hbm>>
      tpu.wait_dma2 semaphore(%run_scoped3A : memref<!tpu.dma_semaphore, #tpu.memory_space<semaphore_mem>>) src(%dma_wait3A_17 : memref<20480xf32, #tpu.memory_space<hbm>>) dst(%arg10 : memref<20480xf32, #tpu.memory_space<vmem>>)
      tpu.yield
    }) : () -> ()
    %scan3A_9 = arith.constant 0 : i32
    %scan3A_10 = arith.constant 0 : i32
    %scan3A_11 = arith.constant 1280 : i32
    %scan3A_12 = arith.addi %scan3A_10, %scan3A_11 : i32
    %scan3A_13 = arith.constant 1 : i32
    %scan3A_14 = scf.for %scan3A_16 = %scan3A_10 to %scan3A_12 step %scan3A_13 iter_args(%scan3A_17 = %scan3A_9) -> (i32)  : i32 {
      %mul3A_18 = arith.constant 16 : i32
      %mul3A_19 = arith.muli %scan3A_16, %mul3A_18 : i32
      %get3A = arith.index_cast %mul3A_19 : i32 to index
      %get3A_20 = tpu.vector_load %arg7[%get3A] {strides = array<i32>} : memref<20480xi32, #tpu.memory_space<vmem>>, vector<16xi32>,
      %mul3A_21 = arith.constant 16 : i32
      %mul3A_22 = arith.muli %scan3A_16, %mul3A_21 : i32
      %get3A_23 = arith.index_cast %mul3A_22 : i32 to index
      %get3A_24 = tpu.vector_load %arg9[%get3A_23] {strides = array<i32>} : memref<20480xf32, #tpu.memory_space<vmem>>, vector<16xf32>,
      tpu.vector_store_idx %arg11[%get3A_20], %get3A_24 {add = true} : memref<10000xf32, #tpu.memory_space<vmem>>[vector<16xi32>], vector<16xf32>,
      %mul3A_25 = arith.constant 16 : i32
      %mul3A_26 = arith.muli %scan3A_16, %mul3A_25 : i32
      %get3A_27 = arith.index_cast %mul3A_26 : i32 to index
      %get3A_28 = tpu.vector_load %arg8[%get3A_27] {strides = array<i32>} : memref<20480xi32, #tpu.memory_space<vmem>>, vector<16xi32>,
      %mul3A_29 = arith.constant 16 : i32
      %mul3A_30 = arith.muli %scan3A_16, %mul3A_29 : i32
      %get3A_31 = arith.index_cast %mul3A_30 : i32 to index
      %get3A_32 = tpu.vector_load %arg10[%get3A_31] {strides = array<i32>} : memref<20480xf32, #tpu.memory_space<vmem>>, vector<16xf32>,
      tpu.vector_store_idx %arg11[%get3A_28], %get3A_32 {add = true} : memref<10000xf32, #tpu.memory_space<vmem>>[vector<16xi32>], vector<16xf32>,
      %scan3A_33 = arith.constant 0 : i32
      scf.yield %scan3A_33 : i32
    }
    %scan3A_15 = arith.constant 1280 : i32
    "tpu.region"() ({
      %run_scoped3A = tpu.sem_alloc : memref<!tpu.dma_semaphore, #tpu.memory_space<semaphore_mem>>
      %dma_start3A = arith.constant 0 : i32
      %dma_start3A_16 = tpu.memref_slice %arg6[%add3A, %dma_start3A] : memref<32x10000xf32, #tpu.memory_space<hbm>> -> memref<1x10000xf32, #tpu.memory_space<hbm>>
      %dma_start3A_17 = tpu.memref_squeeze %dma_start3A_16 : memref<1x10000xf32, #tpu.memory_space<hbm>> -> memref<10000xf32, #tpu.memory_space<hbm>>
      %dma_start3A_18 = arith.constant 0 : i32
      %dma_start3A_19 = tpu.memref_slice %arg6[%add3A, %dma_start3A_18] : memref<32x10000xf32, #tpu.memory_space<hbm>> -> memref<1x10000xf32, #tpu.memory_space<hbm>>
      %dma_start3A_20 = tpu.memref_squeeze %dma_start3A_19 : memref<1x10000xf32, #tpu.memory_space<hbm>> -> memref<10000xf32, #tpu.memory_space<hbm>>
      tpu.enqueue_dma source(%arg11 : memref<10000xf32, #tpu.memory_space<vmem>>) target(%dma_start3A_20 : memref<10000xf32, #tpu.memory_space<hbm>>) target_semaphore(%run_scoped3A : memref<!tpu.dma_semaphore, #tpu.memory_space<semaphore_mem>>)
      %dma_wait3A = arith.constant 0 : i32
      %dma_wait3A_21 = tpu.memref_slice %arg6[%add3A, %dma_wait3A] : memref<32x10000xf32, #tpu.memory_space<hbm>> -> memref<1x10000xf32, #tpu.memory_space<hbm>>
      %dma_wait3A_22 = tpu.memref_squeeze %dma_wait3A_21 : memref<1x10000xf32, #tpu.memory_space<hbm>> -> memref<10000xf32, #tpu.memory_space<hbm>>
      %dma_wait3A_23 = arith.constant 0 : i32
      %dma_wait3A_24 = tpu.memref_slice %arg6[%add3A, %dma_wait3A_23] : memref<32x10000xf32, #tpu.memory_space<hbm>> -> memref<1x10000xf32, #tpu.memory_space<hbm>>
      %dma_wait3A_25 = tpu.memref_squeeze %dma_wait3A_24 : memref<1x10000xf32, #tpu.memory_space<hbm>> -> memref<10000xf32, #tpu.memory_space<hbm>>
      tpu.wait_dma2 semaphore(%run_scoped3A : memref<!tpu.dma_semaphore, #tpu.memory_space<semaphore_mem>>) src(%arg11 : memref<10000xf32, #tpu.memory_space<vmem>>) dst(%dma_wait3A_25 : memref<10000xf32, #tpu.memory_space<hbm>>)
      tpu.yield
    }) : () -> ()
    return
  }
}

#map = affine_map<(d0, d1) -> (0, 0)>
module attributes {stable_mosaic.version = 14 : i64} {
  func.func @gather2(%arg0: i32, %arg1: i32, %arg2: memref<10000x16xf32, #tpu.memory_space<hbm>>, %arg3: memref<5120x128xi32, #tpu.memory_space<hbm>>, %arg4: memref<5120x128xi32, #tpu.memory_space<hbm>>, %arg5: memref<655360x16xf32, #tpu.memory_space<hbm>>, %arg6: memref<655360x16xf32, #tpu.memory_space<hbm>>, %arg7: memref<160x128xi32, #tpu.memory_space<vmem>>, %arg8: memref<160x128xi32, #tpu.memory_space<vmem>>, %arg9: memref<1024x16xf32, #tpu.memory_space<vmem>>, %arg10: memref<!tpu.dma_semaphore, #tpu.memory_space<semaphore_mem>>) attributes {dimension_semantics = [#tpu.dimension_semantics<core_parallel>, #tpu.dimension_semantics<subcore_parallel>], iteration_bounds = array<i64: 2, 16>, scalar_prefetch = 0 : i64, scratch_operands = 4 : i64, tpu.core_type = #tpu.core_type<sc_vector_subcore>, window_params = [{transform_indices = #map}, {transform_indices = #map}, {transform_indices = #map}, {transform_indices = #map}, {transform_indices = #map}]} {
    %mul3A = arith.constant 2 : i32
    %mul3A_0 = arith.muli %arg1, %mul3A : i32
    %add3A = arith.addi %mul3A_0, %arg0 : i32
    %mul3A_1 = arith.constant 20480 : i32
    %mul3A_2 = arith.muli %add3A, %mul3A_1 : i32
    %mul3A_3 = arith.constant 160 : i32
    %mul3A_4 = arith.muli %add3A, %mul3A_3 : i32
    "tpu.region"() ({
      %run_scoped3A = tpu.sem_alloc : memref<!tpu.dma_semaphore, #tpu.memory_space<semaphore_mem>>
      %dma_start3A = arith.constant 0 : i32
      %dma_start3A_20 = tpu.memref_slice %arg3[%mul3A_4, %dma_start3A] : memref<5120x128xi32, #tpu.memory_space<hbm>> -> memref<160x128xi32, #tpu.memory_space<hbm>>
      %dma_start3A_21 = arith.constant 0 : i32
      %dma_start3A_22 = tpu.memref_slice %arg3[%mul3A_4, %dma_start3A_21] : memref<5120x128xi32, #tpu.memory_space<hbm>> -> memref<160x128xi32, #tpu.memory_space<hbm>>
      tpu.enqueue_dma source(%dma_start3A_22 : memref<160x128xi32, #tpu.memory_space<hbm>>) target(%arg7 : memref<160x128xi32, #tpu.memory_space<vmem>>) target_semaphore(%run_scoped3A : memref<!tpu.dma_semaphore, #tpu.memory_space<semaphore_mem>>)
      %dma_wait3A = arith.constant 0 : i32
      %dma_wait3A_23 = tpu.memref_slice %arg3[%mul3A_4, %dma_wait3A] : memref<5120x128xi32, #tpu.memory_space<hbm>> -> memref<160x128xi32, #tpu.memory_space<hbm>>
      %dma_wait3A_24 = arith.constant 0 : i32
      %dma_wait3A_25 = tpu.memref_slice %arg3[%mul3A_4, %dma_wait3A_24] : memref<5120x128xi32, #tpu.memory_space<hbm>> -> memref<160x128xi32, #tpu.memory_space<hbm>>
      tpu.wait_dma2 semaphore(%run_scoped3A : memref<!tpu.dma_semaphore, #tpu.memory_space<semaphore_mem>>) src(%dma_wait3A_25 : memref<160x128xi32, #tpu.memory_space<hbm>>) dst(%arg7 : memref<160x128xi32, #tpu.memory_space<vmem>>)
      tpu.yield
    }) : () -> ()
    %mul3A_5 = arith.constant 160 : i32
    %mul3A_6 = arith.muli %add3A, %mul3A_5 : i32
    "tpu.region"() ({
      %run_scoped3A = tpu.sem_alloc : memref<!tpu.dma_semaphore, #tpu.memory_space<semaphore_mem>>
      %dma_start3A = arith.constant 0 : i32
      %dma_start3A_20 = tpu.memref_slice %arg4[%mul3A_6, %dma_start3A] : memref<5120x128xi32, #tpu.memory_space<hbm>> -> memref<160x128xi32, #tpu.memory_space<hbm>>
      %dma_start3A_21 = arith.constant 0 : i32
      %dma_start3A_22 = tpu.memref_slice %arg4[%mul3A_6, %dma_start3A_21] : memref<5120x128xi32, #tpu.memory_space<hbm>> -> memref<160x128xi32, #tpu.memory_space<hbm>>
      tpu.enqueue_dma source(%dma_start3A_22 : memref<160x128xi32, #tpu.memory_space<hbm>>) target(%arg8 : memref<160x128xi32, #tpu.memory_space<vmem>>) target_semaphore(%run_scoped3A : memref<!tpu.dma_semaphore, #tpu.memory_space<semaphore_mem>>)
      %dma_wait3A = arith.constant 0 : i32
      %dma_wait3A_23 = tpu.memref_slice %arg4[%mul3A_6, %dma_wait3A] : memref<5120x128xi32, #tpu.memory_space<hbm>> -> memref<160x128xi32, #tpu.memory_space<hbm>>
      %dma_wait3A_24 = arith.constant 0 : i32
      %dma_wait3A_25 = tpu.memref_slice %arg4[%mul3A_6, %dma_wait3A_24] : memref<5120x128xi32, #tpu.memory_space<hbm>> -> memref<160x128xi32, #tpu.memory_space<hbm>>
      tpu.wait_dma2 semaphore(%run_scoped3A : memref<!tpu.dma_semaphore, #tpu.memory_space<semaphore_mem>>) src(%dma_wait3A_25 : memref<160x128xi32, #tpu.memory_space<hbm>>) dst(%arg8 : memref<160x128xi32, #tpu.memory_space<vmem>>)
      tpu.yield
    }) : () -> ()
    %scan3A = arith.constant 0 : i32
    %scan3A_7 = arith.constant 0 : i32
    %scan3A_8 = arith.constant 20 : i32
    %scan3A_9 = arith.addi %scan3A_7, %scan3A_8 : i32
    %scan3A_10 = arith.constant 1 : i32
    %scan3A_11 = scf.for %scan3A_20 = %scan3A_7 to %scan3A_9 step %scan3A_10 iter_args(%scan3A_21 = %scan3A) -> (i32)  : i32 {
      %mul3A_22 = arith.constant 8 : i32
      %mul3A_23 = arith.muli %scan3A_20, %mul3A_22 : i32
      %add3A_24 = arith.constant 0 : i32
      %add3A_25 = arith.addi %mul3A_23, %add3A_24 : i32
      %dma_start3A = arith.constant 0 : i32
      %dma_start3A_26 = arith.constant 0 : i32
      %dma_start3A_27 = tpu.memref_slice %arg9[%dma_start3A, %dma_start3A_26] : memref<1024x16xf32, #tpu.memory_space<vmem>> -> memref<128x16xf32, #tpu.memory_space<vmem>>
      %dma_start3A_28 = arith.constant 0 : i32
      %dma_start3A_29 = tpu.memref_slice %arg7[%add3A_25, %dma_start3A_28] : memref<160x128xi32, #tpu.memory_space<vmem>> -> memref<1x128xi32, #tpu.memory_space<vmem>>
      %dma_start3A_30 = tpu.memref_squeeze %dma_start3A_29 : memref<1x128xi32, #tpu.memory_space<vmem>> -> memref<128xi32, #tpu.memory_space<vmem>>
      %dma_start3A_31 = arith.constant 0 : i32
      %dma_start3A_32 = arith.constant 0 : i32
      %dma_start3A_33 = tpu.memref_slice %arg2[%dma_start3A_31, %dma_start3A_32] : memref<10000x16xf32, #tpu.memory_space<hbm>> -> memref<10000x16xf32, #tpu.memory_space<hbm>>
      tpu.enqueue_indirect_dma source(%dma_start3A_33 : memref<10000x16xf32, #tpu.memory_space<hbm>>) target(%dma_start3A_27 : memref<128x16xf32, #tpu.memory_space<vmem>>) offsets(%dma_start3A_30 : memref<128xi32, #tpu.memory_space<vmem>>) semaphore(%arg10 : memref<!tpu.dma_semaphore, #tpu.memory_space<semaphore_mem>>)
      %mul3A_34 = arith.constant 8 : i32
      %mul3A_35 = arith.muli %scan3A_20, %mul3A_34 : i32
      %add3A_36 = arith.constant 1 : i32
      %add3A_37 = arith.addi %mul3A_35, %add3A_36 : i32
      %dma_start3A_38 = arith.constant 128 : i32
      %dma_start3A_39 = arith.constant 0 : i32
      %dma_start3A_40 = tpu.memref_slice %arg9[%dma_start3A_38, %dma_start3A_39] : memref<1024x16xf32, #tpu.memory_space<vmem>> -> memref<128x16xf32, #tpu.memory_space<vmem>>
      %dma_start3A_41 = arith.constant 0 : i32
      %dma_start3A_42 = tpu.memref_slice %arg7[%add3A_37, %dma_start3A_41] : memref<160x128xi32, #tpu.memory_space<vmem>> -> memref<1x128xi32, #tpu.memory_space<vmem>>
      %dma_start3A_43 = tpu.memref_squeeze %dma_start3A_42 : memref<1x128xi32, #tpu.memory_space<vmem>> -> memref<128xi32, #tpu.memory_space<vmem>>
      %dma_start3A_44 = arith.constant 0 : i32
      %dma_start3A_45 = arith.constant 0 : i32
      %dma_start3A_46 = tpu.memref_slice %arg2[%dma_start3A_44, %dma_start3A_45] : memref<10000x16xf32, #tpu.memory_space<hbm>> -> memref<10000x16xf32, #tpu.memory_space<hbm>>
      tpu.enqueue_indirect_dma source(%dma_start3A_46 : memref<10000x16xf32, #tpu.memory_space<hbm>>) target(%dma_start3A_40 : memref<128x16xf32, #tpu.memory_space<vmem>>) offsets(%dma_start3A_43 : memref<128xi32, #tpu.memory_space<vmem>>) semaphore(%arg10 : memref<!tpu.dma_semaphore, #tpu.memory_space<semaphore_mem>>)
      %mul3A_47 = arith.constant 8 : i32
      %mul3A_48 = arith.muli %scan3A_20, %mul3A_47 : i32
      %add3A_49 = arith.constant 2 : i32
      %add3A_50 = arith.addi %mul3A_48, %add3A_49 : i32
      %dma_start3A_51 = arith.constant 256 : i32
      %dma_start3A_52 = arith.constant 0 : i32
      %dma_start3A_53 = tpu.memref_slice %arg9[%dma_start3A_51, %dma_start3A_52] : memref<1024x16xf32, #tpu.memory_space<vmem>> -> memref<128x16xf32, #tpu.memory_space<vmem>>
      %dma_start3A_54 = arith.constant 0 : i32
      %dma_start3A_55 = tpu.memref_slice %arg7[%add3A_50, %dma_start3A_54] : memref<160x128xi32, #tpu.memory_space<vmem>> -> memref<1x128xi32, #tpu.memory_space<vmem>>
      %dma_start3A_56 = tpu.memref_squeeze %dma_start3A_55 : memref<1x128xi32, #tpu.memory_space<vmem>> -> memref<128xi32, #tpu.memory_space<vmem>>
      %dma_start3A_57 = arith.constant 0 : i32
      %dma_start3A_58 = arith.constant 0 : i32
      %dma_start3A_59 = tpu.memref_slice %arg2[%dma_start3A_57, %dma_start3A_58] : memref<10000x16xf32, #tpu.memory_space<hbm>> -> memref<10000x16xf32, #tpu.memory_space<hbm>>
      tpu.enqueue_indirect_dma source(%dma_start3A_59 : memref<10000x16xf32, #tpu.memory_space<hbm>>) target(%dma_start3A_53 : memref<128x16xf32, #tpu.memory_space<vmem>>) offsets(%dma_start3A_56 : memref<128xi32, #tpu.memory_space<vmem>>) semaphore(%arg10 : memref<!tpu.dma_semaphore, #tpu.memory_space<semaphore_mem>>)
      %mul3A_60 = arith.constant 8 : i32
      %mul3A_61 = arith.muli %scan3A_20, %mul3A_60 : i32
      %add3A_62 = arith.constant 3 : i32
      %add3A_63 = arith.addi %mul3A_61, %add3A_62 : i32
      %dma_start3A_64 = arith.constant 384 : i32
      %dma_start3A_65 = arith.constant 0 : i32
      %dma_start3A_66 = tpu.memref_slice %arg9[%dma_start3A_64, %dma_start3A_65] : memref<1024x16xf32, #tpu.memory_space<vmem>> -> memref<128x16xf32, #tpu.memory_space<vmem>>
      %dma_start3A_67 = arith.constant 0 : i32
      %dma_start3A_68 = tpu.memref_slice %arg7[%add3A_63, %dma_start3A_67] : memref<160x128xi32, #tpu.memory_space<vmem>> -> memref<1x128xi32, #tpu.memory_space<vmem>>
      %dma_start3A_69 = tpu.memref_squeeze %dma_start3A_68 : memref<1x128xi32, #tpu.memory_space<vmem>> -> memref<128xi32, #tpu.memory_space<vmem>>
      %dma_start3A_70 = arith.constant 0 : i32
      %dma_start3A_71 = arith.constant 0 : i32
      %dma_start3A_72 = tpu.memref_slice %arg2[%dma_start3A_70, %dma_start3A_71] : memref<10000x16xf32, #tpu.memory_space<hbm>> -> memref<10000x16xf32, #tpu.memory_space<hbm>>
      tpu.enqueue_indirect_dma source(%dma_start3A_72 : memref<10000x16xf32, #tpu.memory_space<hbm>>) target(%dma_start3A_66 : memref<128x16xf32, #tpu.memory_space<vmem>>) offsets(%dma_start3A_69 : memref<128xi32, #tpu.memory_space<vmem>>) semaphore(%arg10 : memref<!tpu.dma_semaphore, #tpu.memory_space<semaphore_mem>>)
      %mul3A_73 = arith.constant 8 : i32
      %mul3A_74 = arith.muli %scan3A_20, %mul3A_73 : i32
      %add3A_75 = arith.constant 4 : i32
      %add3A_76 = arith.addi %mul3A_74, %add3A_75 : i32
      %dma_start3A_77 = arith.constant 512 : i32
      %dma_start3A_78 = arith.constant 0 : i32
      %dma_start3A_79 = tpu.memref_slice %arg9[%dma_start3A_77, %dma_start3A_78] : memref<1024x16xf32, #tpu.memory_space<vmem>> -> memref<128x16xf32, #tpu.memory_space<vmem>>
      %dma_start3A_80 = arith.constant 0 : i32
      %dma_start3A_81 = tpu.memref_slice %arg7[%add3A_76, %dma_start3A_80] : memref<160x128xi32, #tpu.memory_space<vmem>> -> memref<1x128xi32, #tpu.memory_space<vmem>>
      %dma_start3A_82 = tpu.memref_squeeze %dma_start3A_81 : memref<1x128xi32, #tpu.memory_space<vmem>> -> memref<128xi32, #tpu.memory_space<vmem>>
      %dma_start3A_83 = arith.constant 0 : i32
      %dma_start3A_84 = arith.constant 0 : i32
      %dma_start3A_85 = tpu.memref_slice %arg2[%dma_start3A_83, %dma_start3A_84] : memref<10000x16xf32, #tpu.memory_space<hbm>> -> memref<10000x16xf32, #tpu.memory_space<hbm>>
      tpu.enqueue_indirect_dma source(%dma_start3A_85 : memref<10000x16xf32, #tpu.memory_space<hbm>>) target(%dma_start3A_79 : memref<128x16xf32, #tpu.memory_space<vmem>>) offsets(%dma_start3A_82 : memref<128xi32, #tpu.memory_space<vmem>>) semaphore(%arg10 : memref<!tpu.dma_semaphore, #tpu.memory_space<semaphore_mem>>)
      %mul3A_86 = arith.constant 8 : i32
      %mul3A_87 = arith.muli %scan3A_20, %mul3A_86 : i32
      %add3A_88 = arith.constant 5 : i32
      %add3A_89 = arith.addi %mul3A_87, %add3A_88 : i32
      %dma_start3A_90 = arith.constant 640 : i32
      %dma_start3A_91 = arith.constant 0 : i32
      %dma_start3A_92 = tpu.memref_slice %arg9[%dma_start3A_90, %dma_start3A_91] : memref<1024x16xf32, #tpu.memory_space<vmem>> -> memref<128x16xf32, #tpu.memory_space<vmem>>
      %dma_start3A_93 = arith.constant 0 : i32
      %dma_start3A_94 = tpu.memref_slice %arg7[%add3A_89, %dma_start3A_93] : memref<160x128xi32, #tpu.memory_space<vmem>> -> memref<1x128xi32, #tpu.memory_space<vmem>>
      %dma_start3A_95 = tpu.memref_squeeze %dma_start3A_94 : memref<1x128xi32, #tpu.memory_space<vmem>> -> memref<128xi32, #tpu.memory_space<vmem>>
      %dma_start3A_96 = arith.constant 0 : i32
      %dma_start3A_97 = arith.constant 0 : i32
      %dma_start3A_98 = tpu.memref_slice %arg2[%dma_start3A_96, %dma_start3A_97] : memref<10000x16xf32, #tpu.memory_space<hbm>> -> memref<10000x16xf32, #tpu.memory_space<hbm>>
      tpu.enqueue_indirect_dma source(%dma_start3A_98 : memref<10000x16xf32, #tpu.memory_space<hbm>>) target(%dma_start3A_92 : memref<128x16xf32, #tpu.memory_space<vmem>>) offsets(%dma_start3A_95 : memref<128xi32, #tpu.memory_space<vmem>>) semaphore(%arg10 : memref<!tpu.dma_semaphore, #tpu.memory_space<semaphore_mem>>)
      %mul3A_99 = arith.constant 8 : i32
      %mul3A_100 = arith.muli %scan3A_20, %mul3A_99 : i32
      %add3A_101 = arith.constant 6 : i32
      %add3A_102 = arith.addi %mul3A_100, %add3A_101 : i32
      %dma_start3A_103 = arith.constant 768 : i32
      %dma_start3A_104 = arith.constant 0 : i32
      %dma_start3A_105 = tpu.memref_slice %arg9[%dma_start3A_103, %dma_start3A_104] : memref<1024x16xf32, #tpu.memory_space<vmem>> -> memref<128x16xf32, #tpu.memory_space<vmem>>
      %dma_start3A_106 = arith.constant 0 : i32
      %dma_start3A_107 = tpu.memref_slice %arg7[%add3A_102, %dma_start3A_106] : memref<160x128xi32, #tpu.memory_space<vmem>> -> memref<1x128xi32, #tpu.memory_space<vmem>>
      %dma_start3A_108 = tpu.memref_squeeze %dma_start3A_107 : memref<1x128xi32, #tpu.memory_space<vmem>> -> memref<128xi32, #tpu.memory_space<vmem>>
      %dma_start3A_109 = arith.constant 0 : i32
      %dma_start3A_110 = arith.constant 0 : i32
      %dma_start3A_111 = tpu.memref_slice %arg2[%dma_start3A_109, %dma_start3A_110] : memref<10000x16xf32, #tpu.memory_space<hbm>> -> memref<10000x16xf32, #tpu.memory_space<hbm>>
      tpu.enqueue_indirect_dma source(%dma_start3A_111 : memref<10000x16xf32, #tpu.memory_space<hbm>>) target(%dma_start3A_105 : memref<128x16xf32, #tpu.memory_space<vmem>>) offsets(%dma_start3A_108 : memref<128xi32, #tpu.memory_space<vmem>>) semaphore(%arg10 : memref<!tpu.dma_semaphore, #tpu.memory_space<semaphore_mem>>)
      %mul3A_112 = arith.constant 8 : i32
      %mul3A_113 = arith.muli %scan3A_20, %mul3A_112 : i32
      %add3A_114 = arith.constant 7 : i32
      %add3A_115 = arith.addi %mul3A_113, %add3A_114 : i32
      %dma_start3A_116 = arith.constant 896 : i32
      %dma_start3A_117 = arith.constant 0 : i32
      %dma_start3A_118 = tpu.memref_slice %arg9[%dma_start3A_116, %dma_start3A_117] : memref<1024x16xf32, #tpu.memory_space<vmem>> -> memref<128x16xf32, #tpu.memory_space<vmem>>
      %dma_start3A_119 = arith.constant 0 : i32
      %dma_start3A_120 = tpu.memref_slice %arg7[%add3A_115, %dma_start3A_119] : memref<160x128xi32, #tpu.memory_space<vmem>> -> memref<1x128xi32, #tpu.memory_space<vmem>>
      %dma_start3A_121 = tpu.memref_squeeze %dma_start3A_120 : memref<1x128xi32, #tpu.memory_space<vmem>> -> memref<128xi32, #tpu.memory_space<vmem>>
      %dma_start3A_122 = arith.constant 0 : i32
      %dma_start3A_123 = arith.constant 0 : i32
      %dma_start3A_124 = tpu.memref_slice %arg2[%dma_start3A_122, %dma_start3A_123] : memref<10000x16xf32, #tpu.memory_space<hbm>> -> memref<10000x16xf32, #tpu.memory_space<hbm>>
      tpu.enqueue_indirect_dma source(%dma_start3A_124 : memref<10000x16xf32, #tpu.memory_space<hbm>>) target(%dma_start3A_118 : memref<128x16xf32, #tpu.memory_space<vmem>>) offsets(%dma_start3A_121 : memref<128xi32, #tpu.memory_space<vmem>>) semaphore(%arg10 : memref<!tpu.dma_semaphore, #tpu.memory_space<semaphore_mem>>)
      %dma_wait3A = arith.constant 0 : i32
      %dma_wait3A_125 = arith.constant 0 : i32
      %dma_wait3A_126 = tpu.memref_slice %arg9[%dma_wait3A, %dma_wait3A_125] : memref<1024x16xf32, #tpu.memory_space<vmem>> -> memref<128x16xf32, #tpu.memory_space<vmem>>
      %dma_wait3A_127 = arith.constant 0 : i32
      %dma_wait3A_128 = tpu.memref_slice %arg7[%add3A_25, %dma_wait3A_127] : memref<160x128xi32, #tpu.memory_space<vmem>> -> memref<1x128xi32, #tpu.memory_space<vmem>>
      %dma_wait3A_129 = tpu.memref_squeeze %dma_wait3A_128 : memref<1x128xi32, #tpu.memory_space<vmem>> -> memref<128xi32, #tpu.memory_space<vmem>>
      %dma_wait3A_130 = arith.constant 0 : i32
      %dma_wait3A_131 = arith.constant 0 : i32
      %dma_wait3A_132 = tpu.memref_slice %arg2[%dma_wait3A_130, %dma_wait3A_131] : memref<10000x16xf32, #tpu.memory_space<hbm>> -> memref<10000x16xf32, #tpu.memory_space<hbm>>
      tpu.wait_indirect_dma semaphore(%arg10 : memref<!tpu.dma_semaphore, #tpu.memory_space<semaphore_mem>>) src(%dma_wait3A_132 : memref<10000x16xf32, #tpu.memory_space<hbm>>) dst(%dma_wait3A_126 : memref<128x16xf32, #tpu.memory_space<vmem>>)
      %dma_wait3A_133 = arith.constant 128 : i32
      %dma_wait3A_134 = arith.constant 0 : i32
      %dma_wait3A_135 = tpu.memref_slice %arg9[%dma_wait3A_133, %dma_wait3A_134] : memref<1024x16xf32, #tpu.memory_space<vmem>> -> memref<128x16xf32, #tpu.memory_space<vmem>>
      %dma_wait3A_136 = arith.constant 0 : i32
      %dma_wait3A_137 = tpu.memref_slice %arg7[%add3A_37, %dma_wait3A_136] : memref<160x128xi32, #tpu.memory_space<vmem>> -> memref<1x128xi32, #tpu.memory_space<vmem>>
      %dma_wait3A_138 = tpu.memref_squeeze %dma_wait3A_137 : memref<1x128xi32, #tpu.memory_space<vmem>> -> memref<128xi32, #tpu.memory_space<vmem>>
      %dma_wait3A_139 = arith.constant 0 : i32
      %dma_wait3A_140 = arith.constant 0 : i32
      %dma_wait3A_141 = tpu.memref_slice %arg2[%dma_wait3A_139, %dma_wait3A_140] : memref<10000x16xf32, #tpu.memory_space<hbm>> -> memref<10000x16xf32, #tpu.memory_space<hbm>>
      tpu.wait_indirect_dma semaphore(%arg10 : memref<!tpu.dma_semaphore, #tpu.memory_space<semaphore_mem>>) src(%dma_wait3A_141 : memref<10000x16xf32, #tpu.memory_space<hbm>>) dst(%dma_wait3A_135 : memref<128x16xf32, #tpu.memory_space<vmem>>)
      %dma_wait3A_142 = arith.constant 256 : i32
      %dma_wait3A_143 = arith.constant 0 : i32
      %dma_wait3A_144 = tpu.memref_slice %arg9[%dma_wait3A_142, %dma_wait3A_143] : memref<1024x16xf32, #tpu.memory_space<vmem>> -> memref<128x16xf32, #tpu.memory_space<vmem>>
      %dma_wait3A_145 = arith.constant 0 : i32
      %dma_wait3A_146 = tpu.memref_slice %arg7[%add3A_50, %dma_wait3A_145] : memref<160x128xi32, #tpu.memory_space<vmem>> -> memref<1x128xi32, #tpu.memory_space<vmem>>
      %dma_wait3A_147 = tpu.memref_squeeze %dma_wait3A_146 : memref<1x128xi32, #tpu.memory_space<vmem>> -> memref<128xi32, #tpu.memory_space<vmem>>
      %dma_wait3A_148 = arith.constant 0 : i32
      %dma_wait3A_149 = arith.constant 0 : i32
      %dma_wait3A_150 = tpu.memref_slice %arg2[%dma_wait3A_148, %dma_wait3A_149] : memref<10000x16xf32, #tpu.memory_space<hbm>> -> memref<10000x16xf32, #tpu.memory_space<hbm>>
      tpu.wait_indirect_dma semaphore(%arg10 : memref<!tpu.dma_semaphore, #tpu.memory_space<semaphore_mem>>) src(%dma_wait3A_150 : memref<10000x16xf32, #tpu.memory_space<hbm>>) dst(%dma_wait3A_144 : memref<128x16xf32, #tpu.memory_space<vmem>>)
      %dma_wait3A_151 = arith.constant 384 : i32
      %dma_wait3A_152 = arith.constant 0 : i32
      %dma_wait3A_153 = tpu.memref_slice %arg9[%dma_wait3A_151, %dma_wait3A_152] : memref<1024x16xf32, #tpu.memory_space<vmem>> -> memref<128x16xf32, #tpu.memory_space<vmem>>
      %dma_wait3A_154 = arith.constant 0 : i32
      %dma_wait3A_155 = tpu.memref_slice %arg7[%add3A_63, %dma_wait3A_154] : memref<160x128xi32, #tpu.memory_space<vmem>> -> memref<1x128xi32, #tpu.memory_space<vmem>>
      %dma_wait3A_156 = tpu.memref_squeeze %dma_wait3A_155 : memref<1x128xi32, #tpu.memory_space<vmem>> -> memref<128xi32, #tpu.memory_space<vmem>>
      %dma_wait3A_157 = arith.constant 0 : i32
      %dma_wait3A_158 = arith.constant 0 : i32
      %dma_wait3A_159 = tpu.memref_slice %arg2[%dma_wait3A_157, %dma_wait3A_158] : memref<10000x16xf32, #tpu.memory_space<hbm>> -> memref<10000x16xf32, #tpu.memory_space<hbm>>
      tpu.wait_indirect_dma semaphore(%arg10 : memref<!tpu.dma_semaphore, #tpu.memory_space<semaphore_mem>>) src(%dma_wait3A_159 : memref<10000x16xf32, #tpu.memory_space<hbm>>) dst(%dma_wait3A_153 : memref<128x16xf32, #tpu.memory_space<vmem>>)
      %dma_wait3A_160 = arith.constant 512 : i32
      %dma_wait3A_161 = arith.constant 0 : i32
      %dma_wait3A_162 = tpu.memref_slice %arg9[%dma_wait3A_160, %dma_wait3A_161] : memref<1024x16xf32, #tpu.memory_space<vmem>> -> memref<128x16xf32, #tpu.memory_space<vmem>>
      %dma_wait3A_163 = arith.constant 0 : i32
      %dma_wait3A_164 = tpu.memref_slice %arg7[%add3A_76, %dma_wait3A_163] : memref<160x128xi32, #tpu.memory_space<vmem>> -> memref<1x128xi32, #tpu.memory_space<vmem>>
      %dma_wait3A_165 = tpu.memref_squeeze %dma_wait3A_164 : memref<1x128xi32, #tpu.memory_space<vmem>> -> memref<128xi32, #tpu.memory_space<vmem>>
      %dma_wait3A_166 = arith.constant 0 : i32
      %dma_wait3A_167 = arith.constant 0 : i32
      %dma_wait3A_168 = tpu.memref_slice %arg2[%dma_wait3A_166, %dma_wait3A_167] : memref<10000x16xf32, #tpu.memory_space<hbm>> -> memref<10000x16xf32, #tpu.memory_space<hbm>>
      tpu.wait_indirect_dma semaphore(%arg10 : memref<!tpu.dma_semaphore, #tpu.memory_space<semaphore_mem>>) src(%dma_wait3A_168 : memref<10000x16xf32, #tpu.memory_space<hbm>>) dst(%dma_wait3A_162 : memref<128x16xf32, #tpu.memory_space<vmem>>)
      %dma_wait3A_169 = arith.constant 640 : i32
      %dma_wait3A_170 = arith.constant 0 : i32
      %dma_wait3A_171 = tpu.memref_slice %arg9[%dma_wait3A_169, %dma_wait3A_170] : memref<1024x16xf32, #tpu.memory_space<vmem>> -> memref<128x16xf32, #tpu.memory_space<vmem>>
      %dma_wait3A_172 = arith.constant 0 : i32
      %dma_wait3A_173 = tpu.memref_slice %arg7[%add3A_89, %dma_wait3A_172] : memref<160x128xi32, #tpu.memory_space<vmem>> -> memref<1x128xi32, #tpu.memory_space<vmem>>
      %dma_wait3A_174 = tpu.memref_squeeze %dma_wait3A_173 : memref<1x128xi32, #tpu.memory_space<vmem>> -> memref<128xi32, #tpu.memory_space<vmem>>
      %dma_wait3A_175 = arith.constant 0 : i32
      %dma_wait3A_176 = arith.constant 0 : i32
      %dma_wait3A_177 = tpu.memref_slice %arg2[%dma_wait3A_175, %dma_wait3A_176] : memref<10000x16xf32, #tpu.memory_space<hbm>> -> memref<10000x16xf32, #tpu.memory_space<hbm>>
      tpu.wait_indirect_dma semaphore(%arg10 : memref<!tpu.dma_semaphore, #tpu.memory_space<semaphore_mem>>) src(%dma_wait3A_177 : memref<10000x16xf32, #tpu.memory_space<hbm>>) dst(%dma_wait3A_171 : memref<128x16xf32, #tpu.memory_space<vmem>>)
      %dma_wait3A_178 = arith.constant 768 : i32
      %dma_wait3A_179 = arith.constant 0 : i32
      %dma_wait3A_180 = tpu.memref_slice %arg9[%dma_wait3A_178, %dma_wait3A_179] : memref<1024x16xf32, #tpu.memory_space<vmem>> -> memref<128x16xf32, #tpu.memory_space<vmem>>
      %dma_wait3A_181 = arith.constant 0 : i32
      %dma_wait3A_182 = tpu.memref_slice %arg7[%add3A_102, %dma_wait3A_181] : memref<160x128xi32, #tpu.memory_space<vmem>> -> memref<1x128xi32, #tpu.memory_space<vmem>>
      %dma_wait3A_183 = tpu.memref_squeeze %dma_wait3A_182 : memref<1x128xi32, #tpu.memory_space<vmem>> -> memref<128xi32, #tpu.memory_space<vmem>>
      %dma_wait3A_184 = arith.constant 0 : i32
      %dma_wait3A_185 = arith.constant 0 : i32
      %dma_wait3A_186 = tpu.memref_slice %arg2[%dma_wait3A_184, %dma_wait3A_185] : memref<10000x16xf32, #tpu.memory_space<hbm>> -> memref<10000x16xf32, #tpu.memory_space<hbm>>
      tpu.wait_indirect_dma semaphore(%arg10 : memref<!tpu.dma_semaphore, #tpu.memory_space<semaphore_mem>>) src(%dma_wait3A_186 : memref<10000x16xf32, #tpu.memory_space<hbm>>) dst(%dma_wait3A_180 : memref<128x16xf32, #tpu.memory_space<vmem>>)
      %dma_wait3A_187 = arith.constant 896 : i32
      %dma_wait3A_188 = arith.constant 0 : i32
      %dma_wait3A_189 = tpu.memref_slice %arg9[%dma_wait3A_187, %dma_wait3A_188] : memref<1024x16xf32, #tpu.memory_space<vmem>> -> memref<128x16xf32, #tpu.memory_space<vmem>>
      %dma_wait3A_190 = arith.constant 0 : i32
      %dma_wait3A_191 = tpu.memref_slice %arg7[%add3A_115, %dma_wait3A_190] : memref<160x128xi32, #tpu.memory_space<vmem>> -> memref<1x128xi32, #tpu.memory_space<vmem>>
      %dma_wait3A_192 = tpu.memref_squeeze %dma_wait3A_191 : memref<1x128xi32, #tpu.memory_space<vmem>> -> memref<128xi32, #tpu.memory_space<vmem>>
      %dma_wait3A_193 = arith.constant 0 : i32
      %dma_wait3A_194 = arith.constant 0 : i32
      %dma_wait3A_195 = tpu.memref_slice %arg2[%dma_wait3A_193, %dma_wait3A_194] : memref<10000x16xf32, #tpu.memory_space<hbm>> -> memref<10000x16xf32, #tpu.memory_space<hbm>>
      tpu.wait_indirect_dma semaphore(%arg10 : memref<!tpu.dma_semaphore, #tpu.memory_space<semaphore_mem>>) src(%dma_wait3A_195 : memref<10000x16xf32, #tpu.memory_space<hbm>>) dst(%dma_wait3A_189 : memref<128x16xf32, #tpu.memory_space<vmem>>)
      %mul3A_196 = arith.constant 1024 : i32
      %mul3A_197 = arith.muli %scan3A_20, %mul3A_196 : i32
      %add3A_198 = arith.addi %mul3A_2, %mul3A_197 : i32
      "tpu.region"() ({
        %run_scoped3A = tpu.sem_alloc : memref<!tpu.dma_semaphore, #tpu.memory_space<semaphore_mem>>
        %dma_start3A_200 = arith.constant 0 : i32
        %dma_start3A_201 = tpu.memref_slice %arg5[%add3A_198, %dma_start3A_200] : memref<655360x16xf32, #tpu.memory_space<hbm>> -> memref<1024x16xf32, #tpu.memory_space<hbm>>
        %dma_start3A_202 = arith.constant 0 : i32
        %dma_start3A_203 = tpu.memref_slice %arg5[%add3A_198, %dma_start3A_202] : memref<655360x16xf32, #tpu.memory_space<hbm>> -> memref<1024x16xf32, #tpu.memory_space<hbm>>
        tpu.enqueue_dma source(%arg9 : memref<1024x16xf32, #tpu.memory_space<vmem>>) target(%dma_start3A_203 : memref<1024x16xf32, #tpu.memory_space<hbm>>) target_semaphore(%run_scoped3A : memref<!tpu.dma_semaphore, #tpu.memory_space<semaphore_mem>>)
        %dma_wait3A_204 = arith.constant 0 : i32
        %dma_wait3A_205 = tpu.memref_slice %arg5[%add3A_198, %dma_wait3A_204] : memref<655360x16xf32, #tpu.memory_space<hbm>> -> memref<1024x16xf32, #tpu.memory_space<hbm>>
        %dma_wait3A_206 = arith.constant 0 : i32
        %dma_wait3A_207 = tpu.memref_slice %arg5[%add3A_198, %dma_wait3A_206] : memref<655360x16xf32, #tpu.memory_space<hbm>> -> memref<1024x16xf32, #tpu.memory_space<hbm>>
        tpu.wait_dma2 semaphore(%run_scoped3A : memref<!tpu.dma_semaphore, #tpu.memory_space<semaphore_mem>>) src(%arg9 : memref<1024x16xf32, #tpu.memory_space<vmem>>) dst(%dma_wait3A_207 : memref<1024x16xf32, #tpu.memory_space<hbm>>)
        tpu.yield
      }) : () -> ()
      %scan3A_199 = arith.constant 0 : i32
      scf.yield %scan3A_199 : i32
    }
    %scan3A_12 = arith.constant 20 : i32
    %scan3A_13 = arith.constant 0 : i32
    %scan3A_14 = arith.constant 0 : i32
    %scan3A_15 = arith.constant 20 : i32
    %scan3A_16 = arith.addi %scan3A_14, %scan3A_15 : i32
    %scan3A_17 = arith.constant 1 : i32
    %scan3A_18 = scf.for %scan3A_20 = %scan3A_14 to %scan3A_16 step %scan3A_17 iter_args(%scan3A_21 = %scan3A_13) -> (i32)  : i32 {
      %mul3A_22 = arith.constant 8 : i32
      %mul3A_23 = arith.muli %scan3A_20, %mul3A_22 : i32
      %add3A_24 = arith.constant 0 : i32
      %add3A_25 = arith.addi %mul3A_23, %add3A_24 : i32
      %dma_start3A = arith.constant 0 : i32
      %dma_start3A_26 = arith.constant 0 : i32
      %dma_start3A_27 = tpu.memref_slice %arg9[%dma_start3A, %dma_start3A_26] : memref<1024x16xf32, #tpu.memory_space<vmem>> -> memref<128x16xf32, #tpu.memory_space<vmem>>
      %dma_start3A_28 = arith.constant 0 : i32
      %dma_start3A_29 = tpu.memref_slice %arg8[%add3A_25, %dma_start3A_28] : memref<160x128xi32, #tpu.memory_space<vmem>> -> memref<1x128xi32, #tpu.memory_space<vmem>>
      %dma_start3A_30 = tpu.memref_squeeze %dma_start3A_29 : memref<1x128xi32, #tpu.memory_space<vmem>> -> memref<128xi32, #tpu.memory_space<vmem>>
      %dma_start3A_31 = arith.constant 0 : i32
      %dma_start3A_32 = arith.constant 0 : i32
      %dma_start3A_33 = tpu.memref_slice %arg2[%dma_start3A_31, %dma_start3A_32] : memref<10000x16xf32, #tpu.memory_space<hbm>> -> memref<10000x16xf32, #tpu.memory_space<hbm>>
      tpu.enqueue_indirect_dma source(%dma_start3A_33 : memref<10000x16xf32, #tpu.memory_space<hbm>>) target(%dma_start3A_27 : memref<128x16xf32, #tpu.memory_space<vmem>>) offsets(%dma_start3A_30 : memref<128xi32, #tpu.memory_space<vmem>>) semaphore(%arg10 : memref<!tpu.dma_semaphore, #tpu.memory_space<semaphore_mem>>)
      %mul3A_34 = arith.constant 8 : i32
      %mul3A_35 = arith.muli %scan3A_20, %mul3A_34 : i32
      %add3A_36 = arith.constant 1 : i32
      %add3A_37 = arith.addi %mul3A_35, %add3A_36 : i32
      %dma_start3A_38 = arith.constant 128 : i32
      %dma_start3A_39 = arith.constant 0 : i32
      %dma_start3A_40 = tpu.memref_slice %arg9[%dma_start3A_38, %dma_start3A_39] : memref<1024x16xf32, #tpu.memory_space<vmem>> -> memref<128x16xf32, #tpu.memory_space<vmem>>
      %dma_start3A_41 = arith.constant 0 : i32
      %dma_start3A_42 = tpu.memref_slice %arg8[%add3A_37, %dma_start3A_41] : memref<160x128xi32, #tpu.memory_space<vmem>> -> memref<1x128xi32, #tpu.memory_space<vmem>>
      %dma_start3A_43 = tpu.memref_squeeze %dma_start3A_42 : memref<1x128xi32, #tpu.memory_space<vmem>> -> memref<128xi32, #tpu.memory_space<vmem>>
      %dma_start3A_44 = arith.constant 0 : i32
      %dma_start3A_45 = arith.constant 0 : i32
      %dma_start3A_46 = tpu.memref_slice %arg2[%dma_start3A_44, %dma_start3A_45] : memref<10000x16xf32, #tpu.memory_space<hbm>> -> memref<10000x16xf32, #tpu.memory_space<hbm>>
      tpu.enqueue_indirect_dma source(%dma_start3A_46 : memref<10000x16xf32, #tpu.memory_space<hbm>>) target(%dma_start3A_40 : memref<128x16xf32, #tpu.memory_space<vmem>>) offsets(%dma_start3A_43 : memref<128xi32, #tpu.memory_space<vmem>>) semaphore(%arg10 : memref<!tpu.dma_semaphore, #tpu.memory_space<semaphore_mem>>)
      %mul3A_47 = arith.constant 8 : i32
      %mul3A_48 = arith.muli %scan3A_20, %mul3A_47 : i32
      %add3A_49 = arith.constant 2 : i32
      %add3A_50 = arith.addi %mul3A_48, %add3A_49 : i32
      %dma_start3A_51 = arith.constant 256 : i32
      %dma_start3A_52 = arith.constant 0 : i32
      %dma_start3A_53 = tpu.memref_slice %arg9[%dma_start3A_51, %dma_start3A_52] : memref<1024x16xf32, #tpu.memory_space<vmem>> -> memref<128x16xf32, #tpu.memory_space<vmem>>
      %dma_start3A_54 = arith.constant 0 : i32
      %dma_start3A_55 = tpu.memref_slice %arg8[%add3A_50, %dma_start3A_54] : memref<160x128xi32, #tpu.memory_space<vmem>> -> memref<1x128xi32, #tpu.memory_space<vmem>>
      %dma_start3A_56 = tpu.memref_squeeze %dma_start3A_55 : memref<1x128xi32, #tpu.memory_space<vmem>> -> memref<128xi32, #tpu.memory_space<vmem>>
      %dma_start3A_57 = arith.constant 0 : i32
      %dma_start3A_58 = arith.constant 0 : i32
      %dma_start3A_59 = tpu.memref_slice %arg2[%dma_start3A_57, %dma_start3A_58] : memref<10000x16xf32, #tpu.memory_space<hbm>> -> memref<10000x16xf32, #tpu.memory_space<hbm>>
      tpu.enqueue_indirect_dma source(%dma_start3A_59 : memref<10000x16xf32, #tpu.memory_space<hbm>>) target(%dma_start3A_53 : memref<128x16xf32, #tpu.memory_space<vmem>>) offsets(%dma_start3A_56 : memref<128xi32, #tpu.memory_space<vmem>>) semaphore(%arg10 : memref<!tpu.dma_semaphore, #tpu.memory_space<semaphore_mem>>)
      %mul3A_60 = arith.constant 8 : i32
      %mul3A_61 = arith.muli %scan3A_20, %mul3A_60 : i32
      %add3A_62 = arith.constant 3 : i32
      %add3A_63 = arith.addi %mul3A_61, %add3A_62 : i32
      %dma_start3A_64 = arith.constant 384 : i32
      %dma_start3A_65 = arith.constant 0 : i32
      %dma_start3A_66 = tpu.memref_slice %arg9[%dma_start3A_64, %dma_start3A_65] : memref<1024x16xf32, #tpu.memory_space<vmem>> -> memref<128x16xf32, #tpu.memory_space<vmem>>
      %dma_start3A_67 = arith.constant 0 : i32
      %dma_start3A_68 = tpu.memref_slice %arg8[%add3A_63, %dma_start3A_67] : memref<160x128xi32, #tpu.memory_space<vmem>> -> memref<1x128xi32, #tpu.memory_space<vmem>>
      %dma_start3A_69 = tpu.memref_squeeze %dma_start3A_68 : memref<1x128xi32, #tpu.memory_space<vmem>> -> memref<128xi32, #tpu.memory_space<vmem>>
      %dma_start3A_70 = arith.constant 0 : i32
      %dma_start3A_71 = arith.constant 0 : i32
      %dma_start3A_72 = tpu.memref_slice %arg2[%dma_start3A_70, %dma_start3A_71] : memref<10000x16xf32, #tpu.memory_space<hbm>> -> memref<10000x16xf32, #tpu.memory_space<hbm>>
      tpu.enqueue_indirect_dma source(%dma_start3A_72 : memref<10000x16xf32, #tpu.memory_space<hbm>>) target(%dma_start3A_66 : memref<128x16xf32, #tpu.memory_space<vmem>>) offsets(%dma_start3A_69 : memref<128xi32, #tpu.memory_space<vmem>>) semaphore(%arg10 : memref<!tpu.dma_semaphore, #tpu.memory_space<semaphore_mem>>)
      %mul3A_73 = arith.constant 8 : i32
      %mul3A_74 = arith.muli %scan3A_20, %mul3A_73 : i32
      %add3A_75 = arith.constant 4 : i32
      %add3A_76 = arith.addi %mul3A_74, %add3A_75 : i32
      %dma_start3A_77 = arith.constant 512 : i32
      %dma_start3A_78 = arith.constant 0 : i32
      %dma_start3A_79 = tpu.memref_slice %arg9[%dma_start3A_77, %dma_start3A_78] : memref<1024x16xf32, #tpu.memory_space<vmem>> -> memref<128x16xf32, #tpu.memory_space<vmem>>
      %dma_start3A_80 = arith.constant 0 : i32
      %dma_start3A_81 = tpu.memref_slice %arg8[%add3A_76, %dma_start3A_80] : memref<160x128xi32, #tpu.memory_space<vmem>> -> memref<1x128xi32, #tpu.memory_space<vmem>>
      %dma_start3A_82 = tpu.memref_squeeze %dma_start3A_81 : memref<1x128xi32, #tpu.memory_space<vmem>> -> memref<128xi32, #tpu.memory_space<vmem>>
      %dma_start3A_83 = arith.constant 0 : i32
      %dma_start3A_84 = arith.constant 0 : i32
      %dma_start3A_85 = tpu.memref_slice %arg2[%dma_start3A_83, %dma_start3A_84] : memref<10000x16xf32, #tpu.memory_space<hbm>> -> memref<10000x16xf32, #tpu.memory_space<hbm>>
      tpu.enqueue_indirect_dma source(%dma_start3A_85 : memref<10000x16xf32, #tpu.memory_space<hbm>>) target(%dma_start3A_79 : memref<128x16xf32, #tpu.memory_space<vmem>>) offsets(%dma_start3A_82 : memref<128xi32, #tpu.memory_space<vmem>>) semaphore(%arg10 : memref<!tpu.dma_semaphore, #tpu.memory_space<semaphore_mem>>)
      %mul3A_86 = arith.constant 8 : i32
      %mul3A_87 = arith.muli %scan3A_20, %mul3A_86 : i32
      %add3A_88 = arith.constant 5 : i32
      %add3A_89 = arith.addi %mul3A_87, %add3A_88 : i32
      %dma_start3A_90 = arith.constant 640 : i32
      %dma_start3A_91 = arith.constant 0 : i32
      %dma_start3A_92 = tpu.memref_slice %arg9[%dma_start3A_90, %dma_start3A_91] : memref<1024x16xf32, #tpu.memory_space<vmem>> -> memref<128x16xf32, #tpu.memory_space<vmem>>
      %dma_start3A_93 = arith.constant 0 : i32
      %dma_start3A_94 = tpu.memref_slice %arg8[%add3A_89, %dma_start3A_93] : memref<160x128xi32, #tpu.memory_space<vmem>> -> memref<1x128xi32, #tpu.memory_space<vmem>>
      %dma_start3A_95 = tpu.memref_squeeze %dma_start3A_94 : memref<1x128xi32, #tpu.memory_space<vmem>> -> memref<128xi32, #tpu.memory_space<vmem>>
      %dma_start3A_96 = arith.constant 0 : i32
      %dma_start3A_97 = arith.constant 0 : i32
      %dma_start3A_98 = tpu.memref_slice %arg2[%dma_start3A_96, %dma_start3A_97] : memref<10000x16xf32, #tpu.memory_space<hbm>> -> memref<10000x16xf32, #tpu.memory_space<hbm>>
      tpu.enqueue_indirect_dma source(%dma_start3A_98 : memref<10000x16xf32, #tpu.memory_space<hbm>>) target(%dma_start3A_92 : memref<128x16xf32, #tpu.memory_space<vmem>>) offsets(%dma_start3A_95 : memref<128xi32, #tpu.memory_space<vmem>>) semaphore(%arg10 : memref<!tpu.dma_semaphore, #tpu.memory_space<semaphore_mem>>)
      %mul3A_99 = arith.constant 8 : i32
      %mul3A_100 = arith.muli %scan3A_20, %mul3A_99 : i32
      %add3A_101 = arith.constant 6 : i32
      %add3A_102 = arith.addi %mul3A_100, %add3A_101 : i32
      %dma_start3A_103 = arith.constant 768 : i32
      %dma_start3A_104 = arith.constant 0 : i32
      %dma_start3A_105 = tpu.memref_slice %arg9[%dma_start3A_103, %dma_start3A_104] : memref<1024x16xf32, #tpu.memory_space<vmem>> -> memref<128x16xf32, #tpu.memory_space<vmem>>
      %dma_start3A_106 = arith.constant 0 : i32
      %dma_start3A_107 = tpu.memref_slice %arg8[%add3A_102, %dma_start3A_106] : memref<160x128xi32, #tpu.memory_space<vmem>> -> memref<1x128xi32, #tpu.memory_space<vmem>>
      %dma_start3A_108 = tpu.memref_squeeze %dma_start3A_107 : memref<1x128xi32, #tpu.memory_space<vmem>> -> memref<128xi32, #tpu.memory_space<vmem>>
      %dma_start3A_109 = arith.constant 0 : i32
      %dma_start3A_110 = arith.constant 0 : i32
      %dma_start3A_111 = tpu.memref_slice %arg2[%dma_start3A_109, %dma_start3A_110] : memref<10000x16xf32, #tpu.memory_space<hbm>> -> memref<10000x16xf32, #tpu.memory_space<hbm>>
      tpu.enqueue_indirect_dma source(%dma_start3A_111 : memref<10000x16xf32, #tpu.memory_space<hbm>>) target(%dma_start3A_105 : memref<128x16xf32, #tpu.memory_space<vmem>>) offsets(%dma_start3A_108 : memref<128xi32, #tpu.memory_space<vmem>>) semaphore(%arg10 : memref<!tpu.dma_semaphore, #tpu.memory_space<semaphore_mem>>)
      %mul3A_112 = arith.constant 8 : i32
      %mul3A_113 = arith.muli %scan3A_20, %mul3A_112 : i32
      %add3A_114 = arith.constant 7 : i32
      %add3A_115 = arith.addi %mul3A_113, %add3A_114 : i32
      %dma_start3A_116 = arith.constant 896 : i32
      %dma_start3A_117 = arith.constant 0 : i32
      %dma_start3A_118 = tpu.memref_slice %arg9[%dma_start3A_116, %dma_start3A_117] : memref<1024x16xf32, #tpu.memory_space<vmem>> -> memref<128x16xf32, #tpu.memory_space<vmem>>
      %dma_start3A_119 = arith.constant 0 : i32
      %dma_start3A_120 = tpu.memref_slice %arg8[%add3A_115, %dma_start3A_119] : memref<160x128xi32, #tpu.memory_space<vmem>> -> memref<1x128xi32, #tpu.memory_space<vmem>>
      %dma_start3A_121 = tpu.memref_squeeze %dma_start3A_120 : memref<1x128xi32, #tpu.memory_space<vmem>> -> memref<128xi32, #tpu.memory_space<vmem>>
      %dma_start3A_122 = arith.constant 0 : i32
      %dma_start3A_123 = arith.constant 0 : i32
      %dma_start3A_124 = tpu.memref_slice %arg2[%dma_start3A_122, %dma_start3A_123] : memref<10000x16xf32, #tpu.memory_space<hbm>> -> memref<10000x16xf32, #tpu.memory_space<hbm>>
      tpu.enqueue_indirect_dma source(%dma_start3A_124 : memref<10000x16xf32, #tpu.memory_space<hbm>>) target(%dma_start3A_118 : memref<128x16xf32, #tpu.memory_space<vmem>>) offsets(%dma_start3A_121 : memref<128xi32, #tpu.memory_space<vmem>>) semaphore(%arg10 : memref<!tpu.dma_semaphore, #tpu.memory_space<semaphore_mem>>)
      %dma_wait3A = arith.constant 0 : i32
      %dma_wait3A_125 = arith.constant 0 : i32
      %dma_wait3A_126 = tpu.memref_slice %arg9[%dma_wait3A, %dma_wait3A_125] : memref<1024x16xf32, #tpu.memory_space<vmem>> -> memref<128x16xf32, #tpu.memory_space<vmem>>
      %dma_wait3A_127 = arith.constant 0 : i32
      %dma_wait3A_128 = tpu.memref_slice %arg8[%add3A_25, %dma_wait3A_127] : memref<160x128xi32, #tpu.memory_space<vmem>> -> memref<1x128xi32, #tpu.memory_space<vmem>>
      %dma_wait3A_129 = tpu.memref_squeeze %dma_wait3A_128 : memref<1x128xi32, #tpu.memory_space<vmem>> -> memref<128xi32, #tpu.memory_space<vmem>>
      %dma_wait3A_130 = arith.constant 0 : i32
      %dma_wait3A_131 = arith.constant 0 : i32
      %dma_wait3A_132 = tpu.memref_slice %arg2[%dma_wait3A_130, %dma_wait3A_131] : memref<10000x16xf32, #tpu.memory_space<hbm>> -> memref<10000x16xf32, #tpu.memory_space<hbm>>
      tpu.wait_indirect_dma semaphore(%arg10 : memref<!tpu.dma_semaphore, #tpu.memory_space<semaphore_mem>>) src(%dma_wait3A_132 : memref<10000x16xf32, #tpu.memory_space<hbm>>) dst(%dma_wait3A_126 : memref<128x16xf32, #tpu.memory_space<vmem>>)
      %dma_wait3A_133 = arith.constant 128 : i32
      %dma_wait3A_134 = arith.constant 0 : i32
      %dma_wait3A_135 = tpu.memref_slice %arg9[%dma_wait3A_133, %dma_wait3A_134] : memref<1024x16xf32, #tpu.memory_space<vmem>> -> memref<128x16xf32, #tpu.memory_space<vmem>>
      %dma_wait3A_136 = arith.constant 0 : i32
      %dma_wait3A_137 = tpu.memref_slice %arg8[%add3A_37, %dma_wait3A_136] : memref<160x128xi32, #tpu.memory_space<vmem>> -> memref<1x128xi32, #tpu.memory_space<vmem>>
      %dma_wait3A_138 = tpu.memref_squeeze %dma_wait3A_137 : memref<1x128xi32, #tpu.memory_space<vmem>> -> memref<128xi32, #tpu.memory_space<vmem>>
      %dma_wait3A_139 = arith.constant 0 : i32
      %dma_wait3A_140 = arith.constant 0 : i32
      %dma_wait3A_141 = tpu.memref_slice %arg2[%dma_wait3A_139, %dma_wait3A_140] : memref<10000x16xf32, #tpu.memory_space<hbm>> -> memref<10000x16xf32, #tpu.memory_space<hbm>>
      tpu.wait_indirect_dma semaphore(%arg10 : memref<!tpu.dma_semaphore, #tpu.memory_space<semaphore_mem>>) src(%dma_wait3A_141 : memref<10000x16xf32, #tpu.memory_space<hbm>>) dst(%dma_wait3A_135 : memref<128x16xf32, #tpu.memory_space<vmem>>)
      %dma_wait3A_142 = arith.constant 256 : i32
      %dma_wait3A_143 = arith.constant 0 : i32
      %dma_wait3A_144 = tpu.memref_slice %arg9[%dma_wait3A_142, %dma_wait3A_143] : memref<1024x16xf32, #tpu.memory_space<vmem>> -> memref<128x16xf32, #tpu.memory_space<vmem>>
      %dma_wait3A_145 = arith.constant 0 : i32
      %dma_wait3A_146 = tpu.memref_slice %arg8[%add3A_50, %dma_wait3A_145] : memref<160x128xi32, #tpu.memory_space<vmem>> -> memref<1x128xi32, #tpu.memory_space<vmem>>
      %dma_wait3A_147 = tpu.memref_squeeze %dma_wait3A_146 : memref<1x128xi32, #tpu.memory_space<vmem>> -> memref<128xi32, #tpu.memory_space<vmem>>
      %dma_wait3A_148 = arith.constant 0 : i32
      %dma_wait3A_149 = arith.constant 0 : i32
      %dma_wait3A_150 = tpu.memref_slice %arg2[%dma_wait3A_148, %dma_wait3A_149] : memref<10000x16xf32, #tpu.memory_space<hbm>> -> memref<10000x16xf32, #tpu.memory_space<hbm>>
      tpu.wait_indirect_dma semaphore(%arg10 : memref<!tpu.dma_semaphore, #tpu.memory_space<semaphore_mem>>) src(%dma_wait3A_150 : memref<10000x16xf32, #tpu.memory_space<hbm>>) dst(%dma_wait3A_144 : memref<128x16xf32, #tpu.memory_space<vmem>>)
      %dma_wait3A_151 = arith.constant 384 : i32
      %dma_wait3A_152 = arith.constant 0 : i32
      %dma_wait3A_153 = tpu.memref_slice %arg9[%dma_wait3A_151, %dma_wait3A_152] : memref<1024x16xf32, #tpu.memory_space<vmem>> -> memref<128x16xf32, #tpu.memory_space<vmem>>
      %dma_wait3A_154 = arith.constant 0 : i32
      %dma_wait3A_155 = tpu.memref_slice %arg8[%add3A_63, %dma_wait3A_154] : memref<160x128xi32, #tpu.memory_space<vmem>> -> memref<1x128xi32, #tpu.memory_space<vmem>>
      %dma_wait3A_156 = tpu.memref_squeeze %dma_wait3A_155 : memref<1x128xi32, #tpu.memory_space<vmem>> -> memref<128xi32, #tpu.memory_space<vmem>>
      %dma_wait3A_157 = arith.constant 0 : i32
      %dma_wait3A_158 = arith.constant 0 : i32
      %dma_wait3A_159 = tpu.memref_slice %arg2[%dma_wait3A_157, %dma_wait3A_158] : memref<10000x16xf32, #tpu.memory_space<hbm>> -> memref<10000x16xf32, #tpu.memory_space<hbm>>
      tpu.wait_indirect_dma semaphore(%arg10 : memref<!tpu.dma_semaphore, #tpu.memory_space<semaphore_mem>>) src(%dma_wait3A_159 : memref<10000x16xf32, #tpu.memory_space<hbm>>) dst(%dma_wait3A_153 : memref<128x16xf32, #tpu.memory_space<vmem>>)
      %dma_wait3A_160 = arith.constant 512 : i32
      %dma_wait3A_161 = arith.constant 0 : i32
      %dma_wait3A_162 = tpu.memref_slice %arg9[%dma_wait3A_160, %dma_wait3A_161] : memref<1024x16xf32, #tpu.memory_space<vmem>> -> memref<128x16xf32, #tpu.memory_space<vmem>>
      %dma_wait3A_163 = arith.constant 0 : i32
      %dma_wait3A_164 = tpu.memref_slice %arg8[%add3A_76, %dma_wait3A_163] : memref<160x128xi32, #tpu.memory_space<vmem>> -> memref<1x128xi32, #tpu.memory_space<vmem>>
      %dma_wait3A_165 = tpu.memref_squeeze %dma_wait3A_164 : memref<1x128xi32, #tpu.memory_space<vmem>> -> memref<128xi32, #tpu.memory_space<vmem>>
      %dma_wait3A_166 = arith.constant 0 : i32
      %dma_wait3A_167 = arith.constant 0 : i32
      %dma_wait3A_168 = tpu.memref_slice %arg2[%dma_wait3A_166, %dma_wait3A_167] : memref<10000x16xf32, #tpu.memory_space<hbm>> -> memref<10000x16xf32, #tpu.memory_space<hbm>>
      tpu.wait_indirect_dma semaphore(%arg10 : memref<!tpu.dma_semaphore, #tpu.memory_space<semaphore_mem>>) src(%dma_wait3A_168 : memref<10000x16xf32, #tpu.memory_space<hbm>>) dst(%dma_wait3A_162 : memref<128x16xf32, #tpu.memory_space<vmem>>)
      %dma_wait3A_169 = arith.constant 640 : i32
      %dma_wait3A_170 = arith.constant 0 : i32
      %dma_wait3A_171 = tpu.memref_slice %arg9[%dma_wait3A_169, %dma_wait3A_170] : memref<1024x16xf32, #tpu.memory_space<vmem>> -> memref<128x16xf32, #tpu.memory_space<vmem>>
      %dma_wait3A_172 = arith.constant 0 : i32
      %dma_wait3A_173 = tpu.memref_slice %arg8[%add3A_89, %dma_wait3A_172] : memref<160x128xi32, #tpu.memory_space<vmem>> -> memref<1x128xi32, #tpu.memory_space<vmem>>
      %dma_wait3A_174 = tpu.memref_squeeze %dma_wait3A_173 : memref<1x128xi32, #tpu.memory_space<vmem>> -> memref<128xi32, #tpu.memory_space<vmem>>
      %dma_wait3A_175 = arith.constant 0 : i32
      %dma_wait3A_176 = arith.constant 0 : i32
      %dma_wait3A_177 = tpu.memref_slice %arg2[%dma_wait3A_175, %dma_wait3A_176] : memref<10000x16xf32, #tpu.memory_space<hbm>> -> memref<10000x16xf32, #tpu.memory_space<hbm>>
      tpu.wait_indirect_dma semaphore(%arg10 : memref<!tpu.dma_semaphore, #tpu.memory_space<semaphore_mem>>) src(%dma_wait3A_177 : memref<10000x16xf32, #tpu.memory_space<hbm>>) dst(%dma_wait3A_171 : memref<128x16xf32, #tpu.memory_space<vmem>>)
      %dma_wait3A_178 = arith.constant 768 : i32
      %dma_wait3A_179 = arith.constant 0 : i32
      %dma_wait3A_180 = tpu.memref_slice %arg9[%dma_wait3A_178, %dma_wait3A_179] : memref<1024x16xf32, #tpu.memory_space<vmem>> -> memref<128x16xf32, #tpu.memory_space<vmem>>
      %dma_wait3A_181 = arith.constant 0 : i32
      %dma_wait3A_182 = tpu.memref_slice %arg8[%add3A_102, %dma_wait3A_181] : memref<160x128xi32, #tpu.memory_space<vmem>> -> memref<1x128xi32, #tpu.memory_space<vmem>>
      %dma_wait3A_183 = tpu.memref_squeeze %dma_wait3A_182 : memref<1x128xi32, #tpu.memory_space<vmem>> -> memref<128xi32, #tpu.memory_space<vmem>>
      %dma_wait3A_184 = arith.constant 0 : i32
      %dma_wait3A_185 = arith.constant 0 : i32
      %dma_wait3A_186 = tpu.memref_slice %arg2[%dma_wait3A_184, %dma_wait3A_185] : memref<10000x16xf32, #tpu.memory_space<hbm>> -> memref<10000x16xf32, #tpu.memory_space<hbm>>
      tpu.wait_indirect_dma semaphore(%arg10 : memref<!tpu.dma_semaphore, #tpu.memory_space<semaphore_mem>>) src(%dma_wait3A_186 : memref<10000x16xf32, #tpu.memory_space<hbm>>) dst(%dma_wait3A_180 : memref<128x16xf32, #tpu.memory_space<vmem>>)
      %dma_wait3A_187 = arith.constant 896 : i32
      %dma_wait3A_188 = arith.constant 0 : i32
      %dma_wait3A_189 = tpu.memref_slice %arg9[%dma_wait3A_187, %dma_wait3A_188] : memref<1024x16xf32, #tpu.memory_space<vmem>> -> memref<128x16xf32, #tpu.memory_space<vmem>>
      %dma_wait3A_190 = arith.constant 0 : i32
      %dma_wait3A_191 = tpu.memref_slice %arg8[%add3A_115, %dma_wait3A_190] : memref<160x128xi32, #tpu.memory_space<vmem>> -> memref<1x128xi32, #tpu.memory_space<vmem>>
      %dma_wait3A_192 = tpu.memref_squeeze %dma_wait3A_191 : memref<1x128xi32, #tpu.memory_space<vmem>> -> memref<128xi32, #tpu.memory_space<vmem>>
      %dma_wait3A_193 = arith.constant 0 : i32
      %dma_wait3A_194 = arith.constant 0 : i32
      %dma_wait3A_195 = tpu.memref_slice %arg2[%dma_wait3A_193, %dma_wait3A_194] : memref<10000x16xf32, #tpu.memory_space<hbm>> -> memref<10000x16xf32, #tpu.memory_space<hbm>>
      tpu.wait_indirect_dma semaphore(%arg10 : memref<!tpu.dma_semaphore, #tpu.memory_space<semaphore_mem>>) src(%dma_wait3A_195 : memref<10000x16xf32, #tpu.memory_space<hbm>>) dst(%dma_wait3A_189 : memref<128x16xf32, #tpu.memory_space<vmem>>)
      %mul3A_196 = arith.constant 1024 : i32
      %mul3A_197 = arith.muli %scan3A_20, %mul3A_196 : i32
      %add3A_198 = arith.addi %mul3A_2, %mul3A_197 : i32
      "tpu.region"() ({
        %run_scoped3A = tpu.sem_alloc : memref<!tpu.dma_semaphore, #tpu.memory_space<semaphore_mem>>
        %dma_start3A_200 = arith.constant 0 : i32
        %dma_start3A_201 = tpu.memref_slice %arg6[%add3A_198, %dma_start3A_200] : memref<655360x16xf32, #tpu.memory_space<hbm>> -> memref<1024x16xf32, #tpu.memory_space<hbm>>
        %dma_start3A_202 = arith.constant 0 : i32
        %dma_start3A_203 = tpu.memref_slice %arg6[%add3A_198, %dma_start3A_202] : memref<655360x16xf32, #tpu.memory_space<hbm>> -> memref<1024x16xf32, #tpu.memory_space<hbm>>
        tpu.enqueue_dma source(%arg9 : memref<1024x16xf32, #tpu.memory_space<vmem>>) target(%dma_start3A_203 : memref<1024x16xf32, #tpu.memory_space<hbm>>) target_semaphore(%run_scoped3A : memref<!tpu.dma_semaphore, #tpu.memory_space<semaphore_mem>>)
        %dma_wait3A_204 = arith.constant 0 : i32
        %dma_wait3A_205 = tpu.memref_slice %arg6[%add3A_198, %dma_wait3A_204] : memref<655360x16xf32, #tpu.memory_space<hbm>> -> memref<1024x16xf32, #tpu.memory_space<hbm>>
        %dma_wait3A_206 = arith.constant 0 : i32
        %dma_wait3A_207 = tpu.memref_slice %arg6[%add3A_198, %dma_wait3A_206] : memref<655360x16xf32, #tpu.memory_space<hbm>> -> memref<1024x16xf32, #tpu.memory_space<hbm>>
        tpu.wait_dma2 semaphore(%run_scoped3A : memref<!tpu.dma_semaphore, #tpu.memory_space<semaphore_mem>>) src(%arg9 : memref<1024x16xf32, #tpu.memory_space<vmem>>) dst(%dma_wait3A_207 : memref<1024x16xf32, #tpu.memory_space<hbm>>)
        tpu.yield
      }) : () -> ()
      %scan3A_199 = arith.constant 0 : i32
      scf.yield %scan3A_199 : i32
    }
    %scan3A_19 = arith.constant 20 : i32
    return
  }
}

#map = affine_map<(d0, d1) -> (0, 0)>
module attributes {stable_mosaic.version = 14 : i64} {
  func.func @gather2(%arg0: i32, %arg1: i32, %arg2: memref<10000x16xf32, #tpu.memory_space<hbm>>, %arg3: memref<5120x128xi32, #tpu.memory_space<hbm>>, %arg4: memref<5120x128xi32, #tpu.memory_space<hbm>>, %arg5: memref<655360x16xf32, #tpu.memory_space<hbm>>, %arg6: memref<655360x16xf32, #tpu.memory_space<hbm>>, %arg7: memref<160x128xi32, #tpu.memory_space<vmem>>, %arg8: memref<160x128xi32, #tpu.memory_space<vmem>>, %arg9: memref<1024x16xf32, #tpu.memory_space<vmem>>, %arg10: memref<!tpu.dma_semaphore, #tpu.memory_space<semaphore_mem>>) attributes {dimension_semantics = [#tpu.dimension_semantics<core_parallel>, #tpu.dimension_semantics<subcore_parallel>], iteration_bounds = array<i64: 2, 16>, scalar_prefetch = 0 : i64, scratch_operands = 4 : i64, tpu.core_type = #tpu.core_type<sc_vector_subcore>, window_params = [{transform_indices = #map}, {transform_indices = #map}, {transform_indices = #map}, {transform_indices = #map}, {transform_indices = #map}]} {
    %mul3A = arith.constant 2 : i32
    %mul3A_0 = arith.muli %arg1, %mul3A : i32
    %add3A = arith.addi %mul3A_0, %arg0 : i32
    %mul3A_1 = arith.constant 20480 : i32
    %mul3A_2 = arith.muli %add3A, %mul3A_1 : i32
    %mul3A_3 = arith.constant 160 : i32
    %mul3A_4 = arith.muli %add3A, %mul3A_3 : i32
    "tpu.region"() ({
      %run_scoped3A = tpu.sem_alloc : memref<!tpu.dma_semaphore, #tpu.memory_space<semaphore_mem>>
      %dma_start3A = arith.constant 0 : i32
      %dma_start3A_20 = tpu.memref_slice %arg3[%mul3A_4, %dma_start3A] : memref<5120x128xi32, #tpu.memory_space<hbm>> -> memref<160x128xi32, #tpu.memory_space<hbm>>
      %dma_start3A_21 = arith.constant 0 : i32
      %dma_start3A_22 = tpu.memref_slice %arg3[%mul3A_4, %dma_start3A_21] : memref<5120x128xi32, #tpu.memory_space<hbm>> -> memref<160x128xi32, #tpu.memory_space<hbm>>
      tpu.enqueue_dma source(%dma_start3A_22 : memref<160x128xi32, #tpu.memory_space<hbm>>) target(%arg7 : memref<160x128xi32, #tpu.memory_space<vmem>>) target_semaphore(%run_scoped3A : memref<!tpu.dma_semaphore, #tpu.memory_space<semaphore_mem>>)
      %dma_wait3A = arith.constant 0 : i32
      %dma_wait3A_23 = tpu.memref_slice %arg3[%mul3A_4, %dma_wait3A] : memref<5120x128xi32, #tpu.memory_space<hbm>> -> memref<160x128xi32, #tpu.memory_space<hbm>>
      %dma_wait3A_24 = arith.constant 0 : i32
      %dma_wait3A_25 = tpu.memref_slice %arg3[%mul3A_4, %dma_wait3A_24] : memref<5120x128xi32, #tpu.memory_space<hbm>> -> memref<160x128xi32, #tpu.memory_space<hbm>>
      tpu.wait_dma2 semaphore(%run_scoped3A : memref<!tpu.dma_semaphore, #tpu.memory_space<semaphore_mem>>) src(%dma_wait3A_25 : memref<160x128xi32, #tpu.memory_space<hbm>>) dst(%arg7 : memref<160x128xi32, #tpu.memory_space<vmem>>)
      tpu.yield
    }) : () -> ()
    %mul3A_5 = arith.constant 160 : i32
    %mul3A_6 = arith.muli %add3A, %mul3A_5 : i32
    "tpu.region"() ({
      %run_scoped3A = tpu.sem_alloc : memref<!tpu.dma_semaphore, #tpu.memory_space<semaphore_mem>>
      %dma_start3A = arith.constant 0 : i32
      %dma_start3A_20 = tpu.memref_slice %arg4[%mul3A_6, %dma_start3A] : memref<5120x128xi32, #tpu.memory_space<hbm>> -> memref<160x128xi32, #tpu.memory_space<hbm>>
      %dma_start3A_21 = arith.constant 0 : i32
      %dma_start3A_22 = tpu.memref_slice %arg4[%mul3A_6, %dma_start3A_21] : memref<5120x128xi32, #tpu.memory_space<hbm>> -> memref<160x128xi32, #tpu.memory_space<hbm>>
      tpu.enqueue_dma source(%dma_start3A_22 : memref<160x128xi32, #tpu.memory_space<hbm>>) target(%arg8 : memref<160x128xi32, #tpu.memory_space<vmem>>) target_semaphore(%run_scoped3A : memref<!tpu.dma_semaphore, #tpu.memory_space<semaphore_mem>>)
      %dma_wait3A = arith.constant 0 : i32
      %dma_wait3A_23 = tpu.memref_slice %arg4[%mul3A_6, %dma_wait3A] : memref<5120x128xi32, #tpu.memory_space<hbm>> -> memref<160x128xi32, #tpu.memory_space<hbm>>
      %dma_wait3A_24 = arith.constant 0 : i32
      %dma_wait3A_25 = tpu.memref_slice %arg4[%mul3A_6, %dma_wait3A_24] : memref<5120x128xi32, #tpu.memory_space<hbm>> -> memref<160x128xi32, #tpu.memory_space<hbm>>
      tpu.wait_dma2 semaphore(%run_scoped3A : memref<!tpu.dma_semaphore, #tpu.memory_space<semaphore_mem>>) src(%dma_wait3A_25 : memref<160x128xi32, #tpu.memory_space<hbm>>) dst(%arg8 : memref<160x128xi32, #tpu.memory_space<vmem>>)
      tpu.yield
    }) : () -> ()
    %scan3A = arith.constant 0 : i32
    %scan3A_7 = arith.constant 0 : i32
    %scan3A_8 = arith.constant 20 : i32
    %scan3A_9 = arith.addi %scan3A_7, %scan3A_8 : i32
    %scan3A_10 = arith.constant 1 : i32
    %scan3A_11 = scf.for %scan3A_20 = %scan3A_7 to %scan3A_9 step %scan3A_10 iter_args(%scan3A_21 = %scan3A) -> (i32)  : i32 {
      %mul3A_22 = arith.constant 8 : i32
      %mul3A_23 = arith.muli %scan3A_20, %mul3A_22 : i32
      %add3A_24 = arith.constant 0 : i32
      %add3A_25 = arith.addi %mul3A_23, %add3A_24 : i32
      %dma_start3A = arith.constant 0 : i32
      %dma_start3A_26 = arith.constant 0 : i32
      %dma_start3A_27 = tpu.memref_slice %arg9[%dma_start3A, %dma_start3A_26] : memref<1024x16xf32, #tpu.memory_space<vmem>> -> memref<128x16xf32, #tpu.memory_space<vmem>>
      %dma_start3A_28 = arith.constant 0 : i32
      %dma_start3A_29 = tpu.memref_slice %arg7[%add3A_25, %dma_start3A_28] : memref<160x128xi32, #tpu.memory_space<vmem>> -> memref<1x128xi32, #tpu.memory_space<vmem>>
      %dma_start3A_30 = tpu.memref_squeeze %dma_start3A_29 : memref<1x128xi32, #tpu.memory_space<vmem>> -> memref<128xi32, #tpu.memory_space<vmem>>
      %dma_start3A_31 = arith.constant 0 : i32
      %dma_start3A_32 = arith.constant 0 : i32
      %dma_start3A_33 = tpu.memref_slice %arg2[%dma_start3A_31, %dma_start3A_32] : memref<10000x16xf32, #tpu.memory_space<hbm>> -> memref<10000x16xf32, #tpu.memory_space<hbm>>
      tpu.enqueue_indirect_dma source(%dma_start3A_33 : memref<10000x16xf32, #tpu.memory_space<hbm>>) target(%dma_start3A_27 : memref<128x16xf32, #tpu.memory_space<vmem>>) offsets(%dma_start3A_30 : memref<128xi32, #tpu.memory_space<vmem>>) semaphore(%arg10 : memref<!tpu.dma_semaphore, #tpu.memory_space<semaphore_mem>>)
      %mul3A_34 = arith.constant 8 : i32
      %mul3A_35 = arith.muli %scan3A_20, %mul3A_34 : i32
      %add3A_36 = arith.constant 1 : i32
      %add3A_37 = arith.addi %mul3A_35, %add3A_36 : i32
      %dma_start3A_38 = arith.constant 128 : i32
      %dma_start3A_39 = arith.constant 0 : i32
      %dma_start3A_40 = tpu.memref_slice %arg9[%dma_start3A_38, %dma_start3A_39] : memref<1024x16xf32, #tpu.memory_space<vmem>> -> memref<128x16xf32, #tpu.memory_space<vmem>>
      %dma_start3A_41 = arith.constant 0 : i32
      %dma_start3A_42 = tpu.memref_slice %arg7[%add3A_37, %dma_start3A_41] : memref<160x128xi32, #tpu.memory_space<vmem>> -> memref<1x128xi32, #tpu.memory_space<vmem>>
      %dma_start3A_43 = tpu.memref_squeeze %dma_start3A_42 : memref<1x128xi32, #tpu.memory_space<vmem>> -> memref<128xi32, #tpu.memory_space<vmem>>
      %dma_start3A_44 = arith.constant 0 : i32
      %dma_start3A_45 = arith.constant 0 : i32
      %dma_start3A_46 = tpu.memref_slice %arg2[%dma_start3A_44, %dma_start3A_45] : memref<10000x16xf32, #tpu.memory_space<hbm>> -> memref<10000x16xf32, #tpu.memory_space<hbm>>
      tpu.enqueue_indirect_dma source(%dma_start3A_46 : memref<10000x16xf32, #tpu.memory_space<hbm>>) target(%dma_start3A_40 : memref<128x16xf32, #tpu.memory_space<vmem>>) offsets(%dma_start3A_43 : memref<128xi32, #tpu.memory_space<vmem>>) semaphore(%arg10 : memref<!tpu.dma_semaphore, #tpu.memory_space<semaphore_mem>>)
      %mul3A_47 = arith.constant 8 : i32
      %mul3A_48 = arith.muli %scan3A_20, %mul3A_47 : i32
      %add3A_49 = arith.constant 2 : i32
      %add3A_50 = arith.addi %mul3A_48, %add3A_49 : i32
      %dma_start3A_51 = arith.constant 256 : i32
      %dma_start3A_52 = arith.constant 0 : i32
      %dma_start3A_53 = tpu.memref_slice %arg9[%dma_start3A_51, %dma_start3A_52] : memref<1024x16xf32, #tpu.memory_space<vmem>> -> memref<128x16xf32, #tpu.memory_space<vmem>>
      %dma_start3A_54 = arith.constant 0 : i32
      %dma_start3A_55 = tpu.memref_slice %arg7[%add3A_50, %dma_start3A_54] : memref<160x128xi32, #tpu.memory_space<vmem>> -> memref<1x128xi32, #tpu.memory_space<vmem>>
      %dma_start3A_56 = tpu.memref_squeeze %dma_start3A_55 : memref<1x128xi32, #tpu.memory_space<vmem>> -> memref<128xi32, #tpu.memory_space<vmem>>
      %dma_start3A_57 = arith.constant 0 : i32
      %dma_start3A_58 = arith.constant 0 : i32
      %dma_start3A_59 = tpu.memref_slice %arg2[%dma_start3A_57, %dma_start3A_58] : memref<10000x16xf32, #tpu.memory_space<hbm>> -> memref<10000x16xf32, #tpu.memory_space<hbm>>
      tpu.enqueue_indirect_dma source(%dma_start3A_59 : memref<10000x16xf32, #tpu.memory_space<hbm>>) target(%dma_start3A_53 : memref<128x16xf32, #tpu.memory_space<vmem>>) offsets(%dma_start3A_56 : memref<128xi32, #tpu.memory_space<vmem>>) semaphore(%arg10 : memref<!tpu.dma_semaphore, #tpu.memory_space<semaphore_mem>>)
      %mul3A_60 = arith.constant 8 : i32
      %mul3A_61 = arith.muli %scan3A_20, %mul3A_60 : i32
      %add3A_62 = arith.constant 3 : i32
      %add3A_63 = arith.addi %mul3A_61, %add3A_62 : i32
      %dma_start3A_64 = arith.constant 384 : i32
      %dma_start3A_65 = arith.constant 0 : i32
      %dma_start3A_66 = tpu.memref_slice %arg9[%dma_start3A_64, %dma_start3A_65] : memref<1024x16xf32, #tpu.memory_space<vmem>> -> memref<128x16xf32, #tpu.memory_space<vmem>>
      %dma_start3A_67 = arith.constant 0 : i32
      %dma_start3A_68 = tpu.memref_slice %arg7[%add3A_63, %dma_start3A_67] : memref<160x128xi32, #tpu.memory_space<vmem>> -> memref<1x128xi32, #tpu.memory_space<vmem>>
      %dma_start3A_69 = tpu.memref_squeeze %dma_start3A_68 : memref<1x128xi32, #tpu.memory_space<vmem>> -> memref<128xi32, #tpu.memory_space<vmem>>
      %dma_start3A_70 = arith.constant 0 : i32
      %dma_start3A_71 = arith.constant 0 : i32
      %dma_start3A_72 = tpu.memref_slice %arg2[%dma_start3A_70, %dma_start3A_71] : memref<10000x16xf32, #tpu.memory_space<hbm>> -> memref<10000x16xf32, #tpu.memory_space<hbm>>
      tpu.enqueue_indirect_dma source(%dma_start3A_72 : memref<10000x16xf32, #tpu.memory_space<hbm>>) target(%dma_start3A_66 : memref<128x16xf32, #tpu.memory_space<vmem>>) offsets(%dma_start3A_69 : memref<128xi32, #tpu.memory_space<vmem>>) semaphore(%arg10 : memref<!tpu.dma_semaphore, #tpu.memory_space<semaphore_mem>>)
      %mul3A_73 = arith.constant 8 : i32
      %mul3A_74 = arith.muli %scan3A_20, %mul3A_73 : i32
      %add3A_75 = arith.constant 4 : i32
      %add3A_76 = arith.addi %mul3A_74, %add3A_75 : i32
      %dma_start3A_77 = arith.constant 512 : i32
      %dma_start3A_78 = arith.constant 0 : i32
      %dma_start3A_79 = tpu.memref_slice %arg9[%dma_start3A_77, %dma_start3A_78] : memref<1024x16xf32, #tpu.memory_space<vmem>> -> memref<128x16xf32, #tpu.memory_space<vmem>>
      %dma_start3A_80 = arith.constant 0 : i32
      %dma_start3A_81 = tpu.memref_slice %arg7[%add3A_76, %dma_start3A_80] : memref<160x128xi32, #tpu.memory_space<vmem>> -> memref<1x128xi32, #tpu.memory_space<vmem>>
      %dma_start3A_82 = tpu.memref_squeeze %dma_start3A_81 : memref<1x128xi32, #tpu.memory_space<vmem>> -> memref<128xi32, #tpu.memory_space<vmem>>
      %dma_start3A_83 = arith.constant 0 : i32
      %dma_start3A_84 = arith.constant 0 : i32
      %dma_start3A_85 = tpu.memref_slice %arg2[%dma_start3A_83, %dma_start3A_84] : memref<10000x16xf32, #tpu.memory_space<hbm>> -> memref<10000x16xf32, #tpu.memory_space<hbm>>
      tpu.enqueue_indirect_dma source(%dma_start3A_85 : memref<10000x16xf32, #tpu.memory_space<hbm>>) target(%dma_start3A_79 : memref<128x16xf32, #tpu.memory_space<vmem>>) offsets(%dma_start3A_82 : memref<128xi32, #tpu.memory_space<vmem>>) semaphore(%arg10 : memref<!tpu.dma_semaphore, #tpu.memory_space<semaphore_mem>>)
      %mul3A_86 = arith.constant 8 : i32
      %mul3A_87 = arith.muli %scan3A_20, %mul3A_86 : i32
      %add3A_88 = arith.constant 5 : i32
      %add3A_89 = arith.addi %mul3A_87, %add3A_88 : i32
      %dma_start3A_90 = arith.constant 640 : i32
      %dma_start3A_91 = arith.constant 0 : i32
      %dma_start3A_92 = tpu.memref_slice %arg9[%dma_start3A_90, %dma_start3A_91] : memref<1024x16xf32, #tpu.memory_space<vmem>> -> memref<128x16xf32, #tpu.memory_space<vmem>>
      %dma_start3A_93 = arith.constant 0 : i32
      %dma_start3A_94 = tpu.memref_slice %arg7[%add3A_89, %dma_start3A_93] : memref<160x128xi32, #tpu.memory_space<vmem>> -> memref<1x128xi32, #tpu.memory_space<vmem>>
      %dma_start3A_95 = tpu.memref_squeeze %dma_start3A_94 : memref<1x128xi32, #tpu.memory_space<vmem>> -> memref<128xi32, #tpu.memory_space<vmem>>
      %dma_start3A_96 = arith.constant 0 : i32
      %dma_start3A_97 = arith.constant 0 : i32
      %dma_start3A_98 = tpu.memref_slice %arg2[%dma_start3A_96, %dma_start3A_97] : memref<10000x16xf32, #tpu.memory_space<hbm>> -> memref<10000x16xf32, #tpu.memory_space<hbm>>
      tpu.enqueue_indirect_dma source(%dma_start3A_98 : memref<10000x16xf32, #tpu.memory_space<hbm>>) target(%dma_start3A_92 : memref<128x16xf32, #tpu.memory_space<vmem>>) offsets(%dma_start3A_95 : memref<128xi32, #tpu.memory_space<vmem>>) semaphore(%arg10 : memref<!tpu.dma_semaphore, #tpu.memory_space<semaphore_mem>>)
      %mul3A_99 = arith.constant 8 : i32
      %mul3A_100 = arith.muli %scan3A_20, %mul3A_99 : i32
      %add3A_101 = arith.constant 6 : i32
      %add3A_102 = arith.addi %mul3A_100, %add3A_101 : i32
      %dma_start3A_103 = arith.constant 768 : i32
      %dma_start3A_104 = arith.constant 0 : i32
      %dma_start3A_105 = tpu.memref_slice %arg9[%dma_start3A_103, %dma_start3A_104] : memref<1024x16xf32, #tpu.memory_space<vmem>> -> memref<128x16xf32, #tpu.memory_space<vmem>>
      %dma_start3A_106 = arith.constant 0 : i32
      %dma_start3A_107 = tpu.memref_slice %arg7[%add3A_102, %dma_start3A_106] : memref<160x128xi32, #tpu.memory_space<vmem>> -> memref<1x128xi32, #tpu.memory_space<vmem>>
      %dma_start3A_108 = tpu.memref_squeeze %dma_start3A_107 : memref<1x128xi32, #tpu.memory_space<vmem>> -> memref<128xi32, #tpu.memory_space<vmem>>
      %dma_start3A_109 = arith.constant 0 : i32
      %dma_start3A_110 = arith.constant 0 : i32
      %dma_start3A_111 = tpu.memref_slice %arg2[%dma_start3A_109, %dma_start3A_110] : memref<10000x16xf32, #tpu.memory_space<hbm>> -> memref<10000x16xf32, #tpu.memory_space<hbm>>
      tpu.enqueue_indirect_dma source(%dma_start3A_111 : memref<10000x16xf32, #tpu.memory_space<hbm>>) target(%dma_start3A_105 : memref<128x16xf32, #tpu.memory_space<vmem>>) offsets(%dma_start3A_108 : memref<128xi32, #tpu.memory_space<vmem>>) semaphore(%arg10 : memref<!tpu.dma_semaphore, #tpu.memory_space<semaphore_mem>>)
      %mul3A_112 = arith.constant 8 : i32
      %mul3A_113 = arith.muli %scan3A_20, %mul3A_112 : i32
      %add3A_114 = arith.constant 7 : i32
      %add3A_115 = arith.addi %mul3A_113, %add3A_114 : i32
      %dma_start3A_116 = arith.constant 896 : i32
      %dma_start3A_117 = arith.constant 0 : i32
      %dma_start3A_118 = tpu.memref_slice %arg9[%dma_start3A_116, %dma_start3A_117] : memref<1024x16xf32, #tpu.memory_space<vmem>> -> memref<128x16xf32, #tpu.memory_space<vmem>>
      %dma_start3A_119 = arith.constant 0 : i32
      %dma_start3A_120 = tpu.memref_slice %arg7[%add3A_115, %dma_start3A_119] : memref<160x128xi32, #tpu.memory_space<vmem>> -> memref<1x128xi32, #tpu.memory_space<vmem>>
      %dma_start3A_121 = tpu.memref_squeeze %dma_start3A_120 : memref<1x128xi32, #tpu.memory_space<vmem>> -> memref<128xi32, #tpu.memory_space<vmem>>
      %dma_start3A_122 = arith.constant 0 : i32
      %dma_start3A_123 = arith.constant 0 : i32
      %dma_start3A_124 = tpu.memref_slice %arg2[%dma_start3A_122, %dma_start3A_123] : memref<10000x16xf32, #tpu.memory_space<hbm>> -> memref<10000x16xf32, #tpu.memory_space<hbm>>
      tpu.enqueue_indirect_dma source(%dma_start3A_124 : memref<10000x16xf32, #tpu.memory_space<hbm>>) target(%dma_start3A_118 : memref<128x16xf32, #tpu.memory_space<vmem>>) offsets(%dma_start3A_121 : memref<128xi32, #tpu.memory_space<vmem>>) semaphore(%arg10 : memref<!tpu.dma_semaphore, #tpu.memory_space<semaphore_mem>>)
      %dma_wait3A = arith.constant 0 : i32
      %dma_wait3A_125 = arith.constant 0 : i32
      %dma_wait3A_126 = tpu.memref_slice %arg9[%dma_wait3A, %dma_wait3A_125] : memref<1024x16xf32, #tpu.memory_space<vmem>> -> memref<128x16xf32, #tpu.memory_space<vmem>>
      %dma_wait3A_127 = arith.constant 0 : i32
      %dma_wait3A_128 = tpu.memref_slice %arg7[%add3A_25, %dma_wait3A_127] : memref<160x128xi32, #tpu.memory_space<vmem>> -> memref<1x128xi32, #tpu.memory_space<vmem>>
      %dma_wait3A_129 = tpu.memref_squeeze %dma_wait3A_128 : memref<1x128xi32, #tpu.memory_space<vmem>> -> memref<128xi32, #tpu.memory_space<vmem>>
      %dma_wait3A_130 = arith.constant 0 : i32
      %dma_wait3A_131 = arith.constant 0 : i32
      %dma_wait3A_132 = tpu.memref_slice %arg2[%dma_wait3A_130, %dma_wait3A_131] : memref<10000x16xf32, #tpu.memory_space<hbm>> -> memref<10000x16xf32, #tpu.memory_space<hbm>>
      tpu.wait_indirect_dma semaphore(%arg10 : memref<!tpu.dma_semaphore, #tpu.memory_space<semaphore_mem>>) src(%dma_wait3A_132 : memref<10000x16xf32, #tpu.memory_space<hbm>>) dst(%dma_wait3A_126 : memref<128x16xf32, #tpu.memory_space<vmem>>)
      %dma_wait3A_133 = arith.constant 128 : i32
      %dma_wait3A_134 = arith.constant 0 : i32
      %dma_wait3A_135 = tpu.memref_slice %arg9[%dma_wait3A_133, %dma_wait3A_134] : memref<1024x16xf32, #tpu.memory_space<vmem>> -> memref<128x16xf32, #tpu.memory_space<vmem>>
      %dma_wait3A_136 = arith.constant 0 : i32
      %dma_wait3A_137 = tpu.memref_slice %arg7[%add3A_37, %dma_wait3A_136] : memref<160x128xi32, #tpu.memory_space<vmem>> -> memref<1x128xi32, #tpu.memory_space<vmem>>
      %dma_wait3A_138 = tpu.memref_squeeze %dma_wait3A_137 : memref<1x128xi32, #tpu.memory_space<vmem>> -> memref<128xi32, #tpu.memory_space<vmem>>
      %dma_wait3A_139 = arith.constant 0 : i32
      %dma_wait3A_140 = arith.constant 0 : i32
      %dma_wait3A_141 = tpu.memref_slice %arg2[%dma_wait3A_139, %dma_wait3A_140] : memref<10000x16xf32, #tpu.memory_space<hbm>> -> memref<10000x16xf32, #tpu.memory_space<hbm>>
      tpu.wait_indirect_dma semaphore(%arg10 : memref<!tpu.dma_semaphore, #tpu.memory_space<semaphore_mem>>) src(%dma_wait3A_141 : memref<10000x16xf32, #tpu.memory_space<hbm>>) dst(%dma_wait3A_135 : memref<128x16xf32, #tpu.memory_space<vmem>>)
      %dma_wait3A_142 = arith.constant 256 : i32
      %dma_wait3A_143 = arith.constant 0 : i32
      %dma_wait3A_144 = tpu.memref_slice %arg9[%dma_wait3A_142, %dma_wait3A_143] : memref<1024x16xf32, #tpu.memory_space<vmem>> -> memref<128x16xf32, #tpu.memory_space<vmem>>
      %dma_wait3A_145 = arith.constant 0 : i32
      %dma_wait3A_146 = tpu.memref_slice %arg7[%add3A_50, %dma_wait3A_145] : memref<160x128xi32, #tpu.memory_space<vmem>> -> memref<1x128xi32, #tpu.memory_space<vmem>>
      %dma_wait3A_147 = tpu.memref_squeeze %dma_wait3A_146 : memref<1x128xi32, #tpu.memory_space<vmem>> -> memref<128xi32, #tpu.memory_space<vmem>>
      %dma_wait3A_148 = arith.constant 0 : i32
      %dma_wait3A_149 = arith.constant 0 : i32
      %dma_wait3A_150 = tpu.memref_slice %arg2[%dma_wait3A_148, %dma_wait3A_149] : memref<10000x16xf32, #tpu.memory_space<hbm>> -> memref<10000x16xf32, #tpu.memory_space<hbm>>
      tpu.wait_indirect_dma semaphore(%arg10 : memref<!tpu.dma_semaphore, #tpu.memory_space<semaphore_mem>>) src(%dma_wait3A_150 : memref<10000x16xf32, #tpu.memory_space<hbm>>) dst(%dma_wait3A_144 : memref<128x16xf32, #tpu.memory_space<vmem>>)
      %dma_wait3A_151 = arith.constant 384 : i32
      %dma_wait3A_152 = arith.constant 0 : i32
      %dma_wait3A_153 = tpu.memref_slice %arg9[%dma_wait3A_151, %dma_wait3A_152] : memref<1024x16xf32, #tpu.memory_space<vmem>> -> memref<128x16xf32, #tpu.memory_space<vmem>>
      %dma_wait3A_154 = arith.constant 0 : i32
      %dma_wait3A_155 = tpu.memref_slice %arg7[%add3A_63, %dma_wait3A_154] : memref<160x128xi32, #tpu.memory_space<vmem>> -> memref<1x128xi32, #tpu.memory_space<vmem>>
      %dma_wait3A_156 = tpu.memref_squeeze %dma_wait3A_155 : memref<1x128xi32, #tpu.memory_space<vmem>> -> memref<128xi32, #tpu.memory_space<vmem>>
      %dma_wait3A_157 = arith.constant 0 : i32
      %dma_wait3A_158 = arith.constant 0 : i32
      %dma_wait3A_159 = tpu.memref_slice %arg2[%dma_wait3A_157, %dma_wait3A_158] : memref<10000x16xf32, #tpu.memory_space<hbm>> -> memref<10000x16xf32, #tpu.memory_space<hbm>>
      tpu.wait_indirect_dma semaphore(%arg10 : memref<!tpu.dma_semaphore, #tpu.memory_space<semaphore_mem>>) src(%dma_wait3A_159 : memref<10000x16xf32, #tpu.memory_space<hbm>>) dst(%dma_wait3A_153 : memref<128x16xf32, #tpu.memory_space<vmem>>)
      %dma_wait3A_160 = arith.constant 512 : i32
      %dma_wait3A_161 = arith.constant 0 : i32
      %dma_wait3A_162 = tpu.memref_slice %arg9[%dma_wait3A_160, %dma_wait3A_161] : memref<1024x16xf32, #tpu.memory_space<vmem>> -> memref<128x16xf32, #tpu.memory_space<vmem>>
      %dma_wait3A_163 = arith.constant 0 : i32
      %dma_wait3A_164 = tpu.memref_slice %arg7[%add3A_76, %dma_wait3A_163] : memref<160x128xi32, #tpu.memory_space<vmem>> -> memref<1x128xi32, #tpu.memory_space<vmem>>
      %dma_wait3A_165 = tpu.memref_squeeze %dma_wait3A_164 : memref<1x128xi32, #tpu.memory_space<vmem>> -> memref<128xi32, #tpu.memory_space<vmem>>
      %dma_wait3A_166 = arith.constant 0 : i32
      %dma_wait3A_167 = arith.constant 0 : i32
      %dma_wait3A_168 = tpu.memref_slice %arg2[%dma_wait3A_166, %dma_wait3A_167] : memref<10000x16xf32, #tpu.memory_space<hbm>> -> memref<10000x16xf32, #tpu.memory_space<hbm>>
      tpu.wait_indirect_dma semaphore(%arg10 : memref<!tpu.dma_semaphore, #tpu.memory_space<semaphore_mem>>) src(%dma_wait3A_168 : memref<10000x16xf32, #tpu.memory_space<hbm>>) dst(%dma_wait3A_162 : memref<128x16xf32, #tpu.memory_space<vmem>>)
      %dma_wait3A_169 = arith.constant 640 : i32
      %dma_wait3A_170 = arith.constant 0 : i32
      %dma_wait3A_171 = tpu.memref_slice %arg9[%dma_wait3A_169, %dma_wait3A_170] : memref<1024x16xf32, #tpu.memory_space<vmem>> -> memref<128x16xf32, #tpu.memory_space<vmem>>
      %dma_wait3A_172 = arith.constant 0 : i32
      %dma_wait3A_173 = tpu.memref_slice %arg7[%add3A_89, %dma_wait3A_172] : memref<160x128xi32, #tpu.memory_space<vmem>> -> memref<1x128xi32, #tpu.memory_space<vmem>>
      %dma_wait3A_174 = tpu.memref_squeeze %dma_wait3A_173 : memref<1x128xi32, #tpu.memory_space<vmem>> -> memref<128xi32, #tpu.memory_space<vmem>>
      %dma_wait3A_175 = arith.constant 0 : i32
      %dma_wait3A_176 = arith.constant 0 : i32
      %dma_wait3A_177 = tpu.memref_slice %arg2[%dma_wait3A_175, %dma_wait3A_176] : memref<10000x16xf32, #tpu.memory_space<hbm>> -> memref<10000x16xf32, #tpu.memory_space<hbm>>
      tpu.wait_indirect_dma semaphore(%arg10 : memref<!tpu.dma_semaphore, #tpu.memory_space<semaphore_mem>>) src(%dma_wait3A_177 : memref<10000x16xf32, #tpu.memory_space<hbm>>) dst(%dma_wait3A_171 : memref<128x16xf32, #tpu.memory_space<vmem>>)
      %dma_wait3A_178 = arith.constant 768 : i32
      %dma_wait3A_179 = arith.constant 0 : i32
      %dma_wait3A_180 = tpu.memref_slice %arg9[%dma_wait3A_178, %dma_wait3A_179] : memref<1024x16xf32, #tpu.memory_space<vmem>> -> memref<128x16xf32, #tpu.memory_space<vmem>>
      %dma_wait3A_181 = arith.constant 0 : i32
      %dma_wait3A_182 = tpu.memref_slice %arg7[%add3A_102, %dma_wait3A_181] : memref<160x128xi32, #tpu.memory_space<vmem>> -> memref<1x128xi32, #tpu.memory_space<vmem>>
      %dma_wait3A_183 = tpu.memref_squeeze %dma_wait3A_182 : memref<1x128xi32, #tpu.memory_space<vmem>> -> memref<128xi32, #tpu.memory_space<vmem>>
      %dma_wait3A_184 = arith.constant 0 : i32
      %dma_wait3A_185 = arith.constant 0 : i32
      %dma_wait3A_186 = tpu.memref_slice %arg2[%dma_wait3A_184, %dma_wait3A_185] : memref<10000x16xf32, #tpu.memory_space<hbm>> -> memref<10000x16xf32, #tpu.memory_space<hbm>>
      tpu.wait_indirect_dma semaphore(%arg10 : memref<!tpu.dma_semaphore, #tpu.memory_space<semaphore_mem>>) src(%dma_wait3A_186 : memref<10000x16xf32, #tpu.memory_space<hbm>>) dst(%dma_wait3A_180 : memref<128x16xf32, #tpu.memory_space<vmem>>)
      %dma_wait3A_187 = arith.constant 896 : i32
      %dma_wait3A_188 = arith.constant 0 : i32
      %dma_wait3A_189 = tpu.memref_slice %arg9[%dma_wait3A_187, %dma_wait3A_188] : memref<1024x16xf32, #tpu.memory_space<vmem>> -> memref<128x16xf32, #tpu.memory_space<vmem>>
      %dma_wait3A_190 = arith.constant 0 : i32
      %dma_wait3A_191 = tpu.memref_slice %arg7[%add3A_115, %dma_wait3A_190] : memref<160x128xi32, #tpu.memory_space<vmem>> -> memref<1x128xi32, #tpu.memory_space<vmem>>
      %dma_wait3A_192 = tpu.memref_squeeze %dma_wait3A_191 : memref<1x128xi32, #tpu.memory_space<vmem>> -> memref<128xi32, #tpu.memory_space<vmem>>
      %dma_wait3A_193 = arith.constant 0 : i32
      %dma_wait3A_194 = arith.constant 0 : i32
      %dma_wait3A_195 = tpu.memref_slice %arg2[%dma_wait3A_193, %dma_wait3A_194] : memref<10000x16xf32, #tpu.memory_space<hbm>> -> memref<10000x16xf32, #tpu.memory_space<hbm>>
      tpu.wait_indirect_dma semaphore(%arg10 : memref<!tpu.dma_semaphore, #tpu.memory_space<semaphore_mem>>) src(%dma_wait3A_195 : memref<10000x16xf32, #tpu.memory_space<hbm>>) dst(%dma_wait3A_189 : memref<128x16xf32, #tpu.memory_space<vmem>>)
      %mul3A_196 = arith.constant 1024 : i32
      %mul3A_197 = arith.muli %scan3A_20, %mul3A_196 : i32
      %add3A_198 = arith.addi %mul3A_2, %mul3A_197 : i32
      "tpu.region"() ({
        %run_scoped3A = tpu.sem_alloc : memref<!tpu.dma_semaphore, #tpu.memory_space<semaphore_mem>>
        %dma_start3A_200 = arith.constant 0 : i32
        %dma_start3A_201 = tpu.memref_slice %arg5[%add3A_198, %dma_start3A_200] : memref<655360x16xf32, #tpu.memory_space<hbm>> -> memref<1024x16xf32, #tpu.memory_space<hbm>>
        %dma_start3A_202 = arith.constant 0 : i32
        %dma_start3A_203 = tpu.memref_slice %arg5[%add3A_198, %dma_start3A_202] : memref<655360x16xf32, #tpu.memory_space<hbm>> -> memref<1024x16xf32, #tpu.memory_space<hbm>>
        tpu.enqueue_dma source(%arg9 : memref<1024x16xf32, #tpu.memory_space<vmem>>) target(%dma_start3A_203 : memref<1024x16xf32, #tpu.memory_space<hbm>>) target_semaphore(%run_scoped3A : memref<!tpu.dma_semaphore, #tpu.memory_space<semaphore_mem>>)
        %dma_wait3A_204 = arith.constant 0 : i32
        %dma_wait3A_205 = tpu.memref_slice %arg5[%add3A_198, %dma_wait3A_204] : memref<655360x16xf32, #tpu.memory_space<hbm>> -> memref<1024x16xf32, #tpu.memory_space<hbm>>
        %dma_wait3A_206 = arith.constant 0 : i32
        %dma_wait3A_207 = tpu.memref_slice %arg5[%add3A_198, %dma_wait3A_206] : memref<655360x16xf32, #tpu.memory_space<hbm>> -> memref<1024x16xf32, #tpu.memory_space<hbm>>
        tpu.wait_dma2 semaphore(%run_scoped3A : memref<!tpu.dma_semaphore, #tpu.memory_space<semaphore_mem>>) src(%arg9 : memref<1024x16xf32, #tpu.memory_space<vmem>>) dst(%dma_wait3A_207 : memref<1024x16xf32, #tpu.memory_space<hbm>>)
        tpu.yield
      }) : () -> ()
      %scan3A_199 = arith.constant 0 : i32
      scf.yield %scan3A_199 : i32
    }
    %scan3A_12 = arith.constant 20 : i32
    %scan3A_13 = arith.constant 0 : i32
    %scan3A_14 = arith.constant 0 : i32
    %scan3A_15 = arith.constant 20 : i32
    %scan3A_16 = arith.addi %scan3A_14, %scan3A_15 : i32
    %scan3A_17 = arith.constant 1 : i32
    %scan3A_18 = scf.for %scan3A_20 = %scan3A_14 to %scan3A_16 step %scan3A_17 iter_args(%scan3A_21 = %scan3A_13) -> (i32)  : i32 {
      %mul3A_22 = arith.constant 8 : i32
      %mul3A_23 = arith.muli %scan3A_20, %mul3A_22 : i32
      %add3A_24 = arith.constant 0 : i32
      %add3A_25 = arith.addi %mul3A_23, %add3A_24 : i32
      %dma_start3A = arith.constant 0 : i32
      %dma_start3A_26 = arith.constant 0 : i32
      %dma_start3A_27 = tpu.memref_slice %arg9[%dma_start3A, %dma_start3A_26] : memref<1024x16xf32, #tpu.memory_space<vmem>> -> memref<128x16xf32, #tpu.memory_space<vmem>>
      %dma_start3A_28 = arith.constant 0 : i32
      %dma_start3A_29 = tpu.memref_slice %arg8[%add3A_25, %dma_start3A_28] : memref<160x128xi32, #tpu.memory_space<vmem>> -> memref<1x128xi32, #tpu.memory_space<vmem>>
      %dma_start3A_30 = tpu.memref_squeeze %dma_start3A_29 : memref<1x128xi32, #tpu.memory_space<vmem>> -> memref<128xi32, #tpu.memory_space<vmem>>
      %dma_start3A_31 = arith.constant 0 : i32
      %dma_start3A_32 = arith.constant 0 : i32
      %dma_start3A_33 = tpu.memref_slice %arg2[%dma_start3A_31, %dma_start3A_32] : memref<10000x16xf32, #tpu.memory_space<hbm>> -> memref<10000x16xf32, #tpu.memory_space<hbm>>
      tpu.enqueue_indirect_dma source(%dma_start3A_33 : memref<10000x16xf32, #tpu.memory_space<hbm>>) target(%dma_start3A_27 : memref<128x16xf32, #tpu.memory_space<vmem>>) offsets(%dma_start3A_30 : memref<128xi32, #tpu.memory_space<vmem>>) semaphore(%arg10 : memref<!tpu.dma_semaphore, #tpu.memory_space<semaphore_mem>>)
      %mul3A_34 = arith.constant 8 : i32
      %mul3A_35 = arith.muli %scan3A_20, %mul3A_34 : i32
      %add3A_36 = arith.constant 1 : i32
      %add3A_37 = arith.addi %mul3A_35, %add3A_36 : i32
      %dma_start3A_38 = arith.constant 128 : i32
      %dma_start3A_39 = arith.constant 0 : i32
      %dma_start3A_40 = tpu.memref_slice %arg9[%dma_start3A_38, %dma_start3A_39] : memref<1024x16xf32, #tpu.memory_space<vmem>> -> memref<128x16xf32, #tpu.memory_space<vmem>>
      %dma_start3A_41 = arith.constant 0 : i32
      %dma_start3A_42 = tpu.memref_slice %arg8[%add3A_37, %dma_start3A_41] : memref<160x128xi32, #tpu.memory_space<vmem>> -> memref<1x128xi32, #tpu.memory_space<vmem>>
      %dma_start3A_43 = tpu.memref_squeeze %dma_start3A_42 : memref<1x128xi32, #tpu.memory_space<vmem>> -> memref<128xi32, #tpu.memory_space<vmem>>
      %dma_start3A_44 = arith.constant 0 : i32
      %dma_start3A_45 = arith.constant 0 : i32
      %dma_start3A_46 = tpu.memref_slice %arg2[%dma_start3A_44, %dma_start3A_45] : memref<10000x16xf32, #tpu.memory_space<hbm>> -> memref<10000x16xf32, #tpu.memory_space<hbm>>
      tpu.enqueue_indirect_dma source(%dma_start3A_46 : memref<10000x16xf32, #tpu.memory_space<hbm>>) target(%dma_start3A_40 : memref<128x16xf32, #tpu.memory_space<vmem>>) offsets(%dma_start3A_43 : memref<128xi32, #tpu.memory_space<vmem>>) semaphore(%arg10 : memref<!tpu.dma_semaphore, #tpu.memory_space<semaphore_mem>>)
      %mul3A_47 = arith.constant 8 : i32
      %mul3A_48 = arith.muli %scan3A_20, %mul3A_47 : i32
      %add3A_49 = arith.constant 2 : i32
      %add3A_50 = arith.addi %mul3A_48, %add3A_49 : i32
      %dma_start3A_51 = arith.constant 256 : i32
      %dma_start3A_52 = arith.constant 0 : i32
      %dma_start3A_53 = tpu.memref_slice %arg9[%dma_start3A_51, %dma_start3A_52] : memref<1024x16xf32, #tpu.memory_space<vmem>> -> memref<128x16xf32, #tpu.memory_space<vmem>>
      %dma_start3A_54 = arith.constant 0 : i32
      %dma_start3A_55 = tpu.memref_slice %arg8[%add3A_50, %dma_start3A_54] : memref<160x128xi32, #tpu.memory_space<vmem>> -> memref<1x128xi32, #tpu.memory_space<vmem>>
      %dma_start3A_56 = tpu.memref_squeeze %dma_start3A_55 : memref<1x128xi32, #tpu.memory_space<vmem>> -> memref<128xi32, #tpu.memory_space<vmem>>
      %dma_start3A_57 = arith.constant 0 : i32
      %dma_start3A_58 = arith.constant 0 : i32
      %dma_start3A_59 = tpu.memref_slice %arg2[%dma_start3A_57, %dma_start3A_58] : memref<10000x16xf32, #tpu.memory_space<hbm>> -> memref<10000x16xf32, #tpu.memory_space<hbm>>
      tpu.enqueue_indirect_dma source(%dma_start3A_59 : memref<10000x16xf32, #tpu.memory_space<hbm>>) target(%dma_start3A_53 : memref<128x16xf32, #tpu.memory_space<vmem>>) offsets(%dma_start3A_56 : memref<128xi32, #tpu.memory_space<vmem>>) semaphore(%arg10 : memref<!tpu.dma_semaphore, #tpu.memory_space<semaphore_mem>>)
      %mul3A_60 = arith.constant 8 : i32
      %mul3A_61 = arith.muli %scan3A_20, %mul3A_60 : i32
      %add3A_62 = arith.constant 3 : i32
      %add3A_63 = arith.addi %mul3A_61, %add3A_62 : i32
      %dma_start3A_64 = arith.constant 384 : i32
      %dma_start3A_65 = arith.constant 0 : i32
      %dma_start3A_66 = tpu.memref_slice %arg9[%dma_start3A_64, %dma_start3A_65] : memref<1024x16xf32, #tpu.memory_space<vmem>> -> memref<128x16xf32, #tpu.memory_space<vmem>>
      %dma_start3A_67 = arith.constant 0 : i32
      %dma_start3A_68 = tpu.memref_slice %arg8[%add3A_63, %dma_start3A_67] : memref<160x128xi32, #tpu.memory_space<vmem>> -> memref<1x128xi32, #tpu.memory_space<vmem>>
      %dma_start3A_69 = tpu.memref_squeeze %dma_start3A_68 : memref<1x128xi32, #tpu.memory_space<vmem>> -> memref<128xi32, #tpu.memory_space<vmem>>
      %dma_start3A_70 = arith.constant 0 : i32
      %dma_start3A_71 = arith.constant 0 : i32
      %dma_start3A_72 = tpu.memref_slice %arg2[%dma_start3A_70, %dma_start3A_71] : memref<10000x16xf32, #tpu.memory_space<hbm>> -> memref<10000x16xf32, #tpu.memory_space<hbm>>
      tpu.enqueue_indirect_dma source(%dma_start3A_72 : memref<10000x16xf32, #tpu.memory_space<hbm>>) target(%dma_start3A_66 : memref<128x16xf32, #tpu.memory_space<vmem>>) offsets(%dma_start3A_69 : memref<128xi32, #tpu.memory_space<vmem>>) semaphore(%arg10 : memref<!tpu.dma_semaphore, #tpu.memory_space<semaphore_mem>>)
      %mul3A_73 = arith.constant 8 : i32
      %mul3A_74 = arith.muli %scan3A_20, %mul3A_73 : i32
      %add3A_75 = arith.constant 4 : i32
      %add3A_76 = arith.addi %mul3A_74, %add3A_75 : i32
      %dma_start3A_77 = arith.constant 512 : i32
      %dma_start3A_78 = arith.constant 0 : i32
      %dma_start3A_79 = tpu.memref_slice %arg9[%dma_start3A_77, %dma_start3A_78] : memref<1024x16xf32, #tpu.memory_space<vmem>> -> memref<128x16xf32, #tpu.memory_space<vmem>>
      %dma_start3A_80 = arith.constant 0 : i32
      %dma_start3A_81 = tpu.memref_slice %arg8[%add3A_76, %dma_start3A_80] : memref<160x128xi32, #tpu.memory_space<vmem>> -> memref<1x128xi32, #tpu.memory_space<vmem>>
      %dma_start3A_82 = tpu.memref_squeeze %dma_start3A_81 : memref<1x128xi32, #tpu.memory_space<vmem>> -> memref<128xi32, #tpu.memory_space<vmem>>
      %dma_start3A_83 = arith.constant 0 : i32
      %dma_start3A_84 = arith.constant 0 : i32
      %dma_start3A_85 = tpu.memref_slice %arg2[%dma_start3A_83, %dma_start3A_84] : memref<10000x16xf32, #tpu.memory_space<hbm>> -> memref<10000x16xf32, #tpu.memory_space<hbm>>
      tpu.enqueue_indirect_dma source(%dma_start3A_85 : memref<10000x16xf32, #tpu.memory_space<hbm>>) target(%dma_start3A_79 : memref<128x16xf32, #tpu.memory_space<vmem>>) offsets(%dma_start3A_82 : memref<128xi32, #tpu.memory_space<vmem>>) semaphore(%arg10 : memref<!tpu.dma_semaphore, #tpu.memory_space<semaphore_mem>>)
      %mul3A_86 = arith.constant 8 : i32
      %mul3A_87 = arith.muli %scan3A_20, %mul3A_86 : i32
      %add3A_88 = arith.constant 5 : i32
      %add3A_89 = arith.addi %mul3A_87, %add3A_88 : i32
      %dma_start3A_90 = arith.constant 640 : i32
      %dma_start3A_91 = arith.constant 0 : i32
      %dma_start3A_92 = tpu.memref_slice %arg9[%dma_start3A_90, %dma_start3A_91] : memref<1024x16xf32, #tpu.memory_space<vmem>> -> memref<128x16xf32, #tpu.memory_space<vmem>>
      %dma_start3A_93 = arith.constant 0 : i32
      %dma_start3A_94 = tpu.memref_slice %arg8[%add3A_89, %dma_start3A_93] : memref<160x128xi32, #tpu.memory_space<vmem>> -> memref<1x128xi32, #tpu.memory_space<vmem>>
      %dma_start3A_95 = tpu.memref_squeeze %dma_start3A_94 : memref<1x128xi32, #tpu.memory_space<vmem>> -> memref<128xi32, #tpu.memory_space<vmem>>
      %dma_start3A_96 = arith.constant 0 : i32
      %dma_start3A_97 = arith.constant 0 : i32
      %dma_start3A_98 = tpu.memref_slice %arg2[%dma_start3A_96, %dma_start3A_97] : memref<10000x16xf32, #tpu.memory_space<hbm>> -> memref<10000x16xf32, #tpu.memory_space<hbm>>
      tpu.enqueue_indirect_dma source(%dma_start3A_98 : memref<10000x16xf32, #tpu.memory_space<hbm>>) target(%dma_start3A_92 : memref<128x16xf32, #tpu.memory_space<vmem>>) offsets(%dma_start3A_95 : memref<128xi32, #tpu.memory_space<vmem>>) semaphore(%arg10 : memref<!tpu.dma_semaphore, #tpu.memory_space<semaphore_mem>>)
      %mul3A_99 = arith.constant 8 : i32
      %mul3A_100 = arith.muli %scan3A_20, %mul3A_99 : i32
      %add3A_101 = arith.constant 6 : i32
      %add3A_102 = arith.addi %mul3A_100, %add3A_101 : i32
      %dma_start3A_103 = arith.constant 768 : i32
      %dma_start3A_104 = arith.constant 0 : i32
      %dma_start3A_105 = tpu.memref_slice %arg9[%dma_start3A_103, %dma_start3A_104] : memref<1024x16xf32, #tpu.memory_space<vmem>> -> memref<128x16xf32, #tpu.memory_space<vmem>>
      %dma_start3A_106 = arith.constant 0 : i32
      %dma_start3A_107 = tpu.memref_slice %arg8[%add3A_102, %dma_start3A_106] : memref<160x128xi32, #tpu.memory_space<vmem>> -> memref<1x128xi32, #tpu.memory_space<vmem>>
      %dma_start3A_108 = tpu.memref_squeeze %dma_start3A_107 : memref<1x128xi32, #tpu.memory_space<vmem>> -> memref<128xi32, #tpu.memory_space<vmem>>
      %dma_start3A_109 = arith.constant 0 : i32
      %dma_start3A_110 = arith.constant 0 : i32
      %dma_start3A_111 = tpu.memref_slice %arg2[%dma_start3A_109, %dma_start3A_110] : memref<10000x16xf32, #tpu.memory_space<hbm>> -> memref<10000x16xf32, #tpu.memory_space<hbm>>
      tpu.enqueue_indirect_dma source(%dma_start3A_111 : memref<10000x16xf32, #tpu.memory_space<hbm>>) target(%dma_start3A_105 : memref<128x16xf32, #tpu.memory_space<vmem>>) offsets(%dma_start3A_108 : memref<128xi32, #tpu.memory_space<vmem>>) semaphore(%arg10 : memref<!tpu.dma_semaphore, #tpu.memory_space<semaphore_mem>>)
      %mul3A_112 = arith.constant 8 : i32
      %mul3A_113 = arith.muli %scan3A_20, %mul3A_112 : i32
      %add3A_114 = arith.constant 7 : i32
      %add3A_115 = arith.addi %mul3A_113, %add3A_114 : i32
      %dma_start3A_116 = arith.constant 896 : i32
      %dma_start3A_117 = arith.constant 0 : i32
      %dma_start3A_118 = tpu.memref_slice %arg9[%dma_start3A_116, %dma_start3A_117] : memref<1024x16xf32, #tpu.memory_space<vmem>> -> memref<128x16xf32, #tpu.memory_space<vmem>>
      %dma_start3A_119 = arith.constant 0 : i32
      %dma_start3A_120 = tpu.memref_slice %arg8[%add3A_115, %dma_start3A_119] : memref<160x128xi32, #tpu.memory_space<vmem>> -> memref<1x128xi32, #tpu.memory_space<vmem>>
      %dma_start3A_121 = tpu.memref_squeeze %dma_start3A_120 : memref<1x128xi32, #tpu.memory_space<vmem>> -> memref<128xi32, #tpu.memory_space<vmem>>
      %dma_start3A_122 = arith.constant 0 : i32
      %dma_start3A_123 = arith.constant 0 : i32
      %dma_start3A_124 = tpu.memref_slice %arg2[%dma_start3A_122, %dma_start3A_123] : memref<10000x16xf32, #tpu.memory_space<hbm>> -> memref<10000x16xf32, #tpu.memory_space<hbm>>
      tpu.enqueue_indirect_dma source(%dma_start3A_124 : memref<10000x16xf32, #tpu.memory_space<hbm>>) target(%dma_start3A_118 : memref<128x16xf32, #tpu.memory_space<vmem>>) offsets(%dma_start3A_121 : memref<128xi32, #tpu.memory_space<vmem>>) semaphore(%arg10 : memref<!tpu.dma_semaphore, #tpu.memory_space<semaphore_mem>>)
      %dma_wait3A = arith.constant 0 : i32
      %dma_wait3A_125 = arith.constant 0 : i32
      %dma_wait3A_126 = tpu.memref_slice %arg9[%dma_wait3A, %dma_wait3A_125] : memref<1024x16xf32, #tpu.memory_space<vmem>> -> memref<128x16xf32, #tpu.memory_space<vmem>>
      %dma_wait3A_127 = arith.constant 0 : i32
      %dma_wait3A_128 = tpu.memref_slice %arg8[%add3A_25, %dma_wait3A_127] : memref<160x128xi32, #tpu.memory_space<vmem>> -> memref<1x128xi32, #tpu.memory_space<vmem>>
      %dma_wait3A_129 = tpu.memref_squeeze %dma_wait3A_128 : memref<1x128xi32, #tpu.memory_space<vmem>> -> memref<128xi32, #tpu.memory_space<vmem>>
      %dma_wait3A_130 = arith.constant 0 : i32
      %dma_wait3A_131 = arith.constant 0 : i32
      %dma_wait3A_132 = tpu.memref_slice %arg2[%dma_wait3A_130, %dma_wait3A_131] : memref<10000x16xf32, #tpu.memory_space<hbm>> -> memref<10000x16xf32, #tpu.memory_space<hbm>>
      tpu.wait_indirect_dma semaphore(%arg10 : memref<!tpu.dma_semaphore, #tpu.memory_space<semaphore_mem>>) src(%dma_wait3A_132 : memref<10000x16xf32, #tpu.memory_space<hbm>>) dst(%dma_wait3A_126 : memref<128x16xf32, #tpu.memory_space<vmem>>)
      %dma_wait3A_133 = arith.constant 128 : i32
      %dma_wait3A_134 = arith.constant 0 : i32
      %dma_wait3A_135 = tpu.memref_slice %arg9[%dma_wait3A_133, %dma_wait3A_134] : memref<1024x16xf32, #tpu.memory_space<vmem>> -> memref<128x16xf32, #tpu.memory_space<vmem>>
      %dma_wait3A_136 = arith.constant 0 : i32
      %dma_wait3A_137 = tpu.memref_slice %arg8[%add3A_37, %dma_wait3A_136] : memref<160x128xi32, #tpu.memory_space<vmem>> -> memref<1x128xi32, #tpu.memory_space<vmem>>
      %dma_wait3A_138 = tpu.memref_squeeze %dma_wait3A_137 : memref<1x128xi32, #tpu.memory_space<vmem>> -> memref<128xi32, #tpu.memory_space<vmem>>
      %dma_wait3A_139 = arith.constant 0 : i32
      %dma_wait3A_140 = arith.constant 0 : i32
      %dma_wait3A_141 = tpu.memref_slice %arg2[%dma_wait3A_139, %dma_wait3A_140] : memref<10000x16xf32, #tpu.memory_space<hbm>> -> memref<10000x16xf32, #tpu.memory_space<hbm>>
      tpu.wait_indirect_dma semaphore(%arg10 : memref<!tpu.dma_semaphore, #tpu.memory_space<semaphore_mem>>) src(%dma_wait3A_141 : memref<10000x16xf32, #tpu.memory_space<hbm>>) dst(%dma_wait3A_135 : memref<128x16xf32, #tpu.memory_space<vmem>>)
      %dma_wait3A_142 = arith.constant 256 : i32
      %dma_wait3A_143 = arith.constant 0 : i32
      %dma_wait3A_144 = tpu.memref_slice %arg9[%dma_wait3A_142, %dma_wait3A_143] : memref<1024x16xf32, #tpu.memory_space<vmem>> -> memref<128x16xf32, #tpu.memory_space<vmem>>
      %dma_wait3A_145 = arith.constant 0 : i32
      %dma_wait3A_146 = tpu.memref_slice %arg8[%add3A_50, %dma_wait3A_145] : memref<160x128xi32, #tpu.memory_space<vmem>> -> memref<1x128xi32, #tpu.memory_space<vmem>>
      %dma_wait3A_147 = tpu.memref_squeeze %dma_wait3A_146 : memref<1x128xi32, #tpu.memory_space<vmem>> -> memref<128xi32, #tpu.memory_space<vmem>>
      %dma_wait3A_148 = arith.constant 0 : i32
      %dma_wait3A_149 = arith.constant 0 : i32
      %dma_wait3A_150 = tpu.memref_slice %arg2[%dma_wait3A_148, %dma_wait3A_149] : memref<10000x16xf32, #tpu.memory_space<hbm>> -> memref<10000x16xf32, #tpu.memory_space<hbm>>
      tpu.wait_indirect_dma semaphore(%arg10 : memref<!tpu.dma_semaphore, #tpu.memory_space<semaphore_mem>>) src(%dma_wait3A_150 : memref<10000x16xf32, #tpu.memory_space<hbm>>) dst(%dma_wait3A_144 : memref<128x16xf32, #tpu.memory_space<vmem>>)
      %dma_wait3A_151 = arith.constant 384 : i32
      %dma_wait3A_152 = arith.constant 0 : i32
      %dma_wait3A_153 = tpu.memref_slice %arg9[%dma_wait3A_151, %dma_wait3A_152] : memref<1024x16xf32, #tpu.memory_space<vmem>> -> memref<128x16xf32, #tpu.memory_space<vmem>>
      %dma_wait3A_154 = arith.constant 0 : i32
      %dma_wait3A_155 = tpu.memref_slice %arg8[%add3A_63, %dma_wait3A_154] : memref<160x128xi32, #tpu.memory_space<vmem>> -> memref<1x128xi32, #tpu.memory_space<vmem>>
      %dma_wait3A_156 = tpu.memref_squeeze %dma_wait3A_155 : memref<1x128xi32, #tpu.memory_space<vmem>> -> memref<128xi32, #tpu.memory_space<vmem>>
      %dma_wait3A_157 = arith.constant 0 : i32
      %dma_wait3A_158 = arith.constant 0 : i32
      %dma_wait3A_159 = tpu.memref_slice %arg2[%dma_wait3A_157, %dma_wait3A_158] : memref<10000x16xf32, #tpu.memory_space<hbm>> -> memref<10000x16xf32, #tpu.memory_space<hbm>>
      tpu.wait_indirect_dma semaphore(%arg10 : memref<!tpu.dma_semaphore, #tpu.memory_space<semaphore_mem>>) src(%dma_wait3A_159 : memref<10000x16xf32, #tpu.memory_space<hbm>>) dst(%dma_wait3A_153 : memref<128x16xf32, #tpu.memory_space<vmem>>)
      %dma_wait3A_160 = arith.constant 512 : i32
      %dma_wait3A_161 = arith.constant 0 : i32
      %dma_wait3A_162 = tpu.memref_slice %arg9[%dma_wait3A_160, %dma_wait3A_161] : memref<1024x16xf32, #tpu.memory_space<vmem>> -> memref<128x16xf32, #tpu.memory_space<vmem>>
      %dma_wait3A_163 = arith.constant 0 : i32
      %dma_wait3A_164 = tpu.memref_slice %arg8[%add3A_76, %dma_wait3A_163] : memref<160x128xi32, #tpu.memory_space<vmem>> -> memref<1x128xi32, #tpu.memory_space<vmem>>
      %dma_wait3A_165 = tpu.memref_squeeze %dma_wait3A_164 : memref<1x128xi32, #tpu.memory_space<vmem>> -> memref<128xi32, #tpu.memory_space<vmem>>
      %dma_wait3A_166 = arith.constant 0 : i32
      %dma_wait3A_167 = arith.constant 0 : i32
      %dma_wait3A_168 = tpu.memref_slice %arg2[%dma_wait3A_166, %dma_wait3A_167] : memref<10000x16xf32, #tpu.memory_space<hbm>> -> memref<10000x16xf32, #tpu.memory_space<hbm>>
      tpu.wait_indirect_dma semaphore(%arg10 : memref<!tpu.dma_semaphore, #tpu.memory_space<semaphore_mem>>) src(%dma_wait3A_168 : memref<10000x16xf32, #tpu.memory_space<hbm>>) dst(%dma_wait3A_162 : memref<128x16xf32, #tpu.memory_space<vmem>>)
      %dma_wait3A_169 = arith.constant 640 : i32
      %dma_wait3A_170 = arith.constant 0 : i32
      %dma_wait3A_171 = tpu.memref_slice %arg9[%dma_wait3A_169, %dma_wait3A_170] : memref<1024x16xf32, #tpu.memory_space<vmem>> -> memref<128x16xf32, #tpu.memory_space<vmem>>
      %dma_wait3A_172 = arith.constant 0 : i32
      %dma_wait3A_173 = tpu.memref_slice %arg8[%add3A_89, %dma_wait3A_172] : memref<160x128xi32, #tpu.memory_space<vmem>> -> memref<1x128xi32, #tpu.memory_space<vmem>>
      %dma_wait3A_174 = tpu.memref_squeeze %dma_wait3A_173 : memref<1x128xi32, #tpu.memory_space<vmem>> -> memref<128xi32, #tpu.memory_space<vmem>>
      %dma_wait3A_175 = arith.constant 0 : i32
      %dma_wait3A_176 = arith.constant 0 : i32
      %dma_wait3A_177 = tpu.memref_slice %arg2[%dma_wait3A_175, %dma_wait3A_176] : memref<10000x16xf32, #tpu.memory_space<hbm>> -> memref<10000x16xf32, #tpu.memory_space<hbm>>
      tpu.wait_indirect_dma semaphore(%arg10 : memref<!tpu.dma_semaphore, #tpu.memory_space<semaphore_mem>>) src(%dma_wait3A_177 : memref<10000x16xf32, #tpu.memory_space<hbm>>) dst(%dma_wait3A_171 : memref<128x16xf32, #tpu.memory_space<vmem>>)
      %dma_wait3A_178 = arith.constant 768 : i32
      %dma_wait3A_179 = arith.constant 0 : i32
      %dma_wait3A_180 = tpu.memref_slice %arg9[%dma_wait3A_178, %dma_wait3A_179] : memref<1024x16xf32, #tpu.memory_space<vmem>> -> memref<128x16xf32, #tpu.memory_space<vmem>>
      %dma_wait3A_181 = arith.constant 0 : i32
      %dma_wait3A_182 = tpu.memref_slice %arg8[%add3A_102, %dma_wait3A_181] : memref<160x128xi32, #tpu.memory_space<vmem>> -> memref<1x128xi32, #tpu.memory_space<vmem>>
      %dma_wait3A_183 = tpu.memref_squeeze %dma_wait3A_182 : memref<1x128xi32, #tpu.memory_space<vmem>> -> memref<128xi32, #tpu.memory_space<vmem>>
      %dma_wait3A_184 = arith.constant 0 : i32
      %dma_wait3A_185 = arith.constant 0 : i32
      %dma_wait3A_186 = tpu.memref_slice %arg2[%dma_wait3A_184, %dma_wait3A_185] : memref<10000x16xf32, #tpu.memory_space<hbm>> -> memref<10000x16xf32, #tpu.memory_space<hbm>>
      tpu.wait_indirect_dma semaphore(%arg10 : memref<!tpu.dma_semaphore, #tpu.memory_space<semaphore_mem>>) src(%dma_wait3A_186 : memref<10000x16xf32, #tpu.memory_space<hbm>>) dst(%dma_wait3A_180 : memref<128x16xf32, #tpu.memory_space<vmem>>)
      %dma_wait3A_187 = arith.constant 896 : i32
      %dma_wait3A_188 = arith.constant 0 : i32
      %dma_wait3A_189 = tpu.memref_slice %arg9[%dma_wait3A_187, %dma_wait3A_188] : memref<1024x16xf32, #tpu.memory_space<vmem>> -> memref<128x16xf32, #tpu.memory_space<vmem>>
      %dma_wait3A_190 = arith.constant 0 : i32
      %dma_wait3A_191 = tpu.memref_slice %arg8[%add3A_115, %dma_wait3A_190] : memref<160x128xi32, #tpu.memory_space<vmem>> -> memref<1x128xi32, #tpu.memory_space<vmem>>
      %dma_wait3A_192 = tpu.memref_squeeze %dma_wait3A_191 : memref<1x128xi32, #tpu.memory_space<vmem>> -> memref<128xi32, #tpu.memory_space<vmem>>
      %dma_wait3A_193 = arith.constant 0 : i32
      %dma_wait3A_194 = arith.constant 0 : i32
      %dma_wait3A_195 = tpu.memref_slice %arg2[%dma_wait3A_193, %dma_wait3A_194] : memref<10000x16xf32, #tpu.memory_space<hbm>> -> memref<10000x16xf32, #tpu.memory_space<hbm>>
      tpu.wait_indirect_dma semaphore(%arg10 : memref<!tpu.dma_semaphore, #tpu.memory_space<semaphore_mem>>) src(%dma_wait3A_195 : memref<10000x16xf32, #tpu.memory_space<hbm>>) dst(%dma_wait3A_189 : memref<128x16xf32, #tpu.memory_space<vmem>>)
      %mul3A_196 = arith.constant 1024 : i32
      %mul3A_197 = arith.muli %scan3A_20, %mul3A_196 : i32
      %add3A_198 = arith.addi %mul3A_2, %mul3A_197 : i32
      "tpu.region"() ({
        %run_scoped3A = tpu.sem_alloc : memref<!tpu.dma_semaphore, #tpu.memory_space<semaphore_mem>>
        %dma_start3A_200 = arith.constant 0 : i32
        %dma_start3A_201 = tpu.memref_slice %arg6[%add3A_198, %dma_start3A_200] : memref<655360x16xf32, #tpu.memory_space<hbm>> -> memref<1024x16xf32, #tpu.memory_space<hbm>>
        %dma_start3A_202 = arith.constant 0 : i32
        %dma_start3A_203 = tpu.memref_slice %arg6[%add3A_198, %dma_start3A_202] : memref<655360x16xf32, #tpu.memory_space<hbm>> -> memref<1024x16xf32, #tpu.memory_space<hbm>>
        tpu.enqueue_dma source(%arg9 : memref<1024x16xf32, #tpu.memory_space<vmem>>) target(%dma_start3A_203 : memref<1024x16xf32, #tpu.memory_space<hbm>>) target_semaphore(%run_scoped3A : memref<!tpu.dma_semaphore, #tpu.memory_space<semaphore_mem>>)
        %dma_wait3A_204 = arith.constant 0 : i32
        %dma_wait3A_205 = tpu.memref_slice %arg6[%add3A_198, %dma_wait3A_204] : memref<655360x16xf32, #tpu.memory_space<hbm>> -> memref<1024x16xf32, #tpu.memory_space<hbm>>
        %dma_wait3A_206 = arith.constant 0 : i32
        %dma_wait3A_207 = tpu.memref_slice %arg6[%add3A_198, %dma_wait3A_206] : memref<655360x16xf32, #tpu.memory_space<hbm>> -> memref<1024x16xf32, #tpu.memory_space<hbm>>
        tpu.wait_dma2 semaphore(%run_scoped3A : memref<!tpu.dma_semaphore, #tpu.memory_space<semaphore_mem>>) src(%arg9 : memref<1024x16xf32, #tpu.memory_space<vmem>>) dst(%dma_wait3A_207 : memref<1024x16xf32, #tpu.memory_space<hbm>>)
        tpu.yield
      }) : () -> ()
      %scan3A_199 = arith.constant 0 : i32
      scf.yield %scan3A_199 : i32
    }
    %scan3A_19 = arith.constant 20 : i32
    return
  }
}

#map = affine_map<(d0, d1) -> (0, 0)>
#map1 = affine_map<(d0, d1) -> (0, 0, 0)>
module attributes {stable_mosaic.version = 14 : i64} {
  func.func @scatter2(%arg0: i32, %arg1: i32, %arg2: memref<655360x16xf32, #tpu.memory_space<hbm>>, %arg3: memref<655360x16xf32, #tpu.memory_space<hbm>>, %arg4: memref<5120x128xi32, #tpu.memory_space<hbm>>, %arg5: memref<5120x128xi32, #tpu.memory_space<hbm>>, %arg6: memref<10000x16xf32, #tpu.memory_space<hbm>>, %arg7: memref<2x10000x16xf32, #tpu.memory_space<hbm>>, %arg8: memref<160x128xi32, #tpu.memory_space<vmem>>, %arg9: memref<160x128xi32, #tpu.memory_space<vmem>>, %arg10: memref<128x16xf32, #tpu.memory_space<vmem>>, %arg11: memref<10000x16xf32, #tpu.memory_space<vmem_shared>>) attributes {dimension_semantics = [#tpu.dimension_semantics<core_parallel>, #tpu.dimension_semantics<subcore_parallel>], iteration_bounds = array<i64: 2, 16>, scalar_prefetch = 0 : i64, scratch_operands = 4 : i64, tpu.core_type = #tpu.core_type<sc_vector_subcore>, window_params = [{transform_indices = #map}, {transform_indices = #map}, {transform_indices = #map}, {transform_indices = #map}, {transform_indices = #map}, {transform_indices = #map1}]} {
    %mul3A = arith.constant 2 : i32
    %mul3A_0 = arith.muli %arg1, %mul3A : i32
    %add3A = arith.addi %mul3A_0, %arg0 : i32
    %mul3A_1 = arith.constant 20480 : i32
    %mul3A_2 = arith.muli %add3A, %mul3A_1 : i32
    %eq3A = arith.constant 0 : i32
    %eq3A_3 = arith.cmpi eq, %arg1, %eq3A : i32
    %convert_element_type3A = arith.extui %eq3A_3 : i1 to i32
    %cond3A = arith.constant 0 : i32
    %cond3A_4 = arith.cmpi ne, %convert_element_type3A, %cond3A : i32
    scf.if %cond3A_4 {
      "tpu.region"() ({
        %run_scoped3A = tpu.sem_alloc : memref<!tpu.dma_semaphore, #tpu.memory_space<semaphore_mem>>
        tpu.enqueue_dma source(%arg6 : memref<10000x16xf32, #tpu.memory_space<hbm>>) target(%arg11 : memref<10000x16xf32, #tpu.memory_space<vmem_shared>>) target_semaphore(%run_scoped3A : memref<!tpu.dma_semaphore, #tpu.memory_space<semaphore_mem>>)
        tpu.wait_dma2 semaphore(%run_scoped3A : memref<!tpu.dma_semaphore, #tpu.memory_space<semaphore_mem>>) src(%arg6 : memref<10000x16xf32, #tpu.memory_space<hbm>>) dst(%arg11 : memref<10000x16xf32, #tpu.memory_space<vmem_shared>>)
        tpu.yield
      }) : () -> ()
    } else {
    }
    %barrier3A = arith.constant 0 : index
    tpu.barrier barrier_id(%barrier3A)
    %mul3A_5 = arith.constant 160 : i32
    %mul3A_6 = arith.muli %add3A, %mul3A_5 : i32
    "tpu.region"() ({
      %run_scoped3A = tpu.sem_alloc : memref<!tpu.dma_semaphore, #tpu.memory_space<semaphore_mem>>
      %dma_start3A = arith.constant 0 : i32
      %dma_start3A_27 = tpu.memref_slice %arg4[%mul3A_6, %dma_start3A] : memref<5120x128xi32, #tpu.memory_space<hbm>> -> memref<160x128xi32, #tpu.memory_space<hbm>>
      %dma_start3A_28 = arith.constant 0 : i32
      %dma_start3A_29 = tpu.memref_slice %arg4[%mul3A_6, %dma_start3A_28] : memref<5120x128xi32, #tpu.memory_space<hbm>> -> memref<160x128xi32, #tpu.memory_space<hbm>>
      tpu.enqueue_dma source(%dma_start3A_29 : memref<160x128xi32, #tpu.memory_space<hbm>>) target(%arg8 : memref<160x128xi32, #tpu.memory_space<vmem>>) target_semaphore(%run_scoped3A : memref<!tpu.dma_semaphore, #tpu.memory_space<semaphore_mem>>)
      %dma_wait3A = arith.constant 0 : i32
      %dma_wait3A_30 = tpu.memref_slice %arg4[%mul3A_6, %dma_wait3A] : memref<5120x128xi32, #tpu.memory_space<hbm>> -> memref<160x128xi32, #tpu.memory_space<hbm>>
      %dma_wait3A_31 = arith.constant 0 : i32
      %dma_wait3A_32 = tpu.memref_slice %arg4[%mul3A_6, %dma_wait3A_31] : memref<5120x128xi32, #tpu.memory_space<hbm>> -> memref<160x128xi32, #tpu.memory_space<hbm>>
      tpu.wait_dma2 semaphore(%run_scoped3A : memref<!tpu.dma_semaphore, #tpu.memory_space<semaphore_mem>>) src(%dma_wait3A_32 : memref<160x128xi32, #tpu.memory_space<hbm>>) dst(%arg8 : memref<160x128xi32, #tpu.memory_space<vmem>>)
      tpu.yield
    }) : () -> ()
    %mul3A_7 = arith.constant 160 : i32
    %mul3A_8 = arith.muli %add3A, %mul3A_7 : i32
    "tpu.region"() ({
      %run_scoped3A = tpu.sem_alloc : memref<!tpu.dma_semaphore, #tpu.memory_space<semaphore_mem>>
      %dma_start3A = arith.constant 0 : i32
      %dma_start3A_27 = tpu.memref_slice %arg5[%mul3A_8, %dma_start3A] : memref<5120x128xi32, #tpu.memory_space<hbm>> -> memref<160x128xi32, #tpu.memory_space<hbm>>
      %dma_start3A_28 = arith.constant 0 : i32
      %dma_start3A_29 = tpu.memref_slice %arg5[%mul3A_8, %dma_start3A_28] : memref<5120x128xi32, #tpu.memory_space<hbm>> -> memref<160x128xi32, #tpu.memory_space<hbm>>
      tpu.enqueue_dma source(%dma_start3A_29 : memref<160x128xi32, #tpu.memory_space<hbm>>) target(%arg9 : memref<160x128xi32, #tpu.memory_space<vmem>>) target_semaphore(%run_scoped3A : memref<!tpu.dma_semaphore, #tpu.memory_space<semaphore_mem>>)
      %dma_wait3A = arith.constant 0 : i32
      %dma_wait3A_30 = tpu.memref_slice %arg5[%mul3A_8, %dma_wait3A] : memref<5120x128xi32, #tpu.memory_space<hbm>> -> memref<160x128xi32, #tpu.memory_space<hbm>>
      %dma_wait3A_31 = arith.constant 0 : i32
      %dma_wait3A_32 = tpu.memref_slice %arg5[%mul3A_8, %dma_wait3A_31] : memref<5120x128xi32, #tpu.memory_space<hbm>> -> memref<160x128xi32, #tpu.memory_space<hbm>>
      tpu.wait_dma2 semaphore(%run_scoped3A : memref<!tpu.dma_semaphore, #tpu.memory_space<semaphore_mem>>) src(%dma_wait3A_32 : memref<160x128xi32, #tpu.memory_space<hbm>>) dst(%arg9 : memref<160x128xi32, #tpu.memory_space<vmem>>)
      tpu.yield
    }) : () -> ()
    %scan3A = arith.constant 0 : i32
    %scan3A_9 = arith.constant 0 : i32
    %scan3A_10 = arith.constant 160 : i32
    %scan3A_11 = arith.addi %scan3A_9, %scan3A_10 : i32
    %scan3A_12 = arith.constant 1 : i32
    %scan3A_13 = scf.for %scan3A_27 = %scan3A_9 to %scan3A_11 step %scan3A_12 iter_args(%scan3A_28 = %scan3A) -> (i32)  : i32 {
      %mul3A_29 = arith.constant 128 : i32
      %mul3A_30 = arith.muli %scan3A_27, %mul3A_29 : i32
      %add3A_31 = arith.addi %mul3A_2, %mul3A_30 : i32
      "tpu.region"() ({
        %run_scoped3A = tpu.sem_alloc : memref<!tpu.dma_semaphore, #tpu.memory_space<semaphore_mem>>
        %dma_start3A = arith.constant 0 : i32
        %dma_start3A_33 = tpu.memref_slice %arg2[%add3A_31, %dma_start3A] : memref<655360x16xf32, #tpu.memory_space<hbm>> -> memref<128x16xf32, #tpu.memory_space<hbm>>
        %dma_start3A_34 = arith.constant 0 : i32
        %dma_start3A_35 = tpu.memref_slice %arg2[%add3A_31, %dma_start3A_34] : memref<655360x16xf32, #tpu.memory_space<hbm>> -> memref<128x16xf32, #tpu.memory_space<hbm>>
        tpu.enqueue_dma source(%dma_start3A_35 : memref<128x16xf32, #tpu.memory_space<hbm>>) target(%arg10 : memref<128x16xf32, #tpu.memory_space<vmem>>) target_semaphore(%run_scoped3A : memref<!tpu.dma_semaphore, #tpu.memory_space<semaphore_mem>>)
        %dma_wait3A = arith.constant 0 : i32
        %dma_wait3A_36 = tpu.memref_slice %arg2[%add3A_31, %dma_wait3A] : memref<655360x16xf32, #tpu.memory_space<hbm>> -> memref<128x16xf32, #tpu.memory_space<hbm>>
        %dma_wait3A_37 = arith.constant 0 : i32
        %dma_wait3A_38 = tpu.memref_slice %arg2[%add3A_31, %dma_wait3A_37] : memref<655360x16xf32, #tpu.memory_space<hbm>> -> memref<128x16xf32, #tpu.memory_space<hbm>>
        tpu.wait_dma2 semaphore(%run_scoped3A : memref<!tpu.dma_semaphore, #tpu.memory_space<semaphore_mem>>) src(%dma_wait3A_38 : memref<128x16xf32, #tpu.memory_space<hbm>>) dst(%arg10 : memref<128x16xf32, #tpu.memory_space<vmem>>)
        tpu.yield
      }) : () -> ()
      "tpu.region"() ({
        %run_scoped3A = tpu.sem_alloc : memref<!tpu.dma_semaphore, #tpu.memory_space<semaphore_mem>>
        %dma_start3A = arith.constant 0 : i32
        %dma_start3A_33 = tpu.memref_slice %arg8[%scan3A_27, %dma_start3A] : memref<160x128xi32, #tpu.memory_space<vmem>> -> memref<1x128xi32, #tpu.memory_space<vmem>>
        %dma_start3A_34 = tpu.memref_squeeze %dma_start3A_33 : memref<1x128xi32, #tpu.memory_space<vmem>> -> memref<128xi32, #tpu.memory_space<vmem>>
        %dma_start3A_35 = arith.constant 0 : i32
        %dma_start3A_36 = arith.constant 0 : i32
        %dma_start3A_37 = tpu.memref_slice %arg11[%dma_start3A_35, %dma_start3A_36] : memref<10000x16xf32, #tpu.memory_space<vmem_shared>> -> memref<10000x16xf32, #tpu.memory_space<vmem_shared>>
        tpu.enqueue_indirect_dma source(%arg10 : memref<128x16xf32, #tpu.memory_space<vmem>>) target(%dma_start3A_37 : memref<10000x16xf32, #tpu.memory_space<vmem_shared>>) offsets(%dma_start3A_34 : memref<128xi32, #tpu.memory_space<vmem>>) semaphore(%run_scoped3A : memref<!tpu.dma_semaphore, #tpu.memory_space<semaphore_mem>>) {add = true}
        %dma_wait3A = arith.constant 0 : i32
        %dma_wait3A_38 = tpu.memref_slice %arg8[%scan3A_27, %dma_wait3A] : memref<160x128xi32, #tpu.memory_space<vmem>> -> memref<1x128xi32, #tpu.memory_space<vmem>>
        %dma_wait3A_39 = tpu.memref_squeeze %dma_wait3A_38 : memref<1x128xi32, #tpu.memory_space<vmem>> -> memref<128xi32, #tpu.memory_space<vmem>>
        %dma_wait3A_40 = arith.constant 0 : i32
        %dma_wait3A_41 = arith.constant 0 : i32
        %dma_wait3A_42 = tpu.memref_slice %arg11[%dma_wait3A_40, %dma_wait3A_41] : memref<10000x16xf32, #tpu.memory_space<vmem_shared>> -> memref<10000x16xf32, #tpu.memory_space<vmem_shared>>
        tpu.wait_indirect_dma semaphore(%run_scoped3A : memref<!tpu.dma_semaphore, #tpu.memory_space<semaphore_mem>>) src(%arg10 : memref<128x16xf32, #tpu.memory_space<vmem>>) dst(%dma_wait3A_42 : memref<10000x16xf32, #tpu.memory_space<vmem_shared>>)
        tpu.yield
      }) : () -> ()
      %scan3A_32 = arith.constant 0 : i32
      scf.yield %scan3A_32 : i32
    }
    %scan3A_14 = arith.constant 160 : i32
    %scan3A_15 = arith.constant 0 : i32
    %scan3A_16 = arith.constant 0 : i32
    %scan3A_17 = arith.constant 160 : i32
    %scan3A_18 = arith.addi %scan3A_16, %scan3A_17 : i32
    %scan3A_19 = arith.constant 1 : i32
    %scan3A_20 = scf.for %scan3A_27 = %scan3A_16 to %scan3A_18 step %scan3A_19 iter_args(%scan3A_28 = %scan3A_15) -> (i32)  : i32 {
      %mul3A_29 = arith.constant 128 : i32
      %mul3A_30 = arith.muli %scan3A_27, %mul3A_29 : i32
      %add3A_31 = arith.addi %mul3A_2, %mul3A_30 : i32
      "tpu.region"() ({
        %run_scoped3A = tpu.sem_alloc : memref<!tpu.dma_semaphore, #tpu.memory_space<semaphore_mem>>
        %dma_start3A = arith.constant 0 : i32
        %dma_start3A_33 = tpu.memref_slice %arg3[%add3A_31, %dma_start3A] : memref<655360x16xf32, #tpu.memory_space<hbm>> -> memref<128x16xf32, #tpu.memory_space<hbm>>
        %dma_start3A_34 = arith.constant 0 : i32
        %dma_start3A_35 = tpu.memref_slice %arg3[%add3A_31, %dma_start3A_34] : memref<655360x16xf32, #tpu.memory_space<hbm>> -> memref<128x16xf32, #tpu.memory_space<hbm>>
        tpu.enqueue_dma source(%dma_start3A_35 : memref<128x16xf32, #tpu.memory_space<hbm>>) target(%arg10 : memref<128x16xf32, #tpu.memory_space<vmem>>) target_semaphore(%run_scoped3A : memref<!tpu.dma_semaphore, #tpu.memory_space<semaphore_mem>>)
        %dma_wait3A = arith.constant 0 : i32
        %dma_wait3A_36 = tpu.memref_slice %arg3[%add3A_31, %dma_wait3A] : memref<655360x16xf32, #tpu.memory_space<hbm>> -> memref<128x16xf32, #tpu.memory_space<hbm>>
        %dma_wait3A_37 = arith.constant 0 : i32
        %dma_wait3A_38 = tpu.memref_slice %arg3[%add3A_31, %dma_wait3A_37] : memref<655360x16xf32, #tpu.memory_space<hbm>> -> memref<128x16xf32, #tpu.memory_space<hbm>>
        tpu.wait_dma2 semaphore(%run_scoped3A : memref<!tpu.dma_semaphore, #tpu.memory_space<semaphore_mem>>) src(%dma_wait3A_38 : memref<128x16xf32, #tpu.memory_space<hbm>>) dst(%arg10 : memref<128x16xf32, #tpu.memory_space<vmem>>)
        tpu.yield
      }) : () -> ()
      "tpu.region"() ({
        %run_scoped3A = tpu.sem_alloc : memref<!tpu.dma_semaphore, #tpu.memory_space<semaphore_mem>>
        %dma_start3A = arith.constant 0 : i32
        %dma_start3A_33 = tpu.memref_slice %arg9[%scan3A_27, %dma_start3A] : memref<160x128xi32, #tpu.memory_space<vmem>> -> memref<1x128xi32, #tpu.memory_space<vmem>>
        %dma_start3A_34 = tpu.memref_squeeze %dma_start3A_33 : memref<1x128xi32, #tpu.memory_space<vmem>> -> memref<128xi32, #tpu.memory_space<vmem>>
        %dma_start3A_35 = arith.constant 0 : i32
        %dma_start3A_36 = arith.constant 0 : i32
        %dma_start3A_37 = tpu.memref_slice %arg11[%dma_start3A_35, %dma_start3A_36] : memref<10000x16xf32, #tpu.memory_space<vmem_shared>> -> memref<10000x16xf32, #tpu.memory_space<vmem_shared>>
        tpu.enqueue_indirect_dma source(%arg10 : memref<128x16xf32, #tpu.memory_space<vmem>>) target(%dma_start3A_37 : memref<10000x16xf32, #tpu.memory_space<vmem_shared>>) offsets(%dma_start3A_34 : memref<128xi32, #tpu.memory_space<vmem>>) semaphore(%run_scoped3A : memref<!tpu.dma_semaphore, #tpu.memory_space<semaphore_mem>>) {add = true}
        %dma_wait3A = arith.constant 0 : i32
        %dma_wait3A_38 = tpu.memref_slice %arg9[%scan3A_27, %dma_wait3A] : memref<160x128xi32, #tpu.memory_space<vmem>> -> memref<1x128xi32, #tpu.memory_space<vmem>>
        %dma_wait3A_39 = tpu.memref_squeeze %dma_wait3A_38 : memref<1x128xi32, #tpu.memory_space<vmem>> -> memref<128xi32, #tpu.memory_space<vmem>>
        %dma_wait3A_40 = arith.constant 0 : i32
        %dma_wait3A_41 = arith.constant 0 : i32
        %dma_wait3A_42 = tpu.memref_slice %arg11[%dma_wait3A_40, %dma_wait3A_41] : memref<10000x16xf32, #tpu.memory_space<vmem_shared>> -> memref<10000x16xf32, #tpu.memory_space<vmem_shared>>
        tpu.wait_indirect_dma semaphore(%run_scoped3A : memref<!tpu.dma_semaphore, #tpu.memory_space<semaphore_mem>>) src(%arg10 : memref<128x16xf32, #tpu.memory_space<vmem>>) dst(%dma_wait3A_42 : memref<10000x16xf32, #tpu.memory_space<vmem_shared>>)
        tpu.yield
      }) : () -> ()
      %scan3A_32 = arith.constant 0 : i32
      scf.yield %scan3A_32 : i32
    }
    %scan3A_21 = arith.constant 160 : i32
    %barrier3A_22 = arith.constant 0 : index
    tpu.barrier barrier_id(%barrier3A_22)
    %mul3A_23 = arith.constant 625 : i32
    %mul3A_24 = arith.muli %arg1, %mul3A_23 : i32
    %mul3A_25 = arith.constant 625 : i32
    %mul3A_26 = arith.muli %arg1, %mul3A_25 : i32
    "tpu.region"() ({
      %run_scoped3A = tpu.sem_alloc : memref<!tpu.dma_semaphore, #tpu.memory_space<semaphore_mem>>
      %dma_start3A = arith.constant 0 : i32
      %dma_start3A_27 = tpu.memref_slice %arg7[%arg0, %mul3A_26, %dma_start3A] : memref<2x10000x16xf32, #tpu.memory_space<hbm>> -> memref<1x625x16xf32, #tpu.memory_space<hbm>>
      %dma_start3A_28 = tpu.memref_squeeze %dma_start3A_27 : memref<1x625x16xf32, #tpu.memory_space<hbm>> -> memref<625x16xf32, #tpu.memory_space<hbm>>
      %dma_start3A_29 = arith.constant 0 : i32
      %dma_start3A_30 = tpu.memref_slice %arg11[%mul3A_24, %dma_start3A_29] : memref<10000x16xf32, #tpu.memory_space<vmem_shared>> -> memref<625x16xf32, #tpu.memory_space<vmem_shared>>
      tpu.enqueue_dma source(%dma_start3A_30 : memref<625x16xf32, #tpu.memory_space<vmem_shared>>) target(%dma_start3A_28 : memref<625x16xf32, #tpu.memory_space<hbm>>) target_semaphore(%run_scoped3A : memref<!tpu.dma_semaphore, #tpu.memory_space<semaphore_mem>>)
      %dma_wait3A = arith.constant 0 : i32
      %dma_wait3A_31 = tpu.memref_slice %arg7[%arg0, %mul3A_26, %dma_wait3A] : memref<2x10000x16xf32, #tpu.memory_space<hbm>> -> memref<1x625x16xf32, #tpu.memory_space<hbm>>
      %dma_wait3A_32 = tpu.memref_squeeze %dma_wait3A_31 : memref<1x625x16xf32, #tpu.memory_space<hbm>> -> memref<625x16xf32, #tpu.memory_space<hbm>>
      %dma_wait3A_33 = arith.constant 0 : i32
      %dma_wait3A_34 = tpu.memref_slice %arg11[%mul3A_24, %dma_wait3A_33] : memref<10000x16xf32, #tpu.memory_space<vmem_shared>> -> memref<625x16xf32, #tpu.memory_space<vmem_shared>>
      tpu.wait_dma2 semaphore(%run_scoped3A : memref<!tpu.dma_semaphore, #tpu.memory_space<semaphore_mem>>) src(%dma_wait3A_34 : memref<625x16xf32, #tpu.memory_space<vmem_shared>>) dst(%dma_wait3A_32 : memref<625x16xf32, #tpu.memory_space<hbm>>)
      tpu.yield
    }) : () -> ()
    return
  }
}

#map = affine_map<(d0, d1) -> (0, 0)>
#map1 = affine_map<(d0, d1) -> (0, 0, 0)>
module attributes {stable_mosaic.version = 14 : i64} {
  func.func @scatter2(%arg0: i32, %arg1: i32, %arg2: memref<655360x16xf32, #tpu.memory_space<hbm>>, %arg3: memref<655360x16xf32, #tpu.memory_space<hbm>>, %arg4: memref<5120x128xi32, #tpu.memory_space<hbm>>, %arg5: memref<5120x128xi32, #tpu.memory_space<hbm>>, %arg6: memref<10000x16xf32, #tpu.memory_space<hbm>>, %arg7: memref<2x10000x16xf32, #tpu.memory_space<hbm>>, %arg8: memref<160x128xi32, #tpu.memory_space<vmem>>, %arg9: memref<160x128xi32, #tpu.memory_space<vmem>>, %arg10: memref<128x16xf32, #tpu.memory_space<vmem>>, %arg11: memref<10000x16xf32, #tpu.memory_space<vmem_shared>>) attributes {dimension_semantics = [#tpu.dimension_semantics<core_parallel>, #tpu.dimension_semantics<subcore_parallel>], iteration_bounds = array<i64: 2, 16>, scalar_prefetch = 0 : i64, scratch_operands = 4 : i64, tpu.core_type = #tpu.core_type<sc_vector_subcore>, window_params = [{transform_indices = #map}, {transform_indices = #map}, {transform_indices = #map}, {transform_indices = #map}, {transform_indices = #map}, {transform_indices = #map1}]} {
    %mul3A = arith.constant 2 : i32
    %mul3A_0 = arith.muli %arg1, %mul3A : i32
    %add3A = arith.addi %mul3A_0, %arg0 : i32
    %mul3A_1 = arith.constant 20480 : i32
    %mul3A_2 = arith.muli %add3A, %mul3A_1 : i32
    %eq3A = arith.constant 0 : i32
    %eq3A_3 = arith.cmpi eq, %arg1, %eq3A : i32
    %convert_element_type3A = arith.extui %eq3A_3 : i1 to i32
    %cond3A = arith.constant 0 : i32
    %cond3A_4 = arith.cmpi ne, %convert_element_type3A, %cond3A : i32
    scf.if %cond3A_4 {
      "tpu.region"() ({
        %run_scoped3A = tpu.sem_alloc : memref<!tpu.dma_semaphore, #tpu.memory_space<semaphore_mem>>
        tpu.enqueue_dma source(%arg6 : memref<10000x16xf32, #tpu.memory_space<hbm>>) target(%arg11 : memref<10000x16xf32, #tpu.memory_space<vmem_shared>>) target_semaphore(%run_scoped3A : memref<!tpu.dma_semaphore, #tpu.memory_space<semaphore_mem>>)
        tpu.wait_dma2 semaphore(%run_scoped3A : memref<!tpu.dma_semaphore, #tpu.memory_space<semaphore_mem>>) src(%arg6 : memref<10000x16xf32, #tpu.memory_space<hbm>>) dst(%arg11 : memref<10000x16xf32, #tpu.memory_space<vmem_shared>>)
        tpu.yield
      }) : () -> ()
    } else {
    }
    %barrier3A = arith.constant 0 : index
    tpu.barrier barrier_id(%barrier3A)
    %mul3A_5 = arith.constant 160 : i32
    %mul3A_6 = arith.muli %add3A, %mul3A_5 : i32
    "tpu.region"() ({
      %run_scoped3A = tpu.sem_alloc : memref<!tpu.dma_semaphore, #tpu.memory_space<semaphore_mem>>
      %dma_start3A = arith.constant 0 : i32
      %dma_start3A_27 = tpu.memref_slice %arg4[%mul3A_6, %dma_start3A] : memref<5120x128xi32, #tpu.memory_space<hbm>> -> memref<160x128xi32, #tpu.memory_space<hbm>>
      %dma_start3A_28 = arith.constant 0 : i32
      %dma_start3A_29 = tpu.memref_slice %arg4[%mul3A_6, %dma_start3A_28] : memref<5120x128xi32, #tpu.memory_space<hbm>> -> memref<160x128xi32, #tpu.memory_space<hbm>>
      tpu.enqueue_dma source(%dma_start3A_29 : memref<160x128xi32, #tpu.memory_space<hbm>>) target(%arg8 : memref<160x128xi32, #tpu.memory_space<vmem>>) target_semaphore(%run_scoped3A : memref<!tpu.dma_semaphore, #tpu.memory_space<semaphore_mem>>)
      %dma_wait3A = arith.constant 0 : i32
      %dma_wait3A_30 = tpu.memref_slice %arg4[%mul3A_6, %dma_wait3A] : memref<5120x128xi32, #tpu.memory_space<hbm>> -> memref<160x128xi32, #tpu.memory_space<hbm>>
      %dma_wait3A_31 = arith.constant 0 : i32
      %dma_wait3A_32 = tpu.memref_slice %arg4[%mul3A_6, %dma_wait3A_31] : memref<5120x128xi32, #tpu.memory_space<hbm>> -> memref<160x128xi32, #tpu.memory_space<hbm>>
      tpu.wait_dma2 semaphore(%run_scoped3A : memref<!tpu.dma_semaphore, #tpu.memory_space<semaphore_mem>>) src(%dma_wait3A_32 : memref<160x128xi32, #tpu.memory_space<hbm>>) dst(%arg8 : memref<160x128xi32, #tpu.memory_space<vmem>>)
      tpu.yield
    }) : () -> ()
    %mul3A_7 = arith.constant 160 : i32
    %mul3A_8 = arith.muli %add3A, %mul3A_7 : i32
    "tpu.region"() ({
      %run_scoped3A = tpu.sem_alloc : memref<!tpu.dma_semaphore, #tpu.memory_space<semaphore_mem>>
      %dma_start3A = arith.constant 0 : i32
      %dma_start3A_27 = tpu.memref_slice %arg5[%mul3A_8, %dma_start3A] : memref<5120x128xi32, #tpu.memory_space<hbm>> -> memref<160x128xi32, #tpu.memory_space<hbm>>
      %dma_start3A_28 = arith.constant 0 : i32
      %dma_start3A_29 = tpu.memref_slice %arg5[%mul3A_8, %dma_start3A_28] : memref<5120x128xi32, #tpu.memory_space<hbm>> -> memref<160x128xi32, #tpu.memory_space<hbm>>
      tpu.enqueue_dma source(%dma_start3A_29 : memref<160x128xi32, #tpu.memory_space<hbm>>) target(%arg9 : memref<160x128xi32, #tpu.memory_space<vmem>>) target_semaphore(%run_scoped3A : memref<!tpu.dma_semaphore, #tpu.memory_space<semaphore_mem>>)
      %dma_wait3A = arith.constant 0 : i32
      %dma_wait3A_30 = tpu.memref_slice %arg5[%mul3A_8, %dma_wait3A] : memref<5120x128xi32, #tpu.memory_space<hbm>> -> memref<160x128xi32, #tpu.memory_space<hbm>>
      %dma_wait3A_31 = arith.constant 0 : i32
      %dma_wait3A_32 = tpu.memref_slice %arg5[%mul3A_8, %dma_wait3A_31] : memref<5120x128xi32, #tpu.memory_space<hbm>> -> memref<160x128xi32, #tpu.memory_space<hbm>>
      tpu.wait_dma2 semaphore(%run_scoped3A : memref<!tpu.dma_semaphore, #tpu.memory_space<semaphore_mem>>) src(%dma_wait3A_32 : memref<160x128xi32, #tpu.memory_space<hbm>>) dst(%arg9 : memref<160x128xi32, #tpu.memory_space<vmem>>)
      tpu.yield
    }) : () -> ()
    %scan3A = arith.constant 0 : i32
    %scan3A_9 = arith.constant 0 : i32
    %scan3A_10 = arith.constant 160 : i32
    %scan3A_11 = arith.addi %scan3A_9, %scan3A_10 : i32
    %scan3A_12 = arith.constant 1 : i32
    %scan3A_13 = scf.for %scan3A_27 = %scan3A_9 to %scan3A_11 step %scan3A_12 iter_args(%scan3A_28 = %scan3A) -> (i32)  : i32 {
      %mul3A_29 = arith.constant 128 : i32
      %mul3A_30 = arith.muli %scan3A_27, %mul3A_29 : i32
      %add3A_31 = arith.addi %mul3A_2, %mul3A_30 : i32
      "tpu.region"() ({
        %run_scoped3A = tpu.sem_alloc : memref<!tpu.dma_semaphore, #tpu.memory_space<semaphore_mem>>
        %dma_start3A = arith.constant 0 : i32
        %dma_start3A_33 = tpu.memref_slice %arg2[%add3A_31, %dma_start3A] : memref<655360x16xf32, #tpu.memory_space<hbm>> -> memref<128x16xf32, #tpu.memory_space<hbm>>
        %dma_start3A_34 = arith.constant 0 : i32
        %dma_start3A_35 = tpu.memref_slice %arg2[%add3A_31, %dma_start3A_34] : memref<655360x16xf32, #tpu.memory_space<hbm>> -> memref<128x16xf32, #tpu.memory_space<hbm>>
        tpu.enqueue_dma source(%dma_start3A_35 : memref<128x16xf32, #tpu.memory_space<hbm>>) target(%arg10 : memref<128x16xf32, #tpu.memory_space<vmem>>) target_semaphore(%run_scoped3A : memref<!tpu.dma_semaphore, #tpu.memory_space<semaphore_mem>>)
        %dma_wait3A = arith.constant 0 : i32
        %dma_wait3A_36 = tpu.memref_slice %arg2[%add3A_31, %dma_wait3A] : memref<655360x16xf32, #tpu.memory_space<hbm>> -> memref<128x16xf32, #tpu.memory_space<hbm>>
        %dma_wait3A_37 = arith.constant 0 : i32
        %dma_wait3A_38 = tpu.memref_slice %arg2[%add3A_31, %dma_wait3A_37] : memref<655360x16xf32, #tpu.memory_space<hbm>> -> memref<128x16xf32, #tpu.memory_space<hbm>>
        tpu.wait_dma2 semaphore(%run_scoped3A : memref<!tpu.dma_semaphore, #tpu.memory_space<semaphore_mem>>) src(%dma_wait3A_38 : memref<128x16xf32, #tpu.memory_space<hbm>>) dst(%arg10 : memref<128x16xf32, #tpu.memory_space<vmem>>)
        tpu.yield
      }) : () -> ()
      "tpu.region"() ({
        %run_scoped3A = tpu.sem_alloc : memref<!tpu.dma_semaphore, #tpu.memory_space<semaphore_mem>>
        %dma_start3A = arith.constant 0 : i32
        %dma_start3A_33 = tpu.memref_slice %arg8[%scan3A_27, %dma_start3A] : memref<160x128xi32, #tpu.memory_space<vmem>> -> memref<1x128xi32, #tpu.memory_space<vmem>>
        %dma_start3A_34 = tpu.memref_squeeze %dma_start3A_33 : memref<1x128xi32, #tpu.memory_space<vmem>> -> memref<128xi32, #tpu.memory_space<vmem>>
        %dma_start3A_35 = arith.constant 0 : i32
        %dma_start3A_36 = arith.constant 0 : i32
        %dma_start3A_37 = tpu.memref_slice %arg11[%dma_start3A_35, %dma_start3A_36] : memref<10000x16xf32, #tpu.memory_space<vmem_shared>> -> memref<10000x16xf32, #tpu.memory_space<vmem_shared>>
        tpu.enqueue_indirect_dma source(%arg10 : memref<128x16xf32, #tpu.memory_space<vmem>>) target(%dma_start3A_37 : memref<10000x16xf32, #tpu.memory_space<vmem_shared>>) offsets(%dma_start3A_34 : memref<128xi32, #tpu.memory_space<vmem>>) semaphore(%run_scoped3A : memref<!tpu.dma_semaphore, #tpu.memory_space<semaphore_mem>>) {add = true}
        %dma_wait3A = arith.constant 0 : i32
        %dma_wait3A_38 = tpu.memref_slice %arg8[%scan3A_27, %dma_wait3A] : memref<160x128xi32, #tpu.memory_space<vmem>> -> memref<1x128xi32, #tpu.memory_space<vmem>>
        %dma_wait3A_39 = tpu.memref_squeeze %dma_wait3A_38 : memref<1x128xi32, #tpu.memory_space<vmem>> -> memref<128xi32, #tpu.memory_space<vmem>>
        %dma_wait3A_40 = arith.constant 0 : i32
        %dma_wait3A_41 = arith.constant 0 : i32
        %dma_wait3A_42 = tpu.memref_slice %arg11[%dma_wait3A_40, %dma_wait3A_41] : memref<10000x16xf32, #tpu.memory_space<vmem_shared>> -> memref<10000x16xf32, #tpu.memory_space<vmem_shared>>
        tpu.wait_indirect_dma semaphore(%run_scoped3A : memref<!tpu.dma_semaphore, #tpu.memory_space<semaphore_mem>>) src(%arg10 : memref<128x16xf32, #tpu.memory_space<vmem>>) dst(%dma_wait3A_42 : memref<10000x16xf32, #tpu.memory_space<vmem_shared>>)
        tpu.yield
      }) : () -> ()
      %scan3A_32 = arith.constant 0 : i32
      scf.yield %scan3A_32 : i32
    }
    %scan3A_14 = arith.constant 160 : i32
    %scan3A_15 = arith.constant 0 : i32
    %scan3A_16 = arith.constant 0 : i32
    %scan3A_17 = arith.constant 160 : i32
    %scan3A_18 = arith.addi %scan3A_16, %scan3A_17 : i32
    %scan3A_19 = arith.constant 1 : i32
    %scan3A_20 = scf.for %scan3A_27 = %scan3A_16 to %scan3A_18 step %scan3A_19 iter_args(%scan3A_28 = %scan3A_15) -> (i32)  : i32 {
      %mul3A_29 = arith.constant 128 : i32
      %mul3A_30 = arith.muli %scan3A_27, %mul3A_29 : i32
      %add3A_31 = arith.addi %mul3A_2, %mul3A_30 : i32
      "tpu.region"() ({
        %run_scoped3A = tpu.sem_alloc : memref<!tpu.dma_semaphore, #tpu.memory_space<semaphore_mem>>
        %dma_start3A = arith.constant 0 : i32
        %dma_start3A_33 = tpu.memref_slice %arg3[%add3A_31, %dma_start3A] : memref<655360x16xf32, #tpu.memory_space<hbm>> -> memref<128x16xf32, #tpu.memory_space<hbm>>
        %dma_start3A_34 = arith.constant 0 : i32
        %dma_start3A_35 = tpu.memref_slice %arg3[%add3A_31, %dma_start3A_34] : memref<655360x16xf32, #tpu.memory_space<hbm>> -> memref<128x16xf32, #tpu.memory_space<hbm>>
        tpu.enqueue_dma source(%dma_start3A_35 : memref<128x16xf32, #tpu.memory_space<hbm>>) target(%arg10 : memref<128x16xf32, #tpu.memory_space<vmem>>) target_semaphore(%run_scoped3A : memref<!tpu.dma_semaphore, #tpu.memory_space<semaphore_mem>>)
        %dma_wait3A = arith.constant 0 : i32
        %dma_wait3A_36 = tpu.memref_slice %arg3[%add3A_31, %dma_wait3A] : memref<655360x16xf32, #tpu.memory_space<hbm>> -> memref<128x16xf32, #tpu.memory_space<hbm>>
        %dma_wait3A_37 = arith.constant 0 : i32
        %dma_wait3A_38 = tpu.memref_slice %arg3[%add3A_31, %dma_wait3A_37] : memref<655360x16xf32, #tpu.memory_space<hbm>> -> memref<128x16xf32, #tpu.memory_space<hbm>>
        tpu.wait_dma2 semaphore(%run_scoped3A : memref<!tpu.dma_semaphore, #tpu.memory_space<semaphore_mem>>) src(%dma_wait3A_38 : memref<128x16xf32, #tpu.memory_space<hbm>>) dst(%arg10 : memref<128x16xf32, #tpu.memory_space<vmem>>)
        tpu.yield
      }) : () -> ()
      "tpu.region"() ({
        %run_scoped3A = tpu.sem_alloc : memref<!tpu.dma_semaphore, #tpu.memory_space<semaphore_mem>>
        %dma_start3A = arith.constant 0 : i32
        %dma_start3A_33 = tpu.memref_slice %arg9[%scan3A_27, %dma_start3A] : memref<160x128xi32, #tpu.memory_space<vmem>> -> memref<1x128xi32, #tpu.memory_space<vmem>>
        %dma_start3A_34 = tpu.memref_squeeze %dma_start3A_33 : memref<1x128xi32, #tpu.memory_space<vmem>> -> memref<128xi32, #tpu.memory_space<vmem>>
        %dma_start3A_35 = arith.constant 0 : i32
        %dma_start3A_36 = arith.constant 0 : i32
        %dma_start3A_37 = tpu.memref_slice %arg11[%dma_start3A_35, %dma_start3A_36] : memref<10000x16xf32, #tpu.memory_space<vmem_shared>> -> memref<10000x16xf32, #tpu.memory_space<vmem_shared>>
        tpu.enqueue_indirect_dma source(%arg10 : memref<128x16xf32, #tpu.memory_space<vmem>>) target(%dma_start3A_37 : memref<10000x16xf32, #tpu.memory_space<vmem_shared>>) offsets(%dma_start3A_34 : memref<128xi32, #tpu.memory_space<vmem>>) semaphore(%run_scoped3A : memref<!tpu.dma_semaphore, #tpu.memory_space<semaphore_mem>>) {add = true}
        %dma_wait3A = arith.constant 0 : i32
        %dma_wait3A_38 = tpu.memref_slice %arg9[%scan3A_27, %dma_wait3A] : memref<160x128xi32, #tpu.memory_space<vmem>> -> memref<1x128xi32, #tpu.memory_space<vmem>>
        %dma_wait3A_39 = tpu.memref_squeeze %dma_wait3A_38 : memref<1x128xi32, #tpu.memory_space<vmem>> -> memref<128xi32, #tpu.memory_space<vmem>>
        %dma_wait3A_40 = arith.constant 0 : i32
        %dma_wait3A_41 = arith.constant 0 : i32
        %dma_wait3A_42 = tpu.memref_slice %arg11[%dma_wait3A_40, %dma_wait3A_41] : memref<10000x16xf32, #tpu.memory_space<vmem_shared>> -> memref<10000x16xf32, #tpu.memory_space<vmem_shared>>
        tpu.wait_indirect_dma semaphore(%run_scoped3A : memref<!tpu.dma_semaphore, #tpu.memory_space<semaphore_mem>>) src(%arg10 : memref<128x16xf32, #tpu.memory_space<vmem>>) dst(%dma_wait3A_42 : memref<10000x16xf32, #tpu.memory_space<vmem_shared>>)
        tpu.yield
      }) : () -> ()
      %scan3A_32 = arith.constant 0 : i32
      scf.yield %scan3A_32 : i32
    }
    %scan3A_21 = arith.constant 160 : i32
    %barrier3A_22 = arith.constant 0 : index
    tpu.barrier barrier_id(%barrier3A_22)
    %mul3A_23 = arith.constant 625 : i32
    %mul3A_24 = arith.muli %arg1, %mul3A_23 : i32
    %mul3A_25 = arith.constant 625 : i32
    %mul3A_26 = arith.muli %arg1, %mul3A_25 : i32
    "tpu.region"() ({
      %run_scoped3A = tpu.sem_alloc : memref<!tpu.dma_semaphore, #tpu.memory_space<semaphore_mem>>
      %dma_start3A = arith.constant 0 : i32
      %dma_start3A_27 = tpu.memref_slice %arg7[%arg0, %mul3A_26, %dma_start3A] : memref<2x10000x16xf32, #tpu.memory_space<hbm>> -> memref<1x625x16xf32, #tpu.memory_space<hbm>>
      %dma_start3A_28 = tpu.memref_squeeze %dma_start3A_27 : memref<1x625x16xf32, #tpu.memory_space<hbm>> -> memref<625x16xf32, #tpu.memory_space<hbm>>
      %dma_start3A_29 = arith.constant 0 : i32
      %dma_start3A_30 = tpu.memref_slice %arg11[%mul3A_24, %dma_start3A_29] : memref<10000x16xf32, #tpu.memory_space<vmem_shared>> -> memref<625x16xf32, #tpu.memory_space<vmem_shared>>
      tpu.enqueue_dma source(%dma_start3A_30 : memref<625x16xf32, #tpu.memory_space<vmem_shared>>) target(%dma_start3A_28 : memref<625x16xf32, #tpu.memory_space<hbm>>) target_semaphore(%run_scoped3A : memref<!tpu.dma_semaphore, #tpu.memory_space<semaphore_mem>>)
      %dma_wait3A = arith.constant 0 : i32
      %dma_wait3A_31 = tpu.memref_slice %arg7[%arg0, %mul3A_26, %dma_wait3A] : memref<2x10000x16xf32, #tpu.memory_space<hbm>> -> memref<1x625x16xf32, #tpu.memory_space<hbm>>
      %dma_wait3A_32 = tpu.memref_squeeze %dma_wait3A_31 : memref<1x625x16xf32, #tpu.memory_space<hbm>> -> memref<625x16xf32, #tpu.memory_space<hbm>>
      %dma_wait3A_33 = arith.constant 0 : i32
      %dma_wait3A_34 = tpu.memref_slice %arg11[%mul3A_24, %dma_wait3A_33] : memref<10000x16xf32, #tpu.memory_space<vmem_shared>> -> memref<625x16xf32, #tpu.memory_space<vmem_shared>>
      tpu.wait_dma2 semaphore(%run_scoped3A : memref<!tpu.dma_semaphore, #tpu.memory_space<semaphore_mem>>) src(%dma_wait3A_34 : memref<625x16xf32, #tpu.memory_space<vmem_shared>>) dst(%dma_wait3A_32 : memref<625x16xf32, #tpu.memory_space<hbm>>)
      tpu.yield
    }) : () -> ()
    return
  }
}

#map = affine_map<(d0, d1) -> (0, 0)>
module attributes {stable_mosaic.version = 14 : i64} {
  func.func @gather2(%arg0: i32, %arg1: i32, %arg2: memref<10000x16xf32, #tpu.memory_space<hbm>>, %arg3: memref<5120x128xi32, #tpu.memory_space<hbm>>, %arg4: memref<5120x128xi32, #tpu.memory_space<hbm>>, %arg5: memref<655360x16xf32, #tpu.memory_space<hbm>>, %arg6: memref<655360x16xf32, #tpu.memory_space<hbm>>, %arg7: memref<160x128xi32, #tpu.memory_space<vmem>>, %arg8: memref<160x128xi32, #tpu.memory_space<vmem>>, %arg9: memref<1024x16xf32, #tpu.memory_space<vmem>>, %arg10: memref<!tpu.dma_semaphore, #tpu.memory_space<semaphore_mem>>) attributes {dimension_semantics = [#tpu.dimension_semantics<core_parallel>, #tpu.dimension_semantics<subcore_parallel>], iteration_bounds = array<i64: 2, 16>, scalar_prefetch = 0 : i64, scratch_operands = 4 : i64, tpu.core_type = #tpu.core_type<sc_vector_subcore>, window_params = [{transform_indices = #map}, {transform_indices = #map}, {transform_indices = #map}, {transform_indices = #map}, {transform_indices = #map}]} {
    %mul3A = arith.constant 2 : i32
    %mul3A_0 = arith.muli %arg1, %mul3A : i32
    %add3A = arith.addi %mul3A_0, %arg0 : i32
    %mul3A_1 = arith.constant 20480 : i32
    %mul3A_2 = arith.muli %add3A, %mul3A_1 : i32
    %mul3A_3 = arith.constant 160 : i32
    %mul3A_4 = arith.muli %add3A, %mul3A_3 : i32
    "tpu.region"() ({
      %run_scoped3A = tpu.sem_alloc : memref<!tpu.dma_semaphore, #tpu.memory_space<semaphore_mem>>
      %dma_start3A = arith.constant 0 : i32
      %dma_start3A_20 = tpu.memref_slice %arg3[%mul3A_4, %dma_start3A] : memref<5120x128xi32, #tpu.memory_space<hbm>> -> memref<160x128xi32, #tpu.memory_space<hbm>>
      %dma_start3A_21 = arith.constant 0 : i32
      %dma_start3A_22 = tpu.memref_slice %arg3[%mul3A_4, %dma_start3A_21] : memref<5120x128xi32, #tpu.memory_space<hbm>> -> memref<160x128xi32, #tpu.memory_space<hbm>>
      tpu.enqueue_dma source(%dma_start3A_22 : memref<160x128xi32, #tpu.memory_space<hbm>>) target(%arg7 : memref<160x128xi32, #tpu.memory_space<vmem>>) target_semaphore(%run_scoped3A : memref<!tpu.dma_semaphore, #tpu.memory_space<semaphore_mem>>)
      %dma_wait3A = arith.constant 0 : i32
      %dma_wait3A_23 = tpu.memref_slice %arg3[%mul3A_4, %dma_wait3A] : memref<5120x128xi32, #tpu.memory_space<hbm>> -> memref<160x128xi32, #tpu.memory_space<hbm>>
      %dma_wait3A_24 = arith.constant 0 : i32
      %dma_wait3A_25 = tpu.memref_slice %arg3[%mul3A_4, %dma_wait3A_24] : memref<5120x128xi32, #tpu.memory_space<hbm>> -> memref<160x128xi32, #tpu.memory_space<hbm>>
      tpu.wait_dma2 semaphore(%run_scoped3A : memref<!tpu.dma_semaphore, #tpu.memory_space<semaphore_mem>>) src(%dma_wait3A_25 : memref<160x128xi32, #tpu.memory_space<hbm>>) dst(%arg7 : memref<160x128xi32, #tpu.memory_space<vmem>>)
      tpu.yield
    }) : () -> ()
    %mul3A_5 = arith.constant 160 : i32
    %mul3A_6 = arith.muli %add3A, %mul3A_5 : i32
    "tpu.region"() ({
      %run_scoped3A = tpu.sem_alloc : memref<!tpu.dma_semaphore, #tpu.memory_space<semaphore_mem>>
      %dma_start3A = arith.constant 0 : i32
      %dma_start3A_20 = tpu.memref_slice %arg4[%mul3A_6, %dma_start3A] : memref<5120x128xi32, #tpu.memory_space<hbm>> -> memref<160x128xi32, #tpu.memory_space<hbm>>
      %dma_start3A_21 = arith.constant 0 : i32
      %dma_start3A_22 = tpu.memref_slice %arg4[%mul3A_6, %dma_start3A_21] : memref<5120x128xi32, #tpu.memory_space<hbm>> -> memref<160x128xi32, #tpu.memory_space<hbm>>
      tpu.enqueue_dma source(%dma_start3A_22 : memref<160x128xi32, #tpu.memory_space<hbm>>) target(%arg8 : memref<160x128xi32, #tpu.memory_space<vmem>>) target_semaphore(%run_scoped3A : memref<!tpu.dma_semaphore, #tpu.memory_space<semaphore_mem>>)
      %dma_wait3A = arith.constant 0 : i32
      %dma_wait3A_23 = tpu.memref_slice %arg4[%mul3A_6, %dma_wait3A] : memref<5120x128xi32, #tpu.memory_space<hbm>> -> memref<160x128xi32, #tpu.memory_space<hbm>>
      %dma_wait3A_24 = arith.constant 0 : i32
      %dma_wait3A_25 = tpu.memref_slice %arg4[%mul3A_6, %dma_wait3A_24] : memref<5120x128xi32, #tpu.memory_space<hbm>> -> memref<160x128xi32, #tpu.memory_space<hbm>>
      tpu.wait_dma2 semaphore(%run_scoped3A : memref<!tpu.dma_semaphore, #tpu.memory_space<semaphore_mem>>) src(%dma_wait3A_25 : memref<160x128xi32, #tpu.memory_space<hbm>>) dst(%arg8 : memref<160x128xi32, #tpu.memory_space<vmem>>)
      tpu.yield
    }) : () -> ()
    %scan3A = arith.constant 0 : i32
    %scan3A_7 = arith.constant 0 : i32
    %scan3A_8 = arith.constant 20 : i32
    %scan3A_9 = arith.addi %scan3A_7, %scan3A_8 : i32
    %scan3A_10 = arith.constant 1 : i32
    %scan3A_11 = scf.for %scan3A_20 = %scan3A_7 to %scan3A_9 step %scan3A_10 iter_args(%scan3A_21 = %scan3A) -> (i32)  : i32 {
      %mul3A_22 = arith.constant 8 : i32
      %mul3A_23 = arith.muli %scan3A_20, %mul3A_22 : i32
      %add3A_24 = arith.constant 0 : i32
      %add3A_25 = arith.addi %mul3A_23, %add3A_24 : i32
      %dma_start3A = arith.constant 0 : i32
      %dma_start3A_26 = arith.constant 0 : i32
      %dma_start3A_27 = tpu.memref_slice %arg9[%dma_start3A, %dma_start3A_26] : memref<1024x16xf32, #tpu.memory_space<vmem>> -> memref<128x16xf32, #tpu.memory_space<vmem>>
      %dma_start3A_28 = arith.constant 0 : i32
      %dma_start3A_29 = tpu.memref_slice %arg7[%add3A_25, %dma_start3A_28] : memref<160x128xi32, #tpu.memory_space<vmem>> -> memref<1x128xi32, #tpu.memory_space<vmem>>
      %dma_start3A_30 = tpu.memref_squeeze %dma_start3A_29 : memref<1x128xi32, #tpu.memory_space<vmem>> -> memref<128xi32, #tpu.memory_space<vmem>>
      %dma_start3A_31 = arith.constant 0 : i32
      %dma_start3A_32 = arith.constant 0 : i32
      %dma_start3A_33 = tpu.memref_slice %arg2[%dma_start3A_31, %dma_start3A_32] : memref<10000x16xf32, #tpu.memory_space<hbm>> -> memref<10000x16xf32, #tpu.memory_space<hbm>>
      tpu.enqueue_indirect_dma source(%dma_start3A_33 : memref<10000x16xf32, #tpu.memory_space<hbm>>) target(%dma_start3A_27 : memref<128x16xf32, #tpu.memory_space<vmem>>) offsets(%dma_start3A_30 : memref<128xi32, #tpu.memory_space<vmem>>) semaphore(%arg10 : memref<!tpu.dma_semaphore, #tpu.memory_space<semaphore_mem>>)
      %mul3A_34 = arith.constant 8 : i32
      %mul3A_35 = arith.muli %scan3A_20, %mul3A_34 : i32
      %add3A_36 = arith.constant 1 : i32
      %add3A_37 = arith.addi %mul3A_35, %add3A_36 : i32
      %dma_start3A_38 = arith.constant 128 : i32
      %dma_start3A_39 = arith.constant 0 : i32
      %dma_start3A_40 = tpu.memref_slice %arg9[%dma_start3A_38, %dma_start3A_39] : memref<1024x16xf32, #tpu.memory_space<vmem>> -> memref<128x16xf32, #tpu.memory_space<vmem>>
      %dma_start3A_41 = arith.constant 0 : i32
      %dma_start3A_42 = tpu.memref_slice %arg7[%add3A_37, %dma_start3A_41] : memref<160x128xi32, #tpu.memory_space<vmem>> -> memref<1x128xi32, #tpu.memory_space<vmem>>
      %dma_start3A_43 = tpu.memref_squeeze %dma_start3A_42 : memref<1x128xi32, #tpu.memory_space<vmem>> -> memref<128xi32, #tpu.memory_space<vmem>>
      %dma_start3A_44 = arith.constant 0 : i32
      %dma_start3A_45 = arith.constant 0 : i32
      %dma_start3A_46 = tpu.memref_slice %arg2[%dma_start3A_44, %dma_start3A_45] : memref<10000x16xf32, #tpu.memory_space<hbm>> -> memref<10000x16xf32, #tpu.memory_space<hbm>>
      tpu.enqueue_indirect_dma source(%dma_start3A_46 : memref<10000x16xf32, #tpu.memory_space<hbm>>) target(%dma_start3A_40 : memref<128x16xf32, #tpu.memory_space<vmem>>) offsets(%dma_start3A_43 : memref<128xi32, #tpu.memory_space<vmem>>) semaphore(%arg10 : memref<!tpu.dma_semaphore, #tpu.memory_space<semaphore_mem>>)
      %mul3A_47 = arith.constant 8 : i32
      %mul3A_48 = arith.muli %scan3A_20, %mul3A_47 : i32
      %add3A_49 = arith.constant 2 : i32
      %add3A_50 = arith.addi %mul3A_48, %add3A_49 : i32
      %dma_start3A_51 = arith.constant 256 : i32
      %dma_start3A_52 = arith.constant 0 : i32
      %dma_start3A_53 = tpu.memref_slice %arg9[%dma_start3A_51, %dma_start3A_52] : memref<1024x16xf32, #tpu.memory_space<vmem>> -> memref<128x16xf32, #tpu.memory_space<vmem>>
      %dma_start3A_54 = arith.constant 0 : i32
      %dma_start3A_55 = tpu.memref_slice %arg7[%add3A_50, %dma_start3A_54] : memref<160x128xi32, #tpu.memory_space<vmem>> -> memref<1x128xi32, #tpu.memory_space<vmem>>
      %dma_start3A_56 = tpu.memref_squeeze %dma_start3A_55 : memref<1x128xi32, #tpu.memory_space<vmem>> -> memref<128xi32, #tpu.memory_space<vmem>>
      %dma_start3A_57 = arith.constant 0 : i32
      %dma_start3A_58 = arith.constant 0 : i32
      %dma_start3A_59 = tpu.memref_slice %arg2[%dma_start3A_57, %dma_start3A_58] : memref<10000x16xf32, #tpu.memory_space<hbm>> -> memref<10000x16xf32, #tpu.memory_space<hbm>>
      tpu.enqueue_indirect_dma source(%dma_start3A_59 : memref<10000x16xf32, #tpu.memory_space<hbm>>) target(%dma_start3A_53 : memref<128x16xf32, #tpu.memory_space<vmem>>) offsets(%dma_start3A_56 : memref<128xi32, #tpu.memory_space<vmem>>) semaphore(%arg10 : memref<!tpu.dma_semaphore, #tpu.memory_space<semaphore_mem>>)
      %mul3A_60 = arith.constant 8 : i32
      %mul3A_61 = arith.muli %scan3A_20, %mul3A_60 : i32
      %add3A_62 = arith.constant 3 : i32
      %add3A_63 = arith.addi %mul3A_61, %add3A_62 : i32
      %dma_start3A_64 = arith.constant 384 : i32
      %dma_start3A_65 = arith.constant 0 : i32
      %dma_start3A_66 = tpu.memref_slice %arg9[%dma_start3A_64, %dma_start3A_65] : memref<1024x16xf32, #tpu.memory_space<vmem>> -> memref<128x16xf32, #tpu.memory_space<vmem>>
      %dma_start3A_67 = arith.constant 0 : i32
      %dma_start3A_68 = tpu.memref_slice %arg7[%add3A_63, %dma_start3A_67] : memref<160x128xi32, #tpu.memory_space<vmem>> -> memref<1x128xi32, #tpu.memory_space<vmem>>
      %dma_start3A_69 = tpu.memref_squeeze %dma_start3A_68 : memref<1x128xi32, #tpu.memory_space<vmem>> -> memref<128xi32, #tpu.memory_space<vmem>>
      %dma_start3A_70 = arith.constant 0 : i32
      %dma_start3A_71 = arith.constant 0 : i32
      %dma_start3A_72 = tpu.memref_slice %arg2[%dma_start3A_70, %dma_start3A_71] : memref<10000x16xf32, #tpu.memory_space<hbm>> -> memref<10000x16xf32, #tpu.memory_space<hbm>>
      tpu.enqueue_indirect_dma source(%dma_start3A_72 : memref<10000x16xf32, #tpu.memory_space<hbm>>) target(%dma_start3A_66 : memref<128x16xf32, #tpu.memory_space<vmem>>) offsets(%dma_start3A_69 : memref<128xi32, #tpu.memory_space<vmem>>) semaphore(%arg10 : memref<!tpu.dma_semaphore, #tpu.memory_space<semaphore_mem>>)
      %mul3A_73 = arith.constant 8 : i32
      %mul3A_74 = arith.muli %scan3A_20, %mul3A_73 : i32
      %add3A_75 = arith.constant 4 : i32
      %add3A_76 = arith.addi %mul3A_74, %add3A_75 : i32
      %dma_start3A_77 = arith.constant 512 : i32
      %dma_start3A_78 = arith.constant 0 : i32
      %dma_start3A_79 = tpu.memref_slice %arg9[%dma_start3A_77, %dma_start3A_78] : memref<1024x16xf32, #tpu.memory_space<vmem>> -> memref<128x16xf32, #tpu.memory_space<vmem>>
      %dma_start3A_80 = arith.constant 0 : i32
      %dma_start3A_81 = tpu.memref_slice %arg7[%add3A_76, %dma_start3A_80] : memref<160x128xi32, #tpu.memory_space<vmem>> -> memref<1x128xi32, #tpu.memory_space<vmem>>
      %dma_start3A_82 = tpu.memref_squeeze %dma_start3A_81 : memref<1x128xi32, #tpu.memory_space<vmem>> -> memref<128xi32, #tpu.memory_space<vmem>>
      %dma_start3A_83 = arith.constant 0 : i32
      %dma_start3A_84 = arith.constant 0 : i32
      %dma_start3A_85 = tpu.memref_slice %arg2[%dma_start3A_83, %dma_start3A_84] : memref<10000x16xf32, #tpu.memory_space<hbm>> -> memref<10000x16xf32, #tpu.memory_space<hbm>>
      tpu.enqueue_indirect_dma source(%dma_start3A_85 : memref<10000x16xf32, #tpu.memory_space<hbm>>) target(%dma_start3A_79 : memref<128x16xf32, #tpu.memory_space<vmem>>) offsets(%dma_start3A_82 : memref<128xi32, #tpu.memory_space<vmem>>) semaphore(%arg10 : memref<!tpu.dma_semaphore, #tpu.memory_space<semaphore_mem>>)
      %mul3A_86 = arith.constant 8 : i32
      %mul3A_87 = arith.muli %scan3A_20, %mul3A_86 : i32
      %add3A_88 = arith.constant 5 : i32
      %add3A_89 = arith.addi %mul3A_87, %add3A_88 : i32
      %dma_start3A_90 = arith.constant 640 : i32
      %dma_start3A_91 = arith.constant 0 : i32
      %dma_start3A_92 = tpu.memref_slice %arg9[%dma_start3A_90, %dma_start3A_91] : memref<1024x16xf32, #tpu.memory_space<vmem>> -> memref<128x16xf32, #tpu.memory_space<vmem>>
      %dma_start3A_93 = arith.constant 0 : i32
      %dma_start3A_94 = tpu.memref_slice %arg7[%add3A_89, %dma_start3A_93] : memref<160x128xi32, #tpu.memory_space<vmem>> -> memref<1x128xi32, #tpu.memory_space<vmem>>
      %dma_start3A_95 = tpu.memref_squeeze %dma_start3A_94 : memref<1x128xi32, #tpu.memory_space<vmem>> -> memref<128xi32, #tpu.memory_space<vmem>>
      %dma_start3A_96 = arith.constant 0 : i32
      %dma_start3A_97 = arith.constant 0 : i32
      %dma_start3A_98 = tpu.memref_slice %arg2[%dma_start3A_96, %dma_start3A_97] : memref<10000x16xf32, #tpu.memory_space<hbm>> -> memref<10000x16xf32, #tpu.memory_space<hbm>>
      tpu.enqueue_indirect_dma source(%dma_start3A_98 : memref<10000x16xf32, #tpu.memory_space<hbm>>) target(%dma_start3A_92 : memref<128x16xf32, #tpu.memory_space<vmem>>) offsets(%dma_start3A_95 : memref<128xi32, #tpu.memory_space<vmem>>) semaphore(%arg10 : memref<!tpu.dma_semaphore, #tpu.memory_space<semaphore_mem>>)
      %mul3A_99 = arith.constant 8 : i32
      %mul3A_100 = arith.muli %scan3A_20, %mul3A_99 : i32
      %add3A_101 = arith.constant 6 : i32
      %add3A_102 = arith.addi %mul3A_100, %add3A_101 : i32
      %dma_start3A_103 = arith.constant 768 : i32
      %dma_start3A_104 = arith.constant 0 : i32
      %dma_start3A_105 = tpu.memref_slice %arg9[%dma_start3A_103, %dma_start3A_104] : memref<1024x16xf32, #tpu.memory_space<vmem>> -> memref<128x16xf32, #tpu.memory_space<vmem>>
      %dma_start3A_106 = arith.constant 0 : i32
      %dma_start3A_107 = tpu.memref_slice %arg7[%add3A_102, %dma_start3A_106] : memref<160x128xi32, #tpu.memory_space<vmem>> -> memref<1x128xi32, #tpu.memory_space<vmem>>
      %dma_start3A_108 = tpu.memref_squeeze %dma_start3A_107 : memref<1x128xi32, #tpu.memory_space<vmem>> -> memref<128xi32, #tpu.memory_space<vmem>>
      %dma_start3A_109 = arith.constant 0 : i32
      %dma_start3A_110 = arith.constant 0 : i32
      %dma_start3A_111 = tpu.memref_slice %arg2[%dma_start3A_109, %dma_start3A_110] : memref<10000x16xf32, #tpu.memory_space<hbm>> -> memref<10000x16xf32, #tpu.memory_space<hbm>>
      tpu.enqueue_indirect_dma source(%dma_start3A_111 : memref<10000x16xf32, #tpu.memory_space<hbm>>) target(%dma_start3A_105 : memref<128x16xf32, #tpu.memory_space<vmem>>) offsets(%dma_start3A_108 : memref<128xi32, #tpu.memory_space<vmem>>) semaphore(%arg10 : memref<!tpu.dma_semaphore, #tpu.memory_space<semaphore_mem>>)
      %mul3A_112 = arith.constant 8 : i32
      %mul3A_113 = arith.muli %scan3A_20, %mul3A_112 : i32
      %add3A_114 = arith.constant 7 : i32
      %add3A_115 = arith.addi %mul3A_113, %add3A_114 : i32
      %dma_start3A_116 = arith.constant 896 : i32
      %dma_start3A_117 = arith.constant 0 : i32
      %dma_start3A_118 = tpu.memref_slice %arg9[%dma_start3A_116, %dma_start3A_117] : memref<1024x16xf32, #tpu.memory_space<vmem>> -> memref<128x16xf32, #tpu.memory_space<vmem>>
      %dma_start3A_119 = arith.constant 0 : i32
      %dma_start3A_120 = tpu.memref_slice %arg7[%add3A_115, %dma_start3A_119] : memref<160x128xi32, #tpu.memory_space<vmem>> -> memref<1x128xi32, #tpu.memory_space<vmem>>
      %dma_start3A_121 = tpu.memref_squeeze %dma_start3A_120 : memref<1x128xi32, #tpu.memory_space<vmem>> -> memref<128xi32, #tpu.memory_space<vmem>>
      %dma_start3A_122 = arith.constant 0 : i32
      %dma_start3A_123 = arith.constant 0 : i32
      %dma_start3A_124 = tpu.memref_slice %arg2[%dma_start3A_122, %dma_start3A_123] : memref<10000x16xf32, #tpu.memory_space<hbm>> -> memref<10000x16xf32, #tpu.memory_space<hbm>>
      tpu.enqueue_indirect_dma source(%dma_start3A_124 : memref<10000x16xf32, #tpu.memory_space<hbm>>) target(%dma_start3A_118 : memref<128x16xf32, #tpu.memory_space<vmem>>) offsets(%dma_start3A_121 : memref<128xi32, #tpu.memory_space<vmem>>) semaphore(%arg10 : memref<!tpu.dma_semaphore, #tpu.memory_space<semaphore_mem>>)
      %dma_wait3A = arith.constant 0 : i32
      %dma_wait3A_125 = arith.constant 0 : i32
      %dma_wait3A_126 = tpu.memref_slice %arg9[%dma_wait3A, %dma_wait3A_125] : memref<1024x16xf32, #tpu.memory_space<vmem>> -> memref<128x16xf32, #tpu.memory_space<vmem>>
      %dma_wait3A_127 = arith.constant 0 : i32
      %dma_wait3A_128 = tpu.memref_slice %arg7[%add3A_25, %dma_wait3A_127] : memref<160x128xi32, #tpu.memory_space<vmem>> -> memref<1x128xi32, #tpu.memory_space<vmem>>
      %dma_wait3A_129 = tpu.memref_squeeze %dma_wait3A_128 : memref<1x128xi32, #tpu.memory_space<vmem>> -> memref<128xi32, #tpu.memory_space<vmem>>
      %dma_wait3A_130 = arith.constant 0 : i32
      %dma_wait3A_131 = arith.constant 0 : i32
      %dma_wait3A_132 = tpu.memref_slice %arg2[%dma_wait3A_130, %dma_wait3A_131] : memref<10000x16xf32, #tpu.memory_space<hbm>> -> memref<10000x16xf32, #tpu.memory_space<hbm>>
      tpu.wait_indirect_dma semaphore(%arg10 : memref<!tpu.dma_semaphore, #tpu.memory_space<semaphore_mem>>) src(%dma_wait3A_132 : memref<10000x16xf32, #tpu.memory_space<hbm>>) dst(%dma_wait3A_126 : memref<128x16xf32, #tpu.memory_space<vmem>>)
      %dma_wait3A_133 = arith.constant 128 : i32
      %dma_wait3A_134 = arith.constant 0 : i32
      %dma_wait3A_135 = tpu.memref_slice %arg9[%dma_wait3A_133, %dma_wait3A_134] : memref<1024x16xf32, #tpu.memory_space<vmem>> -> memref<128x16xf32, #tpu.memory_space<vmem>>
      %dma_wait3A_136 = arith.constant 0 : i32
      %dma_wait3A_137 = tpu.memref_slice %arg7[%add3A_37, %dma_wait3A_136] : memref<160x128xi32, #tpu.memory_space<vmem>> -> memref<1x128xi32, #tpu.memory_space<vmem>>
      %dma_wait3A_138 = tpu.memref_squeeze %dma_wait3A_137 : memref<1x128xi32, #tpu.memory_space<vmem>> -> memref<128xi32, #tpu.memory_space<vmem>>
      %dma_wait3A_139 = arith.constant 0 : i32
      %dma_wait3A_140 = arith.constant 0 : i32
      %dma_wait3A_141 = tpu.memref_slice %arg2[%dma_wait3A_139, %dma_wait3A_140] : memref<10000x16xf32, #tpu.memory_space<hbm>> -> memref<10000x16xf32, #tpu.memory_space<hbm>>
      tpu.wait_indirect_dma semaphore(%arg10 : memref<!tpu.dma_semaphore, #tpu.memory_space<semaphore_mem>>) src(%dma_wait3A_141 : memref<10000x16xf32, #tpu.memory_space<hbm>>) dst(%dma_wait3A_135 : memref<128x16xf32, #tpu.memory_space<vmem>>)
      %dma_wait3A_142 = arith.constant 256 : i32
      %dma_wait3A_143 = arith.constant 0 : i32
      %dma_wait3A_144 = tpu.memref_slice %arg9[%dma_wait3A_142, %dma_wait3A_143] : memref<1024x16xf32, #tpu.memory_space<vmem>> -> memref<128x16xf32, #tpu.memory_space<vmem>>
      %dma_wait3A_145 = arith.constant 0 : i32
      %dma_wait3A_146 = tpu.memref_slice %arg7[%add3A_50, %dma_wait3A_145] : memref<160x128xi32, #tpu.memory_space<vmem>> -> memref<1x128xi32, #tpu.memory_space<vmem>>
      %dma_wait3A_147 = tpu.memref_squeeze %dma_wait3A_146 : memref<1x128xi32, #tpu.memory_space<vmem>> -> memref<128xi32, #tpu.memory_space<vmem>>
      %dma_wait3A_148 = arith.constant 0 : i32
      %dma_wait3A_149 = arith.constant 0 : i32
      %dma_wait3A_150 = tpu.memref_slice %arg2[%dma_wait3A_148, %dma_wait3A_149] : memref<10000x16xf32, #tpu.memory_space<hbm>> -> memref<10000x16xf32, #tpu.memory_space<hbm>>
      tpu.wait_indirect_dma semaphore(%arg10 : memref<!tpu.dma_semaphore, #tpu.memory_space<semaphore_mem>>) src(%dma_wait3A_150 : memref<10000x16xf32, #tpu.memory_space<hbm>>) dst(%dma_wait3A_144 : memref<128x16xf32, #tpu.memory_space<vmem>>)
      %dma_wait3A_151 = arith.constant 384 : i32
      %dma_wait3A_152 = arith.constant 0 : i32
      %dma_wait3A_153 = tpu.memref_slice %arg9[%dma_wait3A_151, %dma_wait3A_152] : memref<1024x16xf32, #tpu.memory_space<vmem>> -> memref<128x16xf32, #tpu.memory_space<vmem>>
      %dma_wait3A_154 = arith.constant 0 : i32
      %dma_wait3A_155 = tpu.memref_slice %arg7[%add3A_63, %dma_wait3A_154] : memref<160x128xi32, #tpu.memory_space<vmem>> -> memref<1x128xi32, #tpu.memory_space<vmem>>
      %dma_wait3A_156 = tpu.memref_squeeze %dma_wait3A_155 : memref<1x128xi32, #tpu.memory_space<vmem>> -> memref<128xi32, #tpu.memory_space<vmem>>
      %dma_wait3A_157 = arith.constant 0 : i32
      %dma_wait3A_158 = arith.constant 0 : i32
      %dma_wait3A_159 = tpu.memref_slice %arg2[%dma_wait3A_157, %dma_wait3A_158] : memref<10000x16xf32, #tpu.memory_space<hbm>> -> memref<10000x16xf32, #tpu.memory_space<hbm>>
      tpu.wait_indirect_dma semaphore(%arg10 : memref<!tpu.dma_semaphore, #tpu.memory_space<semaphore_mem>>) src(%dma_wait3A_159 : memref<10000x16xf32, #tpu.memory_space<hbm>>) dst(%dma_wait3A_153 : memref<128x16xf32, #tpu.memory_space<vmem>>)
      %dma_wait3A_160 = arith.constant 512 : i32
      %dma_wait3A_161 = arith.constant 0 : i32
      %dma_wait3A_162 = tpu.memref_slice %arg9[%dma_wait3A_160, %dma_wait3A_161] : memref<1024x16xf32, #tpu.memory_space<vmem>> -> memref<128x16xf32, #tpu.memory_space<vmem>>
      %dma_wait3A_163 = arith.constant 0 : i32
      %dma_wait3A_164 = tpu.memref_slice %arg7[%add3A_76, %dma_wait3A_163] : memref<160x128xi32, #tpu.memory_space<vmem>> -> memref<1x128xi32, #tpu.memory_space<vmem>>
      %dma_wait3A_165 = tpu.memref_squeeze %dma_wait3A_164 : memref<1x128xi32, #tpu.memory_space<vmem>> -> memref<128xi32, #tpu.memory_space<vmem>>
      %dma_wait3A_166 = arith.constant 0 : i32
      %dma_wait3A_167 = arith.constant 0 : i32
      %dma_wait3A_168 = tpu.memref_slice %arg2[%dma_wait3A_166, %dma_wait3A_167] : memref<10000x16xf32, #tpu.memory_space<hbm>> -> memref<10000x16xf32, #tpu.memory_space<hbm>>
      tpu.wait_indirect_dma semaphore(%arg10 : memref<!tpu.dma_semaphore, #tpu.memory_space<semaphore_mem>>) src(%dma_wait3A_168 : memref<10000x16xf32, #tpu.memory_space<hbm>>) dst(%dma_wait3A_162 : memref<128x16xf32, #tpu.memory_space<vmem>>)
      %dma_wait3A_169 = arith.constant 640 : i32
      %dma_wait3A_170 = arith.constant 0 : i32
      %dma_wait3A_171 = tpu.memref_slice %arg9[%dma_wait3A_169, %dma_wait3A_170] : memref<1024x16xf32, #tpu.memory_space<vmem>> -> memref<128x16xf32, #tpu.memory_space<vmem>>
      %dma_wait3A_172 = arith.constant 0 : i32
      %dma_wait3A_173 = tpu.memref_slice %arg7[%add3A_89, %dma_wait3A_172] : memref<160x128xi32, #tpu.memory_space<vmem>> -> memref<1x128xi32, #tpu.memory_space<vmem>>
      %dma_wait3A_174 = tpu.memref_squeeze %dma_wait3A_173 : memref<1x128xi32, #tpu.memory_space<vmem>> -> memref<128xi32, #tpu.memory_space<vmem>>
      %dma_wait3A_175 = arith.constant 0 : i32
      %dma_wait3A_176 = arith.constant 0 : i32
      %dma_wait3A_177 = tpu.memref_slice %arg2[%dma_wait3A_175, %dma_wait3A_176] : memref<10000x16xf32, #tpu.memory_space<hbm>> -> memref<10000x16xf32, #tpu.memory_space<hbm>>
      tpu.wait_indirect_dma semaphore(%arg10 : memref<!tpu.dma_semaphore, #tpu.memory_space<semaphore_mem>>) src(%dma_wait3A_177 : memref<10000x16xf32, #tpu.memory_space<hbm>>) dst(%dma_wait3A_171 : memref<128x16xf32, #tpu.memory_space<vmem>>)
      %dma_wait3A_178 = arith.constant 768 : i32
      %dma_wait3A_179 = arith.constant 0 : i32
      %dma_wait3A_180 = tpu.memref_slice %arg9[%dma_wait3A_178, %dma_wait3A_179] : memref<1024x16xf32, #tpu.memory_space<vmem>> -> memref<128x16xf32, #tpu.memory_space<vmem>>
      %dma_wait3A_181 = arith.constant 0 : i32
      %dma_wait3A_182 = tpu.memref_slice %arg7[%add3A_102, %dma_wait3A_181] : memref<160x128xi32, #tpu.memory_space<vmem>> -> memref<1x128xi32, #tpu.memory_space<vmem>>
      %dma_wait3A_183 = tpu.memref_squeeze %dma_wait3A_182 : memref<1x128xi32, #tpu.memory_space<vmem>> -> memref<128xi32, #tpu.memory_space<vmem>>
      %dma_wait3A_184 = arith.constant 0 : i32
      %dma_wait3A_185 = arith.constant 0 : i32
      %dma_wait3A_186 = tpu.memref_slice %arg2[%dma_wait3A_184, %dma_wait3A_185] : memref<10000x16xf32, #tpu.memory_space<hbm>> -> memref<10000x16xf32, #tpu.memory_space<hbm>>
      tpu.wait_indirect_dma semaphore(%arg10 : memref<!tpu.dma_semaphore, #tpu.memory_space<semaphore_mem>>) src(%dma_wait3A_186 : memref<10000x16xf32, #tpu.memory_space<hbm>>) dst(%dma_wait3A_180 : memref<128x16xf32, #tpu.memory_space<vmem>>)
      %dma_wait3A_187 = arith.constant 896 : i32
      %dma_wait3A_188 = arith.constant 0 : i32
      %dma_wait3A_189 = tpu.memref_slice %arg9[%dma_wait3A_187, %dma_wait3A_188] : memref<1024x16xf32, #tpu.memory_space<vmem>> -> memref<128x16xf32, #tpu.memory_space<vmem>>
      %dma_wait3A_190 = arith.constant 0 : i32
      %dma_wait3A_191 = tpu.memref_slice %arg7[%add3A_115, %dma_wait3A_190] : memref<160x128xi32, #tpu.memory_space<vmem>> -> memref<1x128xi32, #tpu.memory_space<vmem>>
      %dma_wait3A_192 = tpu.memref_squeeze %dma_wait3A_191 : memref<1x128xi32, #tpu.memory_space<vmem>> -> memref<128xi32, #tpu.memory_space<vmem>>
      %dma_wait3A_193 = arith.constant 0 : i32
      %dma_wait3A_194 = arith.constant 0 : i32
      %dma_wait3A_195 = tpu.memref_slice %arg2[%dma_wait3A_193, %dma_wait3A_194] : memref<10000x16xf32, #tpu.memory_space<hbm>> -> memref<10000x16xf32, #tpu.memory_space<hbm>>
      tpu.wait_indirect_dma semaphore(%arg10 : memref<!tpu.dma_semaphore, #tpu.memory_space<semaphore_mem>>) src(%dma_wait3A_195 : memref<10000x16xf32, #tpu.memory_space<hbm>>) dst(%dma_wait3A_189 : memref<128x16xf32, #tpu.memory_space<vmem>>)
      %mul3A_196 = arith.constant 1024 : i32
      %mul3A_197 = arith.muli %scan3A_20, %mul3A_196 : i32
      %add3A_198 = arith.addi %mul3A_2, %mul3A_197 : i32
      "tpu.region"() ({
        %run_scoped3A = tpu.sem_alloc : memref<!tpu.dma_semaphore, #tpu.memory_space<semaphore_mem>>
        %dma_start3A_200 = arith.constant 0 : i32
        %dma_start3A_201 = tpu.memref_slice %arg5[%add3A_198, %dma_start3A_200] : memref<655360x16xf32, #tpu.memory_space<hbm>> -> memref<1024x16xf32, #tpu.memory_space<hbm>>
        %dma_start3A_202 = arith.constant 0 : i32
        %dma_start3A_203 = tpu.memref_slice %arg5[%add3A_198, %dma_start3A_202] : memref<655360x16xf32, #tpu.memory_space<hbm>> -> memref<1024x16xf32, #tpu.memory_space<hbm>>
        tpu.enqueue_dma source(%arg9 : memref<1024x16xf32, #tpu.memory_space<vmem>>) target(%dma_start3A_203 : memref<1024x16xf32, #tpu.memory_space<hbm>>) target_semaphore(%run_scoped3A : memref<!tpu.dma_semaphore, #tpu.memory_space<semaphore_mem>>)
        %dma_wait3A_204 = arith.constant 0 : i32
        %dma_wait3A_205 = tpu.memref_slice %arg5[%add3A_198, %dma_wait3A_204] : memref<655360x16xf32, #tpu.memory_space<hbm>> -> memref<1024x16xf32, #tpu.memory_space<hbm>>
        %dma_wait3A_206 = arith.constant 0 : i32
        %dma_wait3A_207 = tpu.memref_slice %arg5[%add3A_198, %dma_wait3A_206] : memref<655360x16xf32, #tpu.memory_space<hbm>> -> memref<1024x16xf32, #tpu.memory_space<hbm>>
        tpu.wait_dma2 semaphore(%run_scoped3A : memref<!tpu.dma_semaphore, #tpu.memory_space<semaphore_mem>>) src(%arg9 : memref<1024x16xf32, #tpu.memory_space<vmem>>) dst(%dma_wait3A_207 : memref<1024x16xf32, #tpu.memory_space<hbm>>)
        tpu.yield
      }) : () -> ()
      %scan3A_199 = arith.constant 0 : i32
      scf.yield %scan3A_199 : i32
    }
    %scan3A_12 = arith.constant 20 : i32
    %scan3A_13 = arith.constant 0 : i32
    %scan3A_14 = arith.constant 0 : i32
    %scan3A_15 = arith.constant 20 : i32
    %scan3A_16 = arith.addi %scan3A_14, %scan3A_15 : i32
    %scan3A_17 = arith.constant 1 : i32
    %scan3A_18 = scf.for %scan3A_20 = %scan3A_14 to %scan3A_16 step %scan3A_17 iter_args(%scan3A_21 = %scan3A_13) -> (i32)  : i32 {
      %mul3A_22 = arith.constant 8 : i32
      %mul3A_23 = arith.muli %scan3A_20, %mul3A_22 : i32
      %add3A_24 = arith.constant 0 : i32
      %add3A_25 = arith.addi %mul3A_23, %add3A_24 : i32
      %dma_start3A = arith.constant 0 : i32
      %dma_start3A_26 = arith.constant 0 : i32
      %dma_start3A_27 = tpu.memref_slice %arg9[%dma_start3A, %dma_start3A_26] : memref<1024x16xf32, #tpu.memory_space<vmem>> -> memref<128x16xf32, #tpu.memory_space<vmem>>
      %dma_start3A_28 = arith.constant 0 : i32
      %dma_start3A_29 = tpu.memref_slice %arg8[%add3A_25, %dma_start3A_28] : memref<160x128xi32, #tpu.memory_space<vmem>> -> memref<1x128xi32, #tpu.memory_space<vmem>>
      %dma_start3A_30 = tpu.memref_squeeze %dma_start3A_29 : memref<1x128xi32, #tpu.memory_space<vmem>> -> memref<128xi32, #tpu.memory_space<vmem>>
      %dma_start3A_31 = arith.constant 0 : i32
      %dma_start3A_32 = arith.constant 0 : i32
      %dma_start3A_33 = tpu.memref_slice %arg2[%dma_start3A_31, %dma_start3A_32] : memref<10000x16xf32, #tpu.memory_space<hbm>> -> memref<10000x16xf32, #tpu.memory_space<hbm>>
      tpu.enqueue_indirect_dma source(%dma_start3A_33 : memref<10000x16xf32, #tpu.memory_space<hbm>>) target(%dma_start3A_27 : memref<128x16xf32, #tpu.memory_space<vmem>>) offsets(%dma_start3A_30 : memref<128xi32, #tpu.memory_space<vmem>>) semaphore(%arg10 : memref<!tpu.dma_semaphore, #tpu.memory_space<semaphore_mem>>)
      %mul3A_34 = arith.constant 8 : i32
      %mul3A_35 = arith.muli %scan3A_20, %mul3A_34 : i32
      %add3A_36 = arith.constant 1 : i32
      %add3A_37 = arith.addi %mul3A_35, %add3A_36 : i32
      %dma_start3A_38 = arith.constant 128 : i32
      %dma_start3A_39 = arith.constant 0 : i32
      %dma_start3A_40 = tpu.memref_slice %arg9[%dma_start3A_38, %dma_start3A_39] : memref<1024x16xf32, #tpu.memory_space<vmem>> -> memref<128x16xf32, #tpu.memory_space<vmem>>
      %dma_start3A_41 = arith.constant 0 : i32
      %dma_start3A_42 = tpu.memref_slice %arg8[%add3A_37, %dma_start3A_41] : memref<160x128xi32, #tpu.memory_space<vmem>> -> memref<1x128xi32, #tpu.memory_space<vmem>>
      %dma_start3A_43 = tpu.memref_squeeze %dma_start3A_42 : memref<1x128xi32, #tpu.memory_space<vmem>> -> memref<128xi32, #tpu.memory_space<vmem>>
      %dma_start3A_44 = arith.constant 0 : i32
      %dma_start3A_45 = arith.constant 0 : i32
      %dma_start3A_46 = tpu.memref_slice %arg2[%dma_start3A_44, %dma_start3A_45] : memref<10000x16xf32, #tpu.memory_space<hbm>> -> memref<10000x16xf32, #tpu.memory_space<hbm>>
      tpu.enqueue_indirect_dma source(%dma_start3A_46 : memref<10000x16xf32, #tpu.memory_space<hbm>>) target(%dma_start3A_40 : memref<128x16xf32, #tpu.memory_space<vmem>>) offsets(%dma_start3A_43 : memref<128xi32, #tpu.memory_space<vmem>>) semaphore(%arg10 : memref<!tpu.dma_semaphore, #tpu.memory_space<semaphore_mem>>)
      %mul3A_47 = arith.constant 8 : i32
      %mul3A_48 = arith.muli %scan3A_20, %mul3A_47 : i32
      %add3A_49 = arith.constant 2 : i32
      %add3A_50 = arith.addi %mul3A_48, %add3A_49 : i32
      %dma_start3A_51 = arith.constant 256 : i32
      %dma_start3A_52 = arith.constant 0 : i32
      %dma_start3A_53 = tpu.memref_slice %arg9[%dma_start3A_51, %dma_start3A_52] : memref<1024x16xf32, #tpu.memory_space<vmem>> -> memref<128x16xf32, #tpu.memory_space<vmem>>
      %dma_start3A_54 = arith.constant 0 : i32
      %dma_start3A_55 = tpu.memref_slice %arg8[%add3A_50, %dma_start3A_54] : memref<160x128xi32, #tpu.memory_space<vmem>> -> memref<1x128xi32, #tpu.memory_space<vmem>>
      %dma_start3A_56 = tpu.memref_squeeze %dma_start3A_55 : memref<1x128xi32, #tpu.memory_space<vmem>> -> memref<128xi32, #tpu.memory_space<vmem>>
      %dma_start3A_57 = arith.constant 0 : i32
      %dma_start3A_58 = arith.constant 0 : i32
      %dma_start3A_59 = tpu.memref_slice %arg2[%dma_start3A_57, %dma_start3A_58] : memref<10000x16xf32, #tpu.memory_space<hbm>> -> memref<10000x16xf32, #tpu.memory_space<hbm>>
      tpu.enqueue_indirect_dma source(%dma_start3A_59 : memref<10000x16xf32, #tpu.memory_space<hbm>>) target(%dma_start3A_53 : memref<128x16xf32, #tpu.memory_space<vmem>>) offsets(%dma_start3A_56 : memref<128xi32, #tpu.memory_space<vmem>>) semaphore(%arg10 : memref<!tpu.dma_semaphore, #tpu.memory_space<semaphore_mem>>)
      %mul3A_60 = arith.constant 8 : i32
      %mul3A_61 = arith.muli %scan3A_20, %mul3A_60 : i32
      %add3A_62 = arith.constant 3 : i32
      %add3A_63 = arith.addi %mul3A_61, %add3A_62 : i32
      %dma_start3A_64 = arith.constant 384 : i32
      %dma_start3A_65 = arith.constant 0 : i32
      %dma_start3A_66 = tpu.memref_slice %arg9[%dma_start3A_64, %dma_start3A_65] : memref<1024x16xf32, #tpu.memory_space<vmem>> -> memref<128x16xf32, #tpu.memory_space<vmem>>
      %dma_start3A_67 = arith.constant 0 : i32
      %dma_start3A_68 = tpu.memref_slice %arg8[%add3A_63, %dma_start3A_67] : memref<160x128xi32, #tpu.memory_space<vmem>> -> memref<1x128xi32, #tpu.memory_space<vmem>>
      %dma_start3A_69 = tpu.memref_squeeze %dma_start3A_68 : memref<1x128xi32, #tpu.memory_space<vmem>> -> memref<128xi32, #tpu.memory_space<vmem>>
      %dma_start3A_70 = arith.constant 0 : i32
      %dma_start3A_71 = arith.constant 0 : i32
      %dma_start3A_72 = tpu.memref_slice %arg2[%dma_start3A_70, %dma_start3A_71] : memref<10000x16xf32, #tpu.memory_space<hbm>> -> memref<10000x16xf32, #tpu.memory_space<hbm>>
      tpu.enqueue_indirect_dma source(%dma_start3A_72 : memref<10000x16xf32, #tpu.memory_space<hbm>>) target(%dma_start3A_66 : memref<128x16xf32, #tpu.memory_space<vmem>>) offsets(%dma_start3A_69 : memref<128xi32, #tpu.memory_space<vmem>>) semaphore(%arg10 : memref<!tpu.dma_semaphore, #tpu.memory_space<semaphore_mem>>)
      %mul3A_73 = arith.constant 8 : i32
      %mul3A_74 = arith.muli %scan3A_20, %mul3A_73 : i32
      %add3A_75 = arith.constant 4 : i32
      %add3A_76 = arith.addi %mul3A_74, %add3A_75 : i32
      %dma_start3A_77 = arith.constant 512 : i32
      %dma_start3A_78 = arith.constant 0 : i32
      %dma_start3A_79 = tpu.memref_slice %arg9[%dma_start3A_77, %dma_start3A_78] : memref<1024x16xf32, #tpu.memory_space<vmem>> -> memref<128x16xf32, #tpu.memory_space<vmem>>
      %dma_start3A_80 = arith.constant 0 : i32
      %dma_start3A_81 = tpu.memref_slice %arg8[%add3A_76, %dma_start3A_80] : memref<160x128xi32, #tpu.memory_space<vmem>> -> memref<1x128xi32, #tpu.memory_space<vmem>>
      %dma_start3A_82 = tpu.memref_squeeze %dma_start3A_81 : memref<1x128xi32, #tpu.memory_space<vmem>> -> memref<128xi32, #tpu.memory_space<vmem>>
      %dma_start3A_83 = arith.constant 0 : i32
      %dma_start3A_84 = arith.constant 0 : i32
      %dma_start3A_85 = tpu.memref_slice %arg2[%dma_start3A_83, %dma_start3A_84] : memref<10000x16xf32, #tpu.memory_space<hbm>> -> memref<10000x16xf32, #tpu.memory_space<hbm>>
      tpu.enqueue_indirect_dma source(%dma_start3A_85 : memref<10000x16xf32, #tpu.memory_space<hbm>>) target(%dma_start3A_79 : memref<128x16xf32, #tpu.memory_space<vmem>>) offsets(%dma_start3A_82 : memref<128xi32, #tpu.memory_space<vmem>>) semaphore(%arg10 : memref<!tpu.dma_semaphore, #tpu.memory_space<semaphore_mem>>)
      %mul3A_86 = arith.constant 8 : i32
      %mul3A_87 = arith.muli %scan3A_20, %mul3A_86 : i32
      %add3A_88 = arith.constant 5 : i32
      %add3A_89 = arith.addi %mul3A_87, %add3A_88 : i32
      %dma_start3A_90 = arith.constant 640 : i32
      %dma_start3A_91 = arith.constant 0 : i32
      %dma_start3A_92 = tpu.memref_slice %arg9[%dma_start3A_90, %dma_start3A_91] : memref<1024x16xf32, #tpu.memory_space<vmem>> -> memref<128x16xf32, #tpu.memory_space<vmem>>
      %dma_start3A_93 = arith.constant 0 : i32
      %dma_start3A_94 = tpu.memref_slice %arg8[%add3A_89, %dma_start3A_93] : memref<160x128xi32, #tpu.memory_space<vmem>> -> memref<1x128xi32, #tpu.memory_space<vmem>>
      %dma_start3A_95 = tpu.memref_squeeze %dma_start3A_94 : memref<1x128xi32, #tpu.memory_space<vmem>> -> memref<128xi32, #tpu.memory_space<vmem>>
      %dma_start3A_96 = arith.constant 0 : i32
      %dma_start3A_97 = arith.constant 0 : i32
      %dma_start3A_98 = tpu.memref_slice %arg2[%dma_start3A_96, %dma_start3A_97] : memref<10000x16xf32, #tpu.memory_space<hbm>> -> memref<10000x16xf32, #tpu.memory_space<hbm>>
      tpu.enqueue_indirect_dma source(%dma_start3A_98 : memref<10000x16xf32, #tpu.memory_space<hbm>>) target(%dma_start3A_92 : memref<128x16xf32, #tpu.memory_space<vmem>>) offsets(%dma_start3A_95 : memref<128xi32, #tpu.memory_space<vmem>>) semaphore(%arg10 : memref<!tpu.dma_semaphore, #tpu.memory_space<semaphore_mem>>)
      %mul3A_99 = arith.constant 8 : i32
      %mul3A_100 = arith.muli %scan3A_20, %mul3A_99 : i32
      %add3A_101 = arith.constant 6 : i32
      %add3A_102 = arith.addi %mul3A_100, %add3A_101 : i32
      %dma_start3A_103 = arith.constant 768 : i32
      %dma_start3A_104 = arith.constant 0 : i32
      %dma_start3A_105 = tpu.memref_slice %arg9[%dma_start3A_103, %dma_start3A_104] : memref<1024x16xf32, #tpu.memory_space<vmem>> -> memref<128x16xf32, #tpu.memory_space<vmem>>
      %dma_start3A_106 = arith.constant 0 : i32
      %dma_start3A_107 = tpu.memref_slice %arg8[%add3A_102, %dma_start3A_106] : memref<160x128xi32, #tpu.memory_space<vmem>> -> memref<1x128xi32, #tpu.memory_space<vmem>>
      %dma_start3A_108 = tpu.memref_squeeze %dma_start3A_107 : memref<1x128xi32, #tpu.memory_space<vmem>> -> memref<128xi32, #tpu.memory_space<vmem>>
      %dma_start3A_109 = arith.constant 0 : i32
      %dma_start3A_110 = arith.constant 0 : i32
      %dma_start3A_111 = tpu.memref_slice %arg2[%dma_start3A_109, %dma_start3A_110] : memref<10000x16xf32, #tpu.memory_space<hbm>> -> memref<10000x16xf32, #tpu.memory_space<hbm>>
      tpu.enqueue_indirect_dma source(%dma_start3A_111 : memref<10000x16xf32, #tpu.memory_space<hbm>>) target(%dma_start3A_105 : memref<128x16xf32, #tpu.memory_space<vmem>>) offsets(%dma_start3A_108 : memref<128xi32, #tpu.memory_space<vmem>>) semaphore(%arg10 : memref<!tpu.dma_semaphore, #tpu.memory_space<semaphore_mem>>)
      %mul3A_112 = arith.constant 8 : i32
      %mul3A_113 = arith.muli %scan3A_20, %mul3A_112 : i32
      %add3A_114 = arith.constant 7 : i32
      %add3A_115 = arith.addi %mul3A_113, %add3A_114 : i32
      %dma_start3A_116 = arith.constant 896 : i32
      %dma_start3A_117 = arith.constant 0 : i32
      %dma_start3A_118 = tpu.memref_slice %arg9[%dma_start3A_116, %dma_start3A_117] : memref<1024x16xf32, #tpu.memory_space<vmem>> -> memref<128x16xf32, #tpu.memory_space<vmem>>
      %dma_start3A_119 = arith.constant 0 : i32
      %dma_start3A_120 = tpu.memref_slice %arg8[%add3A_115, %dma_start3A_119] : memref<160x128xi32, #tpu.memory_space<vmem>> -> memref<1x128xi32, #tpu.memory_space<vmem>>
      %dma_start3A_121 = tpu.memref_squeeze %dma_start3A_120 : memref<1x128xi32, #tpu.memory_space<vmem>> -> memref<128xi32, #tpu.memory_space<vmem>>
      %dma_start3A_122 = arith.constant 0 : i32
      %dma_start3A_123 = arith.constant 0 : i32
      %dma_start3A_124 = tpu.memref_slice %arg2[%dma_start3A_122, %dma_start3A_123] : memref<10000x16xf32, #tpu.memory_space<hbm>> -> memref<10000x16xf32, #tpu.memory_space<hbm>>
      tpu.enqueue_indirect_dma source(%dma_start3A_124 : memref<10000x16xf32, #tpu.memory_space<hbm>>) target(%dma_start3A_118 : memref<128x16xf32, #tpu.memory_space<vmem>>) offsets(%dma_start3A_121 : memref<128xi32, #tpu.memory_space<vmem>>) semaphore(%arg10 : memref<!tpu.dma_semaphore, #tpu.memory_space<semaphore_mem>>)
      %dma_wait3A = arith.constant 0 : i32
      %dma_wait3A_125 = arith.constant 0 : i32
      %dma_wait3A_126 = tpu.memref_slice %arg9[%dma_wait3A, %dma_wait3A_125] : memref<1024x16xf32, #tpu.memory_space<vmem>> -> memref<128x16xf32, #tpu.memory_space<vmem>>
      %dma_wait3A_127 = arith.constant 0 : i32
      %dma_wait3A_128 = tpu.memref_slice %arg8[%add3A_25, %dma_wait3A_127] : memref<160x128xi32, #tpu.memory_space<vmem>> -> memref<1x128xi32, #tpu.memory_space<vmem>>
      %dma_wait3A_129 = tpu.memref_squeeze %dma_wait3A_128 : memref<1x128xi32, #tpu.memory_space<vmem>> -> memref<128xi32, #tpu.memory_space<vmem>>
      %dma_wait3A_130 = arith.constant 0 : i32
      %dma_wait3A_131 = arith.constant 0 : i32
      %dma_wait3A_132 = tpu.memref_slice %arg2[%dma_wait3A_130, %dma_wait3A_131] : memref<10000x16xf32, #tpu.memory_space<hbm>> -> memref<10000x16xf32, #tpu.memory_space<hbm>>
      tpu.wait_indirect_dma semaphore(%arg10 : memref<!tpu.dma_semaphore, #tpu.memory_space<semaphore_mem>>) src(%dma_wait3A_132 : memref<10000x16xf32, #tpu.memory_space<hbm>>) dst(%dma_wait3A_126 : memref<128x16xf32, #tpu.memory_space<vmem>>)
      %dma_wait3A_133 = arith.constant 128 : i32
      %dma_wait3A_134 = arith.constant 0 : i32
      %dma_wait3A_135 = tpu.memref_slice %arg9[%dma_wait3A_133, %dma_wait3A_134] : memref<1024x16xf32, #tpu.memory_space<vmem>> -> memref<128x16xf32, #tpu.memory_space<vmem>>
      %dma_wait3A_136 = arith.constant 0 : i32
      %dma_wait3A_137 = tpu.memref_slice %arg8[%add3A_37, %dma_wait3A_136] : memref<160x128xi32, #tpu.memory_space<vmem>> -> memref<1x128xi32, #tpu.memory_space<vmem>>
      %dma_wait3A_138 = tpu.memref_squeeze %dma_wait3A_137 : memref<1x128xi32, #tpu.memory_space<vmem>> -> memref<128xi32, #tpu.memory_space<vmem>>
      %dma_wait3A_139 = arith.constant 0 : i32
      %dma_wait3A_140 = arith.constant 0 : i32
      %dma_wait3A_141 = tpu.memref_slice %arg2[%dma_wait3A_139, %dma_wait3A_140] : memref<10000x16xf32, #tpu.memory_space<hbm>> -> memref<10000x16xf32, #tpu.memory_space<hbm>>
      tpu.wait_indirect_dma semaphore(%arg10 : memref<!tpu.dma_semaphore, #tpu.memory_space<semaphore_mem>>) src(%dma_wait3A_141 : memref<10000x16xf32, #tpu.memory_space<hbm>>) dst(%dma_wait3A_135 : memref<128x16xf32, #tpu.memory_space<vmem>>)
      %dma_wait3A_142 = arith.constant 256 : i32
      %dma_wait3A_143 = arith.constant 0 : i32
      %dma_wait3A_144 = tpu.memref_slice %arg9[%dma_wait3A_142, %dma_wait3A_143] : memref<1024x16xf32, #tpu.memory_space<vmem>> -> memref<128x16xf32, #tpu.memory_space<vmem>>
      %dma_wait3A_145 = arith.constant 0 : i32
      %dma_wait3A_146 = tpu.memref_slice %arg8[%add3A_50, %dma_wait3A_145] : memref<160x128xi32, #tpu.memory_space<vmem>> -> memref<1x128xi32, #tpu.memory_space<vmem>>
      %dma_wait3A_147 = tpu.memref_squeeze %dma_wait3A_146 : memref<1x128xi32, #tpu.memory_space<vmem>> -> memref<128xi32, #tpu.memory_space<vmem>>
      %dma_wait3A_148 = arith.constant 0 : i32
      %dma_wait3A_149 = arith.constant 0 : i32
      %dma_wait3A_150 = tpu.memref_slice %arg2[%dma_wait3A_148, %dma_wait3A_149] : memref<10000x16xf32, #tpu.memory_space<hbm>> -> memref<10000x16xf32, #tpu.memory_space<hbm>>
      tpu.wait_indirect_dma semaphore(%arg10 : memref<!tpu.dma_semaphore, #tpu.memory_space<semaphore_mem>>) src(%dma_wait3A_150 : memref<10000x16xf32, #tpu.memory_space<hbm>>) dst(%dma_wait3A_144 : memref<128x16xf32, #tpu.memory_space<vmem>>)
      %dma_wait3A_151 = arith.constant 384 : i32
      %dma_wait3A_152 = arith.constant 0 : i32
      %dma_wait3A_153 = tpu.memref_slice %arg9[%dma_wait3A_151, %dma_wait3A_152] : memref<1024x16xf32, #tpu.memory_space<vmem>> -> memref<128x16xf32, #tpu.memory_space<vmem>>
      %dma_wait3A_154 = arith.constant 0 : i32
      %dma_wait3A_155 = tpu.memref_slice %arg8[%add3A_63, %dma_wait3A_154] : memref<160x128xi32, #tpu.memory_space<vmem>> -> memref<1x128xi32, #tpu.memory_space<vmem>>
      %dma_wait3A_156 = tpu.memref_squeeze %dma_wait3A_155 : memref<1x128xi32, #tpu.memory_space<vmem>> -> memref<128xi32, #tpu.memory_space<vmem>>
      %dma_wait3A_157 = arith.constant 0 : i32
      %dma_wait3A_158 = arith.constant 0 : i32
      %dma_wait3A_159 = tpu.memref_slice %arg2[%dma_wait3A_157, %dma_wait3A_158] : memref<10000x16xf32, #tpu.memory_space<hbm>> -> memref<10000x16xf32, #tpu.memory_space<hbm>>
      tpu.wait_indirect_dma semaphore(%arg10 : memref<!tpu.dma_semaphore, #tpu.memory_space<semaphore_mem>>) src(%dma_wait3A_159 : memref<10000x16xf32, #tpu.memory_space<hbm>>) dst(%dma_wait3A_153 : memref<128x16xf32, #tpu.memory_space<vmem>>)
      %dma_wait3A_160 = arith.constant 512 : i32
      %dma_wait3A_161 = arith.constant 0 : i32
      %dma_wait3A_162 = tpu.memref_slice %arg9[%dma_wait3A_160, %dma_wait3A_161] : memref<1024x16xf32, #tpu.memory_space<vmem>> -> memref<128x16xf32, #tpu.memory_space<vmem>>
      %dma_wait3A_163 = arith.constant 0 : i32
      %dma_wait3A_164 = tpu.memref_slice %arg8[%add3A_76, %dma_wait3A_163] : memref<160x128xi32, #tpu.memory_space<vmem>> -> memref<1x128xi32, #tpu.memory_space<vmem>>
      %dma_wait3A_165 = tpu.memref_squeeze %dma_wait3A_164 : memref<1x128xi32, #tpu.memory_space<vmem>> -> memref<128xi32, #tpu.memory_space<vmem>>
      %dma_wait3A_166 = arith.constant 0 : i32
      %dma_wait3A_167 = arith.constant 0 : i32
      %dma_wait3A_168 = tpu.memref_slice %arg2[%dma_wait3A_166, %dma_wait3A_167] : memref<10000x16xf32, #tpu.memory_space<hbm>> -> memref<10000x16xf32, #tpu.memory_space<hbm>>
      tpu.wait_indirect_dma semaphore(%arg10 : memref<!tpu.dma_semaphore, #tpu.memory_space<semaphore_mem>>) src(%dma_wait3A_168 : memref<10000x16xf32, #tpu.memory_space<hbm>>) dst(%dma_wait3A_162 : memref<128x16xf32, #tpu.memory_space<vmem>>)
      %dma_wait3A_169 = arith.constant 640 : i32
      %dma_wait3A_170 = arith.constant 0 : i32
      %dma_wait3A_171 = tpu.memref_slice %arg9[%dma_wait3A_169, %dma_wait3A_170] : memref<1024x16xf32, #tpu.memory_space<vmem>> -> memref<128x16xf32, #tpu.memory_space<vmem>>
      %dma_wait3A_172 = arith.constant 0 : i32
      %dma_wait3A_173 = tpu.memref_slice %arg8[%add3A_89, %dma_wait3A_172] : memref<160x128xi32, #tpu.memory_space<vmem>> -> memref<1x128xi32, #tpu.memory_space<vmem>>
      %dma_wait3A_174 = tpu.memref_squeeze %dma_wait3A_173 : memref<1x128xi32, #tpu.memory_space<vmem>> -> memref<128xi32, #tpu.memory_space<vmem>>
      %dma_wait3A_175 = arith.constant 0 : i32
      %dma_wait3A_176 = arith.constant 0 : i32
      %dma_wait3A_177 = tpu.memref_slice %arg2[%dma_wait3A_175, %dma_wait3A_176] : memref<10000x16xf32, #tpu.memory_space<hbm>> -> memref<10000x16xf32, #tpu.memory_space<hbm>>
      tpu.wait_indirect_dma semaphore(%arg10 : memref<!tpu.dma_semaphore, #tpu.memory_space<semaphore_mem>>) src(%dma_wait3A_177 : memref<10000x16xf32, #tpu.memory_space<hbm>>) dst(%dma_wait3A_171 : memref<128x16xf32, #tpu.memory_space<vmem>>)
      %dma_wait3A_178 = arith.constant 768 : i32
      %dma_wait3A_179 = arith.constant 0 : i32
      %dma_wait3A_180 = tpu.memref_slice %arg9[%dma_wait3A_178, %dma_wait3A_179] : memref<1024x16xf32, #tpu.memory_space<vmem>> -> memref<128x16xf32, #tpu.memory_space<vmem>>
      %dma_wait3A_181 = arith.constant 0 : i32
      %dma_wait3A_182 = tpu.memref_slice %arg8[%add3A_102, %dma_wait3A_181] : memref<160x128xi32, #tpu.memory_space<vmem>> -> memref<1x128xi32, #tpu.memory_space<vmem>>
      %dma_wait3A_183 = tpu.memref_squeeze %dma_wait3A_182 : memref<1x128xi32, #tpu.memory_space<vmem>> -> memref<128xi32, #tpu.memory_space<vmem>>
      %dma_wait3A_184 = arith.constant 0 : i32
      %dma_wait3A_185 = arith.constant 0 : i32
      %dma_wait3A_186 = tpu.memref_slice %arg2[%dma_wait3A_184, %dma_wait3A_185] : memref<10000x16xf32, #tpu.memory_space<hbm>> -> memref<10000x16xf32, #tpu.memory_space<hbm>>
      tpu.wait_indirect_dma semaphore(%arg10 : memref<!tpu.dma_semaphore, #tpu.memory_space<semaphore_mem>>) src(%dma_wait3A_186 : memref<10000x16xf32, #tpu.memory_space<hbm>>) dst(%dma_wait3A_180 : memref<128x16xf32, #tpu.memory_space<vmem>>)
      %dma_wait3A_187 = arith.constant 896 : i32
      %dma_wait3A_188 = arith.constant 0 : i32
      %dma_wait3A_189 = tpu.memref_slice %arg9[%dma_wait3A_187, %dma_wait3A_188] : memref<1024x16xf32, #tpu.memory_space<vmem>> -> memref<128x16xf32, #tpu.memory_space<vmem>>
      %dma_wait3A_190 = arith.constant 0 : i32
      %dma_wait3A_191 = tpu.memref_slice %arg8[%add3A_115, %dma_wait3A_190] : memref<160x128xi32, #tpu.memory_space<vmem>> -> memref<1x128xi32, #tpu.memory_space<vmem>>
      %dma_wait3A_192 = tpu.memref_squeeze %dma_wait3A_191 : memref<1x128xi32, #tpu.memory_space<vmem>> -> memref<128xi32, #tpu.memory_space<vmem>>
      %dma_wait3A_193 = arith.constant 0 : i32
      %dma_wait3A_194 = arith.constant 0 : i32
      %dma_wait3A_195 = tpu.memref_slice %arg2[%dma_wait3A_193, %dma_wait3A_194] : memref<10000x16xf32, #tpu.memory_space<hbm>> -> memref<10000x16xf32, #tpu.memory_space<hbm>>
      tpu.wait_indirect_dma semaphore(%arg10 : memref<!tpu.dma_semaphore, #tpu.memory_space<semaphore_mem>>) src(%dma_wait3A_195 : memref<10000x16xf32, #tpu.memory_space<hbm>>) dst(%dma_wait3A_189 : memref<128x16xf32, #tpu.memory_space<vmem>>)
      %mul3A_196 = arith.constant 1024 : i32
      %mul3A_197 = arith.muli %scan3A_20, %mul3A_196 : i32
      %add3A_198 = arith.addi %mul3A_2, %mul3A_197 : i32
      "tpu.region"() ({
        %run_scoped3A = tpu.sem_alloc : memref<!tpu.dma_semaphore, #tpu.memory_space<semaphore_mem>>
        %dma_start3A_200 = arith.constant 0 : i32
        %dma_start3A_201 = tpu.memref_slice %arg6[%add3A_198, %dma_start3A_200] : memref<655360x16xf32, #tpu.memory_space<hbm>> -> memref<1024x16xf32, #tpu.memory_space<hbm>>
        %dma_start3A_202 = arith.constant 0 : i32
        %dma_start3A_203 = tpu.memref_slice %arg6[%add3A_198, %dma_start3A_202] : memref<655360x16xf32, #tpu.memory_space<hbm>> -> memref<1024x16xf32, #tpu.memory_space<hbm>>
        tpu.enqueue_dma source(%arg9 : memref<1024x16xf32, #tpu.memory_space<vmem>>) target(%dma_start3A_203 : memref<1024x16xf32, #tpu.memory_space<hbm>>) target_semaphore(%run_scoped3A : memref<!tpu.dma_semaphore, #tpu.memory_space<semaphore_mem>>)
        %dma_wait3A_204 = arith.constant 0 : i32
        %dma_wait3A_205 = tpu.memref_slice %arg6[%add3A_198, %dma_wait3A_204] : memref<655360x16xf32, #tpu.memory_space<hbm>> -> memref<1024x16xf32, #tpu.memory_space<hbm>>
        %dma_wait3A_206 = arith.constant 0 : i32
        %dma_wait3A_207 = tpu.memref_slice %arg6[%add3A_198, %dma_wait3A_206] : memref<655360x16xf32, #tpu.memory_space<hbm>> -> memref<1024x16xf32, #tpu.memory_space<hbm>>
        tpu.wait_dma2 semaphore(%run_scoped3A : memref<!tpu.dma_semaphore, #tpu.memory_space<semaphore_mem>>) src(%arg9 : memref<1024x16xf32, #tpu.memory_space<vmem>>) dst(%dma_wait3A_207 : memref<1024x16xf32, #tpu.memory_space<hbm>>)
        tpu.yield
      }) : () -> ()
      %scan3A_199 = arith.constant 0 : i32
      scf.yield %scan3A_199 : i32
    }
    %scan3A_19 = arith.constant 20 : i32
    return
  }
}

module attributes {stable_mosaic.version = 14 : i64} {
  func.func @_node_mlp_body(%arg0: i32, %arg1: memref<10000x19xf32, #tpu.memory_space<vmem>>, %arg2: memref<19x16xf32, #tpu.memory_space<vmem>>, %arg3: memref<1x16xf32, #tpu.memory_space<vmem>>, %arg4: memref<16x16xf32, #tpu.memory_space<vmem>>, %arg5: memref<1x16xf32, #tpu.memory_space<vmem>>, %arg6: memref<10000x16xf32, #tpu.memory_space<vmem>>) attributes {dimension_semantics = [#tpu.dimension_semantics<arbitrary>], iteration_bounds = array<i64: 1>, scalar_prefetch = 0 : i64, scratch_operands = 0 : i64, tpu.core_type = #tpu.core_type<tc>, window_params = [{pipeline_mode = #tpu.pipeline_mode<synchronous>, transform_indices = @transform_0, window_bounds = array<i64: 10000, 19>}, {pipeline_mode = #tpu.pipeline_mode<synchronous>, transform_indices = @transform_1, window_bounds = array<i64: 19, 16>}, {pipeline_mode = #tpu.pipeline_mode<synchronous>, transform_indices = @transform_2, window_bounds = array<i64: 1, 16>}, {pipeline_mode = #tpu.pipeline_mode<synchronous>, transform_indices = @transform_3, window_bounds = array<i64: 16, 16>}, {pipeline_mode = #tpu.pipeline_mode<synchronous>, transform_indices = @transform_4, window_bounds = array<i64: 1, 16>}, {pipeline_mode = #tpu.pipeline_mode<synchronous>, transform_indices = @transform_5, window_bounds = array<i64: 10000, 16>}]} {
    %get3A = arith.constant 0 : index
    %get3A_0 = arith.constant 0 : index
    %get3A_1 = vector.load %arg1[%get3A, %get3A_0] : memref<10000x19xf32, #tpu.memory_space<vmem>>, vector<10000x19xf32>
    %ne3A = arith.cmpf one, %get3A_1, %get3A_1 : vector<10000x19xf32>
    %jit3A = arith.constant 0.000000e+00 : f32
    %broadcast_in_dim3A = vector.broadcast %jit3A : f32 to vector<10000x19xf32>
    %select_n3A = arith.select %ne3A, %broadcast_in_dim3A, %get3A_1 : vector<10000x19xi1>, vector<10000x19xf32>
    %eq3A = arith.constant 0x7F800000 : f32
    %eq3A_2 = vector.broadcast %eq3A : f32 to vector<10000x19xf32>
    %eq3A_3 = arith.cmpf oeq, %select_n3A, %eq3A_2 : vector<10000x19xf32>
    %jit3A_4 = arith.constant 3.40282347E+38 : f32
    %broadcast_in_dim3A_5 = vector.broadcast %jit3A_4 : f32 to vector<10000x19xf32>
    %select_n3A_6 = arith.select %eq3A_3, %broadcast_in_dim3A_5, %select_n3A : vector<10000x19xi1>, vector<10000x19xf32>
    %eq3A_7 = arith.constant 0xFF800000 : f32
    %eq3A_8 = vector.broadcast %eq3A_7 : f32 to vector<10000x19xf32>
    %eq3A_9 = arith.cmpf oeq, %select_n3A_6, %eq3A_8 : vector<10000x19xf32>
    %jit3A_10 = arith.constant -3.40282347E+38 : f32
    %broadcast_in_dim3A_11 = vector.broadcast %jit3A_10 : f32 to vector<10000x19xf32>
    %select_n3A_12 = arith.select %eq3A_9, %broadcast_in_dim3A_11, %select_n3A_6 : vector<10000x19xi1>, vector<10000x19xf32>
    %reduce_sum3A = arith.constant dense<0.000000e+00> : vector<19xf32>
    %reduce_sum3A_13 = vector.multi_reduction <add>, %select_n3A_12, %reduce_sum3A [0] : vector<10000x19xf32> to vector<19xf32>
    %div3A = arith.constant 1.000000e+04 : f32
    %div3A_14 = vector.broadcast %div3A : f32 to vector<19xf32>
    %div3A_15 = arith.divf %reduce_sum3A_13, %div3A_14 : vector<19xf32>
    %broadcast_in_dim3A_16 = vector.shape_cast %div3A_15 : vector<19xf32> to vector<1x19xf32>
    %sub3A = vector.broadcast %broadcast_in_dim3A_16 : vector<1x19xf32> to vector<10000x19xf32>
    %sub3A_17 = arith.subf %select_n3A_12, %sub3A : vector<10000x19xf32>
    %mul3A = arith.mulf %sub3A_17, %sub3A_17 : vector<10000x19xf32>
    %reduce_sum3A_18 = arith.constant dense<0.000000e+00> : vector<19xf32>
    %reduce_sum3A_19 = vector.multi_reduction <add>, %mul3A, %reduce_sum3A_18 [0] : vector<10000x19xf32> to vector<19xf32>
    %div3A_20 = arith.constant 1.000000e+04 : f32
    %div3A_21 = vector.broadcast %div3A_20 : f32 to vector<19xf32>
    %div3A_22 = arith.divf %reduce_sum3A_19, %div3A_21 : vector<19xf32>
    %sqrt3A = math.sqrt %div3A_22 : vector<19xf32>
    %add3A = arith.constant 9.99999974E-5 : f32
    %add3A_23 = vector.broadcast %add3A : f32 to vector<19xf32>
    %add3A_24 = arith.addf %sqrt3A, %add3A_23 : vector<19xf32>
    %broadcast_in_dim3A_25 = vector.shape_cast %add3A_24 : vector<19xf32> to vector<1x19xf32>
    %div3A_26 = vector.broadcast %broadcast_in_dim3A_25 : vector<1x19xf32> to vector<10000x19xf32>
    %div3A_27 = arith.divf %sub3A_17, %div3A_26 : vector<10000x19xf32>
    %get3A_28 = arith.constant 0 : index
    %get3A_29 = arith.constant 0 : index
    %get3A_30 = vector.load %arg2[%get3A_28, %get3A_29] : memref<19x16xf32, #tpu.memory_space<vmem>>, vector<19x16xf32>
    %dot_general3A = arith.constant dense<0.000000e+00> : vector<10000x16xf32>
    %dot_general3A_31 = tpu.matmul %div3A_27, %get3A_30, %dot_general3A {dimension_numbers = #tpu.dot_dimension_numbers<[1], [0], [0], [1], [0, 0, 1, 1], [], []>, transpose_lhs_hint = false} : vector<10000x19xf32>, vector<19x16xf32>, vector<10000x16xf32> -> vector<10000x16xf32>
    %get3A_32 = arith.constant 0 : index
    %get3A_33 = arith.constant 0 : index
    %get3A_34 = vector.load %arg3[%get3A_32, %get3A_33] : memref<1x16xf32, #tpu.memory_space<vmem>>, vector<1x16xf32>
    %add3A_35 = vector.broadcast %get3A_34 : vector<1x16xf32> to vector<10000x16xf32>
    %add3A_36 = arith.addf %dot_general3A_31, %add3A_35 : vector<10000x16xf32>
    %gt3A = arith.constant 0.000000e+00 : f32
    %gt3A_37 = vector.broadcast %gt3A : f32 to vector<10000x16xf32>
    %gt3A_38 = arith.cmpf ogt, %add3A_36, %gt3A_37 : vector<10000x16xf32>
    %mul3A_39 = arith.constant 0.00999999977 : f32
    %mul3A_40 = vector.broadcast %mul3A_39 : f32 to vector<10000x16xf32>
    %mul3A_41 = arith.mulf %mul3A_40, %add3A_36 : vector<10000x16xf32>
    %select_n3A_42 = arith.select %gt3A_38, %add3A_36, %mul3A_41 : vector<10000x16xi1>, vector<10000x16xf32>
    %get3A_43 = arith.constant 0 : index
    %get3A_44 = arith.constant 0 : index
    %get3A_45 = vector.load %arg4[%get3A_43, %get3A_44] : memref<16x16xf32, #tpu.memory_space<vmem>>, vector<16x16xf32>
    %dot_general3A_46 = arith.constant dense<0.000000e+00> : vector<10000x16xf32>
    %dot_general3A_47 = tpu.matmul %select_n3A_42, %get3A_45, %dot_general3A_46 {dimension_numbers = #tpu.dot_dimension_numbers<[1], [0], [0], [1], [0, 0, 1, 1], [], []>, transpose_lhs_hint = false} : vector<10000x16xf32>, vector<16x16xf32>, vector<10000x16xf32> -> vector<10000x16xf32>
    %get3A_48 = arith.constant 0 : index
    %get3A_49 = arith.constant 0 : index
    %get3A_50 = vector.load %arg5[%get3A_48, %get3A_49] : memref<1x16xf32, #tpu.memory_space<vmem>>, vector<1x16xf32>
    %add3A_51 = vector.broadcast %get3A_50 : vector<1x16xf32> to vector<10000x16xf32>
    %add3A_52 = arith.addf %dot_general3A_47, %add3A_51 : vector<10000x16xf32>
    %gt3A_53 = arith.constant 0.000000e+00 : f32
    %gt3A_54 = vector.broadcast %gt3A_53 : f32 to vector<10000x16xf32>
    %gt3A_55 = arith.cmpf ogt, %add3A_52, %gt3A_54 : vector<10000x16xf32>
    %mul3A_56 = arith.constant 0.00999999977 : f32
    %mul3A_57 = vector.broadcast %mul3A_56 : f32 to vector<10000x16xf32>
    %mul3A_58 = arith.mulf %mul3A_57, %add3A_52 : vector<10000x16xf32>
    %select_n3A_59 = arith.select %gt3A_55, %add3A_52, %mul3A_58 : vector<10000x16xi1>, vector<10000x16xf32>
    %swap3A = arith.constant 0 : index
    %swap3A_60 = arith.constant 0 : index
    %swap3A_61 = vector.load %arg6[%swap3A, %swap3A_60] : memref<10000x16xf32, #tpu.memory_space<vmem>>, vector<10000x16xf32>
    tpu.vector_store %arg6[%swap3A, %swap3A_60], %select_n3A_59 {strides = array<i32>} : memref<10000x16xf32, #tpu.memory_space<vmem>>, vector<10000x16xf32>,
    return
  }
  func.func @transform_0(%arg0: i32) -> (i32, i32) {
    %c0_i32 = arith.constant 0 : i32
    %c0_i32_0 = arith.constant 0 : i32
    %c0_i32_1 = arith.constant 0 : i32
    return %c0_i32, %c0_i32_0 : i32, i32
  }
  func.func @transform_1(%arg0: i32) -> (i32, i32) {
    %c0_i32 = arith.constant 0 : i32
    %c0_i32_0 = arith.constant 0 : i32
    %c0_i32_1 = arith.constant 0 : i32
    return %c0_i32, %c0_i32_0 : i32, i32
  }
  func.func @transform_2(%arg0: i32) -> (i32, i32) {
    %c0_i32 = arith.constant 0 : i32
    %c0_i32_0 = arith.constant 0 : i32
    %c0_i32_1 = arith.constant 0 : i32
    return %c0_i32, %c0_i32_0 : i32, i32
  }
  func.func @transform_3(%arg0: i32) -> (i32, i32) {
    %c0_i32 = arith.constant 0 : i32
    %c0_i32_0 = arith.constant 0 : i32
    %c0_i32_1 = arith.constant 0 : i32
    return %c0_i32, %c0_i32_0 : i32, i32
  }
  func.func @transform_4(%arg0: i32) -> (i32, i32) {
    %c0_i32 = arith.constant 0 : i32
    %c0_i32_0 = arith.constant 0 : i32
    %c0_i32_1 = arith.constant 0 : i32
    return %c0_i32, %c0_i32_0 : i32, i32
  }
  func.func @transform_5(%arg0: i32) -> (i32, i32) {
    %c0_i32 = arith.constant 0 : i32
    %c0_i32_0 = arith.constant 0 : i32
    %c0_i32_1 = arith.constant 0 : i32
    return %c0_i32, %c0_i32_0 : i32, i32
  }
}

module attributes {stable_mosaic.version = 14 : i64} {
  func.func @_ef_stats_body(%arg0: i32, %arg1: memref<5120x16xf32, #tpu.memory_space<vmem>>, %arg2: memref<2x16xf32, #tpu.memory_space<vmem>>) attributes {dimension_semantics = [#tpu.dimension_semantics<arbitrary>], iteration_bounds = array<i64: 125>, scalar_prefetch = 0 : i64, scratch_operands = 0 : i64, tpu.core_type = #tpu.core_type<tc>, window_params = [{transform_indices = @transform_0, window_bounds = array<i64: 5120, 16>}, {pipeline_mode = #tpu.pipeline_mode<synchronous>, transform_indices = @transform_1, window_bounds = array<i64: 2, 16>}]} {
    %get3A = arith.constant 0 : index
    %get3A_0 = arith.constant 0 : index
    %get3A_1 = vector.load %arg1[%get3A, %get3A_0] : memref<5120x16xf32, #tpu.memory_space<vmem>>, vector<5120x16xf32>
    %ne3A = arith.cmpf one, %get3A_1, %get3A_1 : vector<5120x16xf32>
    %jit3A = arith.constant 0.000000e+00 : f32
    %broadcast_in_dim3A = vector.broadcast %jit3A : f32 to vector<5120x16xf32>
    %select_n3A = arith.select %ne3A, %broadcast_in_dim3A, %get3A_1 : vector<5120x16xi1>, vector<5120x16xf32>
    %eq3A = arith.constant 0x7F800000 : f32
    %eq3A_2 = vector.broadcast %eq3A : f32 to vector<5120x16xf32>
    %eq3A_3 = arith.cmpf oeq, %select_n3A, %eq3A_2 : vector<5120x16xf32>
    %jit3A_4 = arith.constant 3.40282347E+38 : f32
    %broadcast_in_dim3A_5 = vector.broadcast %jit3A_4 : f32 to vector<5120x16xf32>
    %select_n3A_6 = arith.select %eq3A_3, %broadcast_in_dim3A_5, %select_n3A : vector<5120x16xi1>, vector<5120x16xf32>
    %eq3A_7 = arith.constant 0xFF800000 : f32
    %eq3A_8 = vector.broadcast %eq3A_7 : f32 to vector<5120x16xf32>
    %eq3A_9 = arith.cmpf oeq, %select_n3A_6, %eq3A_8 : vector<5120x16xf32>
    %jit3A_10 = arith.constant -3.40282347E+38 : f32
    %broadcast_in_dim3A_11 = vector.broadcast %jit3A_10 : f32 to vector<5120x16xf32>
    %select_n3A_12 = arith.select %eq3A_9, %broadcast_in_dim3A_11, %select_n3A_6 : vector<5120x16xi1>, vector<5120x16xf32>
    %eq3A_13 = arith.constant 0 : i32
    %eq3A_14 = arith.cmpi eq, %arg0, %eq3A_13 : i32
    %convert_element_type3A = arith.extui %eq3A_14 : i1 to i32
    %cond3A = arith.constant 0 : i32
    %cond3A_15 = arith.cmpi ne, %convert_element_type3A, %cond3A : i32
    scf.if %cond3A_15 {
      %broadcast_in_dim3A_26 = arith.constant 0.000000e+00 : f32
      %broadcast_in_dim3A_27 = vector.broadcast %broadcast_in_dim3A_26 : f32 to vector<2x16xf32>
      %swap3A_28 = arith.constant 0 : index
      %swap3A_29 = arith.constant 0 : index
      %swap3A_30 = vector.load %arg2[%swap3A_28, %swap3A_29] : memref<2x16xf32, #tpu.memory_space<vmem>>, vector<2x16xf32>
      tpu.vector_store %arg2[%swap3A_28, %swap3A_29], %broadcast_in_dim3A_27 {strides = array<i32>} : memref<2x16xf32, #tpu.memory_space<vmem>>, vector<2x16xf32>,
    } else {
    }
    %get3A_16 = arith.constant 0 : index
    %get3A_17 = arith.constant 0 : index
    %get3A_18 = vector.load %arg2[%get3A_16, %get3A_17] : memref<2x16xf32, #tpu.memory_space<vmem>>, vector<2x16xf32>
    %reduce_sum3A = arith.constant dense<0.000000e+00> : vector<16xf32>
    %reduce_sum3A_19 = vector.multi_reduction <add>, %select_n3A_12, %reduce_sum3A [0] : vector<5120x16xf32> to vector<16xf32>
    %mul3A = arith.mulf %select_n3A_12, %select_n3A_12 : vector<5120x16xf32>
    %reduce_sum3A_20 = arith.constant dense<0.000000e+00> : vector<16xf32>
    %reduce_sum3A_21 = vector.multi_reduction <add>, %mul3A, %reduce_sum3A_20 [0] : vector<5120x16xf32> to vector<16xf32>
    %stack3A = vector.shape_cast %reduce_sum3A_19 : vector<16xf32> to vector<1x16xf32>
    %stack3A_22 = vector.shape_cast %reduce_sum3A_21 : vector<16xf32> to vector<1x16xf32>
    %stack3A_23 = tpu.concatenate %stack3A, %stack3A_22 in 0 : vector<1x16xf32>, vector<1x16xf32> -> vector<2x16xf32>
    %add3A = arith.addf %get3A_18, %stack3A_23 : vector<2x16xf32>
    %swap3A = arith.constant 0 : index
    %swap3A_24 = arith.constant 0 : index
    %swap3A_25 = vector.load %arg2[%swap3A, %swap3A_24] : memref<2x16xf32, #tpu.memory_space<vmem>>, vector<2x16xf32>
    tpu.vector_store %arg2[%swap3A, %swap3A_24], %add3A {strides = array<i32>} : memref<2x16xf32, #tpu.memory_space<vmem>>, vector<2x16xf32>,
    return
  }
  func.func @transform_0(%arg0: i32) -> (i32, i32) {
    %c0_i32 = arith.constant 0 : i32
    %c0_i32_0 = arith.constant 0 : i32
    return %arg0, %c0_i32 : i32, i32
  }
  func.func @transform_1(%arg0: i32) -> (i32, i32) {
    %c0_i32 = arith.constant 0 : i32
    %c0_i32_0 = arith.constant 0 : i32
    %c0_i32_1 = arith.constant 0 : i32
    return %c0_i32, %c0_i32_0 : i32, i32
  }
}

module attributes {stable_mosaic.version = 14 : i64} {
  func.func @_edge_mlp_body(%arg0: i32, %arg1: memref<5120x16xf32, #tpu.memory_space<vmem>>, %arg2: memref<2x16xf32, #tpu.memory_space<vmem>>, %arg3: memref<16x16xf32, #tpu.memory_space<vmem>>, %arg4: memref<1x16xf32, #tpu.memory_space<vmem>>, %arg5: memref<16x16xf32, #tpu.memory_space<vmem>>, %arg6: memref<1x16xf32, #tpu.memory_space<vmem>>, %arg7: memref<16x32xf32, #tpu.memory_space<vmem>>, %arg8: memref<1x32xf32, #tpu.memory_space<vmem>>, %arg9: memref<32x2xf32, #tpu.memory_space<vmem>>, %arg10: memref<1x2xf32, #tpu.memory_space<vmem>>, %arg11: memref<5120x16xf32, #tpu.memory_space<vmem>>, %arg12: memref<5120x16xf32, #tpu.memory_space<vmem>>, %arg13: memref<5120x2xf32, #tpu.memory_space<vmem>>, %arg14: memref<5120xf32, #tpu.memory_space<vmem>>, %arg15: memref<5120xf32, #tpu.memory_space<vmem>>) attributes {dimension_semantics = [#tpu.dimension_semantics<parallel>], iteration_bounds = array<i64: 128>, scalar_prefetch = 0 : i64, scratch_operands = 0 : i64, tpu.core_type = #tpu.core_type<tc>, window_params = [{transform_indices = @transform_0, window_bounds = array<i64: 5120, 16>}, {pipeline_mode = #tpu.pipeline_mode<synchronous>, transform_indices = @transform_1, window_bounds = array<i64: 2, 16>}, {pipeline_mode = #tpu.pipeline_mode<synchronous>, transform_indices = @transform_2, window_bounds = array<i64: 16, 16>}, {pipeline_mode = #tpu.pipeline_mode<synchronous>, transform_indices = @transform_3, window_bounds = array<i64: 1, 16>}, {pipeline_mode = #tpu.pipeline_mode<synchronous>, transform_indices = @transform_4, window_bounds = array<i64: 16, 16>}, {pipeline_mode = #tpu.pipeline_mode<synchronous>, transform_indices = @transform_5, window_bounds = array<i64: 1, 16>}, {pipeline_mode = #tpu.pipeline_mode<synchronous>, transform_indices = @transform_6, window_bounds = array<i64: 16, 32>}, {pipeline_mode = #tpu.pipeline_mode<synchronous>, transform_indices = @transform_7, window_bounds = array<i64: 1, 32>}, {pipeline_mode = #tpu.pipeline_mode<synchronous>, transform_indices = @transform_8, window_bounds = array<i64: 32, 2>}, {pipeline_mode = #tpu.pipeline_mode<synchronous>, transform_indices = @transform_9, window_bounds = array<i64: 1, 2>}, {transform_indices = @transform_10, window_bounds = array<i64: 5120, 16>}, {transform_indices = @transform_11, window_bounds = array<i64: 5120, 16>}, {transform_indices = @transform_12, window_bounds = array<i64: 5120, 2>}, {transform_indices = @transform_13, window_bounds = array<i64: 5120>}, {transform_indices = @transform_14, window_bounds = array<i64: 5120>}]} {
    %lt3A = arith.constant 125 : i32
    %lt3A_0 = arith.cmpi slt, %arg0, %lt3A : i32
    %convert_element_type3A = arith.extui %lt3A_0 : i1 to i32
    %convert_element_type3A_1 = arith.sitofp %convert_element_type3A : i32 to f32
    %get3A = arith.constant 0 : index
    %get3A_2 = arith.constant 0 : index
    %get3A_3 = vector.load %arg2[%get3A, %get3A_2] : memref<2x16xf32, #tpu.memory_space<vmem>>, vector<2x16xf32>
    %slice3A = vector.extract_strided_slice %get3A_3 {offsets = [0, 0], sizes = [1, 16], strides = [1, 1]} : vector<2x16xf32> to vector<1x16xf32>
    %squeeze3A = vector.shape_cast %slice3A : vector<1x16xf32> to vector<16xf32>
    %slice3A_4 = vector.extract_strided_slice %get3A_3 {offsets = [1, 0], sizes = [1, 16], strides = [1, 1]} : vector<2x16xf32> to vector<1x16xf32>
    %squeeze3A_5 = vector.shape_cast %slice3A_4 : vector<1x16xf32> to vector<16xf32>
    %div3A = arith.constant 6.400000e+05 : f32
    %div3A_6 = vector.broadcast %div3A : f32 to vector<16xf32>
    %div3A_7 = arith.divf %squeeze3A, %div3A_6 : vector<16xf32>
    %div3A_8 = arith.constant 6.400000e+05 : f32
    %div3A_9 = vector.broadcast %div3A_8 : f32 to vector<16xf32>
    %div3A_10 = arith.divf %squeeze3A_5, %div3A_9 : vector<16xf32>
    %mul3A = arith.mulf %div3A_7, %div3A_7 : vector<16xf32>
    %sub3A = arith.subf %div3A_10, %mul3A : vector<16xf32>
    %max3A = arith.constant 0.000000e+00 : f32
    %max3A_11 = vector.broadcast %max3A : f32 to vector<16xf32>
    %max3A_12 = arith.maximumf %sub3A, %max3A_11 : vector<16xf32>
    %sqrt3A = math.sqrt %max3A_12 : vector<16xf32>
    %add3A = arith.constant 9.99999974E-5 : f32
    %add3A_13 = vector.broadcast %add3A : f32 to vector<16xf32>
    %add3A_14 = arith.addf %sqrt3A, %add3A_13 : vector<16xf32>
    %div3A_15 = arith.constant 1.000000e+00 : f32
    %div3A_16 = vector.broadcast %div3A_15 : f32 to vector<16xf32>
    %div3A_17 = arith.divf %div3A_16, %add3A_14 : vector<16xf32>
    %get3A_18 = arith.constant 0 : index
    %get3A_19 = arith.constant 0 : index
    %get3A_20 = vector.load %arg1[%get3A_18, %get3A_19] : memref<5120x16xf32, #tpu.memory_space<vmem>>, vector<5120x16xf32>
    %ne3A = arith.cmpf one, %get3A_20, %get3A_20 : vector<5120x16xf32>
    %jit3A = arith.constant 0.000000e+00 : f32
    %broadcast_in_dim3A = vector.broadcast %jit3A : f32 to vector<5120x16xf32>
    %select_n3A = arith.select %ne3A, %broadcast_in_dim3A, %get3A_20 : vector<5120x16xi1>, vector<5120x16xf32>
    %eq3A = arith.constant 0x7F800000 : f32
    %eq3A_21 = vector.broadcast %eq3A : f32 to vector<5120x16xf32>
    %eq3A_22 = arith.cmpf oeq, %select_n3A, %eq3A_21 : vector<5120x16xf32>
    %jit3A_23 = arith.constant 3.40282347E+38 : f32
    %broadcast_in_dim3A_24 = vector.broadcast %jit3A_23 : f32 to vector<5120x16xf32>
    %select_n3A_25 = arith.select %eq3A_22, %broadcast_in_dim3A_24, %select_n3A : vector<5120x16xi1>, vector<5120x16xf32>
    %eq3A_26 = arith.constant 0xFF800000 : f32
    %eq3A_27 = vector.broadcast %eq3A_26 : f32 to vector<5120x16xf32>
    %eq3A_28 = arith.cmpf oeq, %select_n3A_25, %eq3A_27 : vector<5120x16xf32>
    %jit3A_29 = arith.constant -3.40282347E+38 : f32
    %broadcast_in_dim3A_30 = vector.broadcast %jit3A_29 : f32 to vector<5120x16xf32>
    %select_n3A_31 = arith.select %eq3A_28, %broadcast_in_dim3A_30, %select_n3A_25 : vector<5120x16xi1>, vector<5120x16xf32>
    %broadcast_in_dim3A_32 = vector.shape_cast %div3A_7 : vector<16xf32> to vector<1x16xf32>
    %sub3A_33 = vector.broadcast %broadcast_in_dim3A_32 : vector<1x16xf32> to vector<5120x16xf32>
    %sub3A_34 = arith.subf %select_n3A_31, %sub3A_33 : vector<5120x16xf32>
    %broadcast_in_dim3A_35 = vector.shape_cast %div3A_17 : vector<16xf32> to vector<1x16xf32>
    %mul3A_36 = vector.broadcast %broadcast_in_dim3A_35 : vector<1x16xf32> to vector<5120x16xf32>
    %mul3A_37 = arith.mulf %sub3A_34, %mul3A_36 : vector<5120x16xf32>
    %mul3A_38 = vector.broadcast %convert_element_type3A_1 : f32 to vector<5120x16xf32>
    %mul3A_39 = arith.mulf %mul3A_37, %mul3A_38 : vector<5120x16xf32>
    %swap3A = arith.constant 0 : index
    %swap3A_40 = arith.constant 0 : index
    %swap3A_41 = vector.load %arg11[%swap3A, %swap3A_40] : memref<5120x16xf32, #tpu.memory_space<vmem>>, vector<5120x16xf32>
    tpu.vector_store %arg11[%swap3A, %swap3A_40], %mul3A_39 {strides = array<i32>} : memref<5120x16xf32, #tpu.memory_space<vmem>>, vector<5120x16xf32>,
    %get3A_42 = arith.constant 0 : index
    %get3A_43 = arith.constant 0 : index
    %get3A_44 = vector.load %arg3[%get3A_42, %get3A_43] : memref<16x16xf32, #tpu.memory_space<vmem>>, vector<16x16xf32>
    %dot_general3A = arith.constant dense<0.000000e+00> : vector<5120x16xf32>
    %dot_general3A_45 = tpu.matmul %mul3A_39, %get3A_44, %dot_general3A {dimension_numbers = #tpu.dot_dimension_numbers<[1], [0], [0], [1], [0, 0, 1, 1], [], []>, transpose_lhs_hint = false} : vector<5120x16xf32>, vector<16x16xf32>, vector<5120x16xf32> -> vector<5120x16xf32>
    %get3A_46 = arith.constant 0 : index
    %get3A_47 = arith.constant 0 : index
    %get3A_48 = vector.load %arg4[%get3A_46, %get3A_47] : memref<1x16xf32, #tpu.memory_space<vmem>>, vector<1x16xf32>
    %add3A_49 = vector.broadcast %get3A_48 : vector<1x16xf32> to vector<5120x16xf32>
    %add3A_50 = arith.addf %dot_general3A_45, %add3A_49 : vector<5120x16xf32>
    %gt3A = arith.constant 0.000000e+00 : f32
    %gt3A_51 = vector.broadcast %gt3A : f32 to vector<5120x16xf32>
    %gt3A_52 = arith.cmpf ogt, %add3A_50, %gt3A_51 : vector<5120x16xf32>
    %mul3A_53 = arith.constant 0.00999999977 : f32
    %mul3A_54 = vector.broadcast %mul3A_53 : f32 to vector<5120x16xf32>
    %mul3A_55 = arith.mulf %mul3A_54, %add3A_50 : vector<5120x16xf32>
    %select_n3A_56 = arith.select %gt3A_52, %add3A_50, %mul3A_55 : vector<5120x16xi1>, vector<5120x16xf32>
    %get3A_57 = arith.constant 0 : index
    %get3A_58 = arith.constant 0 : index
    %get3A_59 = vector.load %arg5[%get3A_57, %get3A_58] : memref<16x16xf32, #tpu.memory_space<vmem>>, vector<16x16xf32>
    %dot_general3A_60 = arith.constant dense<0.000000e+00> : vector<5120x16xf32>
    %dot_general3A_61 = tpu.matmul %select_n3A_56, %get3A_59, %dot_general3A_60 {dimension_numbers = #tpu.dot_dimension_numbers<[1], [0], [0], [1], [0, 0, 1, 1], [], []>, transpose_lhs_hint = false} : vector<5120x16xf32>, vector<16x16xf32>, vector<5120x16xf32> -> vector<5120x16xf32>
    %get3A_62 = arith.constant 0 : index
    %get3A_63 = arith.constant 0 : index
    %get3A_64 = vector.load %arg6[%get3A_62, %get3A_63] : memref<1x16xf32, #tpu.memory_space<vmem>>, vector<1x16xf32>
    %add3A_65 = vector.broadcast %get3A_64 : vector<1x16xf32> to vector<5120x16xf32>
    %add3A_66 = arith.addf %dot_general3A_61, %add3A_65 : vector<5120x16xf32>
    %gt3A_67 = arith.constant 0.000000e+00 : f32
    %gt3A_68 = vector.broadcast %gt3A_67 : f32 to vector<5120x16xf32>
    %gt3A_69 = arith.cmpf ogt, %add3A_66, %gt3A_68 : vector<5120x16xf32>
    %mul3A_70 = arith.constant 0.00999999977 : f32
    %mul3A_71 = vector.broadcast %mul3A_70 : f32 to vector<5120x16xf32>
    %mul3A_72 = arith.mulf %mul3A_71, %add3A_66 : vector<5120x16xf32>
    %select_n3A_73 = arith.select %gt3A_69, %add3A_66, %mul3A_72 : vector<5120x16xi1>, vector<5120x16xf32>
    %swap3A_74 = arith.constant 0 : index
    %swap3A_75 = arith.constant 0 : index
    %swap3A_76 = vector.load %arg12[%swap3A_74, %swap3A_75] : memref<5120x16xf32, #tpu.memory_space<vmem>>, vector<5120x16xf32>
    tpu.vector_store %arg12[%swap3A_74, %swap3A_75], %select_n3A_73 {strides = array<i32>} : memref<5120x16xf32, #tpu.memory_space<vmem>>, vector<5120x16xf32>,
    %get3A_77 = arith.constant 0 : index
    %get3A_78 = arith.constant 0 : index
    %get3A_79 = vector.load %arg7[%get3A_77, %get3A_78] : memref<16x32xf32, #tpu.memory_space<vmem>>, vector<16x32xf32>
    %dot_general3A_80 = arith.constant dense<0.000000e+00> : vector<5120x32xf32>
    %dot_general3A_81 = tpu.matmul %select_n3A_73, %get3A_79, %dot_general3A_80 {dimension_numbers = #tpu.dot_dimension_numbers<[1], [0], [0], [1], [0, 0, 1, 1], [], []>, transpose_lhs_hint = false} : vector<5120x16xf32>, vector<16x32xf32>, vector<5120x32xf32> -> vector<5120x32xf32>
    %get3A_82 = arith.constant 0 : index
    %get3A_83 = arith.constant 0 : index
    %get3A_84 = vector.load %arg8[%get3A_82, %get3A_83] : memref<1x32xf32, #tpu.memory_space<vmem>>, vector<1x32xf32>
    %add3A_85 = vector.broadcast %get3A_84 : vector<1x32xf32> to vector<5120x32xf32>
    %add3A_86 = arith.addf %dot_general3A_81, %add3A_85 : vector<5120x32xf32>
    %gt3A_87 = arith.constant 0.000000e+00 : f32
    %gt3A_88 = vector.broadcast %gt3A_87 : f32 to vector<5120x32xf32>
    %gt3A_89 = arith.cmpf ogt, %add3A_86, %gt3A_88 : vector<5120x32xf32>
    %mul3A_90 = arith.constant 0.00999999977 : f32
    %mul3A_91 = vector.broadcast %mul3A_90 : f32 to vector<5120x32xf32>
    %mul3A_92 = arith.mulf %mul3A_91, %add3A_86 : vector<5120x32xf32>
    %select_n3A_93 = arith.select %gt3A_89, %add3A_86, %mul3A_92 : vector<5120x32xi1>, vector<5120x32xf32>
    %get3A_94 = arith.constant 0 : index
    %get3A_95 = arith.constant 0 : index
    %get3A_96 = vector.load %arg9[%get3A_94, %get3A_95] : memref<32x2xf32, #tpu.memory_space<vmem>>, vector<32x2xf32>
    %dot_general3A_97 = arith.constant dense<0.000000e+00> : vector<5120x2xf32>
    %dot_general3A_98 = tpu.matmul %select_n3A_93, %get3A_96, %dot_general3A_97 {dimension_numbers = #tpu.dot_dimension_numbers<[1], [0], [0], [1], [0, 0, 1, 1], [], []>, transpose_lhs_hint = false} : vector<5120x32xf32>, vector<32x2xf32>, vector<5120x2xf32> -> vector<5120x2xf32>
    %get3A_99 = arith.constant 0 : index
    %get3A_100 = arith.constant 0 : index
    %get3A_101 = vector.load %arg10[%get3A_99, %get3A_100] : memref<1x2xf32, #tpu.memory_space<vmem>>, vector<1x2xf32>
    %add3A_102 = vector.broadcast %get3A_101 : vector<1x2xf32> to vector<5120x2xf32>
    %add3A_103 = arith.addf %dot_general3A_98, %add3A_102 : vector<5120x2xf32>
    %logistic3A = arith.negf %add3A_103 : vector<5120x2xf32>
    %logistic3A_104 = math.exp %logistic3A : vector<5120x2xf32>
    %logistic3A_105 = arith.constant 1.000000e+00 : f32
    %logistic3A_106 = vector.broadcast %logistic3A_105 : f32 to vector<5120x2xf32>
    %logistic3A_107 = arith.addf %logistic3A_106, %logistic3A_104 : vector<5120x2xf32>
    %logistic3A_108 = arith.divf %logistic3A_106, %logistic3A_107 : vector<5120x2xf32>
    %mul3A_109 = vector.broadcast %convert_element_type3A_1 : f32 to vector<5120x2xf32>
    %mul3A_110 = arith.mulf %logistic3A_108, %mul3A_109 : vector<5120x2xf32>
    %swap3A_111 = arith.constant 0 : index
    %swap3A_112 = arith.constant 0 : index
    %swap3A_113 = vector.load %arg13[%swap3A_111, %swap3A_112] : memref<5120x2xf32, #tpu.memory_space<vmem>>, vector<5120x2xf32>
    tpu.vector_store %arg13[%swap3A_111, %swap3A_112], %mul3A_110 {strides = array<i32>} : memref<5120x2xf32, #tpu.memory_space<vmem>>, vector<5120x2xf32>,
    %slice3A_114 = vector.extract_strided_slice %mul3A_110 {offsets = [0, 0], sizes = [5120, 1], strides = [1, 1]} : vector<5120x2xf32> to vector<5120x1xf32>
    %squeeze3A_115 = vector.shape_cast %slice3A_114 : vector<5120x1xf32> to vector<5120xf32>
    %swap3A_116 = arith.constant 0 : index
    %swap3A_117 = vector.load %arg14[%swap3A_116] : memref<5120xf32, #tpu.memory_space<vmem>>, vector<5120xf32>
    tpu.vector_store %arg14[%swap3A_116], %squeeze3A_115 {strides = array<i32>} : memref<5120xf32, #tpu.memory_space<vmem>>, vector<5120xf32>,
    %slice3A_118 = vector.extract_strided_slice %mul3A_110 {offsets = [0, 1], sizes = [5120, 1], strides = [1, 1]} : vector<5120x2xf32> to vector<5120x1xf32>
    %squeeze3A_119 = vector.shape_cast %slice3A_118 : vector<5120x1xf32> to vector<5120xf32>
    %swap3A_120 = arith.constant 0 : index
    %swap3A_121 = vector.load %arg15[%swap3A_120] : memref<5120xf32, #tpu.memory_space<vmem>>, vector<5120xf32>
    tpu.vector_store %arg15[%swap3A_120], %squeeze3A_119 {strides = array<i32>} : memref<5120xf32, #tpu.memory_space<vmem>>, vector<5120xf32>,
    return
  }
  func.func @transform_0(%arg0: i32) -> (i32, i32) {
    %min3A = arith.constant 124 : i32
    %min3A_0 = arith.minsi %arg0, %min3A : i32
    %c0_i32 = arith.constant 0 : i32
    %c0_i32_1 = arith.constant 0 : i32
    return %min3A_0, %c0_i32 : i32, i32
  }
  func.func @transform_1(%arg0: i32) -> (i32, i32) {
    %c0_i32 = arith.constant 0 : i32
    %c0_i32_0 = arith.constant 0 : i32
    %c0_i32_1 = arith.constant 0 : i32
    return %c0_i32, %c0_i32_0 : i32, i32
  }
  func.func @transform_2(%arg0: i32) -> (i32, i32) {
    %c0_i32 = arith.constant 0 : i32
    %c0_i32_0 = arith.constant 0 : i32
    %c0_i32_1 = arith.constant 0 : i32
    return %c0_i32, %c0_i32_0 : i32, i32
  }
  func.func @transform_3(%arg0: i32) -> (i32, i32) {
    %c0_i32 = arith.constant 0 : i32
    %c0_i32_0 = arith.constant 0 : i32
    %c0_i32_1 = arith.constant 0 : i32
    return %c0_i32, %c0_i32_0 : i32, i32
  }
  func.func @transform_4(%arg0: i32) -> (i32, i32) {
    %c0_i32 = arith.constant 0 : i32
    %c0_i32_0 = arith.constant 0 : i32
    %c0_i32_1 = arith.constant 0 : i32
    return %c0_i32, %c0_i32_0 : i32, i32
  }
  func.func @transform_5(%arg0: i32) -> (i32, i32) {
    %c0_i32 = arith.constant 0 : i32
    %c0_i32_0 = arith.constant 0 : i32
    %c0_i32_1 = arith.constant 0 : i32
    return %c0_i32, %c0_i32_0 : i32, i32
  }
  func.func @transform_6(%arg0: i32) -> (i32, i32) {
    %c0_i32 = arith.constant 0 : i32
    %c0_i32_0 = arith.constant 0 : i32
    %c0_i32_1 = arith.constant 0 : i32
    return %c0_i32, %c0_i32_0 : i32, i32
  }
  func.func @transform_7(%arg0: i32) -> (i32, i32) {
    %c0_i32 = arith.constant 0 : i32
    %c0_i32_0 = arith.constant 0 : i32
    %c0_i32_1 = arith.constant 0 : i32
    return %c0_i32, %c0_i32_0 : i32, i32
  }
  func.func @transform_8(%arg0: i32) -> (i32, i32) {
    %c0_i32 = arith.constant 0 : i32
    %c0_i32_0 = arith.constant 0 : i32
    %c0_i32_1 = arith.constant 0 : i32
    return %c0_i32, %c0_i32_0 : i32, i32
  }
  func.func @transform_9(%arg0: i32) -> (i32, i32) {
    %c0_i32 = arith.constant 0 : i32
    %c0_i32_0 = arith.constant 0 : i32
    %c0_i32_1 = arith.constant 0 : i32
    return %c0_i32, %c0_i32_0 : i32, i32
  }
  func.func @transform_10(%arg0: i32) -> (i32, i32) {
    %c0_i32 = arith.constant 0 : i32
    %c0_i32_0 = arith.constant 0 : i32
    return %arg0, %c0_i32 : i32, i32
  }
  func.func @transform_11(%arg0: i32) -> (i32, i32) {
    %c0_i32 = arith.constant 0 : i32
    %c0_i32_0 = arith.constant 0 : i32
    return %arg0, %c0_i32 : i32, i32
  }
  func.func @transform_12(%arg0: i32) -> (i32, i32) {
    %c0_i32 = arith.constant 0 : i32
    %c0_i32_0 = arith.constant 0 : i32
    return %arg0, %c0_i32 : i32, i32
  }
  func.func @transform_13(%arg0: i32) -> i32 {
    %c0_i32 = arith.constant 0 : i32
    return %arg0 : i32
  }
  func.func @transform_14(%arg0: i32) -> i32 {
    %c0_i32 = arith.constant 0 : i32
    return %arg0 : i32
  }
}

module attributes {stable_mosaic.version = 14 : i64} {
  func.func @_msg_mlp_body(%arg0: i32, %arg1: memref<4096x16xf32, #tpu.memory_space<vmem>>, %arg2: memref<4096x16xf32, #tpu.memory_space<vmem>>, %arg3: memref<4096x2xf32, #tpu.memory_space<vmem>>, %arg4: memref<32x64xf32, #tpu.memory_space<vmem>>, %arg5: memref<1x64xf32, #tpu.memory_space<vmem>>, %arg6: memref<64x32xf32, #tpu.memory_space<vmem>>, %arg7: memref<1x32xf32, #tpu.memory_space<vmem>>, %arg8: memref<4096x16xf32, #tpu.memory_space<vmem>>, %arg9: memref<4096x16xf32, #tpu.memory_space<vmem>>) attributes {dimension_semantics = [#tpu.dimension_semantics<parallel>], iteration_bounds = array<i64: 160>, scalar_prefetch = 0 : i64, scratch_operands = 0 : i64, tpu.core_type = #tpu.core_type<tc>, window_params = [{transform_indices = @transform_0, window_bounds = array<i64: 4096, 16>}, {transform_indices = @transform_1, window_bounds = array<i64: 4096, 16>}, {transform_indices = @transform_2, window_bounds = array<i64: 4096, 2>}, {pipeline_mode = #tpu.pipeline_mode<synchronous>, transform_indices = @transform_3, window_bounds = array<i64: 32, 64>}, {pipeline_mode = #tpu.pipeline_mode<synchronous>, transform_indices = @transform_4, window_bounds = array<i64: 1, 64>}, {pipeline_mode = #tpu.pipeline_mode<synchronous>, transform_indices = @transform_5, window_bounds = array<i64: 64, 32>}, {pipeline_mode = #tpu.pipeline_mode<synchronous>, transform_indices = @transform_6, window_bounds = array<i64: 1, 32>}, {transform_indices = @transform_7, window_bounds = array<i64: 4096, 16>}, {transform_indices = @transform_8, window_bounds = array<i64: 4096, 16>}]} {
    %get3A = arith.constant 0 : index
    %get3A_0 = arith.constant 0 : index
    %get3A_1 = vector.load %arg1[%get3A, %get3A_0] : memref<4096x16xf32, #tpu.memory_space<vmem>>, vector<4096x16xf32>
    %get3A_2 = arith.constant 0 : index
    %get3A_3 = arith.constant 0 : index
    %get3A_4 = vector.load %arg2[%get3A_2, %get3A_3] : memref<4096x16xf32, #tpu.memory_space<vmem>>, vector<4096x16xf32>
    %concatenate3A = tpu.concatenate %get3A_1, %get3A_4 in 1 : vector<4096x16xf32>, vector<4096x16xf32> -> vector<4096x32xf32>
    %get3A_5 = arith.constant 0 : index
    %get3A_6 = arith.constant 0 : index
    %get3A_7 = vector.load %arg4[%get3A_5, %get3A_6] : memref<32x64xf32, #tpu.memory_space<vmem>>, vector<32x64xf32>
    %dot_general3A = arith.constant dense<0.000000e+00> : vector<4096x64xf32>
    %dot_general3A_8 = tpu.matmul %concatenate3A, %get3A_7, %dot_general3A {dimension_numbers = #tpu.dot_dimension_numbers<[1], [0], [0], [1], [0, 0, 1, 1], [], []>, transpose_lhs_hint = false} : vector<4096x32xf32>, vector<32x64xf32>, vector<4096x64xf32> -> vector<4096x64xf32>
    %get3A_9 = arith.constant 0 : index
    %get3A_10 = arith.constant 0 : index
    %get3A_11 = vector.load %arg5[%get3A_9, %get3A_10] : memref<1x64xf32, #tpu.memory_space<vmem>>, vector<1x64xf32>
    %add3A = vector.broadcast %get3A_11 : vector<1x64xf32> to vector<4096x64xf32>
    %add3A_12 = arith.addf %dot_general3A_8, %add3A : vector<4096x64xf32>
    %gt3A = arith.constant 0.000000e+00 : f32
    %gt3A_13 = vector.broadcast %gt3A : f32 to vector<4096x64xf32>
    %gt3A_14 = arith.cmpf ogt, %add3A_12, %gt3A_13 : vector<4096x64xf32>
    %mul3A = arith.constant 0.00999999977 : f32
    %mul3A_15 = vector.broadcast %mul3A : f32 to vector<4096x64xf32>
    %mul3A_16 = arith.mulf %mul3A_15, %add3A_12 : vector<4096x64xf32>
    %select_n3A = arith.select %gt3A_14, %add3A_12, %mul3A_16 : vector<4096x64xi1>, vector<4096x64xf32>
    %get3A_17 = arith.constant 0 : index
    %get3A_18 = arith.constant 0 : index
    %get3A_19 = vector.load %arg6[%get3A_17, %get3A_18] : memref<64x32xf32, #tpu.memory_space<vmem>>, vector<64x32xf32>
    %dot_general3A_20 = arith.constant dense<0.000000e+00> : vector<4096x32xf32>
    %dot_general3A_21 = tpu.matmul %select_n3A, %get3A_19, %dot_general3A_20 {dimension_numbers = #tpu.dot_dimension_numbers<[1], [0], [0], [1], [0, 0, 1, 1], [], []>, transpose_lhs_hint = false} : vector<4096x64xf32>, vector<64x32xf32>, vector<4096x32xf32> -> vector<4096x32xf32>
    %get3A_22 = arith.constant 0 : index
    %get3A_23 = arith.constant 0 : index
    %get3A_24 = vector.load %arg7[%get3A_22, %get3A_23] : memref<1x32xf32, #tpu.memory_space<vmem>>, vector<1x32xf32>
    %add3A_25 = vector.broadcast %get3A_24 : vector<1x32xf32> to vector<4096x32xf32>
    %add3A_26 = arith.addf %dot_general3A_21, %add3A_25 : vector<4096x32xf32>
    %gt3A_27 = arith.constant 0.000000e+00 : f32
    %gt3A_28 = vector.broadcast %gt3A_27 : f32 to vector<4096x32xf32>
    %gt3A_29 = arith.cmpf ogt, %add3A_26, %gt3A_28 : vector<4096x32xf32>
    %mul3A_30 = arith.constant 0.00999999977 : f32
    %mul3A_31 = vector.broadcast %mul3A_30 : f32 to vector<4096x32xf32>
    %mul3A_32 = arith.mulf %mul3A_31, %add3A_26 : vector<4096x32xf32>
    %select_n3A_33 = arith.select %gt3A_29, %add3A_26, %mul3A_32 : vector<4096x32xi1>, vector<4096x32xf32>
    %get3A_34 = arith.constant 0 : index
    %get3A_35 = arith.constant 0 : index
    %get3A_36 = vector.load %arg3[%get3A_34, %get3A_35] : memref<4096x2xf32, #tpu.memory_space<vmem>>, vector<4096x2xf32>
    %slice3A = vector.extract_strided_slice %select_n3A_33 {offsets = [0, 0], sizes = [4096, 16], strides = [1, 1]} : vector<4096x32xf32> to vector<4096x16xf32>
    %slice3A_37 = vector.extract_strided_slice %get3A_36 {offsets = [0, 0], sizes = [4096, 1], strides = [1, 1]} : vector<4096x2xf32> to vector<4096x1xf32>
    %mul3A_38 = vector.broadcast %slice3A_37 : vector<4096x1xf32> to vector<4096x16xf32>
    %mul3A_39 = arith.mulf %slice3A, %mul3A_38 : vector<4096x16xf32>
    %swap3A = arith.constant 0 : index
    %swap3A_40 = arith.constant 0 : index
    %swap3A_41 = vector.load %arg8[%swap3A, %swap3A_40] : memref<4096x16xf32, #tpu.memory_space<vmem>>, vector<4096x16xf32>
    tpu.vector_store %arg8[%swap3A, %swap3A_40], %mul3A_39 {strides = array<i32>} : memref<4096x16xf32, #tpu.memory_space<vmem>>, vector<4096x16xf32>,
    %slice3A_42 = vector.extract_strided_slice %select_n3A_33 {offsets = [0, 16], sizes = [4096, 16], strides = [1, 1]} : vector<4096x32xf32> to vector<4096x16xf32>
    %slice3A_43 = vector.extract_strided_slice %get3A_36 {offsets = [0, 1], sizes = [4096, 1], strides = [1, 1]} : vector<4096x2xf32> to vector<4096x1xf32>
    %mul3A_44 = vector.broadcast %slice3A_43 : vector<4096x1xf32> to vector<4096x16xf32>
    %mul3A_45 = arith.mulf %slice3A_42, %mul3A_44 : vector<4096x16xf32>
    %swap3A_46 = arith.constant 0 : index
    %swap3A_47 = arith.constant 0 : index
    %swap3A_48 = vector.load %arg9[%swap3A_46, %swap3A_47] : memref<4096x16xf32, #tpu.memory_space<vmem>>, vector<4096x16xf32>
    tpu.vector_store %arg9[%swap3A_46, %swap3A_47], %mul3A_45 {strides = array<i32>} : memref<4096x16xf32, #tpu.memory_space<vmem>>, vector<4096x16xf32>,
    return
  }
  func.func @transform_0(%arg0: i32) -> (i32, i32) {
    %c0_i32 = arith.constant 0 : i32
    %c0_i32_0 = arith.constant 0 : i32
    return %arg0, %c0_i32 : i32, i32
  }
  func.func @transform_1(%arg0: i32) -> (i32, i32) {
    %c0_i32 = arith.constant 0 : i32
    %c0_i32_0 = arith.constant 0 : i32
    return %arg0, %c0_i32 : i32, i32
  }
  func.func @transform_2(%arg0: i32) -> (i32, i32) {
    %c0_i32 = arith.constant 0 : i32
    %c0_i32_0 = arith.constant 0 : i32
    return %arg0, %c0_i32 : i32, i32
  }
  func.func @transform_3(%arg0: i32) -> (i32, i32) {
    %c0_i32 = arith.constant 0 : i32
    %c0_i32_0 = arith.constant 0 : i32
    %c0_i32_1 = arith.constant 0 : i32
    return %c0_i32, %c0_i32_0 : i32, i32
  }
  func.func @transform_4(%arg0: i32) -> (i32, i32) {
    %c0_i32 = arith.constant 0 : i32
    %c0_i32_0 = arith.constant 0 : i32
    %c0_i32_1 = arith.constant 0 : i32
    return %c0_i32, %c0_i32_0 : i32, i32
  }
  func.func @transform_5(%arg0: i32) -> (i32, i32) {
    %c0_i32 = arith.constant 0 : i32
    %c0_i32_0 = arith.constant 0 : i32
    %c0_i32_1 = arith.constant 0 : i32
    return %c0_i32, %c0_i32_0 : i32, i32
  }
  func.func @transform_6(%arg0: i32) -> (i32, i32) {
    %c0_i32 = arith.constant 0 : i32
    %c0_i32_0 = arith.constant 0 : i32
    %c0_i32_1 = arith.constant 0 : i32
    return %c0_i32, %c0_i32_0 : i32, i32
  }
  func.func @transform_7(%arg0: i32) -> (i32, i32) {
    %c0_i32 = arith.constant 0 : i32
    %c0_i32_0 = arith.constant 0 : i32
    return %arg0, %c0_i32 : i32, i32
  }
  func.func @transform_8(%arg0: i32) -> (i32, i32) {
    %c0_i32 = arith.constant 0 : i32
    %c0_i32_0 = arith.constant 0 : i32
    return %arg0, %c0_i32 : i32, i32
  }
}

module attributes {stable_mosaic.version = 14 : i64} {
  func.func @_den_reduce_body(%arg0: i32, %arg1: memref<32x10000xf32, #tpu.memory_space<vmem>>, %arg2: memref<10000xf32, #tpu.memory_space<vmem>>) attributes {dimension_semantics = [#tpu.dimension_semantics<arbitrary>], iteration_bounds = array<i64: 1>, scalar_prefetch = 0 : i64, scratch_operands = 0 : i64, tpu.core_type = #tpu.core_type<tc>, window_params = [{pipeline_mode = #tpu.pipeline_mode<synchronous>, transform_indices = @transform_0, window_bounds = array<i64: 32, 10000>}, {pipeline_mode = #tpu.pipeline_mode<synchronous>, transform_indices = @transform_1, window_bounds = array<i64: 10000>}]} {
    %get3A = arith.constant 0 : index
    %get3A_0 = arith.constant 0 : index
    %get3A_1 = vector.load %arg1[%get3A, %get3A_0] : memref<32x10000xf32, #tpu.memory_space<vmem>>, vector<32x10000xf32>
    %reduce_sum3A = arith.constant dense<0.000000e+00> : vector<10000xf32>
    %reduce_sum3A_2 = vector.multi_reduction <add>, %get3A_1, %reduce_sum3A [0] : vector<32x10000xf32> to vector<10000xf32>
    %add3A = arith.constant 1.000000e+00 : f32
    %add3A_3 = vector.broadcast %add3A : f32 to vector<10000xf32>
    %add3A_4 = arith.addf %add3A_3, %reduce_sum3A_2 : vector<10000xf32>
    %swap3A = arith.constant 0 : index
    %swap3A_5 = vector.load %arg2[%swap3A] : memref<10000xf32, #tpu.memory_space<vmem>>, vector<10000xf32>
    tpu.vector_store %arg2[%swap3A], %add3A_4 {strides = array<i32>} : memref<10000xf32, #tpu.memory_space<vmem>>, vector<10000xf32>,
    return
  }
  func.func @transform_0(%arg0: i32) -> (i32, i32) {
    %c0_i32 = arith.constant 0 : i32
    %c0_i32_0 = arith.constant 0 : i32
    %c0_i32_1 = arith.constant 0 : i32
    return %c0_i32, %c0_i32_0 : i32, i32
  }
  func.func @transform_1(%arg0: i32) -> i32 {
    %c0_i32 = arith.constant 0 : i32
    %c0_i32_0 = arith.constant 0 : i32
    return %c0_i32 : i32
  }
}

module attributes {stable_mosaic.version = 14 : i64} {
  func.func @_node_update_body(%arg0: i32, %arg1: memref<10000x16xf32, #tpu.memory_space<vmem>>, %arg2: memref<2x10000x16xf32, #tpu.memory_space<vmem>>, %arg3: memref<10000x1xf32, #tpu.memory_space<vmem>>, %arg4: memref<16x32xf32, #tpu.memory_space<vmem>>, %arg5: memref<1x32xf32, #tpu.memory_space<vmem>>, %arg6: memref<32x16xf32, #tpu.memory_space<vmem>>, %arg7: memref<1x16xf32, #tpu.memory_space<vmem>>, %arg8: memref<10000x16xf32, #tpu.memory_space<vmem>>) attributes {dimension_semantics = [#tpu.dimension_semantics<arbitrary>], iteration_bounds = array<i64: 1>, scalar_prefetch = 0 : i64, scratch_operands = 0 : i64, tpu.core_type = #tpu.core_type<tc>, window_params = [{pipeline_mode = #tpu.pipeline_mode<synchronous>, transform_indices = @transform_0, window_bounds = array<i64: 10000, 16>}, {pipeline_mode = #tpu.pipeline_mode<synchronous>, transform_indices = @transform_1, window_bounds = array<i64: 2, 10000, 16>}, {pipeline_mode = #tpu.pipeline_mode<synchronous>, transform_indices = @transform_2, window_bounds = array<i64: 10000, 1>}, {pipeline_mode = #tpu.pipeline_mode<synchronous>, transform_indices = @transform_3, window_bounds = array<i64: 16, 32>}, {pipeline_mode = #tpu.pipeline_mode<synchronous>, transform_indices = @transform_4, window_bounds = array<i64: 1, 32>}, {pipeline_mode = #tpu.pipeline_mode<synchronous>, transform_indices = @transform_5, window_bounds = array<i64: 32, 16>}, {pipeline_mode = #tpu.pipeline_mode<synchronous>, transform_indices = @transform_6, window_bounds = array<i64: 1, 16>}, {pipeline_mode = #tpu.pipeline_mode<synchronous>, transform_indices = @transform_7, window_bounds = array<i64: 10000, 16>}]} {
    %get3A = arith.constant 0 : index
    %get3A_0 = arith.constant 0 : index
    %get3A_1 = vector.load %arg1[%get3A, %get3A_0] : memref<10000x16xf32, #tpu.memory_space<vmem>>, vector<10000x16xf32>
    %get3A_2 = arith.constant 0 : index
    %get3A_3 = arith.constant 0 : index
    %get3A_4 = vector.load %arg4[%get3A_2, %get3A_3] : memref<16x32xf32, #tpu.memory_space<vmem>>, vector<16x32xf32>
    %dot_general3A = arith.constant dense<0.000000e+00> : vector<10000x32xf32>
    %dot_general3A_5 = tpu.matmul %get3A_1, %get3A_4, %dot_general3A {dimension_numbers = #tpu.dot_dimension_numbers<[1], [0], [0], [1], [0, 0, 1, 1], [], []>, transpose_lhs_hint = false} : vector<10000x16xf32>, vector<16x32xf32>, vector<10000x32xf32> -> vector<10000x32xf32>
    %get3A_6 = arith.constant 0 : index
    %get3A_7 = arith.constant 0 : index
    %get3A_8 = vector.load %arg5[%get3A_6, %get3A_7] : memref<1x32xf32, #tpu.memory_space<vmem>>, vector<1x32xf32>
    %add3A = vector.broadcast %get3A_8 : vector<1x32xf32> to vector<10000x32xf32>
    %add3A_9 = arith.addf %dot_general3A_5, %add3A : vector<10000x32xf32>
    %gt3A = arith.constant 0.000000e+00 : f32
    %gt3A_10 = vector.broadcast %gt3A : f32 to vector<10000x32xf32>
    %gt3A_11 = arith.cmpf ogt, %add3A_9, %gt3A_10 : vector<10000x32xf32>
    %mul3A = arith.constant 0.00999999977 : f32
    %mul3A_12 = vector.broadcast %mul3A : f32 to vector<10000x32xf32>
    %mul3A_13 = arith.mulf %mul3A_12, %add3A_9 : vector<10000x32xf32>
    %select_n3A = arith.select %gt3A_11, %add3A_9, %mul3A_13 : vector<10000x32xi1>, vector<10000x32xf32>
    %get3A_14 = arith.constant 0 : index
    %get3A_15 = arith.constant 0 : index
    %get3A_16 = vector.load %arg6[%get3A_14, %get3A_15] : memref<32x16xf32, #tpu.memory_space<vmem>>, vector<32x16xf32>
    %dot_general3A_17 = arith.constant dense<0.000000e+00> : vector<10000x16xf32>
    %dot_general3A_18 = tpu.matmul %select_n3A, %get3A_16, %dot_general3A_17 {dimension_numbers = #tpu.dot_dimension_numbers<[1], [0], [0], [1], [0, 0, 1, 1], [], []>, transpose_lhs_hint = false} : vector<10000x32xf32>, vector<32x16xf32>, vector<10000x16xf32> -> vector<10000x16xf32>
    %get3A_19 = arith.constant 0 : index
    %get3A_20 = arith.constant 0 : index
    %get3A_21 = vector.load %arg7[%get3A_19, %get3A_20] : memref<1x16xf32, #tpu.memory_space<vmem>>, vector<1x16xf32>
    %add3A_22 = vector.broadcast %get3A_21 : vector<1x16xf32> to vector<10000x16xf32>
    %add3A_23 = arith.addf %dot_general3A_18, %add3A_22 : vector<10000x16xf32>
    %gt3A_24 = arith.constant 0.000000e+00 : f32
    %gt3A_25 = vector.broadcast %gt3A_24 : f32 to vector<10000x16xf32>
    %gt3A_26 = arith.cmpf ogt, %add3A_23, %gt3A_25 : vector<10000x16xf32>
    %mul3A_27 = arith.constant 0.00999999977 : f32
    %mul3A_28 = vector.broadcast %mul3A_27 : f32 to vector<10000x16xf32>
    %mul3A_29 = arith.mulf %mul3A_28, %add3A_23 : vector<10000x16xf32>
    %select_n3A_30 = arith.select %gt3A_26, %add3A_23, %mul3A_29 : vector<10000x16xi1>, vector<10000x16xf32>
    %get3A_31 = arith.constant 0 : index
    %get3A_32 = arith.constant 0 : index
    %get3A_33 = arith.constant 0 : index
    %get3A_34 = vector.load %arg2[%get3A_31, %get3A_32, %get3A_33] : memref<2x10000x16xf32, #tpu.memory_space<vmem>>, vector<2x10000x16xf32>
    %slice3A = vector.extract_strided_slice %get3A_34 {offsets = [0, 0, 0], sizes = [1, 10000, 16], strides = [1, 1, 1]} : vector<2x10000x16xf32> to vector<1x10000x16xf32>
    %squeeze3A = vector.shape_cast %slice3A : vector<1x10000x16xf32> to vector<10000x16xf32>
    %add3A_35 = arith.addf %select_n3A_30, %squeeze3A : vector<10000x16xf32>
    %slice3A_36 = vector.extract_strided_slice %get3A_34 {offsets = [1, 0, 0], sizes = [1, 10000, 16], strides = [1, 1, 1]} : vector<2x10000x16xf32> to vector<1x10000x16xf32>
    %squeeze3A_37 = vector.shape_cast %slice3A_36 : vector<1x10000x16xf32> to vector<10000x16xf32>
    %add3A_38 = arith.addf %add3A_35, %squeeze3A_37 : vector<10000x16xf32>
    %get3A_39 = arith.constant 0 : index
    %get3A_40 = arith.constant 0 : index
    %get3A_41 = vector.load %arg3[%get3A_39, %get3A_40] : memref<10000x1xf32, #tpu.memory_space<vmem>>, vector<10000x1xf32>
    %div3A = vector.broadcast %get3A_41 : vector<10000x1xf32> to vector<10000x16xf32>
    %div3A_42 = arith.divf %add3A_38, %div3A : vector<10000x16xf32>
    %swap3A = arith.constant 0 : index
    %swap3A_43 = arith.constant 0 : index
    %swap3A_44 = vector.load %arg8[%swap3A, %swap3A_43] : memref<10000x16xf32, #tpu.memory_space<vmem>>, vector<10000x16xf32>
    tpu.vector_store %arg8[%swap3A, %swap3A_43], %div3A_42 {strides = array<i32>} : memref<10000x16xf32, #tpu.memory_space<vmem>>, vector<10000x16xf32>,
    return
  }
  func.func @transform_0(%arg0: i32) -> (i32, i32) {
    %c0_i32 = arith.constant 0 : i32
    %c0_i32_0 = arith.constant 0 : i32
    %c0_i32_1 = arith.constant 0 : i32
    return %c0_i32, %c0_i32_0 : i32, i32
  }
  func.func @transform_1(%arg0: i32) -> (i32, i32, i32) {
    %c0_i32 = arith.constant 0 : i32
    %c0_i32_0 = arith.constant 0 : i32
    %c0_i32_1 = arith.constant 0 : i32
    %c0_i32_2 = arith.constant 0 : i32
    return %c0_i32, %c0_i32_0, %c0_i32_1 : i32, i32, i32
  }
  func.func @transform_2(%arg0: i32) -> (i32, i32) {
    %c0_i32 = arith.constant 0 : i32
    %c0_i32_0 = arith.constant 0 : i32
    %c0_i32_1 = arith.constant 0 : i32
    return %c0_i32, %c0_i32_0 : i32, i32
  }
  func.func @transform_3(%arg0: i32) -> (i32, i32) {
    %c0_i32 = arith.constant 0 : i32
    %c0_i32_0 = arith.constant 0 : i32
    %c0_i32_1 = arith.constant 0 : i32
    return %c0_i32, %c0_i32_0 : i32, i32
  }
  func.func @transform_4(%arg0: i32) -> (i32, i32) {
    %c0_i32 = arith.constant 0 : i32
    %c0_i32_0 = arith.constant 0 : i32
    %c0_i32_1 = arith.constant 0 : i32
    return %c0_i32, %c0_i32_0 : i32, i32
  }
  func.func @transform_5(%arg0: i32) -> (i32, i32) {
    %c0_i32 = arith.constant 0 : i32
    %c0_i32_0 = arith.constant 0 : i32
    %c0_i32_1 = arith.constant 0 : i32
    return %c0_i32, %c0_i32_0 : i32, i32
  }
  func.func @transform_6(%arg0: i32) -> (i32, i32) {
    %c0_i32 = arith.constant 0 : i32
    %c0_i32_0 = arith.constant 0 : i32
    %c0_i32_1 = arith.constant 0 : i32
    return %c0_i32, %c0_i32_0 : i32, i32
  }
  func.func @transform_7(%arg0: i32) -> (i32, i32) {
    %c0_i32 = arith.constant 0 : i32
    %c0_i32_0 = arith.constant 0 : i32
    %c0_i32_1 = arith.constant 0 : i32
    return %c0_i32, %c0_i32_0 : i32, i32
  }
}

module attributes {stable_mosaic.version = 14 : i64} {
  func.func @_edge_out_body(%arg0: i32, %arg1: memref<5120x16xf32, #tpu.memory_space<vmem>>, %arg2: memref<5120x16xf32, #tpu.memory_space<vmem>>, %arg3: memref<5120x16xf32, #tpu.memory_space<vmem>>, %arg4: memref<5120x16xf32, #tpu.memory_space<vmem>>, %arg5: memref<64x16xf32, #tpu.memory_space<vmem>>, %arg6: memref<1x16xf32, #tpu.memory_space<vmem>>, %arg7: memref<16x1xf32, #tpu.memory_space<vmem>>, %arg8: memref<1x1xf32, #tpu.memory_space<vmem>>, %arg9: memref<5120xf32, #tpu.memory_space<vmem>>) attributes {dimension_semantics = [#tpu.dimension_semantics<parallel>], iteration_bounds = array<i64: 125>, scalar_prefetch = 0 : i64, scratch_operands = 0 : i64, tpu.core_type = #tpu.core_type<tc>, window_params = [{transform_indices = @transform_0, window_bounds = array<i64: 5120, 16>}, {transform_indices = @transform_1, window_bounds = array<i64: 5120, 16>}, {transform_indices = @transform_2, window_bounds = array<i64: 5120, 16>}, {transform_indices = @transform_3, window_bounds = array<i64: 5120, 16>}, {pipeline_mode = #tpu.pipeline_mode<synchronous>, transform_indices = @transform_4, window_bounds = array<i64: 64, 16>}, {pipeline_mode = #tpu.pipeline_mode<synchronous>, transform_indices = @transform_5, window_bounds = array<i64: 1, 16>}, {pipeline_mode = #tpu.pipeline_mode<synchronous>, transform_indices = @transform_6, window_bounds = array<i64: 16, 1>}, {pipeline_mode = #tpu.pipeline_mode<synchronous>, transform_indices = @transform_7, window_bounds = array<i64: 1, 1>}, {transform_indices = @transform_8, window_bounds = array<i64: 5120>}]} {
    %get3A = arith.constant 0 : index
    %get3A_0 = arith.constant 0 : index
    %get3A_1 = vector.load %arg1[%get3A, %get3A_0] : memref<5120x16xf32, #tpu.memory_space<vmem>>, vector<5120x16xf32>
    %get3A_2 = arith.constant 0 : index
    %get3A_3 = arith.constant 0 : index
    %get3A_4 = vector.load %arg2[%get3A_2, %get3A_3] : memref<5120x16xf32, #tpu.memory_space<vmem>>, vector<5120x16xf32>
    %get3A_5 = arith.constant 0 : index
    %get3A_6 = arith.constant 0 : index
    %get3A_7 = vector.load %arg3[%get3A_5, %get3A_6] : memref<5120x16xf32, #tpu.memory_space<vmem>>, vector<5120x16xf32>
    %get3A_8 = arith.constant 0 : index
    %get3A_9 = arith.constant 0 : index
    %get3A_10 = vector.load %arg4[%get3A_8, %get3A_9] : memref<5120x16xf32, #tpu.memory_space<vmem>>, vector<5120x16xf32>
    %concatenate3A = tpu.concatenate %get3A_1, %get3A_4, %get3A_7, %get3A_10 in 1 : vector<5120x16xf32>, vector<5120x16xf32>, vector<5120x16xf32>, vector<5120x16xf32> -> vector<5120x64xf32>
    %get3A_11 = arith.constant 0 : index
    %get3A_12 = arith.constant 0 : index
    %get3A_13 = vector.load %arg5[%get3A_11, %get3A_12] : memref<64x16xf32, #tpu.memory_space<vmem>>, vector<64x16xf32>
    %dot_general3A = arith.constant dense<0.000000e+00> : vector<5120x16xf32>
    %dot_general3A_14 = tpu.matmul %concatenate3A, %get3A_13, %dot_general3A {dimension_numbers = #tpu.dot_dimension_numbers<[1], [0], [0], [1], [0, 0, 1, 1], [], []>, transpose_lhs_hint = false} : vector<5120x64xf32>, vector<64x16xf32>, vector<5120x16xf32> -> vector<5120x16xf32>
    %get3A_15 = arith.constant 0 : index
    %get3A_16 = arith.constant 0 : index
    %get3A_17 = vector.load %arg6[%get3A_15, %get3A_16] : memref<1x16xf32, #tpu.memory_space<vmem>>, vector<1x16xf32>
    %add3A = vector.broadcast %get3A_17 : vector<1x16xf32> to vector<5120x16xf32>
    %add3A_18 = arith.addf %dot_general3A_14, %add3A : vector<5120x16xf32>
    %gt3A = arith.constant 0.000000e+00 : f32
    %gt3A_19 = vector.broadcast %gt3A : f32 to vector<5120x16xf32>
    %gt3A_20 = arith.cmpf ogt, %add3A_18, %gt3A_19 : vector<5120x16xf32>
    %mul3A = arith.constant 0.00999999977 : f32
    %mul3A_21 = vector.broadcast %mul3A : f32 to vector<5120x16xf32>
    %mul3A_22 = arith.mulf %mul3A_21, %add3A_18 : vector<5120x16xf32>
    %select_n3A = arith.select %gt3A_20, %add3A_18, %mul3A_22 : vector<5120x16xi1>, vector<5120x16xf32>
    %get3A_23 = arith.constant 0 : index
    %get3A_24 = arith.constant 0 : index
    %get3A_25 = vector.load %arg7[%get3A_23, %get3A_24] : memref<16x1xf32, #tpu.memory_space<vmem>>, vector<16x1xf32>
    %dot_general3A_26 = arith.constant dense<0.000000e+00> : vector<5120x1xf32>
    %dot_general3A_27 = tpu.matmul %select_n3A, %get3A_25, %dot_general3A_26 {dimension_numbers = #tpu.dot_dimension_numbers<[1], [0], [0], [1], [0, 0, 1, 1], [], []>, transpose_lhs_hint = false} : vector<5120x16xf32>, vector<16x1xf32>, vector<5120x1xf32> -> vector<5120x1xf32>
    %get3A_28 = arith.constant 0 : index
    %get3A_29 = arith.constant 0 : index
    %get3A_30 = vector.load %arg8[%get3A_28, %get3A_29] : memref<1x1xf32, #tpu.memory_space<vmem>>, vector<1x1xf32>
    %add3A_31 = vector.broadcast %get3A_30 : vector<1x1xf32> to vector<5120x1xf32>
    %add3A_32 = arith.addf %dot_general3A_27, %add3A_31 : vector<5120x1xf32>
    %squeeze3A = vector.shape_cast %add3A_32 : vector<5120x1xf32> to vector<5120xf32>
    %logistic3A = arith.negf %squeeze3A : vector<5120xf32>
    %logistic3A_33 = math.exp %logistic3A : vector<5120xf32>
    %logistic3A_34 = arith.constant 1.000000e+00 : f32
    %logistic3A_35 = vector.broadcast %logistic3A_34 : f32 to vector<5120xf32>
    %logistic3A_36 = arith.addf %logistic3A_35, %logistic3A_33 : vector<5120xf32>
    %logistic3A_37 = arith.divf %logistic3A_35, %logistic3A_36 : vector<5120xf32>
    %swap3A = arith.constant 0 : index
    %swap3A_38 = vector.load %arg9[%swap3A] : memref<5120xf32, #tpu.memory_space<vmem>>, vector<5120xf32>
    tpu.vector_store %arg9[%swap3A], %logistic3A_37 {strides = array<i32>} : memref<5120xf32, #tpu.memory_space<vmem>>, vector<5120xf32>,
    return
  }
  func.func @transform_0(%arg0: i32) -> (i32, i32) {
    %c0_i32 = arith.constant 0 : i32
    %c0_i32_0 = arith.constant 0 : i32
    return %arg0, %c0_i32 : i32, i32
  }
  func.func @transform_1(%arg0: i32) -> (i32, i32) {
    %c0_i32 = arith.constant 0 : i32
    %c0_i32_0 = arith.constant 0 : i32
    return %arg0, %c0_i32 : i32, i32
  }
  func.func @transform_2(%arg0: i32) -> (i32, i32) {
    %c0_i32 = arith.constant 0 : i32
    %c0_i32_0 = arith.constant 0 : i32
    return %arg0, %c0_i32 : i32, i32
  }
  func.func @transform_3(%arg0: i32) -> (i32, i32) {
    %c0_i32 = arith.constant 0 : i32
    %c0_i32_0 = arith.constant 0 : i32
    return %arg0, %c0_i32 : i32, i32
  }
  func.func @transform_4(%arg0: i32) -> (i32, i32) {
    %c0_i32 = arith.constant 0 : i32
    %c0_i32_0 = arith.constant 0 : i32
    %c0_i32_1 = arith.constant 0 : i32
    return %c0_i32, %c0_i32_0 : i32, i32
  }
  func.func @transform_5(%arg0: i32) -> (i32, i32) {
    %c0_i32 = arith.constant 0 : i32
    %c0_i32_0 = arith.constant 0 : i32
    %c0_i32_1 = arith.constant 0 : i32
    return %c0_i32, %c0_i32_0 : i32, i32
  }
  func.func @transform_6(%arg0: i32) -> (i32, i32) {
    %c0_i32 = arith.constant 0 : i32
    %c0_i32_0 = arith.constant 0 : i32
    %c0_i32_1 = arith.constant 0 : i32
    return %c0_i32, %c0_i32_0 : i32, i32
  }
  func.func @transform_7(%arg0: i32) -> (i32, i32) {
    %c0_i32 = arith.constant 0 : i32
    %c0_i32_0 = arith.constant 0 : i32
    %c0_i32_1 = arith.constant 0 : i32
    return %c0_i32, %c0_i32_0 : i32, i32
  }
  func.func @transform_8(%arg0: i32) -> i32 {
    %c0_i32 = arith.constant 0 : i32
    return %arg0 : i32
  }
}

</mosaic_0001>

<sc_bundles>
// kernel: kernel.17.cloned.1.call-start
scs
__scs_entry_jumppad:
0x0: {  	(pc) =	sbr.rel $0x88, $3  }
0x1: {  	(tag) =	ssettag $0x0;
	lr =	simm.s32 $0x1  }
0x2: {  	[smem:$0x3F82] =	sst lr;
	_ =	strace $0xD0000000  }
0x3: {  	_ = 	snop  }
0x4: {  	_ = 	snop  }
0x5: {  	_ = 	snop  }
0x6: {  	_ = 	snop  }
0x7: {  	_ = 	snop  }
__scs_overlays_trampoline_lowered:
0x8: {  	[smem:$0x3F91] =	sst s0  }
0x9: {  	[smem:$0x3F92] =	sst s1  }
0xa: {  	[smem:$0x3F93] =	sst s2  }
0xb: {  	[smem:$0x3F94] =	sst s3  }
0xc: {  	[smem:$0x3F95] =	sst s4  }
0xd: {  	[smem:$0x3F96] =	sst s5  }
0xe: {  	[smem:$0x3F97] =	sst s6  }
0xf: {  	[smem:$0x3F98] =	sst s7  }
0x10: {  	[smem:$0x3F99] =	sst s8  }
0x11: {  	[smem:$0x3F9A] =	sst s9;
	s0 =	simm.s32 @!p0 $0x0  }
0x12: {  	s1 =	sld [smem:$0x3F80];
	s0 =	simm.s32 @p0 $0x1  }
0x13: {  	[smem:$0x3F9B] =	sst s0;
	s0 =	simm.s32 @!p1 $0x0  }
0x14: {  	s2 =	sld [smem:$0x3F7F];
	s0 =	simm.s32 @p1 $0x1  }
0x15: {  	[smem:$0x3F9C] =	sst s0;
	s0 =	simm.s32 @!p2 $0x0  }
0x16: {  	s3 =	sld [smem:$0x3FDB];
	s0 =	simm.s32 @p2 $0x1  }
0x17: {  	s4 =	simm.s32 $0x1BF5;
	[smem:$0x3F9E] =	sst s0  }
0x18: {  	s0 =	sld [smem:$0x3F81];
	_ =	swait.ge [sflag:s4], $0x0  }
0x19: {  	s7 =	sld [smem:$0x3F82]  }
0x1a: {  	s8 =	sadd.s32 $0xFFFFE003, lr  }
0x1b: {  	s9 =	sadd.s32 $0xFFFFFEF7, lr;
	s5 =	simm.s32 $0xFFFFFFFF;
	p2 =	slt.u32 s8, $0xFFFFF086  }
0x1c: {  	p1 =	slt.u32 s9, $0xF7A;
	s5 =	simm.s32 @!p2 $0x0  }
0x1d: {  	s5 =	simm.s32 @p1 $0x1;
	p0 =	seq.s32 s7, s2  }
0x1e: {  	s7 =	smul.u32 @!p0 $0xF7A, s2;
	p2 =	seq.s32 @!p0 s5, $0x0  }
0x1f: {  	s9 =	smul.u32 $0xF7A, s1;
	s8 =	simm.s32 @!p0 $0x1BF5;
	p2 =	por !p2, p0  }
0x20: {  	[sflag:s8] =	ssyncset.s32 @!p0 $0xFFFFF086;
	s6 =	sadd.s32 @!p0 s3, s7;
	s7 =	simm.s32 @!p0 $0x108  }
0x21: {  	s3 =	sadd.s32 s3, s9;
	s6 =	sadd.s32 @!p0 $0x88, s6;
	s7 =	simm.s32 @p2 $0x1082  }
0x22: {  	[simem:s7], [sflag:s8] =	dma.local @!p0 [hbm:s6], $0xF7A  }
0x23: {  	s9 =	sor.u32 $0xD0000000, s2;
	s6 =	simm.s32 $0x108;
	_ =	swait.ge @!p0 [sflag:s8], $0x0  }
0x24: {  	s3 =	sadd.s32 $0x88, s3;
	s6 =	simm.s32 @!p1 $0x1082;
	[sflag:s4] =	ssyncset.s32 $0xFFFFF086  }
0x25: {  	[simem:s6], [sflag:s4] =	dma.local [hbm:s3], $0xF7A  }
0x26: {  	[smem:$0x3F82] =	sst s1;
	(tag) =	ssettag s2;
	_ =	strace s9  }
0x27: {  	s1 =	sld [smem:$0x3F92]  }
0x28: {  	s2 =	sld [smem:$0x3F93]  }
0x29: {  	s4 =	sld [smem:$0x3F95]  }
0x2a: {  	p0 =	seq.s32 s5, $0x0;
	s5 =	sld [smem:$0x3F96]  }
0x2b: {  	s6 =	sld [smem:$0x3F97]  }
0x2c: {  	s7 =	sld [smem:$0x3F98]  }
0x2d: {  	s3 =	simm.s32 $0x108;
	s8 =	sld [smem:$0x3F99]  }
0x2e: {  	s3 =	simm.s32 @!p0 $0x1082;
	s9 =	sld [smem:$0x3F9A]  }
0x2f: {  	lr =	sadd.s32 s0, s3;
	s0 =	sld [smem:$0x3F91]  }
0x30: {  	s3 =	sld [smem:$0x3F94]  }
0x31: {  	[smem:$0x3F9D] =	sst s10  }
0x32: {  	s10 =	sld [smem:$0x3F9B];
	_ =	sdelay $0x3  }
0x33: {  	p0 =	seq.s32 s10, $0x1;
	s10 =	sld [smem:$0x3F9D];
	_ =	sdelay $0x3  }
0x34: {  	[smem:$0x3F9D] =	sst s10  }
0x35: {  	s10 =	sld [smem:$0x3F9C];
	_ =	sdelay $0x3  }
0x36: {  	p1 =	seq.s32 s10, $0x1;
	s10 =	sld [smem:$0x3F9D];
	_ =	sdelay $0x3  }
0x37: {  	[smem:$0x3F9D] =	sst s10  }
0x38: {  	s10 =	sld [smem:$0x3F9E]  }
0x39: {  	_ = 	snop;
	(pc) =	sbr.ind lr, $3  }
0x3a: {  	_ = 	snop  }
0x3b: {  	_ = 	snop  }
0x3c: {  	p2 =	seq.s32 s10, $0x1;
	s10 =	sld [smem:$0x3F9D]  }
0x3d: {  	_ =	shalt  }
0x3e: {  	_ =	shalt  }
0x3f: {  	_ =	shalt  }
0x40: {  	_ =	shalt  }
0x41: {  	_ =	shalt  }
0x42: {  	_ =	shalt  }
0x43: {  	_ =	shalt  }
0x44: {  	_ =	shalt  }
0x45: {  	_ =	shalt  }
0x46: {  	_ =	shalt  }
0x47: {  	_ =	shalt  }
0x48: {  	_ =	shalt  }
0x49: {  	_ =	shalt  }
0x4a: {  	_ =	shalt  }
0x4b: {  	_ =	shalt  }
0x4c: {  	_ =	shalt  }
0x4d: {  	_ =	shalt  }
0x4e: {  	_ =	shalt  }
0x4f: {  	_ =	shalt  }
0x50: {  	_ =	shalt  }
0x51: {  	_ =	shalt  }
0x52: {  	_ =	shalt  }
0x53: {  	_ =	shalt  }
0x54: {  	_ =	shalt  }
0x55: {  	_ =	shalt  }
0x56: {  	_ =	shalt  }
0x57: {  	_ =	shalt  }
0x58: {  	_ =	shalt  }
0x59: {  	_ =	shalt  }
0x5a: {  	_ =	shalt  }
0x5b: {  	_ =	shalt  }
0x5c: {  	_ =	shalt  }
0x5d: {  	_ =	shalt  }
0x5e: {  	_ =	shalt  }
0x5f: {  	_ =	shalt  }
0x60: {  	_ =	shalt  }
0x61: {  	_ =	shalt  }
0x62: {  	_ =	shalt  }
0x63: {  	_ =	shalt  }
0x64: {  	_ =	shalt  }
0x65: {  	_ =	shalt  }
0x66: {  	_ =	shalt  }
0x67: {  	_ =	shalt  }
0x68: {  	_ =	shalt  }
0x69: {  	_ =	shalt  }
0x6a: {  	_ =	shalt  }
0x6b: {  	_ =	shalt  }
0x6c: {  	_ =	shalt  }
0x6d: {  	_ =	shalt  }
0x6e: {  	_ =	shalt  }
0x6f: {  	_ =	shalt  }
0x70: {  	_ =	shalt  }
0x71: {  	_ =	shalt  }
0x72: {  	_ =	shalt  }
0x73: {  	_ =	shalt  }
0x74: {  	_ =	shalt  }
0x75: {  	_ =	shalt  }
0x76: {  	_ =	shalt  }
0x77: {  	_ =	shalt  }
0x78: {  	_ =	shalt  }
0x79: {  	_ =	shalt  }
0x7a: {  	_ =	shalt  }
0x7b: {  	_ =	shalt  }
0x7c: {  	_ =	shalt  }
0x7d: {  	_ =	shalt  }
0x7e: {  	_ =	shalt  }
0x7f: {  	_ =	shalt  }
0x80: {  	_ =	shalt  }
0x81: {  	_ =	shalt  }
0x82: {  	_ =	shalt  }
0x83: {  	_ =	shalt  }
0x84: {  	_ =	shalt  }
0x85: {  	_ =	shalt  }
0x86: {  	_ =	shalt  }
0x87: {  	_ =	shalt  }
.Lfunc_end0:
.L_simem_size_0:
called_computation_lowered:
.L_overlay_start_0:
0x88: {  	s2 =	sld [smem:$0x3FD9]  }
0x89: {  	s3 =	sld [smem:$0x3FFE];
	_ =	sdelay $0x1  }
0x8a: {  	s1 =	srdreg.scid  }
0x8b: {  	s0 =	sand.u32 $0x1, s1  }
0x8c: {  	s17 =	sshll.u32 s0, $0xA;
	s2 =	sadd.s32 s3, s2  }
0x8d: {  	s2 =	sadd.s32 s2, s17  }
0x8e: {  	[smem:$0x3FA9] =	sst s2  }
0x8f: {  	_ = 	snop  }
0x90: {  	(tm) =	ssettm $0x1  }
0x91: {  	s18 =	sld [smem:$0x3FFB];
	_ =	sdelay $0x3  }
0x92: {  	_ =	strace s18  }
0x93: {  	s2 =	sld [smem:$0x3FFC];
	_ =	sdelay $0x3  }
0x94: {  	_ =	strace s2  }
0x95: {  	s2 =	sld [smem:$0x3FFD];
	_ =	sdelay $0x3  }
0x96: {  	_ =	strace s2  }
0x97: {  	_ =	strace $0x8FFFFFFF  }
0x98: {  	s19 =	sld [smem:$0x3FDB];
	_ =	sdelay $0x1  }
0x99: {  	s20 =	simm.s32 $_scs_section_size  }
0x9a: {  	s4 =	simm.s32 $_size__tile_overlayer_lowered;
	s5 =	simm.s32 $_tile_overlayer_lowered  }
0x9b: {  	s6 =	simm.s32 $0x1BFF;
	s21 =	sshll.u32 s5, $0x1;
	s3 =	sadd.s32 s20, s19  }
0x9c: {  	s22 =	simm.s32 $0x0;
	s4 =	sshll.u32 s4, $0x1;
	s5 =	sadd.s32 s21, s3  }
0x9d: {  	[timem:s22], [sflag:s6] =	dma.local [hbm:s5], s4  }
0x9e: {  	_ =	swait.ge [sflag:s6], s4  }
0x9f: {  	s4 =	ssub.s32 $0x0, s4;
	[sflag:s6] =	ssyncset.done $0x0  }
0xa0: {  	[sflag:s6] =	ssyncadd.s32 s4;
	_ =	sdelay $0x1  }
0xa1: {  	s23 =	simm.s32 $0x1B8B  }
0xa2: {  	_ =	swait.ge [sflag:s23], $0x1  }
0xa3: {  	[sflag:s23] =	ssyncset.done $0x0  }
0xa4: {  	[sflag:s23] =	ssyncadd.s32 $0xFFFFFFFF  }
0xa5: {  	s4 =	sld [smem:$0x0]  }
0xa6: {  	s5 =	sand.u32 $0xFFFFFFFE, s1  }
0xa7: {  	p0 =	sne.s32 s1, s5  }
0xa8: {  	s5 =	sshll.u32 @p0 s5, $0xE  }
0xa9: {  	s5 =	sadd.s32 @p0 $0x11B8D, s5;
	s6 =	sshll.u32 @p0 s4, $0x11  }
0xaa: {  	s5 =	sor.u32 @p0 s6, s5  }
0xab: {  	[sflag:s5] =	ssyncadd.remote.s32 @p0 $0x1;
	_ =	sdelay $0x1  }
0xac: {  	s5 =	simm.s32 @p0 $0x1B8D  }
0xad: {  	_ =	swait.eq @p0 [sflag:s5], $0x1  }
0xae: {  	[sflag:s5] =	ssyncadd.s32 @p0 $0xFFFFFFFF  }
0xaf: {  	s6 =	sshll.u32 @!p0 s1, $0xE  }
0xb0: {  	s6 =	sor.u32 @!p0 $0x4000, s6;
	s5 =	simm.s32 @!p0 $0x1B8D  }
0xb1: {  	s4 =	sshll.u32 @!p0 s4, $0x11;
	s6 =	sadd.s32 @!p0 $0x11B8D, s6;
	_ =	swait.eq @!p0 [sflag:s5], $0x1  }
0xb2: {  	s4 =	sor.u32 @!p0 s4, s6;
	[sflag:s5] =	ssyncadd.s32 @!p0 $0xFFFFFFFF  }
0xb3: {  	s25 =	simm.s32 $0x1B8E;
	s24 =	sld [smem:$0x3FFE];
	[sflag:s4] =	ssyncadd.remote.s32 @!p0 $0x1  }
0xb4: {  	s26 =	simm.s32 $execute0_lowered;
	[smem:$0x3FD2] =	sst s25  }
0xb5: {  	s5 =	sshll.u32 s26, $0x1;
	_ =	strace $0x80000049;
	[dreg:$0x1] =	wrdreg $0xFFFFFFFF  }
0xb6: {  	s28 =	simm.s32 $_size_execute0_lowered;
	s3 =	sadd.s32 s3, s5;
	[dreg:$0x0] =	wrdreg $0x0  }
0xb7: {  	s5 =	sshll.u32 s28, $0x1;
	[dreg:$0x2] =	wrdreg s3  }
0xb8: {  	[dreg:$0x3] =	wrdreg s5  }
0xb9: {  	[dreg:$0x4] =	wrdreg $0xC0  }
0xba: {  	_ =	task [dreg:s22], $0x5FFFF  }
0xbb: {  	[dreg:$0x1] =	wrdreg $0xFFFFFFFF  }
0xbc: {  	[dreg:$0x0] =	wrdreg $0x60  }
0xbd: {  	[dreg:$0x2] =	wrdreg s24  }
0xbe: {  	[dreg:$0x3] =	wrdreg $0x9  }
0xbf: {  	_ =	task.clear_ibuf [dreg:s22], $0x4FFFF;
	_ =	strace $0x90000049  }
0xc0: {  	s29 =	simm.s32 $0x9;
	_ =	strace $0x8000004B  }
0xc1: {  	_ =	swait.ge [sflag:s29], $0x1  }
0xc2: {  	[sflag:s29] =	ssyncadd.s32 $0xFFFFFFFF  }
0xc3: {  	_ =	strace $0x9000004B  }
0xc4: {  	_ =	sfence  }
0xc5: {  	s30 =	sld [smem:$0x0];
	_ =	sdelay $0x2  }
0xc6: {  	s31 =	sshll.u32 s1, $0xD;
	s1 =	sshrl.u32 s1, $0x2  }
0xc7: {  	s4 =	sand.u32 $0x4000, s31;
	s1 =	sadd.s32 s1, s30  }
0xc8: {  	s0 =	sor.u32 s4, s0;
	s1 =	sshll.u32 s1, $0x11  }
0xc9: {  	s0 =	sor.u32 s1, s0  }
0xca: {  	s0 =	sadd.s32 $0x8F2B, s0  }
0xcb: {  	[sflag:s0] =	ssyncadd.remote.s32 $0x1  }
0xcc: {  	_ =	sfence.sel $0xFFFF  }
0xcd: {  	[dreg:$0x0] =	wrdreg $0xFFFFFFFF;
	(pc) =	sbr.abs _section_cstart, $3  }
0xce: {  	[dreg:$0x1] =	wrdreg $0xFFFFFFFF  }
0xcf: {  	_ =	task.clear_ibuf [dreg:s22], $0x2FFFF;
	_ =	strace $0x9FFFFFFF  }
0xd0: {  	(tm) =	ssettm $0x7FFFFFFF  }
0xd1: {  	_ =	shalt  }
tec
execute0_lowered:
.L_overlay_start_1:
0x0: {  	(tag) =	ssettag $0x1  }
0x1: {  	s1 =	srdreg.scid;
	s0 =	stileid.u32  }
0x2: {  	s4 =	rddreg [dreg:$0x0];
	s2 =	simm.s32 $0x0;
	s10 =	simm.s32 $0x5000  }
0x3: {  	s11 =	simm.s32 $0xA000;
	s3 =	sand.u32 $0x1, s1;
	s31 =	sshll.u32 s0, $0x1  }
0x4: {  	s12 =	simm.s32 $0xF000;
	s13 =	simm.s32 $0x14000;
	s5 =	sor.u32 s3, s31  }
0x5: {  	s1 =	rddreg [dreg:$0x1];
	s3 =	ssub.s32 $0x2, s3;
	s6 =	smul.u32 $0xA00, s5  }
0x6: {  	[smem:$0x7FF] =	sst s2;
	s5 =	smul.u32 $0x4E2, s5;
	s7 =	sshrl.u32 s3, $0x1  }
0x7: {  	_ =	strace $0x8000004A;
	s9 =	ssub.s32 s3, s7;
	s6 =	sadd.s32 s6, s4  }
0x8: {  	s8 =	sadd.s32 s5, s4;
	s3 =	sadd.s32 $0x1DC00, s6;
	s4 =	sadd.s32 $0x9C00, s6  }
0x9: {  	s14 =	simm.s32 $0x0;
	s5 =	sadd.s32 $0x2D8E00, s6;
	s6 =	sadd.s32 $0x2ECE00, s6  }
0xa: {  	v0 =	vimm.f32 $0.0e+00;
	s7 =	sadd.s32 $0x300E00, s8;
	s8 =	smax.u32 s9, $0x1;
	s9 =	simm.s32 $0x1  }
.LBB2_1:
0xb: {  	s15 =	simm.s32 $0x40;
	s16 =	simm.s32 $0x0  }
.LBB2_2:
0xc: {  	p0 =	sne.s32 s15, $0x9C00;
	[tilespmem:s16+$0x14000] =	vst v0;
	s16 =	smov.u32 s15;
	s15 =	sadd.s32 $0x40, s15  }
.Ltmp0:
0xd: {  	(pc) =	sbr.rel @p0 .LBB2_2-.Ltmp0, $2  }
0xe: {  	_ =	sdelay $0x2  }
0xf: {  	s16 =	sshra.s32 s16, $0x2  }
0x10: {  	[tilespmem:s16+$0x14000] =	vst v0;
	s15 =	simm.s32 $0x0  }
0x11: {  	[tilespmem:s15], [sflag:$0x1] =	stream.linear.gather [hbm4b:s3+s15], $0x5000, $0x38;
	[tilespmem:$0x16710] =	vst v63  }
0x12: {  	_ =	swait.ge [sflag:s9], $0x5000  }
0x13: {  	[sflag:s9] =	ssyncset.done $0x0  }
0x14: {  	[sflag:s9] =	ssyncadd.s32 $0xFFFFB000  }
0x15: {  	[tilespmem:s10], [sflag:$0x1] =	stream.linear.gather [hbm4b:s4+s15], $0x5000, $0x38;
	[tilespmem:$0x16710] =	vst v63  }
0x16: {  	_ =	swait.ge [sflag:s9], $0x5000  }
0x17: {  	[sflag:s9] =	ssyncset.done $0x0  }
0x18: {  	[sflag:s9] =	ssyncadd.s32 $0xFFFFB000  }
0x19: {  	[tilespmem:s11], [sflag:$0x1] =	stream.linear.gather [hbm4b:s5+s15], $0x5000, $0x38;
	[tilespmem:$0x16710] =	vst v63  }
0x1a: {  	_ =	swait.ge [sflag:s9], $0x5000  }
0x1b: {  	[sflag:s9] =	ssyncset.done $0x0  }
0x1c: {  	[sflag:s9] =	ssyncadd.s32 $0xFFFFB000  }
0x1d: {  	[tilespmem:s12], [sflag:$0x1] =	stream.linear.gather [hbm4b:s6+s15], $0x5000, $0x38;
	[tilespmem:$0x16710] =	vst v63  }
0x1e: {  	_ =	swait.ge [sflag:s9], $0x5000  }
0x1f: {  	[sflag:s9] =	ssyncset.done $0x0  }
0x20: {  	s17 =	simm.s32 $0x0;
	[sflag:s9] =	ssyncadd.s32 $0xFFFFB000  }
0x21: {  	v1 =	vld [tilespmem:s17+$0x0];
	_ =	sdelay $0x2  }
0x22: {  	v2 =	vld [tilespmem:s17+$0xA000];
	_ =	sdelay $0x4  }
0x23: {  	[tilespmem:v1+s13+$0x0] =	vst.idx.add.f32.msk $0xffff, v2  }
0x24: {  	v1 =	vld [tilespmem:s17+$0x5000];
	_ =	sdelay $0x2  }
0x25: {  	s16 =	simm.s32 $0x80;
	s15 =	simm.s32 $0x40;
	v2 =	vld [tilespmem:s17+$0xF000]  }
.LBB2_4:
0x26: {  	_ =	sdelay $0x2  }
0x27: {  	p0 =	sne.s32 s16, $0x13FC0  }
0x28: {  	s17 =	sshra.s32 s15, $0x2;
	s15 =	smov.u32 s16;
	s16 =	sadd.s32 $0x40, s16;
	[tilespmem:v1+s13+$0x0] =	vst.idx.add.f32.msk $0xffff, v2  }
0x29: {  	v1 =	vld [tilespmem:s17+$0x0];
	_ =	sdelay $0x2  }
0x2a: {  	v2 =	vld [tilespmem:s17+$0xA000];
	_ =	sdelay $0x4  }
.Ltmp1:
0x2b: {  	[tilespmem:v1+s13+$0x0] =	vst.idx.add.f32.msk $0xffff, v2;
	(pc) =	sbr.rel @p0 .LBB2_4-.Ltmp1, $2  }
0x2c: {  	v1 =	vld [tilespmem:s17+$0x5000];
	_ =	sdelay $0x2  }
0x2d: {  	v2 =	vld [tilespmem:s17+$0xF000]  }
0x2e: {  	_ =	sdelay $0x4  }
0x2f: {  	s15 =	sshra.s32 s15, $0x2;
	[tilespmem:v1+s13+$0x0] =	vst.idx.add.f32.msk $0xffff, v2  }
0x30: {  	v1 =	vld [tilespmem:s15+$0x0];
	_ =	sdelay $0x2  }
0x31: {  	v2 =	vld [tilespmem:s15+$0xA000];
	_ =	sdelay $0x4  }
0x32: {  	[tilespmem:v1+s13+$0x0] =	vst.idx.add.f32.msk $0xffff, v2  }
0x33: {  	v1 =	vld [tilespmem:s15+$0x5000];
	_ =	sdelay $0x2  }
0x34: {  	v2 =	vld [tilespmem:s15+$0xF000];
	_ =	sdelay $0x2  }
0x35: {  	s14 =	sadd.s32 $0x1, s14  }
0x36: {  	p0 =	sne.s32 s14, s8  }
.Ltmp2:
0x37: {  	[tilespmem:v1+s13+$0x0] =	vst.idx.add.f32.msk $0xffff, v2;
	(pc) =	sbr.rel @p0 .LBB2_1-.Ltmp2, $4  }
0x38: {  	[hbm4b:s7+s2] =	stream.linear.scatter [tilespmem:s13], [sflag:$0x1], $0x2710, $0x38;
	[tilespmem:$0x16710] =	vst v63  }
0x39: {  	_ =	swait.ge [sflag:s9], $0x2710  }
0x3a: {  	[sflag:s9] =	ssyncset.done $0x0  }
0x3b: {  	[sflag:s9] =	ssyncadd.s32 $0xFFFFD8F0  }
0x3c: {  	_ =	sfence.sel $0x180000  }
0x3d: {  	[bflag:$0x0] =	sbarrier.arrive $0xFFFF  }
0x3e: {  	p0 =	sne.s32 s0, $0x0;
	_ =	strace $0x9000004A  }
0x3f: {  	s0 =	sadd.s32 @!p0 $0x100000, s1;
	[bflag:$0x2] =	sbarrier.arrive $0xFFFF  }
0x40: {  	[sflag:s0] =	ssyncadd.tile.s32 @!p0 $0x1;
	_ =	shalt  }
.Lfunc_end2:
_tile_overlayer_lowered:
.L_overlay_start_2:
0x41: {  	(tag) =	ssettag $0x2  }
0x42: {  	s0 =	rddreg [dreg:$0x0];
	s2 =	stileid.u32  }
0x43: {  	s1 =	rddreg [dreg:$0x1];
	p0 =	sne.s32 s2, $0x0  }
0x44: {  	s3 =	rddreg [dreg:$0x2];
	[bflag:$0x3] =	sbarrier.arrive $0xFFFF;
	s2 =	simm.s32 @!p0 $0x1C01  }
0x45: {  	[timem:s3], [sflag:s2] =	dma.local @!p0 [hbm:s0], s1  }
0x46: {  	s0 =	simm.s32 @!p0 $0x1  }
0x47: {  	_ =	swait.ge @!p0 [sflag:s0], s1  }
0x48: {  	s1 =	ssub.s32 @!p0 $0x0, s1;
	[sflag:s0] =	ssyncset.done @!p0 $0x0  }
0x49: {  	[sflag:s0] =	ssyncadd.s32 @!p0 s1  }
0x4a: {  	[bflag:$0x3] =	sbarrier.arrive $0xFFFF  }
0x4b: {  	_ =	shalt  }

// kernel: kernel.20.cloned.1.call-start
scs
__scs_entry_jumppad:
0x0: {  	(pc) =	sbr.rel $0x88, $3  }
0x1: {  	(tag) =	ssettag $0x0;
	lr =	simm.s32 $0x1  }
0x2: {  	[smem:$0x3F82] =	sst lr;
	_ =	strace $0xD0000000  }
0x3: {  	_ = 	snop  }
0x4: {  	_ = 	snop  }
0x5: {  	_ = 	snop  }
0x6: {  	_ = 	snop  }
0x7: {  	_ = 	snop  }
__scs_overlays_trampoline_lowered:
0x8: {  	[smem:$0x3F91] =	sst s0  }
0x9: {  	[smem:$0x3F92] =	sst s1  }
0xa: {  	[smem:$0x3F93] =	sst s2  }
0xb: {  	[smem:$0x3F94] =	sst s3  }
0xc: {  	[smem:$0x3F95] =	sst s4  }
0xd: {  	[smem:$0x3F96] =	sst s5  }
0xe: {  	[smem:$0x3F97] =	sst s6  }
0xf: {  	[smem:$0x3F98] =	sst s7  }
0x10: {  	[smem:$0x3F99] =	sst s8  }
0x11: {  	[smem:$0x3F9A] =	sst s9;
	s0 =	simm.s32 @!p0 $0x0  }
0x12: {  	s1 =	sld [smem:$0x3F80];
	s0 =	simm.s32 @p0 $0x1  }
0x13: {  	[smem:$0x3F9B] =	sst s0;
	s0 =	simm.s32 @!p1 $0x0  }
0x14: {  	s2 =	sld [smem:$0x3F7F];
	s0 =	simm.s32 @p1 $0x1  }
0x15: {  	[smem:$0x3F9C] =	sst s0;
	s0 =	simm.s32 @!p2 $0x0  }
0x16: {  	s3 =	sld [smem:$0x3FDB];
	s0 =	simm.s32 @p2 $0x1  }
0x17: {  	s4 =	simm.s32 $0x1BF5;
	[smem:$0x3F9E] =	sst s0  }
0x18: {  	s0 =	sld [smem:$0x3F81];
	_ =	swait.ge [sflag:s4], $0x0  }
0x19: {  	s7 =	sld [smem:$0x3F82]  }
0x1a: {  	s8 =	sadd.s32 $0xFFFFE003, lr  }
0x1b: {  	s9 =	sadd.s32 $0xFFFFFEF7, lr;
	s5 =	simm.s32 $0xFFFFFFFF;
	p2 =	slt.u32 s8, $0xFFFFF086  }
0x1c: {  	p1 =	slt.u32 s9, $0xF7A;
	s5 =	simm.s32 @!p2 $0x0  }
0x1d: {  	s5 =	simm.s32 @p1 $0x1;
	p0 =	seq.s32 s7, s2  }
0x1e: {  	s7 =	smul.u32 @!p0 $0xF7A, s2;
	p2 =	seq.s32 @!p0 s5, $0x0  }
0x1f: {  	s9 =	smul.u32 $0xF7A, s1;
	s8 =	simm.s32 @!p0 $0x1BF5;
	p2 =	por !p2, p0  }
0x20: {  	[sflag:s8] =	ssyncset.s32 @!p0 $0xFFFFF086;
	s6 =	sadd.s32 @!p0 s3, s7;
	s7 =	simm.s32 @!p0 $0x108  }
0x21: {  	s3 =	sadd.s32 s3, s9;
	s6 =	sadd.s32 @!p0 $0x88, s6;
	s7 =	simm.s32 @p2 $0x1082  }
0x22: {  	[simem:s7], [sflag:s8] =	dma.local @!p0 [hbm:s6], $0xF7A  }
0x23: {  	s9 =	sor.u32 $0xD0000000, s2;
	s6 =	simm.s32 $0x108;
	_ =	swait.ge @!p0 [sflag:s8], $0x0  }
0x24: {  	s3 =	sadd.s32 $0x88, s3;
	s6 =	simm.s32 @!p1 $0x1082;
	[sflag:s4] =	ssyncset.s32 $0xFFFFF086  }
0x25: {  	[simem:s6], [sflag:s4] =	dma.local [hbm:s3], $0xF7A  }
0x26: {  	[smem:$0x3F82] =	sst s1;
	(tag) =	ssettag s2;
	_ =	strace s9  }
0x27: {  	s1 =	sld [smem:$0x3F92]  }
0x28: {  	s2 =	sld [smem:$0x3F93]  }
0x29: {  	s4 =	sld [smem:$0x3F95]  }
0x2a: {  	p0 =	seq.s32 s5, $0x0;
	s5 =	sld [smem:$0x3F96]  }
0x2b: {  	s6 =	sld [smem:$0x3F97]  }
0x2c: {  	s7 =	sld [smem:$0x3F98]  }
0x2d: {  	s3 =	simm.s32 $0x108;
	s8 =	sld [smem:$0x3F99]  }
0x2e: {  	s3 =	simm.s32 @!p0 $0x1082;
	s9 =	sld [smem:$0x3F9A]  }
0x2f: {  	lr =	sadd.s32 s0, s3;
	s0 =	sld [smem:$0x3F91]  }
0x30: {  	s3 =	sld [smem:$0x3F94]  }
0x31: {  	[smem:$0x3F9D] =	sst s10  }
0x32: {  	s10 =	sld [smem:$0x3F9B];
	_ =	sdelay $0x3  }
0x33: {  	p0 =	seq.s32 s10, $0x1;
	s10 =	sld [smem:$0x3F9D];
	_ =	sdelay $0x3  }
0x34: {  	[smem:$0x3F9D] =	sst s10  }
0x35: {  	s10 =	sld [smem:$0x3F9C];
	_ =	sdelay $0x3  }
0x36: {  	p1 =	seq.s32 s10, $0x1;
	s10 =	sld [smem:$0x3F9D];
	_ =	sdelay $0x3  }
0x37: {  	[smem:$0x3F9D] =	sst s10  }
0x38: {  	s10 =	sld [smem:$0x3F9E]  }
0x39: {  	_ = 	snop;
	(pc) =	sbr.ind lr, $3  }
0x3a: {  	_ = 	snop  }
0x3b: {  	_ = 	snop  }
0x3c: {  	p2 =	seq.s32 s10, $0x1;
	s10 =	sld [smem:$0x3F9D]  }
0x3d: {  	_ =	shalt  }
0x3e: {  	_ =	shalt  }
0x3f: {  	_ =	shalt  }
0x40: {  	_ =	shalt  }
0x41: {  	_ =	shalt  }
0x42: {  	_ =	shalt  }
0x43: {  	_ =	shalt  }
0x44: {  	_ =	shalt  }
0x45: {  	_ =	shalt  }
0x46: {  	_ =	shalt  }
0x47: {  	_ =	shalt  }
0x48: {  	_ =	shalt  }
0x49: {  	_ =	shalt  }
0x4a: {  	_ =	shalt  }
0x4b: {  	_ =	shalt  }
0x4c: {  	_ =	shalt  }
0x4d: {  	_ =	shalt  }
0x4e: {  	_ =	shalt  }
0x4f: {  	_ =	shalt  }
0x50: {  	_ =	shalt  }
0x51: {  	_ =	shalt  }
0x52: {  	_ =	shalt  }
0x53: {  	_ =	shalt  }
0x54: {  	_ =	shalt  }
0x55: {  	_ =	shalt  }
0x56: {  	_ =	shalt  }
0x57: {  	_ =	shalt  }
0x58: {  	_ =	shalt  }
0x59: {  	_ =	shalt  }
0x5a: {  	_ =	shalt  }
0x5b: {  	_ =	shalt  }
0x5c: {  	_ =	shalt  }
0x5d: {  	_ =	shalt  }
0x5e: {  	_ =	shalt  }
0x5f: {  	_ =	shalt  }
0x60: {  	_ =	shalt  }
0x61: {  	_ =	shalt  }
0x62: {  	_ =	shalt  }
0x63: {  	_ =	shalt  }
0x64: {  	_ =	shalt  }
0x65: {  	_ =	shalt  }
0x66: {  	_ =	shalt  }
0x67: {  	_ =	shalt  }
0x68: {  	_ =	shalt  }
0x69: {  	_ =	shalt  }
0x6a: {  	_ =	shalt  }
0x6b: {  	_ =	shalt  }
0x6c: {  	_ =	shalt  }
0x6d: {  	_ =	shalt  }
0x6e: {  	_ =	shalt  }
0x6f: {  	_ =	shalt  }
0x70: {  	_ =	shalt  }
0x71: {  	_ =	shalt  }
0x72: {  	_ =	shalt  }
0x73: {  	_ =	shalt  }
0x74: {  	_ =	shalt  }
0x75: {  	_ =	shalt  }
0x76: {  	_ =	shalt  }
0x77: {  	_ =	shalt  }
0x78: {  	_ =	shalt  }
0x79: {  	_ =	shalt  }
0x7a: {  	_ =	shalt  }
0x7b: {  	_ =	shalt  }
0x7c: {  	_ =	shalt  }
0x7d: {  	_ =	shalt  }
0x7e: {  	_ =	shalt  }
0x7f: {  	_ =	shalt  }
0x80: {  	_ =	shalt  }
0x81: {  	_ =	shalt  }
0x82: {  	_ =	shalt  }
0x83: {  	_ =	shalt  }
0x84: {  	_ =	shalt  }
0x85: {  	_ =	shalt  }
0x86: {  	_ =	shalt  }
0x87: {  	_ =	shalt  }
.Lfunc_end0:
.L_simem_size_0:
called_computation.1_lowered:
.L_overlay_start_0:
0x88: {  	s2 =	sld [smem:$0x3FD9]  }
0x89: {  	s3 =	sld [smem:$0x3FFE];
	_ =	sdelay $0x1  }
0x8a: {  	s1 =	srdreg.scid  }
0x8b: {  	s0 =	sand.u32 $0x1, s1  }
0x8c: {  	s17 =	sshll.u32 s0, $0xA;
	s2 =	sadd.s32 s3, s2  }
0x8d: {  	s2 =	sadd.s32 s2, s17  }
0x8e: {  	[smem:$0x3FA9] =	sst s2  }
0x8f: {  	_ = 	snop  }
0x90: {  	s2 =	sld [smem:$0x3FD0];
	(tm) =	ssettm $0x1  }
0x91: {  	s18 =	sld [smem:$0x3FFB];
	_ =	sdelay $0x3  }
0x92: {  	_ =	strace s18  }
0x93: {  	s3 =	sld [smem:$0x3FFC];
	_ =	sdelay $0x3  }
0x94: {  	_ =	strace s3  }
0x95: {  	s3 =	sld [smem:$0x3FFD];
	_ =	sdelay $0x3  }
0x96: {  	_ =	strace s3  }
0x97: {  	_ =	strace $0x8FFFFFFF  }
0x98: {  	s19 =	sld [smem:$0x3FDB];
	_ =	sdelay $0x1  }
0x99: {  	s4 =	simm.s32 $_scs_section_size  }
0x9a: {  	s5 =	simm.s32 $_size__tile_overlayer_lowered;
	s6 =	simm.s32 $_tile_overlayer_lowered  }
0x9b: {  	s22 =	simm.s32 $0x1BFF;
	s21 =	sshll.u32 s6, $0x1;
	s3 =	sadd.s32 s4, s19  }
0x9c: {  	s7 =	simm.s32 $0x0;
	s20 =	sshll.u32 s5, $0x1;
	s5 =	sadd.s32 s21, s3  }
0x9d: {  	[timem:s7], [sflag:s22] =	dma.local [hbm:s5], s20  }
0x9e: {  	_ =	swait.ge [sflag:s22], s20  }
0x9f: {  	s4 =	ssub.s32 $0x0, s20;
	[sflag:s22] =	ssyncset.done $0x0  }
0xa0: {  	[sflag:s22] =	ssyncadd.s32 s4;
	_ =	sdelay $0x1  }
0xa1: {  	s23 =	simm.s32 $0x1B8B  }
0xa2: {  	_ =	swait.ge [sflag:s23], $0x1  }
0xa3: {  	[sflag:s23] =	ssyncset.done $0x0  }
0xa4: {  	s25 =	simm.s32 $0x1B8E;
	s24 =	sld [smem:$0x3FFE];
	[sflag:s23] =	ssyncadd.s32 $0xFFFFFFFF  }
0xa5: {  	s26 =	simm.s32 $execute0_lowered;
	[smem:$0x3FD2] =	sst s25  }
0xa6: {  	s5 =	sshll.u32 s26, $0x1;
	_ =	strace $0x80000046;
	[dreg:$0x1] =	wrdreg $0xFFFFFFFF  }
0xa7: {  	s28 =	simm.s32 $_size_execute0_lowered;
	s3 =	sadd.s32 s3, s5;
	[dreg:$0x0] =	wrdreg $0x0  }
0xa8: {  	s5 =	sshll.u32 s28, $0x1;
	[dreg:$0x2] =	wrdreg s3  }
0xa9: {  	[dreg:$0x3] =	wrdreg s5  }
0xaa: {  	[dreg:$0x4] =	wrdreg $0xC0  }
0xab: {  	_ =	task [dreg:s7], $0x5FFFF  }
0xac: {  	[dreg:$0x1] =	wrdreg $0xFFFFFFFF  }
0xad: {  	[dreg:$0x0] =	wrdreg $0x60  }
0xae: {  	[dreg:$0x2] =	wrdreg s2  }
0xaf: {  	[dreg:$0x3] =	wrdreg s24  }
0xb0: {  	[dreg:$0x4] =	wrdreg $0xA  }
0xb1: {  	_ =	task.clear_ibuf [dreg:s7], $0x5FFFF;
	_ =	strace $0x90000046  }
0xb2: {  	s29 =	simm.s32 $0xA;
	_ =	strace $0x80000048  }
0xb3: {  	_ =	swait.ge [sflag:s29], $0x1  }
0xb4: {  	[sflag:s29] =	ssyncadd.s32 $0xFFFFFFFF  }
0xb5: {  	_ =	strace $0x90000048  }
0xb6: {  	_ =	sfence  }
0xb7: {  	s30 =	sld [smem:$0x0];
	_ =	sdelay $0x2  }
0xb8: {  	s31 =	sshll.u32 s1, $0xD;
	s1 =	sshrl.u32 s1, $0x2  }
0xb9: {  	s3 =	sand.u32 $0x4000, s31;
	s1 =	sadd.s32 s1, s30  }
0xba: {  	s0 =	sor.u32 s3, s0;
	s1 =	sshll.u32 s1, $0x11  }
0xbb: {  	s0 =	sor.u32 s1, s0  }
0xbc: {  	s0 =	sadd.s32 $0x8F2B, s0  }
0xbd: {  	[sflag:s0] =	ssyncadd.remote.s32 $0x1  }
0xbe: {  	_ =	sfence.sel $0xFFFF  }
0xbf: {  	[dreg:$0x0] =	wrdreg $0xFFFFFFFF;
	(pc) =	sbr.abs _section_cstart, $3  }
0xc0: {  	[dreg:$0x1] =	wrdreg $0xFFFFFFFF  }
0xc1: {  	_ =	task.clear_ibuf [dreg:s7], $0x2FFFF;
	_ =	strace $0x9FFFFFFF  }
0xc2: {  	(tm) =	ssettm $0x7FFFFFFF  }
0xc3: {  	_ =	shalt  }
tec
execute0_lowered:
.L_overlay_start_1:
0x0: {  	(tag) =	ssettag $0x1  }
0x1: {  	s2 =	rddreg [dreg:$0x0]  }
0x2: {  	s4 =	rddreg [dreg:$0x1];
	s3 =	srdreg.scid  }
0x3: {  	s1 =	stileid.u32;
	s0 =	rddreg [dreg:$0x2];
	s10 =	simm.s32 $0x5000  }
0x4: {  	s11 =	simm.s32 $0x80;
	s12 =	simm.s32 $0xA000;
	s13 =	simm.s32 $0xA800  }
0x5: {  	s14 =	simm.s32 $0xB000;
	s15 =	simm.s32 $0xB800;
	s16 =	simm.s32 $0xC000  }
0x6: {  	s17 =	simm.s32 $0xC800;
	s18 =	simm.s32 $0xD000;
	s19 =	simm.s32 $0xD800  }
0x7: {  	s20 =	simm.s32 $0x1;
	s5 =	sand.u32 $0x1, s3;
	s6 =	smul.u32 $0xA0000, s1  }
0x8: {  	s3 =	simm.s32 $0x0;
	s7 =	sshll.u32 s1, $0x1;
	s8 =	smul.u32 $0x50000, s5  }
0x9: {  	s21 =	simm.s32 $0x0;
	[smem:$0x7FF] =	sst s3;
	s7 =	sor.u32 s5, s7  }
0xa: {  	s5 =	ssub.s32 $0x2, s5;
	s7 =	smul.u32 $0xA00, s7;
	s6 =	sadd.s32 s8, s6  }
0xb: {  	_ =	strace $0x80000047;
	s30 =	sshrl.u32 s5, $0x1;
	s6 =	sshrl.u32 s6, $0x3  }
0xc: {  	s31 =	ssub.s32 s5, s30;
	s7 =	sadd.s32 s7, s4;
	s9 =	sadd.s32 s6, s4  }
0xd: {  	s4 =	sadd.s32 $0x1DC00, s7;
	s5 =	sadd.s32 $0x9C00, s7;
	s6 =	smax.u32 s31, $0x1  }
0xe: {  	s7 =	sadd.s32 $0x198E00, s9;
	s8 =	sadd.s32 $0x58E00, s9;
	s9 =	simm.s32 $0x2  }
.LBB2_1:
0xf: {  	[tilespmem:s3], [sflag:$0x2] =	stream.linear.gather [hbm4b:s4+s3], $0x5000, $0x38;
	[tilespmem:$0xE000] =	vst v63  }
0x10: {  	_ =	swait.ge [sflag:s9], $0x5000  }
0x11: {  	[sflag:s9] =	ssyncset.done $0x0  }
0x12: {  	[sflag:s9] =	ssyncadd.s32 $0xFFFFB000  }
0x13: {  	[tilespmem:s10], [sflag:$0x2] =	stream.linear.gather [hbm4b:s5+s3], $0x5000, $0x38;
	[tilespmem:$0xE000] =	vst v63  }
0x14: {  	_ =	swait.ge [sflag:s9], $0x5000  }
0x15: {  	[sflag:s9] =	ssyncset.done $0x0  }
0x16: {  	s22 =	simm.s32 $0x0;
	[sflag:s9] =	ssyncadd.s32 $0xFFFFB000  }
0x17: {  	[tilespmem:s12], [sflag:$0x1] =	stream.indirect.gather [hbm4b:s2+s11], $0x10, s22, s11, $0xb8;
	[tilespmem:$0xE000] =	vst v63  }
0x18: {  	s24 =	simm.s32 $0x80  }
0x19: {  	[tilespmem:s13], [sflag:$0x1] =	stream.indirect.gather [hbm4b:s2+s11], $0x10, s24, s11, $0xb8;
	[tilespmem:$0xE000] =	vst v63  }
0x1a: {  	s25 =	simm.s32 $0x100  }
0x1b: {  	[tilespmem:s14], [sflag:$0x1] =	stream.indirect.gather [hbm4b:s2+s11], $0x10, s25, s11, $0xb8;
	[tilespmem:$0xE000] =	vst v63  }
0x1c: {  	s26 =	simm.s32 $0x180  }
0x1d: {  	[tilespmem:s15], [sflag:$0x1] =	stream.indirect.gather [hbm4b:s2+s11], $0x10, s26, s11, $0xb8;
	[tilespmem:$0xE000] =	vst v63  }
0x1e: {  	s28 =	simm.s32 $0x200  }
0x1f: {  	[tilespmem:s16], [sflag:$0x1] =	stream.indirect.gather [hbm4b:s2+s11], $0x10, s28, s11, $0xb8;
	[tilespmem:$0xE000] =	vst v63  }
0x20: {  	s29 =	simm.s32 $0x280  }
0x21: {  	[tilespmem:s17], [sflag:$0x1] =	stream.indirect.gather [hbm4b:s2+s11], $0x10, s29, s11, $0xb8;
	[tilespmem:$0xE000] =	vst v63  }
0x22: {  	s30 =	simm.s32 $0x300  }
0x23: {  	[tilespmem:s18], [sflag:$0x1] =	stream.indirect.gather [hbm4b:s2+s11], $0x10, s30, s11, $0xb8;
	[tilespmem:$0xE000] =	vst v63  }
0x24: {  	s31 =	simm.s32 $0x380  }
0x25: {  	[tilespmem:s19], [sflag:$0x1] =	stream.indirect.gather [hbm4b:s2+s11], $0x10, s31, s11, $0xb8;
	[tilespmem:$0xE000] =	vst v63  }
0x26: {  	_ =	swait.ge [sflag:s20], $0x800  }
0x27: {  	[sflag:s20] =	ssyncset.done $0x0  }
0x28: {  	[sflag:s20] =	ssyncadd.s32 $0xFFFFF800  }
0x29: {  	_ =	swait.ge [sflag:s20], $0x800  }
0x2a: {  	[sflag:s20] =	ssyncset.done $0x0  }
0x2b: {  	[sflag:s20] =	ssyncadd.s32 $0xFFFFF800  }
0x2c: {  	_ =	swait.ge [sflag:s20], $0x800  }
0x2d: {  	[sflag:s20] =	ssyncset.done $0x0  }
0x2e: {  	[sflag:s20] =	ssyncadd.s32 $0xFFFFF800  }
0x2f: {  	_ =	swait.ge [sflag:s20], $0x800  }
0x30: {  	[sflag:s20] =	ssyncset.done $0x0  }
0x31: {  	[sflag:s20] =	ssyncadd.s32 $0xFFFFF800  }
0x32: {  	_ =	swait.ge [sflag:s20], $0x800  }
0x33: {  	[sflag:s20] =	ssyncset.done $0x0  }
0x34: {  	[sflag:s20] =	ssyncadd.s32 $0xFFFFF800  }
0x35: {  	_ =	swait.ge [sflag:s20], $0x800  }
0x36: {  	[sflag:s20] =	ssyncset.done $0x0  }
0x37: {  	[sflag:s20] =	ssyncadd.s32 $0xFFFFF800  }
0x38: {  	_ =	swait.ge [sflag:s20], $0x800  }
0x39: {  	[sflag:s20] =	ssyncset.done $0x0  }
0x3a: {  	[sflag:s20] =	ssyncadd.s32 $0xFFFFF800  }
0x3b: {  	_ =	swait.ge [sflag:s20], $0x800  }
0x3c: {  	[sflag:s20] =	ssyncset.done $0x0  }
0x3d: {  	[sflag:s20] =	ssyncadd.s32 $0xFFFFF800  }
0x3e: {  	[hbm4b:s7+s3] =	stream.linear.scatter [tilespmem:s12], [sflag:$0x2], $0x4000, $0x38;
	[tilespmem:$0xE000] =	vst v63  }
0x3f: {  	s23 =	simm.s32 $0x1000;
	_ =	swait.ge [sflag:s9], $0x4000  }
0x40: {  	s22 =	sadd.s32 $0x800, s7;
	s26 =	simm.s32 $0x2000;
	[sflag:s9] =	ssyncset.done $0x0  }
.LBB2_2:
0x41: {  	s25 =	sshra.s32 s23, $0x2  }
0x42: {  	[sflag:s9] =	ssyncadd.s32 $0xFFFFC000;
	s23 =	smov.u32 s26;
	s24 =	sadd.s32 $0x1000, s26  }
0x43: {  	[tilespmem:s12], [sflag:$0x1] =	stream.indirect.gather [hbm4b:s2+s11], $0x10, s25, s11, $0xb8;
	[tilespmem:$0xE000] =	vst v63  }
0x44: {  	p0 =	sne.s32 s26, $0x13000;
	s26 =	sadd.s32 $0x80, s25  }
0x45: {  	[tilespmem:s13], [sflag:$0x1] =	stream.indirect.gather [hbm4b:s2+s11], $0x10, s26, s11, $0xb8;
	[tilespmem:$0xE000] =	vst v63  }
0x46: {  	s26 =	sadd.s32 $0x100, s25  }
0x47: {  	[tilespmem:s14], [sflag:$0x1] =	stream.indirect.gather [hbm4b:s2+s11], $0x10, s26, s11, $0xb8;
	[tilespmem:$0xE000] =	vst v63  }
0x48: {  	s26 =	sadd.s32 $0x180, s25  }
0x49: {  	[tilespmem:s15], [sflag:$0x1] =	stream.indirect.gather [hbm4b:s2+s11], $0x10, s26, s11, $0xb8;
	[tilespmem:$0xE000] =	vst v63  }
0x4a: {  	s26 =	sadd.s32 $0x200, s25  }
0x4b: {  	[tilespmem:s16], [sflag:$0x1] =	stream.indirect.gather [hbm4b:s2+s11], $0x10, s26, s11, $0xb8;
	[tilespmem:$0xE000] =	vst v63  }
0x4c: {  	s26 =	sadd.s32 $0x280, s25  }
0x4d: {  	[tilespmem:s17], [sflag:$0x1] =	stream.indirect.gather [hbm4b:s2+s11], $0x10, s26, s11, $0xb8;
	[tilespmem:$0xE000] =	vst v63  }
0x4e: {  	s26 =	sadd.s32 $0x300, s25  }
0x4f: {  	[tilespmem:s18], [sflag:$0x1] =	stream.indirect.gather [hbm4b:s2+s11], $0x10, s26, s11, $0xb8;
	[tilespmem:$0xE000] =	vst v63  }
0x50: {  	s25 =	sadd.s32 $0x380, s25  }
0x51: {  	[tilespmem:s19], [sflag:$0x1] =	stream.indirect.gather [hbm4b:s2+s11], $0x10, s25, s11, $0xb8;
	[tilespmem:$0xE000] =	vst v63  }
0x52: {  	_ =	swait.ge [sflag:s20], $0x800  }
0x53: {  	[sflag:s20] =	ssyncset.done $0x0  }
0x54: {  	[sflag:s20] =	ssyncadd.s32 $0xFFFFF800  }
0x55: {  	_ =	swait.ge [sflag:s20], $0x800  }
0x56: {  	[sflag:s20] =	ssyncset.done $0x0  }
0x57: {  	[sflag:s20] =	ssyncadd.s32 $0xFFFFF800  }
0x58: {  	_ =	swait.ge [sflag:s20], $0x800  }
0x59: {  	[sflag:s20] =	ssyncset.done $0x0  }
0x5a: {  	[sflag:s20] =	ssyncadd.s32 $0xFFFFF800  }
0x5b: {  	_ =	swait.ge [sflag:s20], $0x800  }
0x5c: {  	[sflag:s20] =	ssyncset.done $0x0  }
0x5d: {  	[sflag:s20] =	ssyncadd.s32 $0xFFFFF800  }
0x5e: {  	_ =	swait.ge [sflag:s20], $0x800  }
0x5f: {  	[sflag:s20] =	ssyncset.done $0x0  }
0x60: {  	[sflag:s20] =	ssyncadd.s32 $0xFFFFF800  }
0x61: {  	_ =	swait.ge [sflag:s20], $0x800  }
0x62: {  	[sflag:s20] =	ssyncset.done $0x0  }
0x63: {  	[sflag:s20] =	ssyncadd.s32 $0xFFFFF800  }
0x64: {  	_ =	swait.ge [sflag:s20], $0x800  }
0x65: {  	[sflag:s20] =	ssyncset.done $0x0  }
0x66: {  	[sflag:s20] =	ssyncadd.s32 $0xFFFFF800  }
0x67: {  	_ =	swait.ge [sflag:s20], $0x800  }
.Ltmp0:
0x68: {  	[sflag:s20] =	ssyncset.done $0x0;
	(pc) =	sbr.rel @p0 .LBB2_2-.Ltmp0, $4  }
0x69: {  	s25 =	simm.s32 $0x0;
	[sflag:s20] =	ssyncadd.s32 $0xFFFFF800  }
0x6a: {  	[hbm4b:s22+s25] =	stream.linear.scatter [tilespmem:s12], [sflag:$0x2], $0x4000, $0x38;
	[tilespmem:$0xE000] =	vst v63  }
0x6b: {  	_ =	swait.ge [sflag:s9], $0x4000  }
0x6c: {  	s26 =	smov.u32 s24;
	s22 =	sadd.s32 $0x800, s22;
	[sflag:s9] =	ssyncset.done $0x0  }
0x6d: {  	s23 =	sshra.s32 s23, $0x2;
	[sflag:s9] =	ssyncadd.s32 $0xFFFFC000  }
0x6e: {  	[tilespmem:s12], [sflag:$0x1] =	stream.indirect.gather [hbm4b:s2+s11], $0x10, s23, s11, $0xb8;
	[tilespmem:$0xE000] =	vst v63  }
0x6f: {  	s24 =	sadd.s32 $0x80, s23  }
0x70: {  	[tilespmem:s13], [sflag:$0x1] =	stream.indirect.gather [hbm4b:s2+s11], $0x10, s24, s11, $0xb8;
	[tilespmem:$0xE000] =	vst v63  }
0x71: {  	s26 =	sadd.s32 $0x100, s23  }
0x72: {  	[tilespmem:s14], [sflag:$0x1] =	stream.indirect.gather [hbm4b:s2+s11], $0x10, s26, s11, $0xb8;
	[tilespmem:$0xE000] =	vst v63  }
0x73: {  	s28 =	sadd.s32 $0x180, s23  }
0x74: {  	[tilespmem:s15], [sflag:$0x1] =	stream.indirect.gather [hbm4b:s2+s11], $0x10, s28, s11, $0xb8;
	[tilespmem:$0xE000] =	vst v63  }
0x75: {  	s29 =	sadd.s32 $0x200, s23  }
0x76: {  	[tilespmem:s16], [sflag:$0x1] =	stream.indirect.gather [hbm4b:s2+s11], $0x10, s29, s11, $0xb8;
	[tilespmem:$0xE000] =	vst v63  }
0x77: {  	s30 =	sadd.s32 $0x280, s23  }
0x78: {  	[tilespmem:s17], [sflag:$0x1] =	stream.indirect.gather [hbm4b:s2+s11], $0x10, s30, s11, $0xb8;
	[tilespmem:$0xE000] =	vst v63  }
0x79: {  	s31 =	sadd.s32 $0x300, s23  }
0x7a: {  	[tilespmem:s18], [sflag:$0x1] =	stream.indirect.gather [hbm4b:s2+s11], $0x10, s31, s11, $0xb8;
	[tilespmem:$0xE000] =	vst v63  }
0x7b: {  	s23 =	sadd.s32 $0x380, s23  }
0x7c: {  	[tilespmem:s19], [sflag:$0x1] =	stream.indirect.gather [hbm4b:s2+s11], $0x10, s23, s11, $0xb8;
	[tilespmem:$0xE000] =	vst v63  }
0x7d: {  	_ =	swait.ge [sflag:s20], $0x800  }
0x7e: {  	[sflag:s20] =	ssyncset.done $0x0  }
0x7f: {  	[sflag:s20] =	ssyncadd.s32 $0xFFFFF800  }
0x80: {  	_ =	swait.ge [sflag:s20], $0x800  }
0x81: {  	[sflag:s20] =	ssyncset.done $0x0  }
0x82: {  	[sflag:s20] =	ssyncadd.s32 $0xFFFFF800  }
0x83: {  	_ =	swait.ge [sflag:s20], $0x800  }
0x84: {  	[sflag:s20] =	ssyncset.done $0x0  }
0x85: {  	[sflag:s20] =	ssyncadd.s32 $0xFFFFF800  }
0x86: {  	_ =	swait.ge [sflag:s20], $0x800  }
0x87: {  	[sflag:s20] =	ssyncset.done $0x0  }
0x88: {  	[sflag:s20] =	ssyncadd.s32 $0xFFFFF800  }
0x89: {  	_ =	swait.ge [sflag:s20], $0x800  }
0x8a: {  	[sflag:s20] =	ssyncset.done $0x0  }
0x8b: {  	[sflag:s20] =	ssyncadd.s32 $0xFFFFF800  }
0x8c: {  	_ =	swait.ge [sflag:s20], $0x800  }
0x8d: {  	[sflag:s20] =	ssyncset.done $0x0  }
0x8e: {  	[sflag:s20] =	ssyncadd.s32 $0xFFFFF800  }
0x8f: {  	_ =	swait.ge [sflag:s20], $0x800  }
0x90: {  	[sflag:s20] =	ssyncset.done $0x0  }
0x91: {  	[sflag:s20] =	ssyncadd.s32 $0xFFFFF800  }
0x92: {  	_ =	swait.ge [sflag:s20], $0x800  }
0x93: {  	p1 =	por $0x1, $0x1;
	[sflag:s20] =	ssyncset.done $0x0  }
.Ltmp1:
0x94: {  	[sflag:s20] =	ssyncadd.s32 $0xFFFFF800;
	(pc) =	sbr.rel @!p1 .LBB2_6-.Ltmp1, $4  }
0x95: {  	[hbm4b:s22+s25] =	stream.linear.scatter [tilespmem:s12], [sflag:$0x2], $0x4000, $0x38;
	[tilespmem:$0xE000] =	vst v63  }
0x96: {  	_ =	swait.ge [sflag:s9], $0x4000  }
0x97: {  	p0 =	por $0x0, $0x0;
	[sflag:s9] =	ssyncset.done $0x0  }
0x98: {  	s25 =	simm.s32 $0x0;
	s22 =	smov.u32 s8;
	[sflag:s9] =	ssyncadd.s32 $0xFFFFC000  }
0x99: {  	s22 =	simm.s32 $0x5000  }
0x9a: {  	[tilespmem:s12], [sflag:$0x1] =	stream.indirect.gather [hbm4b:s2+s11], $0x10, s22, s11, $0xb8;
	[tilespmem:$0xE000] =	vst v63  }
0x9b: {  	s24 =	simm.s32 $0x5080  }
0x9c: {  	[tilespmem:s13], [sflag:$0x1] =	stream.indirect.gather [hbm4b:s2+s11], $0x10, s24, s11, $0xb8;
	[tilespmem:$0xE000] =	vst v63  }
0x9d: {  	s25 =	simm.s32 $0x5100  }
0x9e: {  	[tilespmem:s14], [sflag:$0x1] =	stream.indirect.gather [hbm4b:s2+s11], $0x10, s25, s11, $0xb8;
	[tilespmem:$0xE000] =	vst v63  }
0x9f: {  	s26 =	simm.s32 $0x5180  }
0xa0: {  	[tilespmem:s15], [sflag:$0x1] =	stream.indirect.gather [hbm4b:s2+s11], $0x10, s26, s11, $0xb8;
	[tilespmem:$0xE000] =	vst v63  }
0xa1: {  	s28 =	simm.s32 $0x5200  }
0xa2: {  	[tilespmem:s16], [sflag:$0x1] =	stream.indirect.gather [hbm4b:s2+s11], $0x10, s28, s11, $0xb8;
	[tilespmem:$0xE000] =	vst v63  }
0xa3: {  	s29 =	simm.s32 $0x5280  }
0xa4: {  	[tilespmem:s17], [sflag:$0x1] =	stream.indirect.gather [hbm4b:s2+s11], $0x10, s29, s11, $0xb8;
	[tilespmem:$0xE000] =	vst v63  }
0xa5: {  	s30 =	simm.s32 $0x5300  }
0xa6: {  	[tilespmem:s18], [sflag:$0x1] =	stream.indirect.gather [hbm4b:s2+s11], $0x10, s30, s11, $0xb8;
	[tilespmem:$0xE000] =	vst v63  }
0xa7: {  	s31 =	simm.s32 $0x5380  }
0xa8: {  	[tilespmem:s19], [sflag:$0x1] =	stream.indirect.gather [hbm4b:s2+s11], $0x10, s31, s11, $0xb8;
	[tilespmem:$0xE000] =	vst v63  }
0xa9: {  	_ =	swait.ge [sflag:s20], $0x800  }
0xaa: {  	[sflag:s20] =	ssyncset.done $0x0  }
0xab: {  	[sflag:s20] =	ssyncadd.s32 $0xFFFFF800  }
0xac: {  	_ =	swait.ge [sflag:s20], $0x800  }
0xad: {  	[sflag:s20] =	ssyncset.done $0x0  }
0xae: {  	[sflag:s20] =	ssyncadd.s32 $0xFFFFF800  }
0xaf: {  	_ =	swait.ge [sflag:s20], $0x800  }
0xb0: {  	[sflag:s20] =	ssyncset.done $0x0  }
0xb1: {  	[sflag:s20] =	ssyncadd.s32 $0xFFFFF800  }
0xb2: {  	_ =	swait.ge [sflag:s20], $0x800  }
0xb3: {  	[sflag:s20] =	ssyncset.done $0x0  }
0xb4: {  	[sflag:s20] =	ssyncadd.s32 $0xFFFFF800  }
0xb5: {  	_ =	swait.ge [sflag:s20], $0x800  }
0xb6: {  	[sflag:s20] =	ssyncset.done $0x0  }
0xb7: {  	[sflag:s20] =	ssyncadd.s32 $0xFFFFF800  }
0xb8: {  	_ =	swait.ge [sflag:s20], $0x800  }
0xb9: {  	[sflag:s20] =	ssyncset.done $0x0  }
0xba: {  	[sflag:s20] =	ssyncadd.s32 $0xFFFFF800  }
0xbb: {  	_ =	swait.ge [sflag:s20], $0x800  }
0xbc: {  	[sflag:s20] =	ssyncset.done $0x0  }
0xbd: {  	[sflag:s20] =	ssyncadd.s32 $0xFFFFF800  }
0xbe: {  	p1 =	por $0x1, $0x1;
	_ =	swait.ge [sflag:s20], $0x800  }
.Ltmp2:
0xbf: {  	[sflag:s20] =	ssyncset.done $0x0;
	(pc) =	sbr.rel @!p1 .LBB2_6-.Ltmp2, $4  }
0xc0: {  	[sflag:s20] =	ssyncadd.s32 $0xFFFFF800  }
0xc1: {  	[hbm4b:s8+s3] =	stream.linear.scatter [tilespmem:s12], [sflag:$0x2], $0x4000, $0x38;
	[tilespmem:$0xE000] =	vst v63  }
0xc2: {  	p0 =	por $0x1, $0x1;
	s22 =	sadd.s32 $0x800, s8;
	_ =	swait.ge [sflag:s9], $0x4000  }
0xc3: {  	s25 =	simm.s32 $0x400;
	s26 =	simm.s32 $0x2000;
	[sflag:s9] =	ssyncset.done $0x0  }
.LBB2_5:
0xc4: {  	s28 =	sadd.s32 $0x5000, s25  }
0xc5: {  	[sflag:s9] =	ssyncadd.s32 $0xFFFFC000;
	s24 =	smov.u32 s26;
	s23 =	sadd.s32 $0x1000, s26  }
0xc6: {  	[tilespmem:s12], [sflag:$0x1] =	stream.indirect.gather [hbm4b:s2+s11], $0x10, s28, s11, $0xb8;
	[tilespmem:$0xE000] =	vst v63  }
0xc7: {  	p1 =	sne.s32 s26, $0x13000;
	s26 =	sadd.s32 $0x5080, s25  }
0xc8: {  	[tilespmem:s13], [sflag:$0x1] =	stream.indirect.gather [hbm4b:s2+s11], $0x10, s26, s11, $0xb8;
	[tilespmem:$0xE000] =	vst v63  }
0xc9: {  	s26 =	sadd.s32 $0x5100, s25  }
0xca: {  	[tilespmem:s14], [sflag:$0x1] =	stream.indirect.gather [hbm4b:s2+s11], $0x10, s26, s11, $0xb8;
	[tilespmem:$0xE000] =	vst v63  }
0xcb: {  	s26 =	sadd.s32 $0x5180, s25  }
0xcc: {  	[tilespmem:s15], [sflag:$0x1] =	stream.indirect.gather [hbm4b:s2+s11], $0x10, s26, s11, $0xb8;
	[tilespmem:$0xE000] =	vst v63  }
0xcd: {  	s26 =	sadd.s32 $0x5200, s25  }
0xce: {  	[tilespmem:s16], [sflag:$0x1] =	stream.indirect.gather [hbm4b:s2+s11], $0x10, s26, s11, $0xb8;
	[tilespmem:$0xE000] =	vst v63  }
0xcf: {  	s26 =	sadd.s32 $0x5280, s25  }
0xd0: {  	[tilespmem:s17], [sflag:$0x1] =	stream.indirect.gather [hbm4b:s2+s11], $0x10, s26, s11, $0xb8;
	[tilespmem:$0xE000] =	vst v63  }
0xd1: {  	s26 =	sadd.s32 $0x5300, s25  }
0xd2: {  	[tilespmem:s18], [sflag:$0x1] =	stream.indirect.gather [hbm4b:s2+s11], $0x10, s26, s11, $0xb8;
	[tilespmem:$0xE000] =	vst v63  }
0xd3: {  	s25 =	sadd.s32 $0x5380, s25  }
0xd4: {  	[tilespmem:s19], [sflag:$0x1] =	stream.indirect.gather [hbm4b:s2+s11], $0x10, s25, s11, $0xb8;
	[tilespmem:$0xE000] =	vst v63  }
0xd5: {  	_ =	swait.ge [sflag:s20], $0x800  }
0xd6: {  	[sflag:s20] =	ssyncset.done $0x0  }
0xd7: {  	[sflag:s20] =	ssyncadd.s32 $0xFFFFF800  }
0xd8: {  	_ =	swait.ge [sflag:s20], $0x800  }
0xd9: {  	[sflag:s20] =	ssyncset.done $0x0  }
0xda: {  	[sflag:s20] =	ssyncadd.s32 $0xFFFFF800  }
0xdb: {  	_ =	swait.ge [sflag:s20], $0x800  }
0xdc: {  	[sflag:s20] =	ssyncset.done $0x0  }
0xdd: {  	[sflag:s20] =	ssyncadd.s32 $0xFFFFF800  }
0xde: {  	_ =	swait.ge [sflag:s20], $0x800  }
0xdf: {  	[sflag:s20] =	ssyncset.done $0x0  }
0xe0: {  	[sflag:s20] =	ssyncadd.s32 $0xFFFFF800  }
0xe1: {  	_ =	swait.ge [sflag:s20], $0x800  }
0xe2: {  	[sflag:s20] =	ssyncset.done $0x0  }
0xe3: {  	[sflag:s20] =	ssyncadd.s32 $0xFFFFF800  }
0xe4: {  	_ =	swait.ge [sflag:s20], $0x800  }
0xe5: {  	[sflag:s20] =	ssyncset.done $0x0  }
0xe6: {  	[sflag:s20] =	ssyncadd.s32 $0xFFFFF800  }
0xe7: {  	_ =	swait.ge [sflag:s20], $0x800  }
0xe8: {  	[sflag:s20] =	ssyncset.done $0x0  }
0xe9: {  	[sflag:s20] =	ssyncadd.s32 $0xFFFFF800  }
0xea: {  	_ =	swait.ge [sflag:s20], $0x800  }
.Ltmp3:
0xeb: {  	[sflag:s20] =	ssyncset.done $0x0;
	(pc) =	sbr.rel @p1 .LBB2_5-.Ltmp3, $4  }
0xec: {  	[sflag:s20] =	ssyncadd.s32 $0xFFFFF800  }
0xed: {  	[hbm4b:s22+s3] =	stream.linear.scatter [tilespmem:s12], [sflag:$0x2], $0x4000, $0x38;
	[tilespmem:$0xE000] =	vst v63  }
0xee: {  	s26 =	smov.u32 s23;
	_ =	swait.ge [sflag:s9], $0x4000  }
0xef: {  	s25 =	sshra.s32 s24, $0x2;
	s22 =	sadd.s32 $0x800, s22;
	[sflag:s9] =	ssyncset.done $0x0  }
.LBB2_6:
0xf0: {  	s23 =	sadd.s32 $0x5000, s25;
	[sflag:s9] =	ssyncadd.s32 @p0 $0xFFFFC000  }
0xf1: {  	[tilespmem:s12], [sflag:$0x1] =	stream.indirect.gather [hbm4b:s2+s11], $0x10, s23, s11, $0xb8;
	[tilespmem:$0xE000] =	vst v63  }
0xf2: {  	s31 =	sadd.s32 $0x5080, s25  }
0xf3: {  	[tilespmem:s13], [sflag:$0x1] =	stream.indirect.gather [hbm4b:s2+s11], $0x10, s31, s11, $0xb8;
	[tilespmem:$0xE000] =	vst v63  }
0xf4: {  	s24 =	sadd.s32 $0x5100, s25  }
0xf5: {  	[tilespmem:s14], [sflag:$0x1] =	stream.indirect.gather [hbm4b:s2+s11], $0x10, s24, s11, $0xb8;
	[tilespmem:$0xE000] =	vst v63  }
0xf6: {  	s26 =	sadd.s32 $0x5180, s25  }
0xf7: {  	[tilespmem:s15], [sflag:$0x1] =	stream.indirect.gather [hbm4b:s2+s11], $0x10, s26, s11, $0xb8;
	[tilespmem:$0xE000] =	vst v63  }
0xf8: {  	s28 =	sadd.s32 $0x5200, s25  }
0xf9: {  	[tilespmem:s16], [sflag:$0x1] =	stream.indirect.gather [hbm4b:s2+s11], $0x10, s28, s11, $0xb8;
	[tilespmem:$0xE000] =	vst v63  }
0xfa: {  	s29 =	sadd.s32 $0x5280, s25  }
0xfb: {  	[tilespmem:s17], [sflag:$0x1] =	stream.indirect.gather [hbm4b:s2+s11], $0x10, s29, s11, $0xb8;
	[tilespmem:$0xE000] =	vst v63  }
0xfc: {  	s30 =	sadd.s32 $0x5300, s25  }
0xfd: {  	[tilespmem:s18], [sflag:$0x1] =	stream.indirect.gather [hbm4b:s2+s11], $0x10, s30, s11, $0xb8;
	[tilespmem:$0xE000] =	vst v63  }
0xfe: {  	s31 =	sadd.s32 $0x5380, s25  }
0xff: {  	[tilespmem:s19], [sflag:$0x1] =	stream.indirect.gather [hbm4b:s2+s11], $0x10, s31, s11, $0xb8;
	[tilespmem:$0xE000] =	vst v63  }
0x100: {  	_ =	swait.ge [sflag:s20], $0x800  }
0x101: {  	[sflag:s20] =	ssyncset.done $0x0  }
0x102: {  	[sflag:s20] =	ssyncadd.s32 $0xFFFFF800  }
0x103: {  	_ =	swait.ge [sflag:s20], $0x800  }
0x104: {  	[sflag:s20] =	ssyncset.done $0x0  }
0x105: {  	[sflag:s20] =	ssyncadd.s32 $0xFFFFF800  }
0x106: {  	_ =	swait.ge [sflag:s20], $0x800  }
0x107: {  	[sflag:s20] =	ssyncset.done $0x0  }
0x108: {  	[sflag:s20] =	ssyncadd.s32 $0xFFFFF800  }
0x109: {  	_ =	swait.ge [sflag:s20], $0x800  }
0x10a: {  	[sflag:s20] =	ssyncset.done $0x0  }
0x10b: {  	[sflag:s20] =	ssyncadd.s32 $0xFFFFF800  }
0x10c: {  	_ =	swait.ge [sflag:s20], $0x800  }
0x10d: {  	[sflag:s20] =	ssyncset.done $0x0  }
0x10e: {  	[sflag:s20] =	ssyncadd.s32 $0xFFFFF800  }
0x10f: {  	_ =	swait.ge [sflag:s20], $0x800  }
0x110: {  	[sflag:s20] =	ssyncset.done $0x0  }
0x111: {  	[sflag:s20] =	ssyncadd.s32 $0xFFFFF800  }
0x112: {  	_ =	swait.ge [sflag:s20], $0x800  }
0x113: {  	[sflag:s20] =	ssyncset.done $0x0  }
0x114: {  	[sflag:s20] =	ssyncadd.s32 $0xFFFFF800  }
0x115: {  	s21 =	sadd.s32 $0x1, s21;
	_ =	swait.ge [sflag:s20], $0x800  }
0x116: {  	p0 =	sne.s32 s21, s6;
	[sflag:s20] =	ssyncset.done $0x0  }
.Ltmp4:
0x117: {  	[sflag:s20] =	ssyncadd.s32 $0xFFFFF800;
	(pc) =	sbr.rel @p0 .LBB2_1-.Ltmp4, $4  }
0x118: {  	[hbm4b:s22+s3] =	stream.linear.scatter [tilespmem:s12], [sflag:$0x2], $0x4000, $0x38;
	[tilespmem:$0xE000] =	vst v63  }
0x119: {  	_ =	swait.ge [sflag:s9], $0x4000  }
0x11a: {  	[sflag:s9] =	ssyncset.done $0x0  }
0x11b: {  	[sflag:s9] =	ssyncadd.s32 $0xFFFFC000  }
0x11c: {  	_ =	sfence.sel $0x180000  }
0x11d: {  	[bflag:$0x0] =	sbarrier.arrive $0xFFFF  }
0x11e: {  	p0 =	sne.s32 s1, $0x0;
	_ =	strace $0x90000047  }
0x11f: {  	s0 =	sadd.s32 @!p0 $0x100000, s0;
	[bflag:$0x2] =	sbarrier.arrive $0xFFFF  }
0x120: {  	[sflag:s0] =	ssyncadd.tile.s32 @!p0 $0x1;
	_ =	shalt  }
.Lfunc_end2:
_tile_overlayer_lowered:
.L_overlay_start_2:
0x121: {  	(tag) =	ssettag $0x2  }
0x122: {  	s0 =	rddreg [dreg:$0x0];
	s2 =	stileid.u32  }
0x123: {  	s1 =	rddreg [dreg:$0x1];
	p0 =	sne.s32 s2, $0x0  }
0x124: {  	s3 =	rddreg [dreg:$0x2];
	[bflag:$0x3] =	sbarrier.arrive $0xFFFF;
	s2 =	simm.s32 @!p0 $0x1C02  }
0x125: {  	[timem:s3], [sflag:s2] =	dma.local @!p0 [hbm:s0], s1  }
0x126: {  	s0 =	simm.s32 @!p0 $0x2  }
0x127: {  	_ =	swait.ge @!p0 [sflag:s0], s1  }
0x128: {  	s1 =	ssub.s32 @!p0 $0x0, s1;
	[sflag:s0] =	ssyncset.done @!p0 $0x0  }
0x129: {  	[sflag:s0] =	ssyncadd.s32 @!p0 s1  }
0x12a: {  	[bflag:$0x3] =	sbarrier.arrive $0xFFFF  }
0x12b: {  	_ =	shalt  }

// kernel: kernel.23.cloned.1.call-start
scs
__scs_entry_jumppad:
0x0: {  	(pc) =	sbr.rel $0x88, $3  }
0x1: {  	(tag) =	ssettag $0x0;
	lr =	simm.s32 $0x1  }
0x2: {  	[smem:$0x3F82] =	sst lr;
	_ =	strace $0xD0000000  }
0x3: {  	_ = 	snop  }
0x4: {  	_ = 	snop  }
0x5: {  	_ = 	snop  }
0x6: {  	_ = 	snop  }
0x7: {  	_ = 	snop  }
__scs_overlays_trampoline_lowered:
0x8: {  	[smem:$0x3F91] =	sst s0  }
0x9: {  	[smem:$0x3F92] =	sst s1  }
0xa: {  	[smem:$0x3F93] =	sst s2  }
0xb: {  	[smem:$0x3F94] =	sst s3  }
0xc: {  	[smem:$0x3F95] =	sst s4  }
0xd: {  	[smem:$0x3F96] =	sst s5  }
0xe: {  	[smem:$0x3F97] =	sst s6  }
0xf: {  	[smem:$0x3F98] =	sst s7  }
0x10: {  	[smem:$0x3F99] =	sst s8  }
0x11: {  	[smem:$0x3F9A] =	sst s9;
	s0 =	simm.s32 @!p0 $0x0  }
0x12: {  	s1 =	sld [smem:$0x3F80];
	s0 =	simm.s32 @p0 $0x1  }
0x13: {  	[smem:$0x3F9B] =	sst s0;
	s0 =	simm.s32 @!p1 $0x0  }
0x14: {  	s2 =	sld [smem:$0x3F7F];
	s0 =	simm.s32 @p1 $0x1  }
0x15: {  	[smem:$0x3F9C] =	sst s0;
	s0 =	simm.s32 @!p2 $0x0  }
0x16: {  	s3 =	sld [smem:$0x3FDB];
	s0 =	simm.s32 @p2 $0x1  }
0x17: {  	s4 =	simm.s32 $0x1BF5;
	[smem:$0x3F9E] =	sst s0  }
0x18: {  	s0 =	sld [smem:$0x3F81];
	_ =	swait.ge [sflag:s4], $0x0  }
0x19: {  	s7 =	sld [smem:$0x3F82]  }
0x1a: {  	s8 =	sadd.s32 $0xFFFFE003, lr  }
0x1b: {  	s9 =	sadd.s32 $0xFFFFFEF7, lr;
	s5 =	simm.s32 $0xFFFFFFFF;
	p2 =	slt.u32 s8, $0xFFFFF086  }
0x1c: {  	p1 =	slt.u32 s9, $0xF7A;
	s5 =	simm.s32 @!p2 $0x0  }
0x1d: {  	s5 =	simm.s32 @p1 $0x1;
	p0 =	seq.s32 s7, s2  }
0x1e: {  	s7 =	smul.u32 @!p0 $0xF7A, s2;
	p2 =	seq.s32 @!p0 s5, $0x0  }
0x1f: {  	s9 =	smul.u32 $0xF7A, s1;
	s8 =	simm.s32 @!p0 $0x1BF5;
	p2 =	por !p2, p0  }
0x20: {  	[sflag:s8] =	ssyncset.s32 @!p0 $0xFFFFF086;
	s6 =	sadd.s32 @!p0 s3, s7;
	s7 =	simm.s32 @!p0 $0x108  }
0x21: {  	s3 =	sadd.s32 s3, s9;
	s6 =	sadd.s32 @!p0 $0x88, s6;
	s7 =	simm.s32 @p2 $0x1082  }
0x22: {  	[simem:s7], [sflag:s8] =	dma.local @!p0 [hbm:s6], $0xF7A  }
0x23: {  	s9 =	sor.u32 $0xD0000000, s2;
	s6 =	simm.s32 $0x108;
	_ =	swait.ge @!p0 [sflag:s8], $0x0  }
0x24: {  	s3 =	sadd.s32 $0x88, s3;
	s6 =	simm.s32 @!p1 $0x1082;
	[sflag:s4] =	ssyncset.s32 $0xFFFFF086  }
0x25: {  	[simem:s6], [sflag:s4] =	dma.local [hbm:s3], $0xF7A  }
0x26: {  	[smem:$0x3F82] =	sst s1;
	(tag) =	ssettag s2;
	_ =	strace s9  }
0x27: {  	s1 =	sld [smem:$0x3F92]  }
0x28: {  	s2 =	sld [smem:$0x3F93]  }
0x29: {  	s4 =	sld [smem:$0x3F95]  }
0x2a: {  	p0 =	seq.s32 s5, $0x0;
	s5 =	sld [smem:$0x3F96]  }
0x2b: {  	s6 =	sld [smem:$0x3F97]  }
0x2c: {  	s7 =	sld [smem:$0x3F98]  }
0x2d: {  	s3 =	simm.s32 $0x108;
	s8 =	sld [smem:$0x3F99]  }
0x2e: {  	s3 =	simm.s32 @!p0 $0x1082;
	s9 =	sld [smem:$0x3F9A]  }
0x2f: {  	lr =	sadd.s32 s0, s3;
	s0 =	sld [smem:$0x3F91]  }
0x30: {  	s3 =	sld [smem:$0x3F94]  }
0x31: {  	[smem:$0x3F9D] =	sst s10  }
0x32: {  	s10 =	sld [smem:$0x3F9B];
	_ =	sdelay $0x3  }
0x33: {  	p0 =	seq.s32 s10, $0x1;
	s10 =	sld [smem:$0x3F9D];
	_ =	sdelay $0x3  }
0x34: {  	[smem:$0x3F9D] =	sst s10  }
0x35: {  	s10 =	sld [smem:$0x3F9C];
	_ =	sdelay $0x3  }
0x36: {  	p1 =	seq.s32 s10, $0x1;
	s10 =	sld [smem:$0x3F9D];
	_ =	sdelay $0x3  }
0x37: {  	[smem:$0x3F9D] =	sst s10  }
0x38: {  	s10 =	sld [smem:$0x3F9E]  }
0x39: {  	_ = 	snop;
	(pc) =	sbr.ind lr, $3  }
0x3a: {  	_ = 	snop  }
0x3b: {  	_ = 	snop  }
0x3c: {  	p2 =	seq.s32 s10, $0x1;
	s10 =	sld [smem:$0x3F9D]  }
0x3d: {  	_ =	shalt  }
0x3e: {  	_ =	shalt  }
0x3f: {  	_ =	shalt  }
0x40: {  	_ =	shalt  }
0x41: {  	_ =	shalt  }
0x42: {  	_ =	shalt  }
0x43: {  	_ =	shalt  }
0x44: {  	_ =	shalt  }
0x45: {  	_ =	shalt  }
0x46: {  	_ =	shalt  }
0x47: {  	_ =	shalt  }
0x48: {  	_ =	shalt  }
0x49: {  	_ =	shalt  }
0x4a: {  	_ =	shalt  }
0x4b: {  	_ =	shalt  }
0x4c: {  	_ =	shalt  }
0x4d: {  	_ =	shalt  }
0x4e: {  	_ =	shalt  }
0x4f: {  	_ =	shalt  }
0x50: {  	_ =	shalt  }
0x51: {  	_ =	shalt  }
0x52: {  	_ =	shalt  }
0x53: {  	_ =	shalt  }
0x54: {  	_ =	shalt  }
0x55: {  	_ =	shalt  }
0x56: {  	_ =	shalt  }
0x57: {  	_ =	shalt  }
0x58: {  	_ =	shalt  }
0x59: {  	_ =	shalt  }
0x5a: {  	_ =	shalt  }
0x5b: {  	_ =	shalt  }
0x5c: {  	_ =	shalt  }
0x5d: {  	_ =	shalt  }
0x5e: {  	_ =	shalt  }
0x5f: {  	_ =	shalt  }
0x60: {  	_ =	shalt  }
0x61: {  	_ =	shalt  }
0x62: {  	_ =	shalt  }
0x63: {  	_ =	shalt  }
0x64: {  	_ =	shalt  }
0x65: {  	_ =	shalt  }
0x66: {  	_ =	shalt  }
0x67: {  	_ =	shalt  }
0x68: {  	_ =	shalt  }
0x69: {  	_ =	shalt  }
0x6a: {  	_ =	shalt  }
0x6b: {  	_ =	shalt  }
0x6c: {  	_ =	shalt  }
0x6d: {  	_ =	shalt  }
0x6e: {  	_ =	shalt  }
0x6f: {  	_ =	shalt  }
0x70: {  	_ =	shalt  }
0x71: {  	_ =	shalt  }
0x72: {  	_ =	shalt  }
0x73: {  	_ =	shalt  }
0x74: {  	_ =	shalt  }
0x75: {  	_ =	shalt  }
0x76: {  	_ =	shalt  }
0x77: {  	_ =	shalt  }
0x78: {  	_ =	shalt  }
0x79: {  	_ =	shalt  }
0x7a: {  	_ =	shalt  }
0x7b: {  	_ =	shalt  }
0x7c: {  	_ =	shalt  }
0x7d: {  	_ =	shalt  }
0x7e: {  	_ =	shalt  }
0x7f: {  	_ =	shalt  }
0x80: {  	_ =	shalt  }
0x81: {  	_ =	shalt  }
0x82: {  	_ =	shalt  }
0x83: {  	_ =	shalt  }
0x84: {  	_ =	shalt  }
0x85: {  	_ =	shalt  }
0x86: {  	_ =	shalt  }
0x87: {  	_ =	shalt  }
.Lfunc_end0:
.L_simem_size_0:
called_computation.2_lowered:
.L_overlay_start_0:
0x88: {  	s2 =	sld [smem:$0x3FD9]  }
0x89: {  	s3 =	sld [smem:$0x3FFE];
	_ =	sdelay $0x1  }
0x8a: {  	s1 =	srdreg.scid  }
0x8b: {  	s0 =	sand.u32 $0x1, s1  }
0x8c: {  	s17 =	sshll.u32 s0, $0xA;
	s2 =	sadd.s32 s3, s2  }
0x8d: {  	s2 =	sadd.s32 s2, s17  }
0x8e: {  	[smem:$0x3FA9] =	sst s2  }
0x8f: {  	_ = 	snop  }
0x90: {  	s18 =	sld [smem:$0x3FD0];
	(tm) =	ssettm $0x1  }
0x91: {  	s19 =	sld [smem:$0x3FFB];
	_ =	sdelay $0x3  }
0x92: {  	_ =	strace s19  }
0x93: {  	s2 =	sld [smem:$0x3FFC];
	_ =	sdelay $0x3  }
0x94: {  	_ =	strace s2  }
0x95: {  	s2 =	sld [smem:$0x3FFD];
	_ =	sdelay $0x3  }
0x96: {  	_ =	strace s2  }
0x97: {  	_ =	strace $0x8FFFFFFF  }
0x98: {  	s20 =	sld [smem:$0x3FDB];
	_ =	sdelay $0x1  }
0x99: {  	s4 =	simm.s32 $_scs_section_size  }
0x9a: {  	s5 =	simm.s32 $_size__tile_overlayer_lowered;
	s6 =	simm.s32 $_tile_overlayer_lowered  }
0x9b: {  	s7 =	simm.s32 $0x1BFF;
	s21 =	sshll.u32 s6, $0x1;
	s4 =	sadd.s32 s4, s20  }
0x9c: {  	s22 =	simm.s32 $0x0;
	s5 =	sshll.u32 s5, $0x1;
	s6 =	sadd.s32 s21, s4  }
0x9d: {  	[timem:s22], [sflag:s7] =	dma.local [hbm:s6], s5  }
0x9e: {  	_ =	swait.ge [sflag:s7], s5  }
0x9f: {  	s5 =	ssub.s32 $0x0, s5;
	[sflag:s7] =	ssyncset.done $0x0  }
0xa0: {  	[sflag:s7] =	ssyncadd.s32 s5;
	_ =	sdelay $0x1  }
0xa1: {  	s23 =	simm.s32 $0x1B8B  }
0xa2: {  	_ =	swait.ge [sflag:s23], $0x1  }
0xa3: {  	[sflag:s23] =	ssyncset.done $0x0  }
0xa4: {  	[sflag:s23] =	ssyncadd.s32 $0xFFFFFFFF  }
0xa5: {  	s5 =	sld [smem:$0x0]  }
0xa6: {  	s6 =	sand.u32 $0xFFFFFFFE, s1  }
0xa7: {  	p0 =	sne.s32 s1, s6  }
0xa8: {  	s6 =	sshll.u32 @p0 s6, $0xE  }
0xa9: {  	s6 =	sadd.s32 @p0 $0x11B8D, s6;
	s7 =	sshll.u32 @p0 s5, $0x11  }
0xaa: {  	s6 =	sor.u32 @p0 s7, s6  }
0xab: {  	[sflag:s6] =	ssyncadd.remote.s32 @p0 $0x1;
	_ =	sdelay $0x1  }
0xac: {  	s6 =	simm.s32 @p0 $0x1B8D  }
0xad: {  	_ =	swait.eq @p0 [sflag:s6], $0x1  }
0xae: {  	[sflag:s6] =	ssyncadd.s32 @p0 $0xFFFFFFFF  }
0xaf: {  	s7 =	sshll.u32 @!p0 s1, $0xE  }
0xb0: {  	s7 =	sor.u32 @!p0 $0x4000, s7;
	s6 =	simm.s32 @!p0 $0x1B8D  }
0xb1: {  	s5 =	sshll.u32 @!p0 s5, $0x11;
	s7 =	sadd.s32 @!p0 $0x11B8D, s7;
	_ =	swait.eq @!p0 [sflag:s6], $0x1  }
0xb2: {  	s5 =	sor.u32 @!p0 s5, s7;
	[sflag:s6] =	ssyncadd.s32 @!p0 $0xFFFFFFFF  }
0xb3: {  	s25 =	simm.s32 $0x1B8E;
	s24 =	sld [smem:$0x3FFE];
	[sflag:s5] =	ssyncadd.remote.s32 @!p0 $0x1  }
0xb4: {  	s26 =	simm.s32 $execute0_lowered;
	[smem:$0x3FD2] =	sst s25  }
0xb5: {  	s6 =	sshll.u32 s26, $0x1;
	_ =	strace $0x8000004C;
	[dreg:$0x1] =	wrdreg $0xFFFFFFFF  }
0xb6: {  	s28 =	simm.s32 $_size_execute0_lowered;
	s4 =	sadd.s32 s4, s6;
	[dreg:$0x0] =	wrdreg $0x0  }
0xb7: {  	s6 =	sshll.u32 s28, $0x1;
	[dreg:$0x2] =	wrdreg s4  }
0xb8: {  	[dreg:$0x3] =	wrdreg s6  }
0xb9: {  	[dreg:$0x4] =	wrdreg $0xC0  }
0xba: {  	_ =	task [dreg:s22], $0x5FFFF  }
0xbb: {  	[dreg:$0x1] =	wrdreg $0xFFFFFFFF  }
0xbc: {  	[dreg:$0x0] =	wrdreg $0x60  }
0xbd: {  	[dreg:$0x2] =	wrdreg s24  }
0xbe: {  	[dreg:$0x3] =	wrdreg s18  }
0xbf: {  	[dreg:$0x4] =	wrdreg $0xA8000  }
0xc0: {  	[dreg:$0x5] =	wrdreg $0xA  }
0xc1: {  	_ =	task.clear_ibuf [dreg:s22], $0x6FFFF;
	_ =	strace $0x9000004C  }
0xc2: {  	s29 =	simm.s32 $0xA;
	_ =	strace $0x8000004E  }
0xc3: {  	_ =	swait.ge [sflag:s29], $0x1  }
0xc4: {  	[sflag:s29] =	ssyncadd.s32 $0xFFFFFFFF  }
0xc5: {  	_ =	strace $0x9000004E  }
0xc6: {  	_ =	sfence  }
0xc7: {  	s30 =	sld [smem:$0x0];
	_ =	sdelay $0x2  }
0xc8: {  	s31 =	sshll.u32 s1, $0xD;
	s1 =	sshrl.u32 s1, $0x2  }
0xc9: {  	s4 =	sand.u32 $0x4000, s31;
	s1 =	sadd.s32 s1, s30  }
0xca: {  	s0 =	sor.u32 s4, s0;
	s1 =	sshll.u32 s1, $0x11  }
0xcb: {  	s0 =	sor.u32 s1, s0  }
0xcc: {  	s0 =	sadd.s32 $0x8F2B, s0  }
0xcd: {  	[sflag:s0] =	ssyncadd.remote.s32 $0x1  }
0xce: {  	_ =	sfence.sel $0xFFFF  }
0xcf: {  	[dreg:$0x0] =	wrdreg $0xFFFFFFFF;
	(pc) =	sbr.abs _section_cstart, $3  }
0xd0: {  	[dreg:$0x1] =	wrdreg $0xFFFFFFFF  }
0xd1: {  	_ =	task.clear_ibuf [dreg:s22], $0x2FFFF;
	_ =	strace $0x9FFFFFFF  }
0xd2: {  	(tm) =	ssettm $0x7FFFFFFF  }
0xd3: {  	_ =	shalt  }
tec
execute0_lowered:
.L_overlay_start_1:
0x0: {  	(tag) =	ssettag $0x1  }
0x1: {  	s3 =	rddreg [dreg:$0x0];
	s15 =	stileid.u32  }
0x2: {  	s0 =	srdreg.scid;
	s6 =	rddreg [dreg:$0x1]  }
0x3: {  	s1 =	rddreg [dreg:$0x2];
	s2 =	simm.s32 $0x0;
	s12 =	simm.s32 $0x5000  }
0x4: {  	s13 =	simm.s32 $0xA000;
	s14 =	simm.s32 $0x80;
	s17 =	simm.s32 $0x0  }
0x5: {  	s4 =	sand.u32 $0x1, s0;
	s5 =	smul.u32 $0x14000, s15;
	s0 =	rddreg [dreg:$0x3]  }
0x6: {  	s26 =	sshll.u32 s15, $0x1;
	[smem:$0x7FF] =	sst s2;
	s9 =	smul.u32 $0x2710, s15  }
0x7: {  	p0 =	sne.s32 s15, $0x0;
	s15 =	sshll.u32 s15, $0x6;
	s8 =	smul.u32 $0x27100, s4  }
0x8: {  	s7 =	sor.u32 s4, s26;
	_ =	strace $0x8000004D;
	s30 =	smul.u32 $0xA000, s4  }
0x9: {  	s29 =	ssub.s32 $0x2, s4;
	s15 =	sor.u32 $0x1C01, s15;
	s7 =	smul.u32 $0xA00, s7  }
0xa: {  	s10 =	sadd.s32 s5, s3;
	s11 =	sshrl.u32 s29, $0x1;
	s16 =	sadd.s32 s9, s1  }
0xb: {  	s8 =	sadd.s32 s9, s8;
	s31 =	sadd.s32 s30, s10;
	s10 =	sshrl.u32 @!p0 s1, $0x3  }
0xc: {  	s16 =	sshrl.u32 s16, $0x3;
	s28 =	sadd.s32 s7, s3;
	s3 =	sadd.s32 $0x30B800, s3  }
0xd: {  	s7 =	ssub.s32 s29, s11;
	s8 =	sshrl.u32 s8, $0x3;
	s9 =	sadd.s32 $0x58E00, s31  }
0xe: {  	s11 =	simm.s32 $0x1;
	s4 =	sadd.s32 $0x1DC00, s28;
	s5 =	sadd.s32 $0x9C00, s28  }
0xf: {  	s6 =	sadd.s32 s6, s8;
	s7 =	smax.u32 s7, $0x1;
	s8 =	sadd.s32 $0x198E00, s31  }
.LBB2_1:
0x10: {  	s18 =	simm.s32 @!p0 $0x1C01  }
0x11: {  	[spmem:s10], [sflag:s18] =	dma.local @!p0 [hbm:s3], $0x4E20  }
0x12: {  	s18 =	simm.s32 @!p0 $0x1  }
0x13: {  	_ =	swait.ge @!p0 [sflag:s18], $0x4E20  }
0x14: {  	[sflag:s18] =	ssyncset.done @!p0 $0x0  }
0x15: {  	[sflag:s18] =	ssyncadd.s32 @!p0 $0xFFFFB1E0  }
0x16: {  	[bflag:$0x0] =	sbarrier.arrive $0xFFFF  }
0x17: {  	[tilespmem:s2], [sflag:$0x1] =	stream.linear.gather [hbm4b:s4+s2], $0x5000, $0x38;
	[tilespmem:$0xCF10] =	vst v63  }
0x18: {  	_ =	swait.ge [sflag:s11], $0x5000  }
0x19: {  	[sflag:s11] =	ssyncset.done $0x0  }
0x1a: {  	[sflag:s11] =	ssyncadd.s32 $0xFFFFB000  }
0x1b: {  	[tilespmem:s12], [sflag:$0x1] =	stream.linear.gather [hbm4b:s5+s2], $0x5000, $0x38;
	[tilespmem:$0xCF10] =	vst v63  }
0x1c: {  	_ =	swait.ge [sflag:s11], $0x5000  }
0x1d: {  	[sflag:s11] =	ssyncset.done $0x0  }
0x1e: {  	s31 =	sadd.s32 $0x0, s8;
	[sflag:s11] =	ssyncadd.s32 $0xFFFFB000  }
0x1f: {  	[tilespmem:s13], [sflag:$0x1] =	stream.linear.gather [hbm4b:s31+s2], $0x800, $0x38;
	[tilespmem:$0xCF10] =	vst v63  }
0x20: {  	_ =	swait.ge [sflag:s11], $0x800  }
0x21: {  	[sflag:s11] =	ssyncset.done $0x0  }
0x22: {  	[sflag:s11] =	ssyncadd.s32 $0xFFFFF800  }
0x23: {  	[spmem:s1] =	stream.indirect.scatter.add.f32 [tilespmem:s13], [sflag:$0x1], $0x10, s2, s14, $0xb8;
	[tilespmem:$0xCF10] =	vst v63  }
0x24: {  	s21 =	sadd.s32 $0x100, s8;
	_ =	swait.ge [sflag:s11], $0x800  }
0x25: {  	s20 =	simm.s32 $0x200;
	s18 =	simm.s32 $0x80;
	[sflag:s11] =	ssyncset.done $0x0  }
.LBB2_2:
0x26: {  	s22 =	sadd.s32 s20, s8;
	s19 =	simm.s32 $0x0;
	[sflag:s11] =	ssyncadd.s32 $0xFFFFF800  }
0x27: {  	[tilespmem:s13], [sflag:$0x1] =	stream.linear.gather [hbm4b:s21+s19], $0x800, $0x38;
	[tilespmem:$0xCF10] =	vst v63  }
0x28: {  	p1 =	sne.s32 s20, $0x9F00;
	s20 =	sadd.s32 $0x100, s20;
	_ =	swait.ge [sflag:s11], $0x800  }
.Ltmp0:
0x29: {  	s21 =	smov.u32 s22;
	[sflag:s11] =	ssyncset.done $0x0;
	(pc) =	sbr.rel @p1 .LBB2_2-.Ltmp0, $4  }
0x2a: {  	[sflag:s11] =	ssyncadd.s32 $0xFFFFF800  }
0x2b: {  	[spmem:s1] =	stream.indirect.scatter.add.f32 [tilespmem:s13], [sflag:$0x1], $0x10, s18, s14, $0xb8;
	[tilespmem:$0xCF10] =	vst v63  }
0x2c: {  	_ =	swait.ge [sflag:s11], $0x800  }
0x2d: {  	s18 =	sadd.s32 $0x80, s18;
	[sflag:s11] =	ssyncset.done $0x0  }
0x2e: {  	[sflag:s11] =	ssyncadd.s32 $0xFFFFF800  }
0x2f: {  	[tilespmem:s13], [sflag:$0x1] =	stream.linear.gather [hbm4b:s21+s19], $0x800, $0x38;
	[tilespmem:$0xCF10] =	vst v63  }
0x30: {  	_ =	swait.ge [sflag:s11], $0x800  }
0x31: {  	p2 =	por $0x1, $0x1;
	[sflag:s11] =	ssyncset.done $0x0  }
.Ltmp1:
0x32: {  	[sflag:s11] =	ssyncadd.s32 $0xFFFFF800;
	(pc) =	sbr.rel @!p2 .LBB2_8-.Ltmp1, $4  }
0x33: {  	[spmem:s1] =	stream.indirect.scatter.add.f32 [tilespmem:s13], [sflag:$0x1], $0x10, s18, s14, $0xb8;
	[tilespmem:$0xCF10] =	vst v63  }
0x34: {  	_ =	swait.ge [sflag:s11], $0x800  }
0x35: {  	s20 =	simm.s32 $0x100;
	[sflag:s11] =	ssyncset.done $0x0  }
0x36: {  	p1 =	por $0x0, $0x0;
	s18 =	simm.s32 $0x5000;
	[sflag:s11] =	ssyncadd.s32 $0xFFFFF800  }
0x37: {  	s19 =	sadd.s32 $0x0, s9  }
0x38: {  	[tilespmem:s13], [sflag:$0x1] =	stream.linear.gather [hbm4b:s19+s2], $0x800, $0x38;
	[tilespmem:$0xCF10] =	vst v63  }
0x39: {  	p2 =	por $0x1, $0x1;
	_ =	swait.ge [sflag:s11], $0x800  }
.Ltmp2:
0x3a: {  	[sflag:s11] =	ssyncset.done $0x0;
	(pc) =	sbr.rel @!p2 .LBB2_5-.Ltmp2, $4  }
0x3b: {  	[sflag:s11] =	ssyncadd.s32 $0xFFFFF800  }
0x3c: {  	[spmem:s1] =	stream.indirect.scatter.add.f32 [tilespmem:s13], [sflag:$0x1], $0x10, s18, s14, $0xb8;
	[tilespmem:$0xCF10] =	vst v63  }
0x3d: {  	p1 =	por $0x1, $0x1;
	_ =	swait.ge [sflag:s11], $0x800  }
0x3e: {  	s19 =	simm.s32 $0x200;
	s18 =	simm.s32 $0x5080;
	[sflag:s11] =	ssyncset.done $0x0  }
.LBB2_6:
0x3f: {  	s21 =	sadd.s32 s20, s9  }
0x40: {  	[sflag:s11] =	ssyncadd.s32 $0xFFFFF800;
	s20 =	smov.u32 s19;
	s22 =	sadd.s32 $0x100, s19  }
0x41: {  	[tilespmem:s13], [sflag:$0x1] =	stream.linear.gather [hbm4b:s21+s2], $0x800, $0x38;
	[tilespmem:$0xCF10] =	vst v63  }
0x42: {  	p2 =	sne.s32 s19, $0x9F00;
	_ =	swait.ge [sflag:s11], $0x800  }
.Ltmp3:
0x43: {  	[sflag:s11] =	ssyncset.done $0x0;
	(pc) =	sbr.rel @p2 .LBB2_6-.Ltmp3, $4  }
0x44: {  	[sflag:s11] =	ssyncadd.s32 $0xFFFFF800  }
0x45: {  	[spmem:s1] =	stream.indirect.scatter.add.f32 [tilespmem:s13], [sflag:$0x1], $0x10, s18, s14, $0xb8;
	[tilespmem:$0xCF10] =	vst v63  }
0x46: {  	_ =	swait.ge [sflag:s11], $0x800  }
0x47: {  	s19 =	smov.u32 s22;
	s18 =	sadd.s32 $0x80, s18;
	[sflag:s11] =	ssyncset.done $0x0  }
0x48: {  	s19 =	smov.u32 s20  }
.LBB2_8:
0x49: {  	s19 =	sadd.s32 s19, s9;
	[sflag:s11] =	ssyncadd.s32 @p1 $0xFFFFF800  }
0x4a: {  	[tilespmem:s13], [sflag:$0x1] =	stream.linear.gather [hbm4b:s19+s2], $0x800, $0x38;
	[tilespmem:$0xCF10] =	vst v63  }
0x4b: {  	_ =	swait.ge [sflag:s11], $0x800  }
0x4c: {  	[sflag:s11] =	ssyncset.done $0x0  }
0x4d: {  	[sflag:s11] =	ssyncadd.s32 $0xFFFFF800  }
0x4e: {  	[spmem:s1] =	stream.indirect.scatter.add.f32 [tilespmem:s13], [sflag:$0x1], $0x10, s18, s14, $0xb8;
	[tilespmem:$0xCF10] =	vst v63  }
0x4f: {  	_ =	swait.ge [sflag:s11], $0x800  }
0x50: {  	[sflag:s11] =	ssyncset.done $0x0  }
0x51: {  	s17 =	sadd.s32 $0x1, s17;
	[sflag:s11] =	ssyncadd.s32 $0xFFFFF800  }
0x52: {  	p1 =	sne.s32 s17, s7;
	[bflag:$0x0] =	sbarrier.arrive $0xFFFF  }
0x53: {  	[hbm:s6], [sflag:s15] =	dma.local [spmem:s16], $0x4E2  }
.Ltmp4:
0x54: {  	_ = 	snop;
	(pc) =	sbr.rel @p1 .LBB2_1-.Ltmp4, $4  }
.Ltmp5:
0x55: {  	_ = 	snop;
	(pc) =	sbr.rel @!p1 .LBB2_9-.Ltmp5, $4  }
0x56: {  	_ =	swait.ge [sflag:s11], $0x4E2  }
0x57: {  	[sflag:s11] =	ssyncset.done $0x0  }
0x58: {  	[sflag:s11] =	ssyncadd.s32 $0xFFFFFB1E  }
0x59: {  	_ = 	snop  }
.LBB2_5:
.Ltmp6:
0x5a: {  	(pc) =	sbr.rel .LBB2_8-.Ltmp6, $2  }
0x5b: {  	_ =	sdelay $0x2  }
0x5c: {  	s19 =	simm.s32 $0x100  }
.LBB2_9:
0x5d: {  	_ =	sfence.sel $0x180000  }
0x5e: {  	[bflag:$0x0] =	sbarrier.arrive $0xFFFF  }
0x5f: {  	_ =	strace $0x9000004D  }
0x60: {  	s0 =	sadd.s32 @!p0 $0x100000, s0;
	[bflag:$0x2] =	sbarrier.arrive $0xFFFF  }
0x61: {  	[sflag:s0] =	ssyncadd.tile.s32 @!p0 $0x1;
	_ =	shalt  }
.Lfunc_end2:
_tile_overlayer_lowered:
.L_overlay_start_2:
0x62: {  	(tag) =	ssettag $0x2  }
0x63: {  	s0 =	rddreg [dreg:$0x0];
	s2 =	stileid.u32  }
0x64: {  	s1 =	rddreg [dreg:$0x1];
	p0 =	sne.s32 s2, $0x0  }
0x65: {  	s3 =	rddreg [dreg:$0x2];
	[bflag:$0x3] =	sbarrier.arrive $0xFFFF;
	s2 =	simm.s32 @!p0 $0x1C01  }
0x66: {  	[timem:s3], [sflag:s2] =	dma.local @!p0 [hbm:s0], s1  }
0x67: {  	s0 =	simm.s32 @!p0 $0x1  }
0x68: {  	_ =	swait.ge @!p0 [sflag:s0], s1  }
0x69: {  	s1 =	ssub.s32 @!p0 $0x0, s1;
	[sflag:s0] =	ssyncset.done @!p0 $0x0  }
0x6a: {  	[sflag:s0] =	ssyncadd.s32 @!p0 s1  }
0x6b: {  	[bflag:$0x3] =	sbarrier.arrive $0xFFFF  }
0x6c: {  	_ =	shalt  }

// kernel: kernel.26.cloned.1.call-start
scs
__scs_entry_jumppad:
0x0: {  	(pc) =	sbr.rel $0x88, $3  }
0x1: {  	(tag) =	ssettag $0x0;
	lr =	simm.s32 $0x1  }
0x2: {  	[smem:$0x3F82] =	sst lr;
	_ =	strace $0xD0000000  }
0x3: {  	_ = 	snop  }
0x4: {  	_ = 	snop  }
0x5: {  	_ = 	snop  }
0x6: {  	_ = 	snop  }
0x7: {  	_ = 	snop  }
__scs_overlays_trampoline_lowered:
0x8: {  	[smem:$0x3F91] =	sst s0  }
0x9: {  	[smem:$0x3F92] =	sst s1  }
0xa: {  	[smem:$0x3F93] =	sst s2  }
0xb: {  	[smem:$0x3F94] =	sst s3  }
0xc: {  	[smem:$0x3F95] =	sst s4  }
0xd: {  	[smem:$0x3F96] =	sst s5  }
0xe: {  	[smem:$0x3F97] =	sst s6  }
0xf: {  	[smem:$0x3F98] =	sst s7  }
0x10: {  	[smem:$0x3F99] =	sst s8  }
0x11: {  	[smem:$0x3F9A] =	sst s9;
	s0 =	simm.s32 @!p0 $0x0  }
0x12: {  	s1 =	sld [smem:$0x3F80];
	s0 =	simm.s32 @p0 $0x1  }
0x13: {  	[smem:$0x3F9B] =	sst s0;
	s0 =	simm.s32 @!p1 $0x0  }
0x14: {  	s2 =	sld [smem:$0x3F7F];
	s0 =	simm.s32 @p1 $0x1  }
0x15: {  	[smem:$0x3F9C] =	sst s0;
	s0 =	simm.s32 @!p2 $0x0  }
0x16: {  	s3 =	sld [smem:$0x3FDB];
	s0 =	simm.s32 @p2 $0x1  }
0x17: {  	s4 =	simm.s32 $0x1BF5;
	[smem:$0x3F9E] =	sst s0  }
0x18: {  	s0 =	sld [smem:$0x3F81];
	_ =	swait.ge [sflag:s4], $0x0  }
0x19: {  	s7 =	sld [smem:$0x3F82]  }
0x1a: {  	s8 =	sadd.s32 $0xFFFFE003, lr  }
0x1b: {  	s9 =	sadd.s32 $0xFFFFFEF7, lr;
	s5 =	simm.s32 $0xFFFFFFFF;
	p2 =	slt.u32 s8, $0xFFFFF086  }
0x1c: {  	p1 =	slt.u32 s9, $0xF7A;
	s5 =	simm.s32 @!p2 $0x0  }
0x1d: {  	s5 =	simm.s32 @p1 $0x1;
	p0 =	seq.s32 s7, s2  }
0x1e: {  	s7 =	smul.u32 @!p0 $0xF7A, s2;
	p2 =	seq.s32 @!p0 s5, $0x0  }
0x1f: {  	s9 =	smul.u32 $0xF7A, s1;
	s8 =	simm.s32 @!p0 $0x1BF5;
	p2 =	por !p2, p0  }
0x20: {  	[sflag:s8] =	ssyncset.s32 @!p0 $0xFFFFF086;
	s6 =	sadd.s32 @!p0 s3, s7;
	s7 =	simm.s32 @!p0 $0x108  }
0x21: {  	s3 =	sadd.s32 s3, s9;
	s6 =	sadd.s32 @!p0 $0x88, s6;
	s7 =	simm.s32 @p2 $0x1082  }
0x22: {  	[simem:s7], [sflag:s8] =	dma.local @!p0 [hbm:s6], $0xF7A  }
0x23: {  	s9 =	sor.u32 $0xD0000000, s2;
	s6 =	simm.s32 $0x108;
	_ =	swait.ge @!p0 [sflag:s8], $0x0  }
0x24: {  	s3 =	sadd.s32 $0x88, s3;
	s6 =	simm.s32 @!p1 $0x1082;
	[sflag:s4] =	ssyncset.s32 $0xFFFFF086  }
0x25: {  	[simem:s6], [sflag:s4] =	dma.local [hbm:s3], $0xF7A  }
0x26: {  	[smem:$0x3F82] =	sst s1;
	(tag) =	ssettag s2;
	_ =	strace s9  }
0x27: {  	s1 =	sld [smem:$0x3F92]  }
0x28: {  	s2 =	sld [smem:$0x3F93]  }
0x29: {  	s4 =	sld [smem:$0x3F95]  }
0x2a: {  	p0 =	seq.s32 s5, $0x0;
	s5 =	sld [smem:$0x3F96]  }
0x2b: {  	s6 =	sld [smem:$0x3F97]  }
0x2c: {  	s7 =	sld [smem:$0x3F98]  }
0x2d: {  	s3 =	simm.s32 $0x108;
	s8 =	sld [smem:$0x3F99]  }
0x2e: {  	s3 =	simm.s32 @!p0 $0x1082;
	s9 =	sld [smem:$0x3F9A]  }
0x2f: {  	lr =	sadd.s32 s0, s3;
	s0 =	sld [smem:$0x3F91]  }
0x30: {  	s3 =	sld [smem:$0x3F94]  }
0x31: {  	[smem:$0x3F9D] =	sst s10  }
0x32: {  	s10 =	sld [smem:$0x3F9B];
	_ =	sdelay $0x3  }
0x33: {  	p0 =	seq.s32 s10, $0x1;
	s10 =	sld [smem:$0x3F9D];
	_ =	sdelay $0x3  }
0x34: {  	[smem:$0x3F9D] =	sst s10  }
0x35: {  	s10 =	sld [smem:$0x3F9C];
	_ =	sdelay $0x3  }
0x36: {  	p1 =	seq.s32 s10, $0x1;
	s10 =	sld [smem:$0x3F9D];
	_ =	sdelay $0x3  }
0x37: {  	[smem:$0x3F9D] =	sst s10  }
0x38: {  	s10 =	sld [smem:$0x3F9E]  }
0x39: {  	_ = 	snop;
	(pc) =	sbr.ind lr, $3  }
0x3a: {  	_ = 	snop  }
0x3b: {  	_ = 	snop  }
0x3c: {  	p2 =	seq.s32 s10, $0x1;
	s10 =	sld [smem:$0x3F9D]  }
0x3d: {  	_ =	shalt  }
0x3e: {  	_ =	shalt  }
0x3f: {  	_ =	shalt  }
0x40: {  	_ =	shalt  }
0x41: {  	_ =	shalt  }
0x42: {  	_ =	shalt  }
0x43: {  	_ =	shalt  }
0x44: {  	_ =	shalt  }
0x45: {  	_ =	shalt  }
0x46: {  	_ =	shalt  }
0x47: {  	_ =	shalt  }
0x48: {  	_ =	shalt  }
0x49: {  	_ =	shalt  }
0x4a: {  	_ =	shalt  }
0x4b: {  	_ =	shalt  }
0x4c: {  	_ =	shalt  }
0x4d: {  	_ =	shalt  }
0x4e: {  	_ =	shalt  }
0x4f: {  	_ =	shalt  }
0x50: {  	_ =	shalt  }
0x51: {  	_ =	shalt  }
0x52: {  	_ =	shalt  }
0x53: {  	_ =	shalt  }
0x54: {  	_ =	shalt  }
0x55: {  	_ =	shalt  }
0x56: {  	_ =	shalt  }
0x57: {  	_ =	shalt  }
0x58: {  	_ =	shalt  }
0x59: {  	_ =	shalt  }
0x5a: {  	_ =	shalt  }
0x5b: {  	_ =	shalt  }
0x5c: {  	_ =	shalt  }
0x5d: {  	_ =	shalt  }
0x5e: {  	_ =	shalt  }
0x5f: {  	_ =	shalt  }
0x60: {  	_ =	shalt  }
0x61: {  	_ =	shalt  }
0x62: {  	_ =	shalt  }
0x63: {  	_ =	shalt  }
0x64: {  	_ =	shalt  }
0x65: {  	_ =	shalt  }
0x66: {  	_ =	shalt  }
0x67: {  	_ =	shalt  }
0x68: {  	_ =	shalt  }
0x69: {  	_ =	shalt  }
0x6a: {  	_ =	shalt  }
0x6b: {  	_ =	shalt  }
0x6c: {  	_ =	shalt  }
0x6d: {  	_ =	shalt  }
0x6e: {  	_ =	shalt  }
0x6f: {  	_ =	shalt  }
0x70: {  	_ =	shalt  }
0x71: {  	_ =	shalt  }
0x72: {  	_ =	shalt  }
0x73: {  	_ =	shalt  }
0x74: {  	_ =	shalt  }
0x75: {  	_ =	shalt  }
0x76: {  	_ =	shalt  }
0x77: {  	_ =	shalt  }
0x78: {  	_ =	shalt  }
0x79: {  	_ =	shalt  }
0x7a: {  	_ =	shalt  }
0x7b: {  	_ =	shalt  }
0x7c: {  	_ =	shalt  }
0x7d: {  	_ =	shalt  }
0x7e: {  	_ =	shalt  }
0x7f: {  	_ =	shalt  }
0x80: {  	_ =	shalt  }
0x81: {  	_ =	shalt  }
0x82: {  	_ =	shalt  }
0x83: {  	_ =	shalt  }
0x84: {  	_ =	shalt  }
0x85: {  	_ =	shalt  }
0x86: {  	_ =	shalt  }
0x87: {  	_ =	shalt  }
.Lfunc_end0:
.L_simem_size_0:
called_computation.3_lowered:
.L_overlay_start_0:
0x88: {  	s2 =	sld [smem:$0x3FD9]  }
0x89: {  	s3 =	sld [smem:$0x3FFE];
	_ =	sdelay $0x1  }
0x8a: {  	s1 =	srdreg.scid  }
0x8b: {  	s0 =	sand.u32 $0x1, s1  }
0x8c: {  	s17 =	sshll.u32 s0, $0xA;
	s2 =	sadd.s32 s3, s2  }
0x8d: {  	s2 =	sadd.s32 s2, s17  }
0x8e: {  	[smem:$0x3FA9] =	sst s2  }
0x8f: {  	_ = 	snop  }
0x90: {  	s2 =	sld [smem:$0x3FD0];
	(tm) =	ssettm $0x1  }
0x91: {  	s18 =	sld [smem:$0x3FFB];
	_ =	sdelay $0x3  }
0x92: {  	_ =	strace s18  }
0x93: {  	s3 =	sld [smem:$0x3FFC];
	_ =	sdelay $0x3  }
0x94: {  	_ =	strace s3  }
0x95: {  	s3 =	sld [smem:$0x3FFD];
	_ =	sdelay $0x3  }
0x96: {  	_ =	strace s3  }
0x97: {  	_ =	strace $0x8FFFFFFF  }
0x98: {  	s19 =	sld [smem:$0x3FDB];
	_ =	sdelay $0x1  }
0x99: {  	s4 =	simm.s32 $_scs_section_size  }
0x9a: {  	s5 =	simm.s32 $_size__tile_overlayer_lowered;
	s6 =	simm.s32 $_tile_overlayer_lowered  }
0x9b: {  	s22 =	simm.s32 $0x1BFF;
	s21 =	sshll.u32 s6, $0x1;
	s3 =	sadd.s32 s4, s19  }
0x9c: {  	s7 =	simm.s32 $0x0;
	s20 =	sshll.u32 s5, $0x1;
	s5 =	sadd.s32 s21, s3  }
0x9d: {  	[timem:s7], [sflag:s22] =	dma.local [hbm:s5], s20  }
0x9e: {  	_ =	swait.ge [sflag:s22], s20  }
0x9f: {  	s4 =	ssub.s32 $0x0, s20;
	[sflag:s22] =	ssyncset.done $0x0  }
0xa0: {  	[sflag:s22] =	ssyncadd.s32 s4;
	_ =	sdelay $0x1  }
0xa1: {  	s23 =	simm.s32 $0x1B8B  }
0xa2: {  	_ =	swait.ge [sflag:s23], $0x1  }
0xa3: {  	[sflag:s23] =	ssyncset.done $0x0  }
0xa4: {  	s25 =	simm.s32 $0x1B8E;
	s24 =	sld [smem:$0x3FFE];
	[sflag:s23] =	ssyncadd.s32 $0xFFFFFFFF  }
0xa5: {  	s26 =	simm.s32 $execute0_lowered;
	[smem:$0x3FD2] =	sst s25  }
0xa6: {  	s5 =	sshll.u32 s26, $0x1;
	_ =	strace $0x8000004F;
	[dreg:$0x1] =	wrdreg $0xFFFFFFFF  }
0xa7: {  	s28 =	simm.s32 $_size_execute0_lowered;
	s3 =	sadd.s32 s3, s5;
	[dreg:$0x0] =	wrdreg $0x0  }
0xa8: {  	s5 =	sshll.u32 s28, $0x1;
	[dreg:$0x2] =	wrdreg s3  }
0xa9: {  	[dreg:$0x3] =	wrdreg s5  }
0xaa: {  	[dreg:$0x4] =	wrdreg $0xC0  }
0xab: {  	_ =	task [dreg:s7], $0x5FFFF  }
0xac: {  	[dreg:$0x1] =	wrdreg $0xFFFFFFFF  }
0xad: {  	[dreg:$0x0] =	wrdreg $0x60  }
0xae: {  	[dreg:$0x2] =	wrdreg s2  }
0xaf: {  	[dreg:$0x3] =	wrdreg s24  }
0xb0: {  	[dreg:$0x4] =	wrdreg $0x9  }
0xb1: {  	_ =	task.clear_ibuf [dreg:s7], $0x5FFFF;
	_ =	strace $0x9000004F  }
0xb2: {  	s29 =	simm.s32 $0x9;
	_ =	strace $0x80000051  }
0xb3: {  	_ =	swait.ge [sflag:s29], $0x1  }
0xb4: {  	[sflag:s29] =	ssyncadd.s32 $0xFFFFFFFF  }
0xb5: {  	_ =	strace $0x90000051  }
0xb6: {  	_ =	sfence  }
0xb7: {  	s30 =	sld [smem:$0x0];
	_ =	sdelay $0x2  }
0xb8: {  	s31 =	sshll.u32 s1, $0xD;
	s1 =	sshrl.u32 s1, $0x2  }
0xb9: {  	s3 =	sand.u32 $0x4000, s31;
	s1 =	sadd.s32 s1, s30  }
0xba: {  	s0 =	sor.u32 s3, s0;
	s1 =	sshll.u32 s1, $0x11  }
0xbb: {  	s0 =	sor.u32 s1, s0  }
0xbc: {  	s0 =	sadd.s32 $0x8F2B, s0  }
0xbd: {  	[sflag:s0] =	ssyncadd.remote.s32 $0x1  }
0xbe: {  	_ =	sfence.sel $0xFFFF  }
0xbf: {  	[dreg:$0x0] =	wrdreg $0xFFFFFFFF;
	(pc) =	sbr.abs _section_cstart, $3  }
0xc0: {  	[dreg:$0x1] =	wrdreg $0xFFFFFFFF  }
0xc1: {  	_ =	task.clear_ibuf [dreg:s7], $0x2FFFF;
	_ =	strace $0x9FFFFFFF  }
0xc2: {  	(tm) =	ssettm $0x7FFFFFFF  }
0xc3: {  	_ =	shalt  }
tec
execute0_lowered:
.L_overlay_start_1:
0x0: {  	(tag) =	ssettag $0x1  }
0x1: {  	s2 =	rddreg [dreg:$0x0]  }
0x2: {  	s4 =	rddreg [dreg:$0x1];
	s3 =	srdreg.scid  }
0x3: {  	s1 =	stileid.u32;
	s0 =	rddreg [dreg:$0x2];
	s10 =	simm.s32 $0x5000  }
0x4: {  	s11 =	simm.s32 $0x80;
	s12 =	simm.s32 $0xA000;
	s13 =	simm.s32 $0xA800  }
0x5: {  	s14 =	simm.s32 $0xB000;
	s15 =	simm.s32 $0xB800;
	s16 =	simm.s32 $0xC000  }
0x6: {  	s17 =	simm.s32 $0xC800;
	s18 =	simm.s32 $0xD000;
	s19 =	simm.s32 $0xD800  }
0x7: {  	s20 =	simm.s32 $0x1;
	s5 =	sand.u32 $0x1, s3;
	s6 =	smul.u32 $0xA0000, s1  }
0x8: {  	s3 =	simm.s32 $0x0;
	s7 =	sshll.u32 s1, $0x1;
	s8 =	smul.u32 $0x50000, s5  }
0x9: {  	s21 =	simm.s32 $0x0;
	[smem:$0x7FF] =	sst s3;
	s7 =	sor.u32 s5, s7  }
0xa: {  	s5 =	ssub.s32 $0x2, s5;
	s7 =	smul.u32 $0xA00, s7;
	s6 =	sadd.s32 s8, s6  }
0xb: {  	_ =	strace $0x80000050;
	s30 =	sshrl.u32 s5, $0x1;
	s6 =	sshrl.u32 s6, $0x3  }
0xc: {  	s31 =	ssub.s32 s5, s30;
	s7 =	sadd.s32 s7, s4;
	s9 =	sadd.s32 s6, s4  }
0xd: {  	s4 =	sadd.s32 $0x1DC00, s7;
	s5 =	sadd.s32 $0x9C00, s7;
	s6 =	smax.u32 s31, $0x1  }
0xe: {  	s7 =	sadd.s32 $0x198E00, s9;
	s8 =	sadd.s32 $0x58E00, s9;
	s9 =	simm.s32 $0x2  }
.LBB2_1:
0xf: {  	[tilespmem:s3], [sflag:$0x2] =	stream.linear.gather [hbm4b:s4+s3], $0x5000, $0x38;
	[tilespmem:$0xE000] =	vst v63  }
0x10: {  	_ =	swait.ge [sflag:s9], $0x5000  }
0x11: {  	[sflag:s9] =	ssyncset.done $0x0  }
0x12: {  	[sflag:s9] =	ssyncadd.s32 $0xFFFFB000  }
0x13: {  	[tilespmem:s10], [sflag:$0x2] =	stream.linear.gather [hbm4b:s5+s3], $0x5000, $0x38;
	[tilespmem:$0xE000] =	vst v63  }
0x14: {  	_ =	swait.ge [sflag:s9], $0x5000  }
0x15: {  	[sflag:s9] =	ssyncset.done $0x0  }
0x16: {  	s22 =	simm.s32 $0x0;
	[sflag:s9] =	ssyncadd.s32 $0xFFFFB000  }
0x17: {  	[tilespmem:s12], [sflag:$0x1] =	stream.indirect.gather [hbm4b:s2+s11], $0x10, s22, s11, $0xb8;
	[tilespmem:$0xE000] =	vst v63  }
0x18: {  	s24 =	simm.s32 $0x80  }
0x19: {  	[tilespmem:s13], [sflag:$0x1] =	stream.indirect.gather [hbm4b:s2+s11], $0x10, s24, s11, $0xb8;
	[tilespmem:$0xE000] =	vst v63  }
0x1a: {  	s25 =	simm.s32 $0x100  }
0x1b: {  	[tilespmem:s14], [sflag:$0x1] =	stream.indirect.gather [hbm4b:s2+s11], $0x10, s25, s11, $0xb8;
	[tilespmem:$0xE000] =	vst v63  }
0x1c: {  	s26 =	simm.s32 $0x180  }
0x1d: {  	[tilespmem:s15], [sflag:$0x1] =	stream.indirect.gather [hbm4b:s2+s11], $0x10, s26, s11, $0xb8;
	[tilespmem:$0xE000] =	vst v63  }
0x1e: {  	s28 =	simm.s32 $0x200  }
0x1f: {  	[tilespmem:s16], [sflag:$0x1] =	stream.indirect.gather [hbm4b:s2+s11], $0x10, s28, s11, $0xb8;
	[tilespmem:$0xE000] =	vst v63  }
0x20: {  	s29 =	simm.s32 $0x280  }
0x21: {  	[tilespmem:s17], [sflag:$0x1] =	stream.indirect.gather [hbm4b:s2+s11], $0x10, s29, s11, $0xb8;
	[tilespmem:$0xE000] =	vst v63  }
0x22: {  	s30 =	simm.s32 $0x300  }
0x23: {  	[tilespmem:s18], [sflag:$0x1] =	stream.indirect.gather [hbm4b:s2+s11], $0x10, s30, s11, $0xb8;
	[tilespmem:$0xE000] =	vst v63  }
0x24: {  	s31 =	simm.s32 $0x380  }
0x25: {  	[tilespmem:s19], [sflag:$0x1] =	stream.indirect.gather [hbm4b:s2+s11], $0x10, s31, s11, $0xb8;
	[tilespmem:$0xE000] =	vst v63  }
0x26: {  	_ =	swait.ge [sflag:s20], $0x800  }
0x27: {  	[sflag:s20] =	ssyncset.done $0x0  }
0x28: {  	[sflag:s20] =	ssyncadd.s32 $0xFFFFF800  }
0x29: {  	_ =	swait.ge [sflag:s20], $0x800  }
0x2a: {  	[sflag:s20] =	ssyncset.done $0x0  }
0x2b: {  	[sflag:s20] =	ssyncadd.s32 $0xFFFFF800  }
0x2c: {  	_ =	swait.ge [sflag:s20], $0x800  }
0x2d: {  	[sflag:s20] =	ssyncset.done $0x0  }
0x2e: {  	[sflag:s20] =	ssyncadd.s32 $0xFFFFF800  }
0x2f: {  	_ =	swait.ge [sflag:s20], $0x800  }
0x30: {  	[sflag:s20] =	ssyncset.done $0x0  }
0x31: {  	[sflag:s20] =	ssyncadd.s32 $0xFFFFF800  }
0x32: {  	_ =	swait.ge [sflag:s20], $0x800  }
0x33: {  	[sflag:s20] =	ssyncset.done $0x0  }
0x34: {  	[sflag:s20] =	ssyncadd.s32 $0xFFFFF800  }
0x35: {  	_ =	swait.ge [sflag:s20], $0x800  }
0x36: {  	[sflag:s20] =	ssyncset.done $0x0  }
0x37: {  	[sflag:s20] =	ssyncadd.s32 $0xFFFFF800  }
0x38: {  	_ =	swait.ge [sflag:s20], $0x800  }
0x39: {  	[sflag:s20] =	ssyncset.done $0x0  }
0x3a: {  	[sflag:s20] =	ssyncadd.s32 $0xFFFFF800  }
0x3b: {  	_ =	swait.ge [sflag:s20], $0x800  }
0x3c: {  	[sflag:s20] =	ssyncset.done $0x0  }
0x3d: {  	[sflag:s20] =	ssyncadd.s32 $0xFFFFF800  }
0x3e: {  	[hbm4b:s7+s3] =	stream.linear.scatter [tilespmem:s12], [sflag:$0x2], $0x4000, $0x38;
	[tilespmem:$0xE000] =	vst v63  }
0x3f: {  	s23 =	simm.s32 $0x1000;
	_ =	swait.ge [sflag:s9], $0x4000  }
0x40: {  	s22 =	sadd.s32 $0x800, s7;
	s26 =	simm.s32 $0x2000;
	[sflag:s9] =	ssyncset.done $0x0  }
.LBB2_2:
0x41: {  	s25 =	sshra.s32 s23, $0x2  }
0x42: {  	[sflag:s9] =	ssyncadd.s32 $0xFFFFC000;
	s23 =	smov.u32 s26;
	s24 =	sadd.s32 $0x1000, s26  }
0x43: {  	[tilespmem:s12], [sflag:$0x1] =	stream.indirect.gather [hbm4b:s2+s11], $0x10, s25, s11, $0xb8;
	[tilespmem:$0xE000] =	vst v63  }
0x44: {  	p0 =	sne.s32 s26, $0x13000;
	s26 =	sadd.s32 $0x80, s25  }
0x45: {  	[tilespmem:s13], [sflag:$0x1] =	stream.indirect.gather [hbm4b:s2+s11], $0x10, s26, s11, $0xb8;
	[tilespmem:$0xE000] =	vst v63  }
0x46: {  	s26 =	sadd.s32 $0x100, s25  }
0x47: {  	[tilespmem:s14], [sflag:$0x1] =	stream.indirect.gather [hbm4b:s2+s11], $0x10, s26, s11, $0xb8;
	[tilespmem:$0xE000] =	vst v63  }
0x48: {  	s26 =	sadd.s32 $0x180, s25  }
0x49: {  	[tilespmem:s15], [sflag:$0x1] =	stream.indirect.gather [hbm4b:s2+s11], $0x10, s26, s11, $0xb8;
	[tilespmem:$0xE000] =	vst v63  }
0x4a: {  	s26 =	sadd.s32 $0x200, s25  }
0x4b: {  	[tilespmem:s16], [sflag:$0x1] =	stream.indirect.gather [hbm4b:s2+s11], $0x10, s26, s11, $0xb8;
	[tilespmem:$0xE000] =	vst v63  }
0x4c: {  	s26 =	sadd.s32 $0x280, s25  }
0x4d: {  	[tilespmem:s17], [sflag:$0x1] =	stream.indirect.gather [hbm4b:s2+s11], $0x10, s26, s11, $0xb8;
	[tilespmem:$0xE000] =	vst v63  }
0x4e: {  	s26 =	sadd.s32 $0x300, s25  }
0x4f: {  	[tilespmem:s18], [sflag:$0x1] =	stream.indirect.gather [hbm4b:s2+s11], $0x10, s26, s11, $0xb8;
	[tilespmem:$0xE000] =	vst v63  }
0x50: {  	s25 =	sadd.s32 $0x380, s25  }
0x51: {  	[tilespmem:s19], [sflag:$0x1] =	stream.indirect.gather [hbm4b:s2+s11], $0x10, s25, s11, $0xb8;
	[tilespmem:$0xE000] =	vst v63  }
0x52: {  	_ =	swait.ge [sflag:s20], $0x800  }
0x53: {  	[sflag:s20] =	ssyncset.done $0x0  }
0x54: {  	[sflag:s20] =	ssyncadd.s32 $0xFFFFF800  }
0x55: {  	_ =	swait.ge [sflag:s20], $0x800  }
0x56: {  	[sflag:s20] =	ssyncset.done $0x0  }
0x57: {  	[sflag:s20] =	ssyncadd.s32 $0xFFFFF800  }
0x58: {  	_ =	swait.ge [sflag:s20], $0x800  }
0x59: {  	[sflag:s20] =	ssyncset.done $0x0  }
0x5a: {  	[sflag:s20] =	ssyncadd.s32 $0xFFFFF800  }
0x5b: {  	_ =	swait.ge [sflag:s20], $0x800  }
0x5c: {  	[sflag:s20] =	ssyncset.done $0x0  }
0x5d: {  	[sflag:s20] =	ssyncadd.s32 $0xFFFFF800  }
0x5e: {  	_ =	swait.ge [sflag:s20], $0x800  }
0x5f: {  	[sflag:s20] =	ssyncset.done $0x0  }
0x60: {  	[sflag:s20] =	ssyncadd.s32 $0xFFFFF800  }
0x61: {  	_ =	swait.ge [sflag:s20], $0x800  }
0x62: {  	[sflag:s20] =	ssyncset.done $0x0  }
0x63: {  	[sflag:s20] =	ssyncadd.s32 $0xFFFFF800  }
0x64: {  	_ =	swait.ge [sflag:s20], $0x800  }
0x65: {  	[sflag:s20] =	ssyncset.done $0x0  }
0x66: {  	[sflag:s20] =	ssyncadd.s32 $0xFFFFF800  }
0x67: {  	_ =	swait.ge [sflag:s20], $0x800  }
.Ltmp0:
0x68: {  	[sflag:s20] =	ssyncset.done $0x0;
	(pc) =	sbr.rel @p0 .LBB2_2-.Ltmp0, $4  }
0x69: {  	s25 =	simm.s32 $0x0;
	[sflag:s20] =	ssyncadd.s32 $0xFFFFF800  }
0x6a: {  	[hbm4b:s22+s25] =	stream.linear.scatter [tilespmem:s12], [sflag:$0x2], $0x4000, $0x38;
	[tilespmem:$0xE000] =	vst v63  }
0x6b: {  	_ =	swait.ge [sflag:s9], $0x4000  }
0x6c: {  	s26 =	smov.u32 s24;
	s22 =	sadd.s32 $0x800, s22;
	[sflag:s9] =	ssyncset.done $0x0  }
0x6d: {  	s23 =	sshra.s32 s23, $0x2;
	[sflag:s9] =	ssyncadd.s32 $0xFFFFC000  }
0x6e: {  	[tilespmem:s12], [sflag:$0x1] =	stream.indirect.gather [hbm4b:s2+s11], $0x10, s23, s11, $0xb8;
	[tilespmem:$0xE000] =	vst v63  }
0x6f: {  	s24 =	sadd.s32 $0x80, s23  }
0x70: {  	[tilespmem:s13], [sflag:$0x1] =	stream.indirect.gather [hbm4b:s2+s11], $0x10, s24, s11, $0xb8;
	[tilespmem:$0xE000] =	vst v63  }
0x71: {  	s26 =	sadd.s32 $0x100, s23  }
0x72: {  	[tilespmem:s14], [sflag:$0x1] =	stream.indirect.gather [hbm4b:s2+s11], $0x10, s26, s11, $0xb8;
	[tilespmem:$0xE000] =	vst v63  }
0x73: {  	s28 =	sadd.s32 $0x180, s23  }
0x74: {  	[tilespmem:s15], [sflag:$0x1] =	stream.indirect.gather [hbm4b:s2+s11], $0x10, s28, s11, $0xb8;
	[tilespmem:$0xE000] =	vst v63  }
0x75: {  	s29 =	sadd.s32 $0x200, s23  }
0x76: {  	[tilespmem:s16], [sflag:$0x1] =	stream.indirect.gather [hbm4b:s2+s11], $0x10, s29, s11, $0xb8;
	[tilespmem:$0xE000] =	vst v63  }
0x77: {  	s30 =	sadd.s32 $0x280, s23  }
0x78: {  	[tilespmem:s17], [sflag:$0x1] =	stream.indirect.gather [hbm4b:s2+s11], $0x10, s30, s11, $0xb8;
	[tilespmem:$0xE000] =	vst v63  }
0x79: {  	s31 =	sadd.s32 $0x300, s23  }
0x7a: {  	[tilespmem:s18], [sflag:$0x1] =	stream.indirect.gather [hbm4b:s2+s11], $0x10, s31, s11, $0xb8;
	[tilespmem:$0xE000] =	vst v63  }
0x7b: {  	s23 =	sadd.s32 $0x380, s23  }
0x7c: {  	[tilespmem:s19], [sflag:$0x1] =	stream.indirect.gather [hbm4b:s2+s11], $0x10, s23, s11, $0xb8;
	[tilespmem:$0xE000] =	vst v63  }
0x7d: {  	_ =	swait.ge [sflag:s20], $0x800  }
0x7e: {  	[sflag:s20] =	ssyncset.done $0x0  }
0x7f: {  	[sflag:s20] =	ssyncadd.s32 $0xFFFFF800  }
0x80: {  	_ =	swait.ge [sflag:s20], $0x800  }
0x81: {  	[sflag:s20] =	ssyncset.done $0x0  }
0x82: {  	[sflag:s20] =	ssyncadd.s32 $0xFFFFF800  }
0x83: {  	_ =	swait.ge [sflag:s20], $0x800  }
0x84: {  	[sflag:s20] =	ssyncset.done $0x0  }
0x85: {  	[sflag:s20] =	ssyncadd.s32 $0xFFFFF800  }
0x86: {  	_ =	swait.ge [sflag:s20], $0x800  }
0x87: {  	[sflag:s20] =	ssyncset.done $0x0  }
0x88: {  	[sflag:s20] =	ssyncadd.s32 $0xFFFFF800  }
0x89: {  	_ =	swait.ge [sflag:s20], $0x800  }
0x8a: {  	[sflag:s20] =	ssyncset.done $0x0  }
0x8b: {  	[sflag:s20] =	ssyncadd.s32 $0xFFFFF800  }
0x8c: {  	_ =	swait.ge [sflag:s20], $0x800  }
0x8d: {  	[sflag:s20] =	ssyncset.done $0x0  }
0x8e: {  	[sflag:s20] =	ssyncadd.s32 $0xFFFFF800  }
0x8f: {  	_ =	swait.ge [sflag:s20], $0x800  }
0x90: {  	[sflag:s20] =	ssyncset.done $0x0  }
0x91: {  	[sflag:s20] =	ssyncadd.s32 $0xFFFFF800  }
0x92: {  	_ =	swait.ge [sflag:s20], $0x800  }
0x93: {  	p1 =	por $0x1, $0x1;
	[sflag:s20] =	ssyncset.done $0x0  }
.Ltmp1:
0x94: {  	[sflag:s20] =	ssyncadd.s32 $0xFFFFF800;
	(pc) =	sbr.rel @!p1 .LBB2_6-.Ltmp1, $4  }
0x95: {  	[hbm4b:s22+s25] =	stream.linear.scatter [tilespmem:s12], [sflag:$0x2], $0x4000, $0x38;
	[tilespmem:$0xE000] =	vst v63  }
0x96: {  	_ =	swait.ge [sflag:s9], $0x4000  }
0x97: {  	p0 =	por $0x0, $0x0;
	[sflag:s9] =	ssyncset.done $0x0  }
0x98: {  	s25 =	simm.s32 $0x0;
	s22 =	smov.u32 s8;
	[sflag:s9] =	ssyncadd.s32 $0xFFFFC000  }
0x99: {  	s22 =	simm.s32 $0x5000  }
0x9a: {  	[tilespmem:s12], [sflag:$0x1] =	stream.indirect.gather [hbm4b:s2+s11], $0x10, s22, s11, $0xb8;
	[tilespmem:$0xE000] =	vst v63  }
0x9b: {  	s24 =	simm.s32 $0x5080  }
0x9c: {  	[tilespmem:s13], [sflag:$0x1] =	stream.indirect.gather [hbm4b:s2+s11], $0x10, s24, s11, $0xb8;
	[tilespmem:$0xE000] =	vst v63  }
0x9d: {  	s25 =	simm.s32 $0x5100  }
0x9e: {  	[tilespmem:s14], [sflag:$0x1] =	stream.indirect.gather [hbm4b:s2+s11], $0x10, s25, s11, $0xb8;
	[tilespmem:$0xE000] =	vst v63  }
0x9f: {  	s26 =	simm.s32 $0x5180  }
0xa0: {  	[tilespmem:s15], [sflag:$0x1] =	stream.indirect.gather [hbm4b:s2+s11], $0x10, s26, s11, $0xb8;
	[tilespmem:$0xE000] =	vst v63  }
0xa1: {  	s28 =	simm.s32 $0x5200  }
0xa2: {  	[tilespmem:s16], [sflag:$0x1] =	stream.indirect.gather [hbm4b:s2+s11], $0x10, s28, s11, $0xb8;
	[tilespmem:$0xE000] =	vst v63  }
0xa3: {  	s29 =	simm.s32 $0x5280  }
0xa4: {  	[tilespmem:s17], [sflag:$0x1] =	stream.indirect.gather [hbm4b:s2+s11], $0x10, s29, s11, $0xb8;
	[tilespmem:$0xE000] =	vst v63  }
0xa5: {  	s30 =	simm.s32 $0x5300  }
0xa6: {  	[tilespmem:s18], [sflag:$0x1] =	stream.indirect.gather [hbm4b:s2+s11], $0x10, s30, s11, $0xb8;
	[tilespmem:$0xE000] =	vst v63  }
0xa7: {  	s31 =	simm.s32 $0x5380  }
0xa8: {  	[tilespmem:s19], [sflag:$0x1] =	stream.indirect.gather [hbm4b:s2+s11], $0x10, s31, s11, $0xb8;
	[tilespmem:$0xE000] =	vst v63  }
0xa9: {  	_ =	swait.ge [sflag:s20], $0x800  }
0xaa: {  	[sflag:s20] =	ssyncset.done $0x0  }
0xab: {  	[sflag:s20] =	ssyncadd.s32 $0xFFFFF800  }
0xac: {  	_ =	swait.ge [sflag:s20], $0x800  }
0xad: {  	[sflag:s20] =	ssyncset.done $0x0  }
0xae: {  	[sflag:s20] =	ssyncadd.s32 $0xFFFFF800  }
0xaf: {  	_ =	swait.ge [sflag:s20], $0x800  }
0xb0: {  	[sflag:s20] =	ssyncset.done $0x0  }
0xb1: {  	[sflag:s20] =	ssyncadd.s32 $0xFFFFF800  }
0xb2: {  	_ =	swait.ge [sflag:s20], $0x800  }
0xb3: {  	[sflag:s20] =	ssyncset.done $0x0  }
0xb4: {  	[sflag:s20] =	ssyncadd.s32 $0xFFFFF800  }
0xb5: {  	_ =	swait.ge [sflag:s20], $0x800  }
0xb6: {  	[sflag:s20] =	ssyncset.done $0x0  }
0xb7: {  	[sflag:s20] =	ssyncadd.s32 $0xFFFFF800  }
0xb8: {  	_ =	swait.ge [sflag:s20], $0x800  }
0xb9: {  	[sflag:s20] =	ssyncset.done $0x0  }
0xba: {  	[sflag:s20] =	ssyncadd.s32 $0xFFFFF800  }
0xbb: {  	_ =	swait.ge [sflag:s20], $0x800  }
0xbc: {  	[sflag:s20] =	ssyncset.done $0x0  }
0xbd: {  	[sflag:s20] =	ssyncadd.s32 $0xFFFFF800  }
0xbe: {  	p1 =	por $0x1, $0x1;
	_ =	swait.ge [sflag:s20], $0x800  }
.Ltmp2:
0xbf: {  	[sflag:s20] =	ssyncset.done $0x0;
	(pc) =	sbr.rel @!p1 .LBB2_6-.Ltmp2, $4  }
0xc0: {  	[sflag:s20] =	ssyncadd.s32 $0xFFFFF800  }
0xc1: {  	[hbm4b:s8+s3] =	stream.linear.scatter [tilespmem:s12], [sflag:$0x2], $0x4000, $0x38;
	[tilespmem:$0xE000] =	vst v63  }
0xc2: {  	p0 =	por $0x1, $0x1;
	s22 =	sadd.s32 $0x800, s8;
	_ =	swait.ge [sflag:s9], $0x4000  }
0xc3: {  	s25 =	simm.s32 $0x400;
	s26 =	simm.s32 $0x2000;
	[sflag:s9] =	ssyncset.done $0x0  }
.LBB2_5:
0xc4: {  	s28 =	sadd.s32 $0x5000, s25  }
0xc5: {  	[sflag:s9] =	ssyncadd.s32 $0xFFFFC000;
	s24 =	smov.u32 s26;
	s23 =	sadd.s32 $0x1000, s26  }
0xc6: {  	[tilespmem:s12], [sflag:$0x1] =	stream.indirect.gather [hbm4b:s2+s11], $0x10, s28, s11, $0xb8;
	[tilespmem:$0xE000] =	vst v63  }
0xc7: {  	p1 =	sne.s32 s26, $0x13000;
	s26 =	sadd.s32 $0x5080, s25  }
0xc8: {  	[tilespmem:s13], [sflag:$0x1] =	stream.indirect.gather [hbm4b:s2+s11], $0x10, s26, s11, $0xb8;
	[tilespmem:$0xE000] =	vst v63  }
0xc9: {  	s26 =	sadd.s32 $0x5100, s25  }
0xca: {  	[tilespmem:s14], [sflag:$0x1] =	stream.indirect.gather [hbm4b:s2+s11], $0x10, s26, s11, $0xb8;
	[tilespmem:$0xE000] =	vst v63  }
0xcb: {  	s26 =	sadd.s32 $0x5180, s25  }
0xcc: {  	[tilespmem:s15], [sflag:$0x1] =	stream.indirect.gather [hbm4b:s2+s11], $0x10, s26, s11, $0xb8;
	[tilespmem:$0xE000] =	vst v63  }
0xcd: {  	s26 =	sadd.s32 $0x5200, s25  }
0xce: {  	[tilespmem:s16], [sflag:$0x1] =	stream.indirect.gather [hbm4b:s2+s11], $0x10, s26, s11, $0xb8;
	[tilespmem:$0xE000] =	vst v63  }
0xcf: {  	s26 =	sadd.s32 $0x5280, s25  }
0xd0: {  	[tilespmem:s17], [sflag:$0x1] =	stream.indirect.gather [hbm4b:s2+s11], $0x10, s26, s11, $0xb8;
	[tilespmem:$0xE000] =	vst v63  }
0xd1: {  	s26 =	sadd.s32 $0x5300, s25  }
0xd2: {  	[tilespmem:s18], [sflag:$0x1] =	stream.indirect.gather [hbm4b:s2+s11], $0x10, s26, s11, $0xb8;
	[tilespmem:$0xE000] =	vst v63  }
0xd3: {  	s25 =	sadd.s32 $0x5380, s25  }
0xd4: {  	[tilespmem:s19], [sflag:$0x1] =	stream.indirect.gather [hbm4b:s2+s11], $0x10, s25, s11, $0xb8;
	[tilespmem:$0xE000] =	vst v63  }
0xd5: {  	_ =	swait.ge [sflag:s20], $0x800  }
0xd6: {  	[sflag:s20] =	ssyncset.done $0x0  }
0xd7: {  	[sflag:s20] =	ssyncadd.s32 $0xFFFFF800  }
0xd8: {  	_ =	swait.ge [sflag:s20], $0x800  }
0xd9: {  	[sflag:s20] =	ssyncset.done $0x0  }
0xda: {  	[sflag:s20] =	ssyncadd.s32 $0xFFFFF800  }
0xdb: {  	_ =	swait.ge [sflag:s20], $0x800  }
0xdc: {  	[sflag:s20] =	ssyncset.done $0x0  }
0xdd: {  	[sflag:s20] =	ssyncadd.s32 $0xFFFFF800  }
0xde: {  	_ =	swait.ge [sflag:s20], $0x800  }
0xdf: {  	[sflag:s20] =	ssyncset.done $0x0  }
0xe0: {  	[sflag:s20] =	ssyncadd.s32 $0xFFFFF800  }
0xe1: {  	_ =	swait.ge [sflag:s20], $0x800  }
0xe2: {  	[sflag:s20] =	ssyncset.done $0x0  }
0xe3: {  	[sflag:s20] =	ssyncadd.s32 $0xFFFFF800  }
0xe4: {  	_ =	swait.ge [sflag:s20], $0x800  }
0xe5: {  	[sflag:s20] =	ssyncset.done $0x0  }
0xe6: {  	[sflag:s20] =	ssyncadd.s32 $0xFFFFF800  }
0xe7: {  	_ =	swait.ge [sflag:s20], $0x800  }
0xe8: {  	[sflag:s20] =	ssyncset.done $0x0  }
0xe9: {  	[sflag:s20] =	ssyncadd.s32 $0xFFFFF800  }
0xea: {  	_ =	swait.ge [sflag:s20], $0x800  }
.Ltmp3:
0xeb: {  	[sflag:s20] =	ssyncset.done $0x0;
	(pc) =	sbr.rel @p1 .LBB2_5-.Ltmp3, $4  }
0xec: {  	[sflag:s20] =	ssyncadd.s32 $0xFFFFF800  }
0xed: {  	[hbm4b:s22+s3] =	stream.linear.scatter [tilespmem:s12], [sflag:$0x2], $0x4000, $0x38;
	[tilespmem:$0xE000] =	vst v63  }
0xee: {  	s26 =	smov.u32 s23;
	_ =	swait.ge [sflag:s9], $0x4000  }
0xef: {  	s25 =	sshra.s32 s24, $0x2;
	s22 =	sadd.s32 $0x800, s22;
	[sflag:s9] =	ssyncset.done $0x0  }
.LBB2_6:
0xf0: {  	s23 =	sadd.s32 $0x5000, s25;
	[sflag:s9] =	ssyncadd.s32 @p0 $0xFFFFC000  }
0xf1: {  	[tilespmem:s12], [sflag:$0x1] =	stream.indirect.gather [hbm4b:s2+s11], $0x10, s23, s11, $0xb8;
	[tilespmem:$0xE000] =	vst v63  }
0xf2: {  	s31 =	sadd.s32 $0x5080, s25  }
0xf3: {  	[tilespmem:s13], [sflag:$0x1] =	stream.indirect.gather [hbm4b:s2+s11], $0x10, s31, s11, $0xb8;
	[tilespmem:$0xE000] =	vst v63  }
0xf4: {  	s24 =	sadd.s32 $0x5100, s25  }
0xf5: {  	[tilespmem:s14], [sflag:$0x1] =	stream.indirect.gather [hbm4b:s2+s11], $0x10, s24, s11, $0xb8;
	[tilespmem:$0xE000] =	vst v63  }
0xf6: {  	s26 =	sadd.s32 $0x5180, s25  }
0xf7: {  	[tilespmem:s15], [sflag:$0x1] =	stream.indirect.gather [hbm4b:s2+s11], $0x10, s26, s11, $0xb8;
	[tilespmem:$0xE000] =	vst v63  }
0xf8: {  	s28 =	sadd.s32 $0x5200, s25  }
0xf9: {  	[tilespmem:s16], [sflag:$0x1] =	stream.indirect.gather [hbm4b:s2+s11], $0x10, s28, s11, $0xb8;
	[tilespmem:$0xE000] =	vst v63  }
0xfa: {  	s29 =	sadd.s32 $0x5280, s25  }
0xfb: {  	[tilespmem:s17], [sflag:$0x1] =	stream.indirect.gather [hbm4b:s2+s11], $0x10, s29, s11, $0xb8;
	[tilespmem:$0xE000] =	vst v63  }
0xfc: {  	s30 =	sadd.s32 $0x5300, s25  }
0xfd: {  	[tilespmem:s18], [sflag:$0x1] =	stream.indirect.gather [hbm4b:s2+s11], $0x10, s30, s11, $0xb8;
	[tilespmem:$0xE000] =	vst v63  }
0xfe: {  	s31 =	sadd.s32 $0x5380, s25  }
0xff: {  	[tilespmem:s19], [sflag:$0x1] =	stream.indirect.gather [hbm4b:s2+s11], $0x10, s31, s11, $0xb8;
	[tilespmem:$0xE000] =	vst v63  }
0x100: {  	_ =	swait.ge [sflag:s20], $0x800  }
0x101: {  	[sflag:s20] =	ssyncset.done $0x0  }
0x102: {  	[sflag:s20] =	ssyncadd.s32 $0xFFFFF800  }
0x103: {  	_ =	swait.ge [sflag:s20], $0x800  }
0x104: {  	[sflag:s20] =	ssyncset.done $0x0  }
0x105: {  	[sflag:s20] =	ssyncadd.s32 $0xFFFFF800  }
0x106: {  	_ =	swait.ge [sflag:s20], $0x800  }
0x107: {  	[sflag:s20] =	ssyncset.done $0x0  }
0x108: {  	[sflag:s20] =	ssyncadd.s32 $0xFFFFF800  }
0x109: {  	_ =	swait.ge [sflag:s20], $0x800  }
0x10a: {  	[sflag:s20] =	ssyncset.done $0x0  }
0x10b: {  	[sflag:s20] =	ssyncadd.s32 $0xFFFFF800  }
0x10c: {  	_ =	swait.ge [sflag:s20], $0x800  }
0x10d: {  	[sflag:s20] =	ssyncset.done $0x0  }
0x10e: {  	[sflag:s20] =	ssyncadd.s32 $0xFFFFF800  }
0x10f: {  	_ =	swait.ge [sflag:s20], $0x800  }
0x110: {  	[sflag:s20] =	ssyncset.done $0x0  }
0x111: {  	[sflag:s20] =	ssyncadd.s32 $0xFFFFF800  }
0x112: {  	_ =	swait.ge [sflag:s20], $0x800  }
0x113: {  	[sflag:s20] =	ssyncset.done $0x0  }
0x114: {  	[sflag:s20] =	ssyncadd.s32 $0xFFFFF800  }
0x115: {  	s21 =	sadd.s32 $0x1, s21;
	_ =	swait.ge [sflag:s20], $0x800  }
0x116: {  	p0 =	sne.s32 s21, s6;
	[sflag:s20] =	ssyncset.done $0x0  }
.Ltmp4:
0x117: {  	[sflag:s20] =	ssyncadd.s32 $0xFFFFF800;
	(pc) =	sbr.rel @p0 .LBB2_1-.Ltmp4, $4  }
0x118: {  	[hbm4b:s22+s3] =	stream.linear.scatter [tilespmem:s12], [sflag:$0x2], $0x4000, $0x38;
	[tilespmem:$0xE000] =	vst v63  }
0x119: {  	_ =	swait.ge [sflag:s9], $0x4000  }
0x11a: {  	[sflag:s9] =	ssyncset.done $0x0  }
0x11b: {  	[sflag:s9] =	ssyncadd.s32 $0xFFFFC000  }
0x11c: {  	_ =	sfence.sel $0x180000  }
0x11d: {  	[bflag:$0x0] =	sbarrier.arrive $0xFFFF  }
0x11e: {  	p0 =	sne.s32 s1, $0x0;
	_ =	strace $0x90000050  }
0x11f: {  	s0 =	sadd.s32 @!p0 $0x100000, s0;
	[bflag:$0x2] =	sbarrier.arrive $0xFFFF  }
0x120: {  	[sflag:s0] =	ssyncadd.tile.s32 @!p0 $0x1;
	_ =	shalt  }
.Lfunc_end2:
_tile_overlayer_lowered:
.L_overlay_start_2:
0x121: {  	(tag) =	ssettag $0x2  }
0x122: {  	s0 =	rddreg [dreg:$0x0];
	s2 =	stileid.u32  }
0x123: {  	s1 =	rddreg [dreg:$0x1];
	p0 =	sne.s32 s2, $0x0  }
0x124: {  	s3 =	rddreg [dreg:$0x2];
	[bflag:$0x3] =	sbarrier.arrive $0xFFFF;
	s2 =	simm.s32 @!p0 $0x1C02  }
0x125: {  	[timem:s3], [sflag:s2] =	dma.local @!p0 [hbm:s0], s1  }
0x126: {  	s0 =	simm.s32 @!p0 $0x2  }
0x127: {  	_ =	swait.ge @!p0 [sflag:s0], s1  }
0x128: {  	s1 =	ssub.s32 @!p0 $0x0, s1;
	[sflag:s0] =	ssyncset.done @!p0 $0x0  }
0x129: {  	[sflag:s0] =	ssyncadd.s32 @!p0 s1  }
0x12a: {  	[bflag:$0x3] =	sbarrier.arrive $0xFFFF  }
0x12b: {  	_ =	shalt  }

// kernel: kernel.29.cloned.1.call-start
scs
__scs_entry_jumppad:
0x0: {  	(pc) =	sbr.rel $0x88, $3  }
0x1: {  	(tag) =	ssettag $0x0;
	lr =	simm.s32 $0x1  }
0x2: {  	[smem:$0x3F82] =	sst lr;
	_ =	strace $0xD0000000  }
0x3: {  	_ = 	snop  }
0x4: {  	_ = 	snop  }
0x5: {  	_ = 	snop  }
0x6: {  	_ = 	snop  }
0x7: {  	_ = 	snop  }
__scs_overlays_trampoline_lowered:
0x8: {  	[smem:$0x3F91] =	sst s0  }
0x9: {  	[smem:$0x3F92] =	sst s1  }
0xa: {  	[smem:$0x3F93] =	sst s2  }
0xb: {  	[smem:$0x3F94] =	sst s3  }
0xc: {  	[smem:$0x3F95] =	sst s4  }
0xd: {  	[smem:$0x3F96] =	sst s5  }
0xe: {  	[smem:$0x3F97] =	sst s6  }
0xf: {  	[smem:$0x3F98] =	sst s7  }
0x10: {  	[smem:$0x3F99] =	sst s8  }
0x11: {  	[smem:$0x3F9A] =	sst s9;
	s0 =	simm.s32 @!p0 $0x0  }
0x12: {  	s1 =	sld [smem:$0x3F80];
	s0 =	simm.s32 @p0 $0x1  }
0x13: {  	[smem:$0x3F9B] =	sst s0;
	s0 =	simm.s32 @!p1 $0x0  }
0x14: {  	s2 =	sld [smem:$0x3F7F];
	s0 =	simm.s32 @p1 $0x1  }
0x15: {  	[smem:$0x3F9C] =	sst s0;
	s0 =	simm.s32 @!p2 $0x0  }
0x16: {  	s3 =	sld [smem:$0x3FDB];
	s0 =	simm.s32 @p2 $0x1  }
0x17: {  	s4 =	simm.s32 $0x1BF5;
	[smem:$0x3F9E] =	sst s0  }
0x18: {  	s0 =	sld [smem:$0x3F81];
	_ =	swait.ge [sflag:s4], $0x0  }
0x19: {  	s7 =	sld [smem:$0x3F82]  }
0x1a: {  	s8 =	sadd.s32 $0xFFFFE003, lr  }
0x1b: {  	s9 =	sadd.s32 $0xFFFFFEF7, lr;
	s5 =	simm.s32 $0xFFFFFFFF;
	p2 =	slt.u32 s8, $0xFFFFF086  }
0x1c: {  	p1 =	slt.u32 s9, $0xF7A;
	s5 =	simm.s32 @!p2 $0x0  }
0x1d: {  	s5 =	simm.s32 @p1 $0x1;
	p0 =	seq.s32 s7, s2  }
0x1e: {  	s7 =	smul.u32 @!p0 $0xF7A, s2;
	p2 =	seq.s32 @!p0 s5, $0x0  }
0x1f: {  	s9 =	smul.u32 $0xF7A, s1;
	s8 =	simm.s32 @!p0 $0x1BF5;
	p2 =	por !p2, p0  }
0x20: {  	[sflag:s8] =	ssyncset.s32 @!p0 $0xFFFFF086;
	s6 =	sadd.s32 @!p0 s3, s7;
	s7 =	simm.s32 @!p0 $0x108  }
0x21: {  	s3 =	sadd.s32 s3, s9;
	s6 =	sadd.s32 @!p0 $0x88, s6;
	s7 =	simm.s32 @p2 $0x1082  }
0x22: {  	[simem:s7], [sflag:s8] =	dma.local @!p0 [hbm:s6], $0xF7A  }
0x23: {  	s9 =	sor.u32 $0xD0000000, s2;
	s6 =	simm.s32 $0x108;
	_ =	swait.ge @!p0 [sflag:s8], $0x0  }
0x24: {  	s3 =	sadd.s32 $0x88, s3;
	s6 =	simm.s32 @!p1 $0x1082;
	[sflag:s4] =	ssyncset.s32 $0xFFFFF086  }
0x25: {  	[simem:s6], [sflag:s4] =	dma.local [hbm:s3], $0xF7A  }
0x26: {  	[smem:$0x3F82] =	sst s1;
	(tag) =	ssettag s2;
	_ =	strace s9  }
0x27: {  	s1 =	sld [smem:$0x3F92]  }
0x28: {  	s2 =	sld [smem:$0x3F93]  }
0x29: {  	s4 =	sld [smem:$0x3F95]  }
0x2a: {  	p0 =	seq.s32 s5, $0x0;
	s5 =	sld [smem:$0x3F96]  }
0x2b: {  	s6 =	sld [smem:$0x3F97]  }
0x2c: {  	s7 =	sld [smem:$0x3F98]  }
0x2d: {  	s3 =	simm.s32 $0x108;
	s8 =	sld [smem:$0x3F99]  }
0x2e: {  	s3 =	simm.s32 @!p0 $0x1082;
	s9 =	sld [smem:$0x3F9A]  }
0x2f: {  	lr =	sadd.s32 s0, s3;
	s0 =	sld [smem:$0x3F91]  }
0x30: {  	s3 =	sld [smem:$0x3F94]  }
0x31: {  	[smem:$0x3F9D] =	sst s10  }
0x32: {  	s10 =	sld [smem:$0x3F9B];
	_ =	sdelay $0x3  }
0x33: {  	p0 =	seq.s32 s10, $0x1;
	s10 =	sld [smem:$0x3F9D];
	_ =	sdelay $0x3  }
0x34: {  	[smem:$0x3F9D] =	sst s10  }
0x35: {  	s10 =	sld [smem:$0x3F9C];
	_ =	sdelay $0x3  }
0x36: {  	p1 =	seq.s32 s10, $0x1;
	s10 =	sld [smem:$0x3F9D];
	_ =	sdelay $0x3  }
0x37: {  	[smem:$0x3F9D] =	sst s10  }
0x38: {  	s10 =	sld [smem:$0x3F9E]  }
0x39: {  	_ = 	snop;
	(pc) =	sbr.ind lr, $3  }
0x3a: {  	_ = 	snop  }
0x3b: {  	_ = 	snop  }
0x3c: {  	p2 =	seq.s32 s10, $0x1;
	s10 =	sld [smem:$0x3F9D]  }
0x3d: {  	_ =	shalt  }
0x3e: {  	_ =	shalt  }
0x3f: {  	_ =	shalt  }
0x40: {  	_ =	shalt  }
0x41: {  	_ =	shalt  }
0x42: {  	_ =	shalt  }
0x43: {  	_ =	shalt  }
0x44: {  	_ =	shalt  }
0x45: {  	_ =	shalt  }
0x46: {  	_ =	shalt  }
0x47: {  	_ =	shalt  }
0x48: {  	_ =	shalt  }
0x49: {  	_ =	shalt  }
0x4a: {  	_ =	shalt  }
0x4b: {  	_ =	shalt  }
0x4c: {  	_ =	shalt  }
0x4d: {  	_ =	shalt  }
0x4e: {  	_ =	shalt  }
0x4f: {  	_ =	shalt  }
0x50: {  	_ =	shalt  }
0x51: {  	_ =	shalt  }
0x52: {  	_ =	shalt  }
0x53: {  	_ =	shalt  }
0x54: {  	_ =	shalt  }
0x55: {  	_ =	shalt  }
0x56: {  	_ =	shalt  }
0x57: {  	_ =	shalt  }
0x58: {  	_ =	shalt  }
0x59: {  	_ =	shalt  }
0x5a: {  	_ =	shalt  }
0x5b: {  	_ =	shalt  }
0x5c: {  	_ =	shalt  }
0x5d: {  	_ =	shalt  }
0x5e: {  	_ =	shalt  }
0x5f: {  	_ =	shalt  }
0x60: {  	_ =	shalt  }
0x61: {  	_ =	shalt  }
0x62: {  	_ =	shalt  }
0x63: {  	_ =	shalt  }
0x64: {  	_ =	shalt  }
0x65: {  	_ =	shalt  }
0x66: {  	_ =	shalt  }
0x67: {  	_ =	shalt  }
0x68: {  	_ =	shalt  }
0x69: {  	_ =	shalt  }
0x6a: {  	_ =	shalt  }
0x6b: {  	_ =	shalt  }
0x6c: {  	_ =	shalt  }
0x6d: {  	_ =	shalt  }
0x6e: {  	_ =	shalt  }
0x6f: {  	_ =	shalt  }
0x70: {  	_ =	shalt  }
0x71: {  	_ =	shalt  }
0x72: {  	_ =	shalt  }
0x73: {  	_ =	shalt  }
0x74: {  	_ =	shalt  }
0x75: {  	_ =	shalt  }
0x76: {  	_ =	shalt  }
0x77: {  	_ =	shalt  }
0x78: {  	_ =	shalt  }
0x79: {  	_ =	shalt  }
0x7a: {  	_ =	shalt  }
0x7b: {  	_ =	shalt  }
0x7c: {  	_ =	shalt  }
0x7d: {  	_ =	shalt  }
0x7e: {  	_ =	shalt  }
0x7f: {  	_ =	shalt  }
0x80: {  	_ =	shalt  }
0x81: {  	_ =	shalt  }
0x82: {  	_ =	shalt  }
0x83: {  	_ =	shalt  }
0x84: {  	_ =	shalt  }
0x85: {  	_ =	shalt  }
0x86: {  	_ =	shalt  }
0x87: {  	_ =	shalt  }
.Lfunc_end0:
.L_simem_size_0:
called_computation.4_lowered:
.L_overlay_start_0:
0x88: {  	s2 =	sld [smem:$0x3FD9]  }
0x89: {  	s3 =	sld [smem:$0x3FFE];
	_ =	sdelay $0x1  }
0x8a: {  	s1 =	srdreg.scid  }
0x8b: {  	s0 =	sand.u32 $0x1, s1  }
0x8c: {  	s17 =	sshll.u32 s0, $0xA;
	s2 =	sadd.s32 s3, s2  }
0x8d: {  	s2 =	sadd.s32 s2, s17  }
0x8e: {  	[smem:$0x3FA9] =	sst s2  }
0x8f: {  	_ = 	snop  }
0x90: {  	s2 =	sld [smem:$0x3FD0];
	(tm) =	ssettm $0x1  }
0x91: {  	s18 =	sld [smem:$0x3FFB];
	_ =	sdelay $0x3  }
0x92: {  	_ =	strace s18  }
0x93: {  	s3 =	sld [smem:$0x3FFC];
	_ =	sdelay $0x3  }
0x94: {  	_ =	strace s3  }
0x95: {  	s3 =	sld [smem:$0x3FFD];
	_ =	sdelay $0x3  }
0x96: {  	_ =	strace s3  }
0x97: {  	_ =	strace $0x8FFFFFFF  }
0x98: {  	s19 =	sld [smem:$0x3FDB];
	_ =	sdelay $0x1  }
0x99: {  	s4 =	simm.s32 $_scs_section_size  }
0x9a: {  	s5 =	simm.s32 $_size__tile_overlayer_lowered;
	s6 =	simm.s32 $_tile_overlayer_lowered  }
0x9b: {  	s22 =	simm.s32 $0x1BFF;
	s21 =	sshll.u32 s6, $0x1;
	s3 =	sadd.s32 s4, s19  }
0x9c: {  	s7 =	simm.s32 $0x0;
	s20 =	sshll.u32 s5, $0x1;
	s5 =	sadd.s32 s21, s3  }
0x9d: {  	[timem:s7], [sflag:s22] =	dma.local [hbm:s5], s20  }
0x9e: {  	_ =	swait.ge [sflag:s22], s20  }
0x9f: {  	s4 =	ssub.s32 $0x0, s20;
	[sflag:s22] =	ssyncset.done $0x0  }
0xa0: {  	[sflag:s22] =	ssyncadd.s32 s4;
	_ =	sdelay $0x1  }
0xa1: {  	s23 =	simm.s32 $0x1B8B  }
0xa2: {  	_ =	swait.ge [sflag:s23], $0x1  }
0xa3: {  	[sflag:s23] =	ssyncset.done $0x0  }
0xa4: {  	s25 =	simm.s32 $0x1B8E;
	s24 =	sld [smem:$0x3FFE];
	[sflag:s23] =	ssyncadd.s32 $0xFFFFFFFF  }
0xa5: {  	s26 =	simm.s32 $execute0_lowered;
	[smem:$0x3FD2] =	sst s25  }
0xa6: {  	s5 =	sshll.u32 s26, $0x1;
	_ =	strace $0x80000052;
	[dreg:$0x1] =	wrdreg $0xFFFFFFFF  }
0xa7: {  	s28 =	simm.s32 $_size_execute0_lowered;
	s3 =	sadd.s32 s3, s5;
	[dreg:$0x0] =	wrdreg $0x0  }
0xa8: {  	s5 =	sshll.u32 s28, $0x1;
	[dreg:$0x2] =	wrdreg s3  }
0xa9: {  	[dreg:$0x3] =	wrdreg s5  }
0xaa: {  	[dreg:$0x4] =	wrdreg $0xC0  }
0xab: {  	_ =	task [dreg:s7], $0x5FFFF  }
0xac: {  	[dreg:$0x1] =	wrdreg $0xFFFFFFFF  }
0xad: {  	[dreg:$0x0] =	wrdreg $0x60  }
0xae: {  	[dreg:$0x2] =	wrdreg s24  }
0xaf: {  	[dreg:$0x3] =	wrdreg s2  }
0xb0: {  	[dreg:$0x4] =	wrdreg $0xA8000  }
0xb1: {  	[dreg:$0x5] =	wrdreg $0x9  }
0xb2: {  	_ =	task.clear_ibuf [dreg:s7], $0x6FFFF;
	_ =	strace $0x90000052  }
0xb3: {  	s29 =	simm.s32 $0x9;
	_ =	strace $0x80000054  }
0xb4: {  	_ =	swait.ge [sflag:s29], $0x1  }
0xb5: {  	[sflag:s29] =	ssyncadd.s32 $0xFFFFFFFF  }
0xb6: {  	_ =	strace $0x90000054  }
0xb7: {  	_ =	sfence  }
0xb8: {  	s30 =	sld [smem:$0x0];
	_ =	sdelay $0x2  }
0xb9: {  	s31 =	sshll.u32 s1, $0xD;
	s1 =	sshrl.u32 s1, $0x2  }
0xba: {  	s3 =	sand.u32 $0x4000, s31;
	s1 =	sadd.s32 s1, s30  }
0xbb: {  	s0 =	sor.u32 s3, s0;
	s1 =	sshll.u32 s1, $0x11  }
0xbc: {  	s0 =	sor.u32 s1, s0  }
0xbd: {  	s0 =	sadd.s32 $0x8F2B, s0  }
0xbe: {  	[sflag:s0] =	ssyncadd.remote.s32 $0x1  }
0xbf: {  	_ =	sfence.sel $0xFFFF  }
0xc0: {  	[dreg:$0x0] =	wrdreg $0xFFFFFFFF;
	(pc) =	sbr.abs _section_cstart, $3  }
0xc1: {  	[dreg:$0x1] =	wrdreg $0xFFFFFFFF  }
0xc2: {  	_ =	task.clear_ibuf [dreg:s7], $0x2FFFF;
	_ =	strace $0x9FFFFFFF  }
0xc3: {  	(tm) =	ssettm $0x7FFFFFFF  }
tec
execute0_lowered:
.L_overlay_start_1:
0x0: {  	(tag) =	ssettag $0x1  }
0x1: {  	s3 =	rddreg [dreg:$0x0];
	s15 =	stileid.u32  }
0x2: {  	s0 =	srdreg.scid;
	s6 =	rddreg [dreg:$0x1]  }
0x3: {  	s1 =	rddreg [dreg:$0x2];
	s2 =	simm.s32 $0x0;
	s12 =	simm.s32 $0x5000  }
0x4: {  	s13 =	simm.s32 $0xA000;
	s14 =	simm.s32 $0x80;
	s17 =	simm.s32 $0x0  }
0x5: {  	s4 =	sand.u32 $0x1, s0;
	s5 =	smul.u32 $0x14000, s15;
	s0 =	rddreg [dreg:$0x3]  }
0x6: {  	s26 =	sshll.u32 s15, $0x1;
	[smem:$0x7FF] =	sst s2;
	s9 =	smul.u32 $0x2710, s15  }
0x7: {  	p0 =	sne.s32 s15, $0x0;
	s15 =	sshll.u32 s15, $0x6;
	s8 =	smul.u32 $0x27100, s4  }
0x8: {  	s7 =	sor.u32 s4, s26;
	_ =	strace $0x80000053;
	s30 =	smul.u32 $0xA000, s4  }
0x9: {  	s29 =	ssub.s32 $0x2, s4;
	s15 =	sor.u32 $0x1C01, s15;
	s7 =	smul.u32 $0xA00, s7  }
0xa: {  	s10 =	sadd.s32 s5, s3;
	s11 =	sshrl.u32 s29, $0x1;
	s16 =	sadd.s32 s9, s1  }
0xb: {  	s8 =	sadd.s32 s9, s8;
	s31 =	sadd.s32 s30, s10;
	s10 =	sshrl.u32 @!p0 s1, $0x3  }
0xc: {  	s16 =	sshrl.u32 s16, $0x3;
	s28 =	sadd.s32 s7, s3;
	s3 =	sadd.s32 $0x30B800, s3  }
0xd: {  	s7 =	ssub.s32 s29, s11;
	s8 =	sshrl.u32 s8, $0x3;
	s9 =	sadd.s32 $0x198E00, s31  }
0xe: {  	s11 =	simm.s32 $0x1;
	s4 =	sadd.s32 $0x1DC00, s28;
	s5 =	sadd.s32 $0x9C00, s28  }
0xf: {  	s6 =	sadd.s32 s6, s8;
	s7 =	smax.u32 s7, $0x1;
	s8 =	sadd.s32 $0x58E00, s31  }
.LBB2_1:
0x10: {  	s18 =	simm.s32 @!p0 $0x1C01  }
0x11: {  	[spmem:s10], [sflag:s18] =	dma.local @!p0 [hbm:s3], $0x4E20  }
0x12: {  	s18 =	simm.s32 @!p0 $0x1  }
0x13: {  	_ =	swait.ge @!p0 [sflag:s18], $0x4E20  }
0x14: {  	[sflag:s18] =	ssyncset.done @!p0 $0x0  }
0x15: {  	[sflag:s18] =	ssyncadd.s32 @!p0 $0xFFFFB1E0  }
0x16: {  	[bflag:$0x0] =	sbarrier.arrive $0xFFFF  }
0x17: {  	[tilespmem:s2], [sflag:$0x1] =	stream.linear.gather [hbm4b:s4+s2], $0x5000, $0x38;
	[tilespmem:$0xCF10] =	vst v63  }
0x18: {  	_ =	swait.ge [sflag:s11], $0x5000  }
0x19: {  	[sflag:s11] =	ssyncset.done $0x0  }
0x1a: {  	[sflag:s11] =	ssyncadd.s32 $0xFFFFB000  }
0x1b: {  	[tilespmem:s12], [sflag:$0x1] =	stream.linear.gather [hbm4b:s5+s2], $0x5000, $0x38;
	[tilespmem:$0xCF10] =	vst v63  }
0x1c: {  	_ =	swait.ge [sflag:s11], $0x5000  }
0x1d: {  	[sflag:s11] =	ssyncset.done $0x0  }
0x1e: {  	s31 =	sadd.s32 $0x0, s8;
	[sflag:s11] =	ssyncadd.s32 $0xFFFFB000  }
0x1f: {  	[tilespmem:s13], [sflag:$0x1] =	stream.linear.gather [hbm4b:s31+s2], $0x800, $0x38;
	[tilespmem:$0xCF10] =	vst v63  }
0x20: {  	_ =	swait.ge [sflag:s11], $0x800  }
0x21: {  	[sflag:s11] =	ssyncset.done $0x0  }
0x22: {  	[sflag:s11] =	ssyncadd.s32 $0xFFFFF800  }
0x23: {  	[spmem:s1] =	stream.indirect.scatter.add.f32 [tilespmem:s13], [sflag:$0x1], $0x10, s2, s14, $0xb8;
	[tilespmem:$0xCF10] =	vst v63  }
0x24: {  	s21 =	sadd.s32 $0x100, s8;
	_ =	swait.ge [sflag:s11], $0x800  }
0x25: {  	s20 =	simm.s32 $0x200;
	s18 =	simm.s32 $0x80;
	[sflag:s11] =	ssyncset.done $0x0  }
.LBB2_2:
0x26: {  	s22 =	sadd.s32 s20, s8;
	s19 =	simm.s32 $0x0;
	[sflag:s11] =	ssyncadd.s32 $0xFFFFF800  }
0x27: {  	[tilespmem:s13], [sflag:$0x1] =	stream.linear.gather [hbm4b:s21+s19], $0x800, $0x38;
	[tilespmem:$0xCF10] =	vst v63  }
0x28: {  	p1 =	sne.s32 s20, $0x9F00;
	s20 =	sadd.s32 $0x100, s20;
	_ =	swait.ge [sflag:s11], $0x800  }
.Ltmp0:
0x29: {  	s21 =	smov.u32 s22;
	[sflag:s11] =	ssyncset.done $0x0;
	(pc) =	sbr.rel @p1 .LBB2_2-.Ltmp0, $4  }
0x2a: {  	[sflag:s11] =	ssyncadd.s32 $0xFFFFF800  }
0x2b: {  	[spmem:s1] =	stream.indirect.scatter.add.f32 [tilespmem:s13], [sflag:$0x1], $0x10, s18, s14, $0xb8;
	[tilespmem:$0xCF10] =	vst v63  }
0x2c: {  	_ =	swait.ge [sflag:s11], $0x800  }
0x2d: {  	s18 =	sadd.s32 $0x80, s18;
	[sflag:s11] =	ssyncset.done $0x0  }
0x2e: {  	[sflag:s11] =	ssyncadd.s32 $0xFFFFF800  }
0x2f: {  	[tilespmem:s13], [sflag:$0x1] =	stream.linear.gather [hbm4b:s21+s19], $0x800, $0x38;
	[tilespmem:$0xCF10] =	vst v63  }
0x30: {  	_ =	swait.ge [sflag:s11], $0x800  }
0x31: {  	p2 =	por $0x1, $0x1;
	[sflag:s11] =	ssyncset.done $0x0  }
.Ltmp1:
0x32: {  	[sflag:s11] =	ssyncadd.s32 $0xFFFFF800;
	(pc) =	sbr.rel @!p2 .LBB2_8-.Ltmp1, $4  }
0x33: {  	[spmem:s1] =	stream.indirect.scatter.add.f32 [tilespmem:s13], [sflag:$0x1], $0x10, s18, s14, $0xb8;
	[tilespmem:$0xCF10] =	vst v63  }
0x34: {  	_ =	swait.ge [sflag:s11], $0x800  }
0x35: {  	s20 =	simm.s32 $0x100;
	[sflag:s11] =	ssyncset.done $0x0  }
0x36: {  	p1 =	por $0x0, $0x0;
	s18 =	simm.s32 $0x5000;
	[sflag:s11] =	ssyncadd.s32 $0xFFFFF800  }
0x37: {  	s19 =	sadd.s32 $0x0, s9  }
0x38: {  	[tilespmem:s13], [sflag:$0x1] =	stream.linear.gather [hbm4b:s19+s2], $0x800, $0x38;
	[tilespmem:$0xCF10] =	vst v63  }
0x39: {  	p2 =	por $0x1, $0x1;
	_ =	swait.ge [sflag:s11], $0x800  }
.Ltmp2:
0x3a: {  	[sflag:s11] =	ssyncset.done $0x0;
	(pc) =	sbr.rel @!p2 .LBB2_5-.Ltmp2, $4  }
0x3b: {  	[sflag:s11] =	ssyncadd.s32 $0xFFFFF800  }
0x3c: {  	[spmem:s1] =	stream.indirect.scatter.add.f32 [tilespmem:s13], [sflag:$0x1], $0x10, s18, s14, $0xb8;
	[tilespmem:$0xCF10] =	vst v63  }
0x3d: {  	p1 =	por $0x1, $0x1;
	_ =	swait.ge [sflag:s11], $0x800  }
0x3e: {  	s19 =	simm.s32 $0x200;
	s18 =	simm.s32 $0x5080;
	[sflag:s11] =	ssyncset.done $0x0  }
.LBB2_6:
0x3f: {  	s21 =	sadd.s32 s20, s9  }
0x40: {  	[sflag:s11] =	ssyncadd.s32 $0xFFFFF800;
	s20 =	smov.u32 s19;
	s22 =	sadd.s32 $0x100, s19  }
0x41: {  	[tilespmem:s13], [sflag:$0x1] =	stream.linear.gather [hbm4b:s21+s2], $0x800, $0x38;
	[tilespmem:$0xCF10] =	vst v63  }
0x42: {  	p2 =	sne.s32 s19, $0x9F00;
	_ =	swait.ge [sflag:s11], $0x800  }
.Ltmp3:
0x43: {  	[sflag:s11] =	ssyncset.done $0x0;
	(pc) =	sbr.rel @p2 .LBB2_6-.Ltmp3, $4  }
0x44: {  	[sflag:s11] =	ssyncadd.s32 $0xFFFFF800  }
0x45: {  	[spmem:s1] =	stream.indirect.scatter.add.f32 [tilespmem:s13], [sflag:$0x1], $0x10, s18, s14, $0xb8;
	[tilespmem:$0xCF10] =	vst v63  }
0x46: {  	_ =	swait.ge [sflag:s11], $0x800  }
0x47: {  	s19 =	smov.u32 s22;
	s18 =	sadd.s32 $0x80, s18;
	[sflag:s11] =	ssyncset.done $0x0  }
0x48: {  	s19 =	smov.u32 s20  }
.LBB2_8:
0x49: {  	s19 =	sadd.s32 s19, s9;
	[sflag:s11] =	ssyncadd.s32 @p1 $0xFFFFF800  }
0x4a: {  	[tilespmem:s13], [sflag:$0x1] =	stream.linear.gather [hbm4b:s19+s2], $0x800, $0x38;
	[tilespmem:$0xCF10] =	vst v63  }
0x4b: {  	_ =	swait.ge [sflag:s11], $0x800  }
0x4c: {  	[sflag:s11] =	ssyncset.done $0x0  }
0x4d: {  	[sflag:s11] =	ssyncadd.s32 $0xFFFFF800  }
0x4e: {  	[spmem:s1] =	stream.indirect.scatter.add.f32 [tilespmem:s13], [sflag:$0x1], $0x10, s18, s14, $0xb8;
	[tilespmem:$0xCF10] =	vst v63  }
0x4f: {  	_ =	swait.ge [sflag:s11], $0x800  }
0x50: {  	[sflag:s11] =	ssyncset.done $0x0  }
0x51: {  	s17 =	sadd.s32 $0x1, s17;
	[sflag:s11] =	ssyncadd.s32 $0xFFFFF800  }
0x52: {  	p1 =	sne.s32 s17, s7;
	[bflag:$0x0] =	sbarrier.arrive $0xFFFF  }
0x53: {  	[hbm:s6], [sflag:s15] =	dma.local [spmem:s16], $0x4E2  }
.Ltmp4:
0x54: {  	_ = 	snop;
	(pc) =	sbr.rel @p1 .LBB2_1-.Ltmp4, $4  }
.Ltmp5:
0x55: {  	_ = 	snop;
	(pc) =	sbr.rel @!p1 .LBB2_9-.Ltmp5, $4  }
0x56: {  	_ =	swait.ge [sflag:s11], $0x4E2  }
0x57: {  	[sflag:s11] =	ssyncset.done $0x0  }
0x58: {  	[sflag:s11] =	ssyncadd.s32 $0xFFFFFB1E  }
0x59: {  	_ = 	snop  }
.LBB2_5:
.Ltmp6:
0x5a: {  	(pc) =	sbr.rel .LBB2_8-.Ltmp6, $2  }
0x5b: {  	_ =	sdelay $0x2  }
0x5c: {  	s19 =	simm.s32 $0x100  }
.LBB2_9:
0x5d: {  	_ =	sfence.sel $0x180000  }
0x5e: {  	[bflag:$0x0] =	sbarrier.arrive $0xFFFF  }
0x5f: {  	_ =	strace $0x90000053  }
0x60: {  	s0 =	sadd.s32 @!p0 $0x100000, s0;
	[bflag:$0x2] =	sbarrier.arrive $0xFFFF  }
0x61: {  	[sflag:s0] =	ssyncadd.tile.s32 @!p0 $0x1;
	_ =	shalt  }
.Lfunc_end2:
_tile_overlayer_lowered:
.L_overlay_start_2:
0x62: {  	(tag) =	ssettag $0x2  }
0x63: {  	s0 =	rddreg [dreg:$0x0];
	s2 =	stileid.u32  }
0x64: {  	s1 =	rddreg [dreg:$0x1];
	p0 =	sne.s32 s2, $0x0  }
0x65: {  	s3 =	rddreg [dreg:$0x2];
	[bflag:$0x3] =	sbarrier.arrive $0xFFFF;
	s2 =	simm.s32 @!p0 $0x1C01  }
0x66: {  	[timem:s3], [sflag:s2] =	dma.local @!p0 [hbm:s0], s1  }
0x67: {  	s0 =	simm.s32 @!p0 $0x1  }
0x68: {  	_ =	swait.ge @!p0 [sflag:s0], s1  }
0x69: {  	s1 =	ssub.s32 @!p0 $0x0, s1;
	[sflag:s0] =	ssyncset.done @!p0 $0x0  }
0x6a: {  	[sflag:s0] =	ssyncadd.s32 @!p0 s1  }
0x6b: {  	[bflag:$0x3] =	sbarrier.arrive $0xFFFF  }
0x6c: {  	_ =	shalt  }

// kernel: kernel.32.cloned.1.call-start
scs
__scs_entry_jumppad:
0x0: {  	(pc) =	sbr.rel $0x88, $3  }
0x1: {  	(tag) =	ssettag $0x0;
	lr =	simm.s32 $0x1  }
0x2: {  	[smem:$0x3F82] =	sst lr;
	_ =	strace $0xD0000000  }
0x3: {  	_ = 	snop  }
0x4: {  	_ = 	snop  }
0x5: {  	_ = 	snop  }
0x6: {  	_ = 	snop  }
0x7: {  	_ = 	snop  }
__scs_overlays_trampoline_lowered:
0x8: {  	[smem:$0x3F91] =	sst s0  }
0x9: {  	[smem:$0x3F92] =	sst s1  }
0xa: {  	[smem:$0x3F93] =	sst s2  }
0xb: {  	[smem:$0x3F94] =	sst s3  }
0xc: {  	[smem:$0x3F95] =	sst s4  }
0xd: {  	[smem:$0x3F96] =	sst s5  }
0xe: {  	[smem:$0x3F97] =	sst s6  }
0xf: {  	[smem:$0x3F98] =	sst s7  }
0x10: {  	[smem:$0x3F99] =	sst s8  }
0x11: {  	[smem:$0x3F9A] =	sst s9;
	s0 =	simm.s32 @!p0 $0x0  }
0x12: {  	s1 =	sld [smem:$0x3F80];
	s0 =	simm.s32 @p0 $0x1  }
0x13: {  	[smem:$0x3F9B] =	sst s0;
	s0 =	simm.s32 @!p1 $0x0  }
0x14: {  	s2 =	sld [smem:$0x3F7F];
	s0 =	simm.s32 @p1 $0x1  }
0x15: {  	[smem:$0x3F9C] =	sst s0;
	s0 =	simm.s32 @!p2 $0x0  }
0x16: {  	s3 =	sld [smem:$0x3FDB];
	s0 =	simm.s32 @p2 $0x1  }
0x17: {  	s4 =	simm.s32 $0x1BF5;
	[smem:$0x3F9E] =	sst s0  }
0x18: {  	s0 =	sld [smem:$0x3F81];
	_ =	swait.ge [sflag:s4], $0x0  }
0x19: {  	s7 =	sld [smem:$0x3F82]  }
0x1a: {  	s8 =	sadd.s32 $0xFFFFE003, lr  }
0x1b: {  	s9 =	sadd.s32 $0xFFFFFEF7, lr;
	s5 =	simm.s32 $0xFFFFFFFF;
	p2 =	slt.u32 s8, $0xFFFFF086  }
0x1c: {  	p1 =	slt.u32 s9, $0xF7A;
	s5 =	simm.s32 @!p2 $0x0  }
0x1d: {  	s5 =	simm.s32 @p1 $0x1;
	p0 =	seq.s32 s7, s2  }
0x1e: {  	s7 =	smul.u32 @!p0 $0xF7A, s2;
	p2 =	seq.s32 @!p0 s5, $0x0  }
0x1f: {  	s9 =	smul.u32 $0xF7A, s1;
	s8 =	simm.s32 @!p0 $0x1BF5;
	p2 =	por !p2, p0  }
0x20: {  	[sflag:s8] =	ssyncset.s32 @!p0 $0xFFFFF086;
	s6 =	sadd.s32 @!p0 s3, s7;
	s7 =	simm.s32 @!p0 $0x108  }
0x21: {  	s3 =	sadd.s32 s3, s9;
	s6 =	sadd.s32 @!p0 $0x88, s6;
	s7 =	simm.s32 @p2 $0x1082  }
0x22: {  	[simem:s7], [sflag:s8] =	dma.local @!p0 [hbm:s6], $0xF7A  }
0x23: {  	s9 =	sor.u32 $0xD0000000, s2;
	s6 =	simm.s32 $0x108;
	_ =	swait.ge @!p0 [sflag:s8], $0x0  }
0x24: {  	s3 =	sadd.s32 $0x88, s3;
	s6 =	simm.s32 @!p1 $0x1082;
	[sflag:s4] =	ssyncset.s32 $0xFFFFF086  }
0x25: {  	[simem:s6], [sflag:s4] =	dma.local [hbm:s3], $0xF7A  }
0x26: {  	[smem:$0x3F82] =	sst s1;
	(tag) =	ssettag s2;
	_ =	strace s9  }
0x27: {  	s1 =	sld [smem:$0x3F92]  }
0x28: {  	s2 =	sld [smem:$0x3F93]  }
0x29: {  	s4 =	sld [smem:$0x3F95]  }
0x2a: {  	p0 =	seq.s32 s5, $0x0;
	s5 =	sld [smem:$0x3F96]  }
0x2b: {  	s6 =	sld [smem:$0x3F97]  }
0x2c: {  	s7 =	sld [smem:$0x3F98]  }
0x2d: {  	s3 =	simm.s32 $0x108;
	s8 =	sld [smem:$0x3F99]  }
0x2e: {  	s3 =	simm.s32 @!p0 $0x1082;
	s9 =	sld [smem:$0x3F9A]  }
0x2f: {  	lr =	sadd.s32 s0, s3;
	s0 =	sld [smem:$0x3F91]  }
0x30: {  	s3 =	sld [smem:$0x3F94]  }
0x31: {  	[smem:$0x3F9D] =	sst s10  }
0x32: {  	s10 =	sld [smem:$0x3F9B];
	_ =	sdelay $0x3  }
0x33: {  	p0 =	seq.s32 s10, $0x1;
	s10 =	sld [smem:$0x3F9D];
	_ =	sdelay $0x3  }
0x34: {  	[smem:$0x3F9D] =	sst s10  }
0x35: {  	s10 =	sld [smem:$0x3F9C];
	_ =	sdelay $0x3  }
0x36: {  	p1 =	seq.s32 s10, $0x1;
	s10 =	sld [smem:$0x3F9D];
	_ =	sdelay $0x3  }
0x37: {  	[smem:$0x3F9D] =	sst s10  }
0x38: {  	s10 =	sld [smem:$0x3F9E]  }
0x39: {  	_ = 	snop;
	(pc) =	sbr.ind lr, $3  }
0x3a: {  	_ = 	snop  }
0x3b: {  	_ = 	snop  }
0x3c: {  	p2 =	seq.s32 s10, $0x1;
	s10 =	sld [smem:$0x3F9D]  }
0x3d: {  	_ =	shalt  }
0x3e: {  	_ =	shalt  }
0x3f: {  	_ =	shalt  }
0x40: {  	_ =	shalt  }
0x41: {  	_ =	shalt  }
0x42: {  	_ =	shalt  }
0x43: {  	_ =	shalt  }
0x44: {  	_ =	shalt  }
0x45: {  	_ =	shalt  }
0x46: {  	_ =	shalt  }
0x47: {  	_ =	shalt  }
0x48: {  	_ =	shalt  }
0x49: {  	_ =	shalt  }
0x4a: {  	_ =	shalt  }
0x4b: {  	_ =	shalt  }
0x4c: {  	_ =	shalt  }
0x4d: {  	_ =	shalt  }
0x4e: {  	_ =	shalt  }
0x4f: {  	_ =	shalt  }
0x50: {  	_ =	shalt  }
0x51: {  	_ =	shalt  }
0x52: {  	_ =	shalt  }
0x53: {  	_ =	shalt  }
0x54: {  	_ =	shalt  }
0x55: {  	_ =	shalt  }
0x56: {  	_ =	shalt  }
0x57: {  	_ =	shalt  }
0x58: {  	_ =	shalt  }
0x59: {  	_ =	shalt  }
0x5a: {  	_ =	shalt  }
0x5b: {  	_ =	shalt  }
0x5c: {  	_ =	shalt  }
0x5d: {  	_ =	shalt  }
0x5e: {  	_ =	shalt  }
0x5f: {  	_ =	shalt  }
0x60: {  	_ =	shalt  }
0x61: {  	_ =	shalt  }
0x62: {  	_ =	shalt  }
0x63: {  	_ =	shalt  }
0x64: {  	_ =	shalt  }
0x65: {  	_ =	shalt  }
0x66: {  	_ =	shalt  }
0x67: {  	_ =	shalt  }
0x68: {  	_ =	shalt  }
0x69: {  	_ =	shalt  }
0x6a: {  	_ =	shalt  }
0x6b: {  	_ =	shalt  }
0x6c: {  	_ =	shalt  }
0x6d: {  	_ =	shalt  }
0x6e: {  	_ =	shalt  }
0x6f: {  	_ =	shalt  }
0x70: {  	_ =	shalt  }
0x71: {  	_ =	shalt  }
0x72: {  	_ =	shalt  }
0x73: {  	_ =	shalt  }
0x74: {  	_ =	shalt  }
0x75: {  	_ =	shalt  }
0x76: {  	_ =	shalt  }
0x77: {  	_ =	shalt  }
0x78: {  	_ =	shalt  }
0x79: {  	_ =	shalt  }
0x7a: {  	_ =	shalt  }
0x7b: {  	_ =	shalt  }
0x7c: {  	_ =	shalt  }
0x7d: {  	_ =	shalt  }
0x7e: {  	_ =	shalt  }
0x7f: {  	_ =	shalt  }
0x80: {  	_ =	shalt  }
0x81: {  	_ =	shalt  }
0x82: {  	_ =	shalt  }
0x83: {  	_ =	shalt  }
0x84: {  	_ =	shalt  }
0x85: {  	_ =	shalt  }
0x86: {  	_ =	shalt  }
0x87: {  	_ =	shalt  }
.Lfunc_end0:
.L_simem_size_0:
called_computation.5_lowered:
.L_overlay_start_0:
0x88: {  	s2 =	sld [smem:$0x3FD9]  }
0x89: {  	s3 =	sld [smem:$0x3FFE];
	_ =	sdelay $0x1  }
0x8a: {  	s1 =	srdreg.scid  }
0x8b: {  	s0 =	sand.u32 $0x1, s1  }
0x8c: {  	s17 =	sshll.u32 s0, $0xA;
	s2 =	sadd.s32 s3, s2  }
0x8d: {  	s2 =	sadd.s32 s2, s17  }
0x8e: {  	[smem:$0x3FA9] =	sst s2  }
0x8f: {  	_ = 	snop  }
0x90: {  	s2 =	sld [smem:$0x3FD0];
	(tm) =	ssettm $0x1  }
0x91: {  	s18 =	sld [smem:$0x3FFB];
	_ =	sdelay $0x3  }
0x92: {  	_ =	strace s18  }
0x93: {  	s3 =	sld [smem:$0x3FFC];
	_ =	sdelay $0x3  }
0x94: {  	_ =	strace s3  }
0x95: {  	s3 =	sld [smem:$0x3FFD];
	_ =	sdelay $0x3  }
0x96: {  	_ =	strace s3  }
0x97: {  	_ =	strace $0x8FFFFFFF  }
0x98: {  	s19 =	sld [smem:$0x3FDB];
	_ =	sdelay $0x1  }
0x99: {  	s4 =	simm.s32 $_scs_section_size  }
0x9a: {  	s5 =	simm.s32 $_size__tile_overlayer_lowered;
	s6 =	simm.s32 $_tile_overlayer_lowered  }
0x9b: {  	s22 =	simm.s32 $0x1BFF;
	s21 =	sshll.u32 s6, $0x1;
	s3 =	sadd.s32 s4, s19  }
0x9c: {  	s7 =	simm.s32 $0x0;
	s20 =	sshll.u32 s5, $0x1;
	s5 =	sadd.s32 s21, s3  }
0x9d: {  	[timem:s7], [sflag:s22] =	dma.local [hbm:s5], s20  }
0x9e: {  	_ =	swait.ge [sflag:s22], s20  }
0x9f: {  	s4 =	ssub.s32 $0x0, s20;
	[sflag:s22] =	ssyncset.done $0x0  }
0xa0: {  	[sflag:s22] =	ssyncadd.s32 s4;
	_ =	sdelay $0x1  }
0xa1: {  	s23 =	simm.s32 $0x1B8B  }
0xa2: {  	_ =	swait.ge [sflag:s23], $0x1  }
0xa3: {  	[sflag:s23] =	ssyncset.done $0x0  }
0xa4: {  	s25 =	simm.s32 $0x1B8E;
	s24 =	sld [smem:$0x3FFE];
	[sflag:s23] =	ssyncadd.s32 $0xFFFFFFFF  }
0xa5: {  	s26 =	simm.s32 $execute0_lowered;
	[smem:$0x3FD2] =	sst s25  }
0xa6: {  	s5 =	sshll.u32 s26, $0x1;
	_ =	strace $0x80000055;
	[dreg:$0x1] =	wrdreg $0xFFFFFFFF  }
0xa7: {  	s28 =	simm.s32 $_size_execute0_lowered;
	s3 =	sadd.s32 s3, s5;
	[dreg:$0x0] =	wrdreg $0x0  }
0xa8: {  	s5 =	sshll.u32 s28, $0x1;
	[dreg:$0x2] =	wrdreg s3  }
0xa9: {  	[dreg:$0x3] =	wrdreg s5  }
0xaa: {  	[dreg:$0x4] =	wrdreg $0xC0  }
0xab: {  	_ =	task [dreg:s7], $0x5FFFF  }
0xac: {  	[dreg:$0x1] =	wrdreg $0xFFFFFFFF  }
0xad: {  	[dreg:$0x0] =	wrdreg $0x60  }
0xae: {  	[dreg:$0x2] =	wrdreg s2  }
0xaf: {  	[dreg:$0x3] =	wrdreg s24  }
0xb0: {  	[dreg:$0x4] =	wrdreg $0x9  }
0xb1: {  	_ =	task.clear_ibuf [dreg:s7], $0x5FFFF;
	_ =	strace $0x90000055  }
0xb2: {  	s29 =	simm.s32 $0x9;
	_ =	strace $0x80000057  }
0xb3: {  	_ =	swait.ge [sflag:s29], $0x1  }
0xb4: {  	[sflag:s29] =	ssyncadd.s32 $0xFFFFFFFF  }
0xb5: {  	_ =	strace $0x90000057  }
0xb6: {  	_ =	sfence  }
0xb7: {  	s30 =	sld [smem:$0x0];
	_ =	sdelay $0x2  }
0xb8: {  	s31 =	sshll.u32 s1, $0xD;
	s1 =	sshrl.u32 s1, $0x2  }
0xb9: {  	s3 =	sand.u32 $0x4000, s31;
	s1 =	sadd.s32 s1, s30  }
0xba: {  	s0 =	sor.u32 s3, s0;
	s1 =	sshll.u32 s1, $0x11  }
0xbb: {  	s0 =	sor.u32 s1, s0  }
0xbc: {  	s0 =	sadd.s32 $0x8F2B, s0  }
0xbd: {  	[sflag:s0] =	ssyncadd.remote.s32 $0x1  }
0xbe: {  	_ =	sfence.sel $0xFFFF  }
0xbf: {  	[dreg:$0x0] =	wrdreg $0xFFFFFFFF;
	(pc) =	sbr.abs _section_cstart, $3  }
0xc0: {  	[dreg:$0x1] =	wrdreg $0xFFFFFFFF  }
0xc1: {  	_ =	task.clear_ibuf [dreg:s7], $0x2FFFF;
	_ =	strace $0x9FFFFFFF  }
0xc2: {  	(tm) =	ssettm $0x7FFFFFFF  }
0xc3: {  	_ =	shalt  }
tec
execute0_lowered:
.L_overlay_start_1:
0x0: {  	(tag) =	ssettag $0x1  }
0x1: {  	s2 =	rddreg [dreg:$0x0]  }
0x2: {  	s4 =	rddreg [dreg:$0x1];
	s3 =	srdreg.scid  }
0x3: {  	s1 =	stileid.u32;
	s0 =	rddreg [dreg:$0x2];
	s10 =	simm.s32 $0x5000  }
0x4: {  	s11 =	simm.s32 $0x80;
	s12 =	simm.s32 $0xA000;
	s13 =	simm.s32 $0xA800  }
0x5: {  	s14 =	simm.s32 $0xB000;
	s15 =	simm.s32 $0xB800;
	s16 =	simm.s32 $0xC000  }
0x6: {  	s17 =	simm.s32 $0xC800;
	s18 =	simm.s32 $0xD000;
	s19 =	simm.s32 $0xD800  }
0x7: {  	s20 =	simm.s32 $0x1;
	s5 =	sand.u32 $0x1, s3;
	s6 =	smul.u32 $0xA0000, s1  }
0x8: {  	s3 =	simm.s32 $0x0;
	s7 =	sshll.u32 s1, $0x1;
	s8 =	smul.u32 $0x50000, s5  }
0x9: {  	s21 =	simm.s32 $0x0;
	[smem:$0x7FF] =	sst s3;
	s7 =	sor.u32 s5, s7  }
0xa: {  	s5 =	ssub.s32 $0x2, s5;
	s7 =	smul.u32 $0xA00, s7;
	s6 =	sadd.s32 s8, s6  }
0xb: {  	_ =	strace $0x80000056;
	s30 =	sshrl.u32 s5, $0x1;
	s6 =	sshrl.u32 s6, $0x3  }
0xc: {  	s31 =	ssub.s32 s5, s30;
	s7 =	sadd.s32 s7, s4;
	s9 =	sadd.s32 s6, s4  }
0xd: {  	s4 =	sadd.s32 $0x1DC00, s7;
	s5 =	sadd.s32 $0x9C00, s7;
	s6 =	smax.u32 s31, $0x1  }
0xe: {  	s7 =	sadd.s32 $0x171C00, s9;
	s8 =	sadd.s32 $0x31C00, s9;
	s9 =	simm.s32 $0x2  }
.LBB2_1:
0xf: {  	[tilespmem:s3], [sflag:$0x2] =	stream.linear.gather [hbm4b:s4+s3], $0x5000, $0x38;
	[tilespmem:$0xE000] =	vst v63  }
0x10: {  	_ =	swait.ge [sflag:s9], $0x5000  }
0x11: {  	[sflag:s9] =	ssyncset.done $0x0  }
0x12: {  	[sflag:s9] =	ssyncadd.s32 $0xFFFFB000  }
0x13: {  	[tilespmem:s10], [sflag:$0x2] =	stream.linear.gather [hbm4b:s5+s3], $0x5000, $0x38;
	[tilespmem:$0xE000] =	vst v63  }
0x14: {  	_ =	swait.ge [sflag:s9], $0x5000  }
0x15: {  	[sflag:s9] =	ssyncset.done $0x0  }
0x16: {  	s22 =	simm.s32 $0x0;
	[sflag:s9] =	ssyncadd.s32 $0xFFFFB000  }
0x17: {  	[tilespmem:s12], [sflag:$0x1] =	stream.indirect.gather [hbm4b:s2+s11], $0x10, s22, s11, $0xb8;
	[tilespmem:$0xE000] =	vst v63  }
0x18: {  	s24 =	simm.s32 $0x80  }
0x19: {  	[tilespmem:s13], [sflag:$0x1] =	stream.indirect.gather [hbm4b:s2+s11], $0x10, s24, s11, $0xb8;
	[tilespmem:$0xE000] =	vst v63  }
0x1a: {  	s25 =	simm.s32 $0x100  }
0x1b: {  	[tilespmem:s14], [sflag:$0x1] =	stream.indirect.gather [hbm4b:s2+s11], $0x10, s25, s11, $0xb8;
	[tilespmem:$0xE000] =	vst v63  }
0x1c: {  	s26 =	simm.s32 $0x180  }
0x1d: {  	[tilespmem:s15], [sflag:$0x1] =	stream.indirect.gather [hbm4b:s2+s11], $0x10, s26, s11, $0xb8;
	[tilespmem:$0xE000] =	vst v63  }
0x1e: {  	s28 =	simm.s32 $0x200  }
0x1f: {  	[tilespmem:s16], [sflag:$0x1] =	stream.indirect.gather [hbm4b:s2+s11], $0x10, s28, s11, $0xb8;
	[tilespmem:$0xE000] =	vst v63  }
0x20: {  	s29 =	simm.s32 $0x280  }
0x21: {  	[tilespmem:s17], [sflag:$0x1] =	stream.indirect.gather [hbm4b:s2+s11], $0x10, s29, s11, $0xb8;
	[tilespmem:$0xE000] =	vst v63  }
0x22: {  	s30 =	simm.s32 $0x300  }
0x23: {  	[tilespmem:s18], [sflag:$0x1] =	stream.indirect.gather [hbm4b:s2+s11], $0x10, s30, s11, $0xb8;
	[tilespmem:$0xE000] =	vst v63  }
0x24: {  	s31 =	simm.s32 $0x380  }
0x25: {  	[tilespmem:s19], [sflag:$0x1] =	stream.indirect.gather [hbm4b:s2+s11], $0x10, s31, s11, $0xb8;
	[tilespmem:$0xE000] =	vst v63  }
0x26: {  	_ =	swait.ge [sflag:s20], $0x800  }
0x27: {  	[sflag:s20] =	ssyncset.done $0x0  }
0x28: {  	[sflag:s20] =	ssyncadd.s32 $0xFFFFF800  }
0x29: {  	_ =	swait.ge [sflag:s20], $0x800  }
0x2a: {  	[sflag:s20] =	ssyncset.done $0x0  }
0x2b: {  	[sflag:s20] =	ssyncadd.s32 $0xFFFFF800  }
0x2c: {  	_ =	swait.ge [sflag:s20], $0x800  }
0x2d: {  	[sflag:s20] =	ssyncset.done $0x0  }
0x2e: {  	[sflag:s20] =	ssyncadd.s32 $0xFFFFF800  }
0x2f: {  	_ =	swait.ge [sflag:s20], $0x800  }
0x30: {  	[sflag:s20] =	ssyncset.done $0x0  }
0x31: {  	[sflag:s20] =	ssyncadd.s32 $0xFFFFF800  }
0x32: {  	_ =	swait.ge [sflag:s20], $0x800  }
0x33: {  	[sflag:s20] =	ssyncset.done $0x0  }
0x34: {  	[sflag:s20] =	ssyncadd.s32 $0xFFFFF800  }
0x35: {  	_ =	swait.ge [sflag:s20], $0x800  }
0x36: {  	[sflag:s20] =	ssyncset.done $0x0  }
0x37: {  	[sflag:s20] =	ssyncadd.s32 $0xFFFFF800  }
0x38: {  	_ =	swait.ge [sflag:s20], $0x800  }
0x39: {  	[sflag:s20] =	ssyncset.done $0x0  }
0x3a: {  	[sflag:s20] =	ssyncadd.s32 $0xFFFFF800  }
0x3b: {  	_ =	swait.ge [sflag:s20], $0x800  }
0x3c: {  	[sflag:s20] =	ssyncset.done $0x0  }
0x3d: {  	[sflag:s20] =	ssyncadd.s32 $0xFFFFF800  }
0x3e: {  	[hbm4b:s7+s3] =	stream.linear.scatter [tilespmem:s12], [sflag:$0x2], $0x4000, $0x38;
	[tilespmem:$0xE000] =	vst v63  }
0x3f: {  	s23 =	simm.s32 $0x1000;
	_ =	swait.ge [sflag:s9], $0x4000  }
0x40: {  	s22 =	sadd.s32 $0x800, s7;
	s26 =	simm.s32 $0x2000;
	[sflag:s9] =	ssyncset.done $0x0  }
.LBB2_2:
0x41: {  	s25 =	sshra.s32 s23, $0x2  }
0x42: {  	[sflag:s9] =	ssyncadd.s32 $0xFFFFC000;
	s23 =	smov.u32 s26;
	s24 =	sadd.s32 $0x1000, s26  }
0x43: {  	[tilespmem:s12], [sflag:$0x1] =	stream.indirect.gather [hbm4b:s2+s11], $0x10, s25, s11, $0xb8;
	[tilespmem:$0xE000] =	vst v63  }
0x44: {  	p0 =	sne.s32 s26, $0x13000;
	s26 =	sadd.s32 $0x80, s25  }
0x45: {  	[tilespmem:s13], [sflag:$0x1] =	stream.indirect.gather [hbm4b:s2+s11], $0x10, s26, s11, $0xb8;
	[tilespmem:$0xE000] =	vst v63  }
0x46: {  	s26 =	sadd.s32 $0x100, s25  }
0x47: {  	[tilespmem:s14], [sflag:$0x1] =	stream.indirect.gather [hbm4b:s2+s11], $0x10, s26, s11, $0xb8;
	[tilespmem:$0xE000] =	vst v63  }
0x48: {  	s26 =	sadd.s32 $0x180, s25  }
0x49: {  	[tilespmem:s15], [sflag:$0x1] =	stream.indirect.gather [hbm4b:s2+s11], $0x10, s26, s11, $0xb8;
	[tilespmem:$0xE000] =	vst v63  }
0x4a: {  	s26 =	sadd.s32 $0x200, s25  }
0x4b: {  	[tilespmem:s16], [sflag:$0x1] =	stream.indirect.gather [hbm4b:s2+s11], $0x10, s26, s11, $0xb8;
	[tilespmem:$0xE000] =	vst v63  }
0x4c: {  	s26 =	sadd.s32 $0x280, s25  }
0x4d: {  	[tilespmem:s17], [sflag:$0x1] =	stream.indirect.gather [hbm4b:s2+s11], $0x10, s26, s11, $0xb8;
	[tilespmem:$0xE000] =	vst v63  }
0x4e: {  	s26 =	sadd.s32 $0x300, s25  }
0x4f: {  	[tilespmem:s18], [sflag:$0x1] =	stream.indirect.gather [hbm4b:s2+s11], $0x10, s26, s11, $0xb8;
	[tilespmem:$0xE000] =	vst v63  }
0x50: {  	s25 =	sadd.s32 $0x380, s25  }
0x51: {  	[tilespmem:s19], [sflag:$0x1] =	stream.indirect.gather [hbm4b:s2+s11], $0x10, s25, s11, $0xb8;
	[tilespmem:$0xE000] =	vst v63  }
0x52: {  	_ =	swait.ge [sflag:s20], $0x800  }
0x53: {  	[sflag:s20] =	ssyncset.done $0x0  }
0x54: {  	[sflag:s20] =	ssyncadd.s32 $0xFFFFF800  }
0x55: {  	_ =	swait.ge [sflag:s20], $0x800  }
0x56: {  	[sflag:s20] =	ssyncset.done $0x0  }
0x57: {  	[sflag:s20] =	ssyncadd.s32 $0xFFFFF800  }
0x58: {  	_ =	swait.ge [sflag:s20], $0x800  }
0x59: {  	[sflag:s20] =	ssyncset.done $0x0  }
0x5a: {  	[sflag:s20] =	ssyncadd.s32 $0xFFFFF800  }
0x5b: {  	_ =	swait.ge [sflag:s20], $0x800  }
0x5c: {  	[sflag:s20] =	ssyncset.done $0x0  }
0x5d: {  	[sflag:s20] =	ssyncadd.s32 $0xFFFFF800  }
0x5e: {  	_ =	swait.ge [sflag:s20], $0x800  }
0x5f: {  	[sflag:s20] =	ssyncset.done $0x0  }
0x60: {  	[sflag:s20] =	ssyncadd.s32 $0xFFFFF800  }
0x61: {  	_ =	swait.ge [sflag:s20], $0x800  }
0x62: {  	[sflag:s20] =	ssyncset.done $0x0  }
0x63: {  	[sflag:s20] =	ssyncadd.s32 $0xFFFFF800  }
0x64: {  	_ =	swait.ge [sflag:s20], $0x800  }
0x65: {  	[sflag:s20] =	ssyncset.done $0x0  }
0x66: {  	[sflag:s20] =	ssyncadd.s32 $0xFFFFF800  }
0x67: {  	_ =	swait.ge [sflag:s20], $0x800  }
.Ltmp0:
0x68: {  	[sflag:s20] =	ssyncset.done $0x0;
	(pc) =	sbr.rel @p0 .LBB2_2-.Ltmp0, $4  }
0x69: {  	s25 =	simm.s32 $0x0;
	[sflag:s20] =	ssyncadd.s32 $0xFFFFF800  }
0x6a: {  	[hbm4b:s22+s25] =	stream.linear.scatter [tilespmem:s12], [sflag:$0x2], $0x4000, $0x38;
	[tilespmem:$0xE000] =	vst v63  }
0x6b: {  	_ =	swait.ge [sflag:s9], $0x4000  }
0x6c: {  	s26 =	smov.u32 s24;
	s22 =	sadd.s32 $0x800, s22;
	[sflag:s9] =	ssyncset.done $0x0  }
0x6d: {  	s23 =	sshra.s32 s23, $0x2;
	[sflag:s9] =	ssyncadd.s32 $0xFFFFC000  }
0x6e: {  	[tilespmem:s12], [sflag:$0x1] =	stream.indirect.gather [hbm4b:s2+s11], $0x10, s23, s11, $0xb8;
	[tilespmem:$0xE000] =	vst v63  }
0x6f: {  	s24 =	sadd.s32 $0x80, s23  }
0x70: {  	[tilespmem:s13], [sflag:$0x1] =	stream.indirect.gather [hbm4b:s2+s11], $0x10, s24, s11, $0xb8;
	[tilespmem:$0xE000] =	vst v63  }
0x71: {  	s26 =	sadd.s32 $0x100, s23  }
0x72: {  	[tilespmem:s14], [sflag:$0x1] =	stream.indirect.gather [hbm4b:s2+s11], $0x10, s26, s11, $0xb8;
	[tilespmem:$0xE000] =	vst v63  }
0x73: {  	s28 =	sadd.s32 $0x180, s23  }
0x74: {  	[tilespmem:s15], [sflag:$0x1] =	stream.indirect.gather [hbm4b:s2+s11], $0x10, s28, s11, $0xb8;
	[tilespmem:$0xE000] =	vst v63  }
0x75: {  	s29 =	sadd.s32 $0x200, s23  }
0x76: {  	[tilespmem:s16], [sflag:$0x1] =	stream.indirect.gather [hbm4b:s2+s11], $0x10, s29, s11, $0xb8;
	[tilespmem:$0xE000] =	vst v63  }
0x77: {  	s30 =	sadd.s32 $0x280, s23  }
0x78: {  	[tilespmem:s17], [sflag:$0x1] =	stream.indirect.gather [hbm4b:s2+s11], $0x10, s30, s11, $0xb8;
	[tilespmem:$0xE000] =	vst v63  }
0x79: {  	s31 =	sadd.s32 $0x300, s23  }
0x7a: {  	[tilespmem:s18], [sflag:$0x1] =	stream.indirect.gather [hbm4b:s2+s11], $0x10, s31, s11, $0xb8;
	[tilespmem:$0xE000] =	vst v63  }
0x7b: {  	s23 =	sadd.s32 $0x380, s23  }
0x7c: {  	[tilespmem:s19], [sflag:$0x1] =	stream.indirect.gather [hbm4b:s2+s11], $0x10, s23, s11, $0xb8;
	[tilespmem:$0xE000] =	vst v63  }
0x7d: {  	_ =	swait.ge [sflag:s20], $0x800  }
0x7e: {  	[sflag:s20] =	ssyncset.done $0x0  }
0x7f: {  	[sflag:s20] =	ssyncadd.s32 $0xFFFFF800  }
0x80: {  	_ =	swait.ge [sflag:s20], $0x800  }
0x81: {  	[sflag:s20] =	ssyncset.done $0x0  }
0x82: {  	[sflag:s20] =	ssyncadd.s32 $0xFFFFF800  }
0x83: {  	_ =	swait.ge [sflag:s20], $0x800  }
0x84: {  	[sflag:s20] =	ssyncset.done $0x0  }
0x85: {  	[sflag:s20] =	ssyncadd.s32 $0xFFFFF800  }
0x86: {  	_ =	swait.ge [sflag:s20], $0x800  }
0x87: {  	[sflag:s20] =	ssyncset.done $0x0  }
0x88: {  	[sflag:s20] =	ssyncadd.s32 $0xFFFFF800  }
0x89: {  	_ =	swait.ge [sflag:s20], $0x800  }
0x8a: {  	[sflag:s20] =	ssyncset.done $0x0  }
0x8b: {  	[sflag:s20] =	ssyncadd.s32 $0xFFFFF800  }
0x8c: {  	_ =	swait.ge [sflag:s20], $0x800  }
0x8d: {  	[sflag:s20] =	ssyncset.done $0x0  }
0x8e: {  	[sflag:s20] =	ssyncadd.s32 $0xFFFFF800  }
0x8f: {  	_ =	swait.ge [sflag:s20], $0x800  }
0x90: {  	[sflag:s20] =	ssyncset.done $0x0  }
0x91: {  	[sflag:s20] =	ssyncadd.s32 $0xFFFFF800  }
0x92: {  	_ =	swait.ge [sflag:s20], $0x800  }
0x93: {  	p1 =	por $0x1, $0x1;
	[sflag:s20] =	ssyncset.done $0x0  }
.Ltmp1:
0x94: {  	[sflag:s20] =	ssyncadd.s32 $0xFFFFF800;
	(pc) =	sbr.rel @!p1 .LBB2_6-.Ltmp1, $4  }
0x95: {  	[hbm4b:s22+s25] =	stream.linear.scatter [tilespmem:s12], [sflag:$0x2], $0x4000, $0x38;
	[tilespmem:$0xE000] =	vst v63  }
0x96: {  	_ =	swait.ge [sflag:s9], $0x4000  }
0x97: {  	p0 =	por $0x0, $0x0;
	[sflag:s9] =	ssyncset.done $0x0  }
0x98: {  	s25 =	simm.s32 $0x0;
	s22 =	smov.u32 s8;
	[sflag:s9] =	ssyncadd.s32 $0xFFFFC000  }
0x99: {  	s22 =	simm.s32 $0x5000  }
0x9a: {  	[tilespmem:s12], [sflag:$0x1] =	stream.indirect.gather [hbm4b:s2+s11], $0x10, s22, s11, $0xb8;
	[tilespmem:$0xE000] =	vst v63  }
0x9b: {  	s24 =	simm.s32 $0x5080  }
0x9c: {  	[tilespmem:s13], [sflag:$0x1] =	stream.indirect.gather [hbm4b:s2+s11], $0x10, s24, s11, $0xb8;
	[tilespmem:$0xE000] =	vst v63  }
0x9d: {  	s25 =	simm.s32 $0x5100  }
0x9e: {  	[tilespmem:s14], [sflag:$0x1] =	stream.indirect.gather [hbm4b:s2+s11], $0x10, s25, s11, $0xb8;
	[tilespmem:$0xE000] =	vst v63  }
0x9f: {  	s26 =	simm.s32 $0x5180  }
0xa0: {  	[tilespmem:s15], [sflag:$0x1] =	stream.indirect.gather [hbm4b:s2+s11], $0x10, s26, s11, $0xb8;
	[tilespmem:$0xE000] =	vst v63  }
0xa1: {  	s28 =	simm.s32 $0x5200  }
0xa2: {  	[tilespmem:s16], [sflag:$0x1] =	stream.indirect.gather [hbm4b:s2+s11], $0x10, s28, s11, $0xb8;
	[tilespmem:$0xE000] =	vst v63  }
0xa3: {  	s29 =	simm.s32 $0x5280  }
0xa4: {  	[tilespmem:s17], [sflag:$0x1] =	stream.indirect.gather [hbm4b:s2+s11], $0x10, s29, s11, $0xb8;
	[tilespmem:$0xE000] =	vst v63  }
0xa5: {  	s30 =	simm.s32 $0x5300  }
0xa6: {  	[tilespmem:s18], [sflag:$0x1] =	stream.indirect.gather [hbm4b:s2+s11], $0x10, s30, s11, $0xb8;
	[tilespmem:$0xE000] =	vst v63  }
0xa7: {  	s31 =	simm.s32 $0x5380  }
0xa8: {  	[tilespmem:s19], [sflag:$0x1] =	stream.indirect.gather [hbm4b:s2+s11], $0x10, s31, s11, $0xb8;
	[tilespmem:$0xE000] =	vst v63  }
0xa9: {  	_ =	swait.ge [sflag:s20], $0x800  }
0xaa: {  	[sflag:s20] =	ssyncset.done $0x0  }
0xab: {  	[sflag:s20] =	ssyncadd.s32 $0xFFFFF800  }
0xac: {  	_ =	swait.ge [sflag:s20], $0x800  }
0xad: {  	[sflag:s20] =	ssyncset.done $0x0  }
0xae: {  	[sflag:s20] =	ssyncadd.s32 $0xFFFFF800  }
0xaf: {  	_ =	swait.ge [sflag:s20], $0x800  }
0xb0: {  	[sflag:s20] =	ssyncset.done $0x0  }
0xb1: {  	[sflag:s20] =	ssyncadd.s32 $0xFFFFF800  }
0xb2: {  	_ =	swait.ge [sflag:s20], $0x800  }
0xb3: {  	[sflag:s20] =	ssyncset.done $0x0  }
0xb4: {  	[sflag:s20] =	ssyncadd.s32 $0xFFFFF800  }
0xb5: {  	_ =	swait.ge [sflag:s20], $0x800  }
0xb6: {  	[sflag:s20] =	ssyncset.done $0x0  }
0xb7: {  	[sflag:s20] =	ssyncadd.s32 $0xFFFFF800  }
0xb8: {  	_ =	swait.ge [sflag:s20], $0x800  }
0xb9: {  	[sflag:s20] =	ssyncset.done $0x0  }
0xba: {  	[sflag:s20] =	ssyncadd.s32 $0xFFFFF800  }
0xbb: {  	_ =	swait.ge [sflag:s20], $0x800  }
0xbc: {  	[sflag:s20] =	ssyncset.done $0x0  }
0xbd: {  	[sflag:s20] =	ssyncadd.s32 $0xFFFFF800  }
0xbe: {  	p1 =	por $0x1, $0x1;
	_ =	swait.ge [sflag:s20], $0x800  }
.Ltmp2:
0xbf: {  	[sflag:s20] =	ssyncset.done $0x0;
	(pc) =	sbr.rel @!p1 .LBB2_6-.Ltmp2, $4  }
0xc0: {  	[sflag:s20] =	ssyncadd.s32 $0xFFFFF800  }
0xc1: {  	[hbm4b:s8+s3] =	stream.linear.scatter [tilespmem:s12], [sflag:$0x2], $0x4000, $0x38;
	[tilespmem:$0xE000] =	vst v63  }
0xc2: {  	p0 =	por $0x1, $0x1;
	s22 =	sadd.s32 $0x800, s8;
	_ =	swait.ge [sflag:s9], $0x4000  }
0xc3: {  	s25 =	simm.s32 $0x400;
	s26 =	simm.s32 $0x2000;
	[sflag:s9] =	ssyncset.done $0x0  }
.LBB2_5:
0xc4: {  	s28 =	sadd.s32 $0x5000, s25  }
0xc5: {  	[sflag:s9] =	ssyncadd.s32 $0xFFFFC000;
	s24 =	smov.u32 s26;
	s23 =	sadd.s32 $0x1000, s26  }
0xc6: {  	[tilespmem:s12], [sflag:$0x1] =	stream.indirect.gather [hbm4b:s2+s11], $0x10, s28, s11, $0xb8;
	[tilespmem:$0xE000] =	vst v63  }
0xc7: {  	p1 =	sne.s32 s26, $0x13000;
	s26 =	sadd.s32 $0x5080, s25  }
0xc8: {  	[tilespmem:s13], [sflag:$0x1] =	stream.indirect.gather [hbm4b:s2+s11], $0x10, s26, s11, $0xb8;
	[tilespmem:$0xE000] =	vst v63  }
0xc9: {  	s26 =	sadd.s32 $0x5100, s25  }
0xca: {  	[tilespmem:s14], [sflag:$0x1] =	stream.indirect.gather [hbm4b:s2+s11], $0x10, s26, s11, $0xb8;
	[tilespmem:$0xE000] =	vst v63  }
0xcb: {  	s26 =	sadd.s32 $0x5180, s25  }
0xcc: {  	[tilespmem:s15], [sflag:$0x1] =	stream.indirect.gather [hbm4b:s2+s11], $0x10, s26, s11, $0xb8;
	[tilespmem:$0xE000] =	vst v63  }
0xcd: {  	s26 =	sadd.s32 $0x5200, s25  }
0xce: {  	[tilespmem:s16], [sflag:$0x1] =	stream.indirect.gather [hbm4b:s2+s11], $0x10, s26, s11, $0xb8;
	[tilespmem:$0xE000] =	vst v63  }
0xcf: {  	s26 =	sadd.s32 $0x5280, s25  }
0xd0: {  	[tilespmem:s17], [sflag:$0x1] =	stream.indirect.gather [hbm4b:s2+s11], $0x10, s26, s11, $0xb8;
	[tilespmem:$0xE000] =	vst v63  }
0xd1: {  	s26 =	sadd.s32 $0x5300, s25  }
0xd2: {  	[tilespmem:s18], [sflag:$0x1] =	stream.indirect.gather [hbm4b:s2+s11], $0x10, s26, s11, $0xb8;
	[tilespmem:$0xE000] =	vst v63  }
0xd3: {  	s25 =	sadd.s32 $0x5380, s25  }
0xd4: {  	[tilespmem:s19], [sflag:$0x1] =	stream.indirect.gather [hbm4b:s2+s11], $0x10, s25, s11, $0xb8;
	[tilespmem:$0xE000] =	vst v63  }
0xd5: {  	_ =	swait.ge [sflag:s20], $0x800  }
0xd6: {  	[sflag:s20] =	ssyncset.done $0x0  }
0xd7: {  	[sflag:s20] =	ssyncadd.s32 $0xFFFFF800  }
0xd8: {  	_ =	swait.ge [sflag:s20], $0x800  }
0xd9: {  	[sflag:s20] =	ssyncset.done $0x0  }
0xda: {  	[sflag:s20] =	ssyncadd.s32 $0xFFFFF800  }
0xdb: {  	_ =	swait.ge [sflag:s20], $0x800  }
0xdc: {  	[sflag:s20] =	ssyncset.done $0x0  }
0xdd: {  	[sflag:s20] =	ssyncadd.s32 $0xFFFFF800  }
0xde: {  	_ =	swait.ge [sflag:s20], $0x800  }
0xdf: {  	[sflag:s20] =	ssyncset.done $0x0  }
0xe0: {  	[sflag:s20] =	ssyncadd.s32 $0xFFFFF800  }
0xe1: {  	_ =	swait.ge [sflag:s20], $0x800  }
0xe2: {  	[sflag:s20] =	ssyncset.done $0x0  }
0xe3: {  	[sflag:s20] =	ssyncadd.s32 $0xFFFFF800  }
0xe4: {  	_ =	swait.ge [sflag:s20], $0x800  }
0xe5: {  	[sflag:s20] =	ssyncset.done $0x0  }
0xe6: {  	[sflag:s20] =	ssyncadd.s32 $0xFFFFF800  }
0xe7: {  	_ =	swait.ge [sflag:s20], $0x800  }
0xe8: {  	[sflag:s20] =	ssyncset.done $0x0  }
0xe9: {  	[sflag:s20] =	ssyncadd.s32 $0xFFFFF800  }
0xea: {  	_ =	swait.ge [sflag:s20], $0x800  }
.Ltmp3:
0xeb: {  	[sflag:s20] =	ssyncset.done $0x0;
	(pc) =	sbr.rel @p1 .LBB2_5-.Ltmp3, $4  }
0xec: {  	[sflag:s20] =	ssyncadd.s32 $0xFFFFF800  }
0xed: {  	[hbm4b:s22+s3] =	stream.linear.scatter [tilespmem:s12], [sflag:$0x2], $0x4000, $0x38;
	[tilespmem:$0xE000] =	vst v63  }
0xee: {  	s26 =	smov.u32 s23;
	_ =	swait.ge [sflag:s9], $0x4000  }
0xef: {  	s25 =	sshra.s32 s24, $0x2;
	s22 =	sadd.s32 $0x800, s22;
	[sflag:s9] =	ssyncset.done $0x0  }
.LBB2_6:
0xf0: {  	s23 =	sadd.s32 $0x5000, s25;
	[sflag:s9] =	ssyncadd.s32 @p0 $0xFFFFC000  }
0xf1: {  	[tilespmem:s12], [sflag:$0x1] =	stream.indirect.gather [hbm4b:s2+s11], $0x10, s23, s11, $0xb8;
	[tilespmem:$0xE000] =	vst v63  }
0xf2: {  	s31 =	sadd.s32 $0x5080, s25  }
0xf3: {  	[tilespmem:s13], [sflag:$0x1] =	stream.indirect.gather [hbm4b:s2+s11], $0x10, s31, s11, $0xb8;
	[tilespmem:$0xE000] =	vst v63  }
0xf4: {  	s24 =	sadd.s32 $0x5100, s25  }
0xf5: {  	[tilespmem:s14], [sflag:$0x1] =	stream.indirect.gather [hbm4b:s2+s11], $0x10, s24, s11, $0xb8;
	[tilespmem:$0xE000] =	vst v63  }
0xf6: {  	s26 =	sadd.s32 $0x5180, s25  }
0xf7: {  	[tilespmem:s15], [sflag:$0x1] =	stream.indirect.gather [hbm4b:s2+s11], $0x10, s26, s11, $0xb8;
	[tilespmem:$0xE000] =	vst v63  }
0xf8: {  	s28 =	sadd.s32 $0x5200, s25  }
0xf9: {  	[tilespmem:s16], [sflag:$0x1] =	stream.indirect.gather [hbm4b:s2+s11], $0x10, s28, s11, $0xb8;
	[tilespmem:$0xE000] =	vst v63  }
0xfa: {  	s29 =	sadd.s32 $0x5280, s25  }
0xfb: {  	[tilespmem:s17], [sflag:$0x1] =	stream.indirect.gather [hbm4b:s2+s11], $0x10, s29, s11, $0xb8;
	[tilespmem:$0xE000] =	vst v63  }
0xfc: {  	s30 =	sadd.s32 $0x5300, s25  }
0xfd: {  	[tilespmem:s18], [sflag:$0x1] =	stream.indirect.gather [hbm4b:s2+s11], $0x10, s30, s11, $0xb8;
	[tilespmem:$0xE000] =	vst v63  }
0xfe: {  	s31 =	sadd.s32 $0x5380, s25  }
0xff: {  	[tilespmem:s19], [sflag:$0x1] =	stream.indirect.gather [hbm4b:s2+s11], $0x10, s31, s11, $0xb8;
	[tilespmem:$0xE000] =	vst v63  }
0x100: {  	_ =	swait.ge [sflag:s20], $0x800  }
0x101: {  	[sflag:s20] =	ssyncset.done $0x0  }
0x102: {  	[sflag:s20] =	ssyncadd.s32 $0xFFFFF800  }
0x103: {  	_ =	swait.ge [sflag:s20], $0x800  }
0x104: {  	[sflag:s20] =	ssyncset.done $0x0  }
0x105: {  	[sflag:s20] =	ssyncadd.s32 $0xFFFFF800  }
0x106: {  	_ =	swait.ge [sflag:s20], $0x800  }
0x107: {  	[sflag:s20] =	ssyncset.done $0x0  }
0x108: {  	[sflag:s20] =	ssyncadd.s32 $0xFFFFF800  }
0x109: {  	_ =	swait.ge [sflag:s20], $0x800  }
0x10a: {  	[sflag:s20] =	ssyncset.done $0x0  }
0x10b: {  	[sflag:s20] =	ssyncadd.s32 $0xFFFFF800  }
0x10c: {  	_ =	swait.ge [sflag:s20], $0x800  }
0x10d: {  	[sflag:s20] =	ssyncset.done $0x0  }
0x10e: {  	[sflag:s20] =	ssyncadd.s32 $0xFFFFF800  }
0x10f: {  	_ =	swait.ge [sflag:s20], $0x800  }
0x110: {  	[sflag:s20] =	ssyncset.done $0x0  }
0x111: {  	[sflag:s20] =	ssyncadd.s32 $0xFFFFF800  }
0x112: {  	_ =	swait.ge [sflag:s20], $0x800  }
0x113: {  	[sflag:s20] =	ssyncset.done $0x0  }
0x114: {  	[sflag:s20] =	ssyncadd.s32 $0xFFFFF800  }
0x115: {  	s21 =	sadd.s32 $0x1, s21;
	_ =	swait.ge [sflag:s20], $0x800  }
0x116: {  	p0 =	sne.s32 s21, s6;
	[sflag:s20] =	ssyncset.done $0x0  }
.Ltmp4:
0x117: {  	[sflag:s20] =	ssyncadd.s32 $0xFFFFF800;
	(pc) =	sbr.rel @p0 .LBB2_1-.Ltmp4, $4  }
0x118: {  	[hbm4b:s22+s3] =	stream.linear.scatter [tilespmem:s12], [sflag:$0x2], $0x4000, $0x38;
	[tilespmem:$0xE000] =	vst v63  }
0x119: {  	_ =	swait.ge [sflag:s9], $0x4000  }
0x11a: {  	[sflag:s9] =	ssyncset.done $0x0  }
0x11b: {  	[sflag:s9] =	ssyncadd.s32 $0xFFFFC000  }
0x11c: {  	_ =	sfence.sel $0x180000  }
0x11d: {  	[bflag:$0x0] =	sbarrier.arrive $0xFFFF  }
0x11e: {  	p0 =	sne.s32 s1, $0x0;
	_ =	strace $0x90000056  }
0x11f: {  	s0 =	sadd.s32 @!p0 $0x100000, s0;
	[bflag:$0x2] =	sbarrier.arrive $0xFFFF  }
0x120: {  	[sflag:s0] =	ssyncadd.tile.s32 @!p0 $0x1;
	_ =	shalt  }
.Lfunc_end2:
_tile_overlayer_lowered:
.L_overlay_start_2:
0x121: {  	(tag) =	ssettag $0x2  }
0x122: {  	s0 =	rddreg [dreg:$0x0];
	s2 =	stileid.u32  }
0x123: {  	s1 =	rddreg [dreg:$0x1];
	p0 =	sne.s32 s2, $0x0  }
0x124: {  	s3 =	rddreg [dreg:$0x2];
	[bflag:$0x3] =	sbarrier.arrive $0xFFFF;
	s2 =	simm.s32 @!p0 $0x1C02  }
0x125: {  	[timem:s3], [sflag:s2] =	dma.local @!p0 [hbm:s0], s1  }
0x126: {  	s0 =	simm.s32 @!p0 $0x2  }
0x127: {  	_ =	swait.ge @!p0 [sflag:s0], s1  }
0x128: {  	s1 =	ssub.s32 @!p0 $0x0, s1;
	[sflag:s0] =	ssyncset.done @!p0 $0x0  }
0x129: {  	[sflag:s0] =	ssyncadd.s32 @!p0 s1  }
0x12a: {  	[bflag:$0x3] =	sbarrier.arrive $0xFFFF  }
0x12b: {  	_ =	shalt  }

</sc_bundles>
